<compile_context>
chip_gen: v7x
topology: tpu7x:2x2x1
jax: 0.10.2.dev20260603
libtpu: 0.0.44.dev20260713+nightly
codegen_flags: <defaults>
</compile_context>

<pallas_src>
import functools

import jax
import jax.numpy as jnp
from jax import lax
from jax.experimental import pallas as pl
from jax.experimental.pallas import tpu as pltpu
from jax.experimental.pallas import tpu_sc as plsc

N_NODES = 10000
N_EDGES = 320000
D_FEAT = 128
D_EDGE = 16
N_LAYERS = 2
MP_SCALING = 0.1

NC = 2
NS = 16
LANES = 16
NW = NC * NS

C = 128
KCH = 80
GC = 4
EPAD = NW * KCH * C

SLAB = 632
SLAB_LAST = N_NODES - SLAB * (NS - 1)


def _sc_layer_body(h_hbm, src_hbm, dst_hbm, gate_hbm, out_hbm,
                   src_v, dst_v, rows_v, gate_v, agg_sh,
                   sem_g0, sem_g1, sem_t, sem_s0, sem_s1):
    c = lax.axis_index("c")
    s = lax.axis_index("s")
    wid = c * NS + s
    sem_g = (sem_g0, sem_g1)
    sem_s = (sem_s0, sem_s1)
    slab = s * SLAB

    @pl.loop(0, C)
    def _zero_rows(e):
        for j in range(D_FEAT // LANES):
            rows_v[0, e, pl.ds(j * LANES, LANES)] = jnp.zeros((LANES,),
                                                              jnp.float32)

    def _slab_copy(move):
        for t in range(4):
            move(pl.ds(slab + t * C, C), C)

        @pl.when(s < NS - 1)
        def _tail_full():
            move(pl.ds(slab + 4 * C, SLAB - 4 * C), SLAB - 4 * C)

        @pl.when(s == NS - 1)
        def _tail_last():
            move(pl.ds(slab + 4 * C, SLAB_LAST - 4 * C), SLAB_LAST - 4 * C)

    _slab_copy(lambda sl, n: pltpu.sync_copy(rows_v.at[0, pl.ds(0, n)],
                                             agg_sh.at[sl]))
    plsc.subcore_barrier()

    @pl.loop(0, KCH // GC)
    def _group(g):
        gbase = wid * KCH + g * GC
        pltpu.sync_copy(src_hbm.at[pl.ds(gbase, GC)], src_v)
        pltpu.sync_copy(dst_hbm.at[pl.ds(gbase, GC)], dst_v)

        def _gather(k):
            return pltpu.async_copy(agg_sh.at[src_v.at[k]],
                                    rows_v.at[k % 2], sem_g[k % 2])

        def _gate_load(k):
            return pltpu.async_copy(gate_hbm.at[pl.ds((gbase + k) * C, C)],
                                    gate_v, sem_t)

        gath = [None, None]
        scat = [None, None]
        gath[0] = _gather(0)
        gl = _gate_load(0)
        for k in range(GC):
            b = k % 2
            nb = (k + 1) % 2
            if k + 1 < GC:
                if scat[nb] is not None:
                    scat[nb].wait()
                    scat[nb] = None
                gath[nb] = _gather(k + 1)
            gath[b].wait()
            gl.wait()

            @pl.loop(0, C)
            def _edge(e):
                for j in range(D_FEAT // LANES):
                    sl = pl.ds(j * LANES, LANES)
                    rows_v[b, e, sl] = rows_v[b, e, sl] * gate_v[e, sl]

            if k + 1 < GC:
                gl = _gate_load(k + 1)
            scat[b] = pltpu.async_copy(rows_v.at[b], agg_sh.at[dst_v.at[k]],
                                       sem_s[b], add=True)
        for b in range(2):
            if scat[b] is not None:
                scat[b].wait()

    plsc.subcore_barrier()

    def _out_move(sl, n):
        pltpu.sync_copy(agg_sh.at[sl], rows_v.at[0, pl.ds(0, n)])
        pltpu.sync_copy(rows_v.at[0, pl.ds(0, n)], out_hbm.at[c, sl])

    _slab_copy(_out_move)


_sc_layer = functools.partial(
    pl.kernel,
    out_type=jax.ShapeDtypeStruct((NC, N_NODES, D_FEAT), jnp.float32),
    mesh=plsc.VectorSubcoreMesh(core_axis_name="c", subcore_axis_name="s"),
    scratch_types=[
        pltpu.VMEM((GC, C), jnp.int32),
        pltpu.VMEM((GC, C), jnp.int32),
        pltpu.VMEM((2, C, D_FEAT), jnp.float32),
        pltpu.VMEM((C, D_FEAT), jnp.float32),
        pltpu.VMEM_SHARED((N_NODES, D_FEAT), jnp.float32),
        pltpu.SemaphoreType.DMA,
        pltpu.SemaphoreType.DMA,
        pltpu.SemaphoreType.DMA,
        pltpu.SemaphoreType.DMA,
        pltpu.SemaphoreType.DMA,
    ],
)(_sc_layer_body)


def _gate_body(ea_ref, w_ref, out_ref):
    out_ref[...] = jnp.dot(ea_ref[...], w_ref[...],
                           preferred_element_type=jnp.float32)


def _upd_body(p_ref, h_ref, w_ref, out_ref):
    agg = p_ref[0] + p_ref[1]
    a = MP_SCALING * jnp.dot(agg, w_ref[...],
                             preferred_element_type=jnp.float32) + h_ref[...]
    out_ref[...] = a * jax.nn.sigmoid(a)


def _fin_body(p_ref, h_ref, w1_ref, w2_ref, out_ref):
    agg = p_ref[0] + p_ref[1]
    a = MP_SCALING * jnp.dot(agg, w1_ref[...],
                             preferred_element_type=jnp.float32) + h_ref[...]
    h2 = a * jax.nn.sigmoid(a)
    b = jnp.dot(h2, w2_ref[...], preferred_element_type=jnp.float32)
    out_ref[...] = b * jax.nn.sigmoid(b)


_GATE_R = 1024
_ROW_R = 400


def kernel(x, edge_index, edge_attr, W_edge, W_upd, W_mlp):
    pad = EPAD - N_EDGES
    src = jnp.concatenate([edge_index[0], jnp.zeros((pad,), jnp.int32)])
    dst = jnp.concatenate([edge_index[1], jnp.zeros((pad,), jnp.int32)])
    src2 = src.reshape(NW * KCH, C)
    dst2 = dst.reshape(NW * KCH, C)
    ea_pad = jnp.concatenate([edge_attr, jnp.zeros((pad, D_EDGE), jnp.float32)])

    gate = pl.pallas_call(
        _gate_body,
        grid=(EPAD // _GATE_R,),
        in_specs=[pl.BlockSpec((_GATE_R, D_EDGE), lambda i: (i, 0)),
                  pl.BlockSpec((D_EDGE, D_FEAT), lambda i: (0, 0))],
        out_specs=pl.BlockSpec((_GATE_R, D_FEAT), lambda i: (i, 0)),
        out_shape=jax.ShapeDtypeStruct((EPAD, D_FEAT), jnp.float32),
    )(ea_pad, W_edge)

    h = x
    for l in range(N_LAYERS):
        parts = _sc_layer(h, src2, dst2, gate)
        if l < N_LAYERS - 1:
            h = pl.pallas_call(
                _upd_body,
                grid=(N_NODES // _ROW_R,),
                in_specs=[
                    pl.BlockSpec((NC, _ROW_R, D_FEAT), lambda i: (0, i, 0)),
                    pl.BlockSpec((_ROW_R, D_FEAT), lambda i: (i, 0)),
                    pl.BlockSpec((D_FEAT, D_FEAT), lambda i: (0, 0)),
                ],
                out_specs=pl.BlockSpec((_ROW_R, D_FEAT), lambda i: (i, 0)),
                out_shape=jax.ShapeDtypeStruct((N_NODES, D_FEAT), jnp.float32),
            )(parts, h, W_upd[l])
        else:
            out = pl.pallas_call(
                _fin_body,
                grid=(N_NODES // _ROW_R,),
                in_specs=[
                    pl.BlockSpec((NC, _ROW_R, D_FEAT), lambda i: (0, i, 0)),
                    pl.BlockSpec((_ROW_R, D_FEAT), lambda i: (i, 0)),
                    pl.BlockSpec((D_FEAT, D_FEAT), lambda i: (0, 0)),
                    pl.BlockSpec((D_FEAT, D_FEAT), lambda i: (0, 0)),
                ],
                out_specs=pl.BlockSpec((_ROW_R, D_FEAT), lambda i: (i, 0)),
                out_shape=jax.ShapeDtypeStruct((N_NODES, D_FEAT), jnp.float32),
            )(parts, h, W_upd[l], W_mlp)
    return out

# --- scband reference (transcript-rebuilt; emitter-appended) ---
"""Pipeline reference for scband-ph-ace-79276506349981 (READ-ONLY COPY).

The authoritative reference and input builder live on the scoring server;
editing this copy changes nothing except your own understanding.
"""

import jax, jax.numpy as jnp
import numpy as np

N_NODES = 10000
N_EDGES = 320000
D_FEAT = 128
D_EDGE = 16
N_LAYERS = 2
MP_SCALING = 0.1

def setup_inputs(seed: int = 0) -> dict:
    key = jax.random.key(seed)
    k = jax.random.split(key, 6)
    x = jax.random.normal(k[0], (N_NODES, D_FEAT), dtype=jnp.float32)
    edge_index = jax.random.randint(k[1], (2, N_EDGES), 0, N_NODES, dtype=jnp.int32)
    edge_attr = jax.random.normal(k[2], (N_EDGES, D_EDGE), dtype=jnp.float32)
    W_edge = jax.random.normal(k[3], (D_EDGE, D_FEAT), dtype=jnp.float32) * 0.1
    W_upd = jax.random.normal(k[4], (N_LAYERS, D_FEAT, D_FEAT), dtype=jnp.float32) * (1.0 / np.sqrt(D_FEAT))
    W_mlp = jax.random.normal(k[5], (D_FEAT, D_FEAT), dtype=jnp.float32) * (1.0 / np.sqrt(D_FEAT))
    return {"x": x, "edge_index": edge_index, "edge_attr": edge_attr, "W_edge": W_edge, "W_upd": W_upd, "W_mlp": W_mlp}

def reference(x, edge_index, edge_attr, W_edge, W_upd, W_mlp):
    # Distilled PhACE message-passing core:
    # edge_attr plays the role of the precomputed radial/spherical-harmonic
    # expansion (sh, scaled by nu_scaling), projected into channel space.
    # Each layer gathers neighbor features (src), gates them with the edge
    # expansion, scatter-adds into destination atoms (segment_sum), applies
    # the mp_scaling and a node-wise channel mixing + nonlinearity (the
    # CG-iterator / embedding step collapsed to its invariant channel part),
    # followed by the final invariant MLP.
    src = edge_index[0]
    dst = edge_index[1]
    gate = edge_attr @ W_edge  # (E, D_FEAT): per-edge expansion coefficients
    h = x
    for l in range(N_LAYERS):
        m = h[src] * gate  # gather + elementwise gating (memory-bound)
        agg = jax.ops.segment_sum(m, dst, num_segments=N_NODES)  # scatter-add
        h = jax.nn.silu(MP_SCALING * (agg @ W_upd[l]) + h)
    out = jax.nn.silu(h @ W_mlp)  # InvariantMLP over per-atom features
    return out

if __name__ == "__main__":
    import jax
    _d = setup_inputs()
    print(jax.jit(kernel)(*tuple(_d.values())))

</pallas_src>

<mosaic_0001>
#map = affine_map<(d0, d1) -> (0, 0)>
#map1 = affine_map<(d0, d1) -> (0, 0, 0)>
module attributes {stable_mosaic.version = 14 : i64} {
  func.func @_sc_layer_body(%arg0: i32, %arg1: i32, %arg2: memref<10000x128xf32, #tpu.memory_space<hbm>>, %arg3: memref<2560x128xi32, #tpu.memory_space<hbm>>, %arg4: memref<2560x128xi32, #tpu.memory_space<hbm>>, %arg5: memref<327680x128xf32, #tpu.memory_space<hbm>>, %arg6: memref<2x10000x128xf32, #tpu.memory_space<hbm>>, %arg7: memref<4x128xi32, #tpu.memory_space<vmem>>, %arg8: memref<4x128xi32, #tpu.memory_space<vmem>>, %arg9: memref<2x128x128xf32, #tpu.memory_space<vmem>>, %arg10: memref<128x128xf32, #tpu.memory_space<vmem>>, %arg11: memref<10000x128xf32, #tpu.memory_space<vmem_shared>>, %arg12: memref<!tpu.dma_semaphore, #tpu.memory_space<semaphore_mem>>, %arg13: memref<!tpu.dma_semaphore, #tpu.memory_space<semaphore_mem>>, %arg14: memref<!tpu.dma_semaphore, #tpu.memory_space<semaphore_mem>>, %arg15: memref<!tpu.dma_semaphore, #tpu.memory_space<semaphore_mem>>, %arg16: memref<!tpu.dma_semaphore, #tpu.memory_space<semaphore_mem>>) attributes {dimension_semantics = [#tpu.dimension_semantics<core_parallel>, #tpu.dimension_semantics<subcore_parallel>], iteration_bounds = array<i64: 2, 16>, scalar_prefetch = 0 : i64, scratch_operands = 10 : i64, tpu.core_type = #tpu.core_type<sc_vector_subcore>, window_params = [{transform_indices = #map}, {transform_indices = #map}, {transform_indices = #map}, {transform_indices = #map}, {transform_indices = #map1}]} {
    %mul3A = arith.constant 16 : i32
    %mul3A_0 = arith.muli %arg0, %mul3A : i32
    %add3A = arith.addi %mul3A_0, %arg1 : i32
    %mul3A_1 = arith.constant 632 : i32
    %mul3A_2 = arith.muli %arg1, %mul3A_1 : i32
    %scan3A = arith.constant 0 : i32
    %scan3A_3 = arith.constant 128 : i32
    %scan3A_4 = arith.addi %scan3A, %scan3A_3 : i32
    %scan3A_5 = arith.constant 1 : i32
    scf.for %scan3A_56 = %scan3A to %scan3A_4 step %scan3A_5  : i32 {
      %mul3A_57 = arith.constant 1 : i32
      %mul3A_58 = arith.muli %scan3A_56, %mul3A_57 : i32
      %add3A_59 = arith.constant 0 : i32
      %add3A_60 = arith.addi %add3A_59, %mul3A_58 : i32
      %broadcast_in_dim3A = arith.constant 0.000000e+00 : f32
      %broadcast_in_dim3A_61 = vector.broadcast %broadcast_in_dim3A : f32 to vector<16xf32>
      %swap3A = arith.constant 0 : i32
      %swap3A_62 = arith.index_cast %swap3A : i32 to index
      %swap3A_63 = arith.index_cast %add3A_60 : i32 to index
      %swap3A_64 = arith.constant 0 : index
      %swap3A_65 = tpu.vector_load %arg9[%swap3A_62, %swap3A_63, %swap3A_64] {strides = array<i32>} : memref<2x128x128xf32, #tpu.memory_space<vmem>>, vector<1x1x16xf32>,
      %swap3A_66 = vector.shape_cast %swap3A_65 : vector<1x1x16xf32> to vector<16xf32>
      %swap3A_67 = vector.shape_cast %broadcast_in_dim3A_61 : vector<16xf32> to vector<1x1x16xf32>
      tpu.vector_store %arg9[%swap3A_62, %swap3A_63, %swap3A_64], %swap3A_67 {strides = array<i32>} : memref<2x128x128xf32, #tpu.memory_space<vmem>>, vector<1x1x16xf32>,
      %broadcast_in_dim3A_68 = arith.constant 0.000000e+00 : f32
      %broadcast_in_dim3A_69 = vector.broadcast %broadcast_in_dim3A_68 : f32 to vector<16xf32>
      %swap3A_70 = arith.constant 0 : i32
      %swap3A_71 = arith.index_cast %swap3A_70 : i32 to index
      %swap3A_72 = arith.index_cast %add3A_60 : i32 to index
      %swap3A_73 = arith.constant 16 : index
      %swap3A_74 = tpu.vector_load %arg9[%swap3A_71, %swap3A_72, %swap3A_73] {strides = array<i32>} : memref<2x128x128xf32, #tpu.memory_space<vmem>>, vector<1x1x16xf32>,
      %swap3A_75 = vector.shape_cast %swap3A_74 : vector<1x1x16xf32> to vector<16xf32>
      %swap3A_76 = vector.shape_cast %broadcast_in_dim3A_69 : vector<16xf32> to vector<1x1x16xf32>
      tpu.vector_store %arg9[%swap3A_71, %swap3A_72, %swap3A_73], %swap3A_76 {strides = array<i32>} : memref<2x128x128xf32, #tpu.memory_space<vmem>>, vector<1x1x16xf32>,
      %broadcast_in_dim3A_77 = arith.constant 0.000000e+00 : f32
      %broadcast_in_dim3A_78 = vector.broadcast %broadcast_in_dim3A_77 : f32 to vector<16xf32>
      %swap3A_79 = arith.constant 0 : i32
      %swap3A_80 = arith.index_cast %swap3A_79 : i32 to index
      %swap3A_81 = arith.index_cast %add3A_60 : i32 to index
      %swap3A_82 = arith.constant 32 : index
      %swap3A_83 = tpu.vector_load %arg9[%swap3A_80, %swap3A_81, %swap3A_82] {strides = array<i32>} : memref<2x128x128xf32, #tpu.memory_space<vmem>>, vector<1x1x16xf32>,
      %swap3A_84 = vector.shape_cast %swap3A_83 : vector<1x1x16xf32> to vector<16xf32>
      %swap3A_85 = vector.shape_cast %broadcast_in_dim3A_78 : vector<16xf32> to vector<1x1x16xf32>
      tpu.vector_store %arg9[%swap3A_80, %swap3A_81, %swap3A_82], %swap3A_85 {strides = array<i32>} : memref<2x128x128xf32, #tpu.memory_space<vmem>>, vector<1x1x16xf32>,
      %broadcast_in_dim3A_86 = arith.constant 0.000000e+00 : f32
      %broadcast_in_dim3A_87 = vector.broadcast %broadcast_in_dim3A_86 : f32 to vector<16xf32>
      %swap3A_88 = arith.constant 0 : i32
      %swap3A_89 = arith.index_cast %swap3A_88 : i32 to index
      %swap3A_90 = arith.index_cast %add3A_60 : i32 to index
      %swap3A_91 = arith.constant 48 : index
      %swap3A_92 = tpu.vector_load %arg9[%swap3A_89, %swap3A_90, %swap3A_91] {strides = array<i32>} : memref<2x128x128xf32, #tpu.memory_space<vmem>>, vector<1x1x16xf32>,
      %swap3A_93 = vector.shape_cast %swap3A_92 : vector<1x1x16xf32> to vector<16xf32>
      %swap3A_94 = vector.shape_cast %broadcast_in_dim3A_87 : vector<16xf32> to vector<1x1x16xf32>
      tpu.vector_store %arg9[%swap3A_89, %swap3A_90, %swap3A_91], %swap3A_94 {strides = array<i32>} : memref<2x128x128xf32, #tpu.memory_space<vmem>>, vector<1x1x16xf32>,
      %broadcast_in_dim3A_95 = arith.constant 0.000000e+00 : f32
      %broadcast_in_dim3A_96 = vector.broadcast %broadcast_in_dim3A_95 : f32 to vector<16xf32>
      %swap3A_97 = arith.constant 0 : i32
      %swap3A_98 = arith.index_cast %swap3A_97 : i32 to index
      %swap3A_99 = arith.index_cast %add3A_60 : i32 to index
      %swap3A_100 = arith.constant 64 : index
      %swap3A_101 = tpu.vector_load %arg9[%swap3A_98, %swap3A_99, %swap3A_100] {strides = array<i32>} : memref<2x128x128xf32, #tpu.memory_space<vmem>>, vector<1x1x16xf32>,
      %swap3A_102 = vector.shape_cast %swap3A_101 : vector<1x1x16xf32> to vector<16xf32>
      %swap3A_103 = vector.shape_cast %broadcast_in_dim3A_96 : vector<16xf32> to vector<1x1x16xf32>
      tpu.vector_store %arg9[%swap3A_98, %swap3A_99, %swap3A_100], %swap3A_103 {strides = array<i32>} : memref<2x128x128xf32, #tpu.memory_space<vmem>>, vector<1x1x16xf32>,
      %broadcast_in_dim3A_104 = arith.constant 0.000000e+00 : f32
      %broadcast_in_dim3A_105 = vector.broadcast %broadcast_in_dim3A_104 : f32 to vector<16xf32>
      %swap3A_106 = arith.constant 0 : i32
      %swap3A_107 = arith.index_cast %swap3A_106 : i32 to index
      %swap3A_108 = arith.index_cast %add3A_60 : i32 to index
      %swap3A_109 = arith.constant 80 : index
      %swap3A_110 = tpu.vector_load %arg9[%swap3A_107, %swap3A_108, %swap3A_109] {strides = array<i32>} : memref<2x128x128xf32, #tpu.memory_space<vmem>>, vector<1x1x16xf32>,
      %swap3A_111 = vector.shape_cast %swap3A_110 : vector<1x1x16xf32> to vector<16xf32>
      %swap3A_112 = vector.shape_cast %broadcast_in_dim3A_105 : vector<16xf32> to vector<1x1x16xf32>
      tpu.vector_store %arg9[%swap3A_107, %swap3A_108, %swap3A_109], %swap3A_112 {strides = array<i32>} : memref<2x128x128xf32, #tpu.memory_space<vmem>>, vector<1x1x16xf32>,
      %broadcast_in_dim3A_113 = arith.constant 0.000000e+00 : f32
      %broadcast_in_dim3A_114 = vector.broadcast %broadcast_in_dim3A_113 : f32 to vector<16xf32>
      %swap3A_115 = arith.constant 0 : i32
      %swap3A_116 = arith.index_cast %swap3A_115 : i32 to index
      %swap3A_117 = arith.index_cast %add3A_60 : i32 to index
      %swap3A_118 = arith.constant 96 : index
      %swap3A_119 = tpu.vector_load %arg9[%swap3A_116, %swap3A_117, %swap3A_118] {strides = array<i32>} : memref<2x128x128xf32, #tpu.memory_space<vmem>>, vector<1x1x16xf32>,
      %swap3A_120 = vector.shape_cast %swap3A_119 : vector<1x1x16xf32> to vector<16xf32>
      %swap3A_121 = vector.shape_cast %broadcast_in_dim3A_114 : vector<16xf32> to vector<1x1x16xf32>
      tpu.vector_store %arg9[%swap3A_116, %swap3A_117, %swap3A_118], %swap3A_121 {strides = array<i32>} : memref<2x128x128xf32, #tpu.memory_space<vmem>>, vector<1x1x16xf32>,
      %broadcast_in_dim3A_122 = arith.constant 0.000000e+00 : f32
      %broadcast_in_dim3A_123 = vector.broadcast %broadcast_in_dim3A_122 : f32 to vector<16xf32>
      %swap3A_124 = arith.constant 0 : i32
      %swap3A_125 = arith.index_cast %swap3A_124 : i32 to index
      %swap3A_126 = arith.index_cast %add3A_60 : i32 to index
      %swap3A_127 = arith.constant 112 : index
      %swap3A_128 = tpu.vector_load %arg9[%swap3A_125, %swap3A_126, %swap3A_127] {strides = array<i32>} : memref<2x128x128xf32, #tpu.memory_space<vmem>>, vector<1x1x16xf32>,
      %swap3A_129 = vector.shape_cast %swap3A_128 : vector<1x1x16xf32> to vector<16xf32>
      %swap3A_130 = vector.shape_cast %broadcast_in_dim3A_123 : vector<16xf32> to vector<1x1x16xf32>
      tpu.vector_store %arg9[%swap3A_125, %swap3A_126, %swap3A_127], %swap3A_130 {strides = array<i32>} : memref<2x128x128xf32, #tpu.memory_space<vmem>>, vector<1x1x16xf32>,
    }
    %scan3A_6 = arith.constant 128 : i32
    %add3A_7 = arith.constant 0 : i32
    %add3A_8 = arith.addi %mul3A_2, %add3A_7 : i32
    %run_scoped3A = arith.constant 0 : i32
    "tpu.region"() ({
      %run_scoped3A_56 = tpu.sem_alloc : memref<!tpu.dma_semaphore, #tpu.memory_space<semaphore_mem>>
      %dma_start3A = arith.constant 0 : i32
      %dma_start3A_57 = arith.constant 0 : i32
      %dma_start3A_58 = tpu.memref_slice %arg9[%run_scoped3A, %dma_start3A, %dma_start3A_57] : memref<2x128x128xf32, #tpu.memory_space<vmem>> -> memref<1x128x128xf32, #tpu.memory_space<vmem>>
      %dma_start3A_59 = tpu.memref_squeeze %dma_start3A_58 : memref<1x128x128xf32, #tpu.memory_space<vmem>> -> memref<128x128xf32, #tpu.memory_space<vmem>>
      %dma_start3A_60 = arith.constant 0 : i32
      %dma_start3A_61 = tpu.memref_slice %arg11[%add3A_8, %dma_start3A_60] : memref<10000x128xf32, #tpu.memory_space<vmem_shared>> -> memref<128x128xf32, #tpu.memory_space<vmem_shared>>
      %dma_start3A_62 = arith.constant 0 : i32
      %dma_start3A_63 = tpu.memref_slice %arg11[%add3A_8, %dma_start3A_62] : memref<10000x128xf32, #tpu.memory_space<vmem_shared>> -> memref<128x128xf32, #tpu.memory_space<vmem_shared>>
      %dma_start3A_64 = arith.constant 0 : i32
      %dma_start3A_65 = arith.constant 0 : i32
      %dma_start3A_66 = tpu.memref_slice %arg9[%run_scoped3A, %dma_start3A_64, %dma_start3A_65] : memref<2x128x128xf32, #tpu.memory_space<vmem>> -> memref<1x128x128xf32, #tpu.memory_space<vmem>>
      %dma_start3A_67 = tpu.memref_squeeze %dma_start3A_66 : memref<1x128x128xf32, #tpu.memory_space<vmem>> -> memref<128x128xf32, #tpu.memory_space<vmem>>
      tpu.enqueue_dma source(%dma_start3A_67 : memref<128x128xf32, #tpu.memory_space<vmem>>) target(%dma_start3A_63 : memref<128x128xf32, #tpu.memory_space<vmem_shared>>) target_semaphore(%run_scoped3A_56 : memref<!tpu.dma_semaphore, #tpu.memory_space<semaphore_mem>>)
      %dma_wait3A = arith.constant 0 : i32
      %dma_wait3A_68 = arith.constant 0 : i32
      %dma_wait3A_69 = tpu.memref_slice %arg9[%run_scoped3A, %dma_wait3A, %dma_wait3A_68] : memref<2x128x128xf32, #tpu.memory_space<vmem>> -> memref<1x128x128xf32, #tpu.memory_space<vmem>>
      %dma_wait3A_70 = tpu.memref_squeeze %dma_wait3A_69 : memref<1x128x128xf32, #tpu.memory_space<vmem>> -> memref<128x128xf32, #tpu.memory_space<vmem>>
      %dma_wait3A_71 = arith.constant 0 : i32
      %dma_wait3A_72 = tpu.memref_slice %arg11[%add3A_8, %dma_wait3A_71] : memref<10000x128xf32, #tpu.memory_space<vmem_shared>> -> memref<128x128xf32, #tpu.memory_space<vmem_shared>>
      %dma_wait3A_73 = arith.constant 0 : i32
      %dma_wait3A_74 = tpu.memref_slice %arg11[%add3A_8, %dma_wait3A_73] : memref<10000x128xf32, #tpu.memory_space<vmem_shared>> -> memref<128x128xf32, #tpu.memory_space<vmem_shared>>
      %dma_wait3A_75 = arith.constant 0 : i32
      %dma_wait3A_76 = arith.constant 0 : i32
      %dma_wait3A_77 = tpu.memref_slice %arg9[%run_scoped3A, %dma_wait3A_75, %dma_wait3A_76] : memref<2x128x128xf32, #tpu.memory_space<vmem>> -> memref<1x128x128xf32, #tpu.memory_space<vmem>>
      %dma_wait3A_78 = tpu.memref_squeeze %dma_wait3A_77 : memref<1x128x128xf32, #tpu.memory_space<vmem>> -> memref<128x128xf32, #tpu.memory_space<vmem>>
      tpu.wait_dma2 semaphore(%run_scoped3A_56 : memref<!tpu.dma_semaphore, #tpu.memory_space<semaphore_mem>>) src(%dma_wait3A_78 : memref<128x128xf32, #tpu.memory_space<vmem>>) dst(%dma_wait3A_74 : memref<128x128xf32, #tpu.memory_space<vmem_shared>>)
      tpu.yield
    }) : () -> ()
    %add3A_9 = arith.constant 128 : i32
    %add3A_10 = arith.addi %mul3A_2, %add3A_9 : i32
    %run_scoped3A_11 = arith.constant 0 : i32
    "tpu.region"() ({
      %run_scoped3A_56 = tpu.sem_alloc : memref<!tpu.dma_semaphore, #tpu.memory_space<semaphore_mem>>
      %dma_start3A = arith.constant 0 : i32
      %dma_start3A_57 = arith.constant 0 : i32
      %dma_start3A_58 = tpu.memref_slice %arg9[%run_scoped3A_11, %dma_start3A, %dma_start3A_57] : memref<2x128x128xf32, #tpu.memory_space<vmem>> -> memref<1x128x128xf32, #tpu.memory_space<vmem>>
      %dma_start3A_59 = tpu.memref_squeeze %dma_start3A_58 : memref<1x128x128xf32, #tpu.memory_space<vmem>> -> memref<128x128xf32, #tpu.memory_space<vmem>>
      %dma_start3A_60 = arith.constant 0 : i32
      %dma_start3A_61 = tpu.memref_slice %arg11[%add3A_10, %dma_start3A_60] : memref<10000x128xf32, #tpu.memory_space<vmem_shared>> -> memref<128x128xf32, #tpu.memory_space<vmem_shared>>
      %dma_start3A_62 = arith.constant 0 : i32
      %dma_start3A_63 = tpu.memref_slice %arg11[%add3A_10, %dma_start3A_62] : memref<10000x128xf32, #tpu.memory_space<vmem_shared>> -> memref<128x128xf32, #tpu.memory_space<vmem_shared>>
      %dma_start3A_64 = arith.constant 0 : i32
      %dma_start3A_65 = arith.constant 0 : i32
      %dma_start3A_66 = tpu.memref_slice %arg9[%run_scoped3A_11, %dma_start3A_64, %dma_start3A_65] : memref<2x128x128xf32, #tpu.memory_space<vmem>> -> memref<1x128x128xf32, #tpu.memory_space<vmem>>
      %dma_start3A_67 = tpu.memref_squeeze %dma_start3A_66 : memref<1x128x128xf32, #tpu.memory_space<vmem>> -> memref<128x128xf32, #tpu.memory_space<vmem>>
      tpu.enqueue_dma source(%dma_start3A_67 : memref<128x128xf32, #tpu.memory_space<vmem>>) target(%dma_start3A_63 : memref<128x128xf32, #tpu.memory_space<vmem_shared>>) target_semaphore(%run_scoped3A_56 : memref<!tpu.dma_semaphore, #tpu.memory_space<semaphore_mem>>)
      %dma_wait3A = arith.constant 0 : i32
      %dma_wait3A_68 = arith.constant 0 : i32
      %dma_wait3A_69 = tpu.memref_slice %arg9[%run_scoped3A_11, %dma_wait3A, %dma_wait3A_68] : memref<2x128x128xf32, #tpu.memory_space<vmem>> -> memref<1x128x128xf32, #tpu.memory_space<vmem>>
      %dma_wait3A_70 = tpu.memref_squeeze %dma_wait3A_69 : memref<1x128x128xf32, #tpu.memory_space<vmem>> -> memref<128x128xf32, #tpu.memory_space<vmem>>
      %dma_wait3A_71 = arith.constant 0 : i32
      %dma_wait3A_72 = tpu.memref_slice %arg11[%add3A_10, %dma_wait3A_71] : memref<10000x128xf32, #tpu.memory_space<vmem_shared>> -> memref<128x128xf32, #tpu.memory_space<vmem_shared>>
      %dma_wait3A_73 = arith.constant 0 : i32
      %dma_wait3A_74 = tpu.memref_slice %arg11[%add3A_10, %dma_wait3A_73] : memref<10000x128xf32, #tpu.memory_space<vmem_shared>> -> memref<128x128xf32, #tpu.memory_space<vmem_shared>>
      %dma_wait3A_75 = arith.constant 0 : i32
      %dma_wait3A_76 = arith.constant 0 : i32
      %dma_wait3A_77 = tpu.memref_slice %arg9[%run_scoped3A_11, %dma_wait3A_75, %dma_wait3A_76] : memref<2x128x128xf32, #tpu.memory_space<vmem>> -> memref<1x128x128xf32, #tpu.memory_space<vmem>>
      %dma_wait3A_78 = tpu.memref_squeeze %dma_wait3A_77 : memref<1x128x128xf32, #tpu.memory_space<vmem>> -> memref<128x128xf32, #tpu.memory_space<vmem>>
      tpu.wait_dma2 semaphore(%run_scoped3A_56 : memref<!tpu.dma_semaphore, #tpu.memory_space<semaphore_mem>>) src(%dma_wait3A_78 : memref<128x128xf32, #tpu.memory_space<vmem>>) dst(%dma_wait3A_74 : memref<128x128xf32, #tpu.memory_space<vmem_shared>>)
      tpu.yield
    }) : () -> ()
    %add3A_12 = arith.constant 256 : i32
    %add3A_13 = arith.addi %mul3A_2, %add3A_12 : i32
    %run_scoped3A_14 = arith.constant 0 : i32
    "tpu.region"() ({
      %run_scoped3A_56 = tpu.sem_alloc : memref<!tpu.dma_semaphore, #tpu.memory_space<semaphore_mem>>
      %dma_start3A = arith.constant 0 : i32
      %dma_start3A_57 = arith.constant 0 : i32
      %dma_start3A_58 = tpu.memref_slice %arg9[%run_scoped3A_14, %dma_start3A, %dma_start3A_57] : memref<2x128x128xf32, #tpu.memory_space<vmem>> -> memref<1x128x128xf32, #tpu.memory_space<vmem>>
      %dma_start3A_59 = tpu.memref_squeeze %dma_start3A_58 : memref<1x128x128xf32, #tpu.memory_space<vmem>> -> memref<128x128xf32, #tpu.memory_space<vmem>>
      %dma_start3A_60 = arith.constant 0 : i32
      %dma_start3A_61 = tpu.memref_slice %arg11[%add3A_13, %dma_start3A_60] : memref<10000x128xf32, #tpu.memory_space<vmem_shared>> -> memref<128x128xf32, #tpu.memory_space<vmem_shared>>
      %dma_start3A_62 = arith.constant 0 : i32
      %dma_start3A_63 = tpu.memref_slice %arg11[%add3A_13, %dma_start3A_62] : memref<10000x128xf32, #tpu.memory_space<vmem_shared>> -> memref<128x128xf32, #tpu.memory_space<vmem_shared>>
      %dma_start3A_64 = arith.constant 0 : i32
      %dma_start3A_65 = arith.constant 0 : i32
      %dma_start3A_66 = tpu.memref_slice %arg9[%run_scoped3A_14, %dma_start3A_64, %dma_start3A_65] : memref<2x128x128xf32, #tpu.memory_space<vmem>> -> memref<1x128x128xf32, #tpu.memory_space<vmem>>
      %dma_start3A_67 = tpu.memref_squeeze %dma_start3A_66 : memref<1x128x128xf32, #tpu.memory_space<vmem>> -> memref<128x128xf32, #tpu.memory_space<vmem>>
      tpu.enqueue_dma source(%dma_start3A_67 : memref<128x128xf32, #tpu.memory_space<vmem>>) target(%dma_start3A_63 : memref<128x128xf32, #tpu.memory_space<vmem_shared>>) target_semaphore(%run_scoped3A_56 : memref<!tpu.dma_semaphore, #tpu.memory_space<semaphore_mem>>)
      %dma_wait3A = arith.constant 0 : i32
      %dma_wait3A_68 = arith.constant 0 : i32
      %dma_wait3A_69 = tpu.memref_slice %arg9[%run_scoped3A_14, %dma_wait3A, %dma_wait3A_68] : memref<2x128x128xf32, #tpu.memory_space<vmem>> -> memref<1x128x128xf32, #tpu.memory_space<vmem>>
      %dma_wait3A_70 = tpu.memref_squeeze %dma_wait3A_69 : memref<1x128x128xf32, #tpu.memory_space<vmem>> -> memref<128x128xf32, #tpu.memory_space<vmem>>
      %dma_wait3A_71 = arith.constant 0 : i32
      %dma_wait3A_72 = tpu.memref_slice %arg11[%add3A_13, %dma_wait3A_71] : memref<10000x128xf32, #tpu.memory_space<vmem_shared>> -> memref<128x128xf32, #tpu.memory_space<vmem_shared>>
      %dma_wait3A_73 = arith.constant 0 : i32
      %dma_wait3A_74 = tpu.memref_slice %arg11[%add3A_13, %dma_wait3A_73] : memref<10000x128xf32, #tpu.memory_space<vmem_shared>> -> memref<128x128xf32, #tpu.memory_space<vmem_shared>>
      %dma_wait3A_75 = arith.constant 0 : i32
      %dma_wait3A_76 = arith.constant 0 : i32
      %dma_wait3A_77 = tpu.memref_slice %arg9[%run_scoped3A_14, %dma_wait3A_75, %dma_wait3A_76] : memref<2x128x128xf32, #tpu.memory_space<vmem>> -> memref<1x128x128xf32, #tpu.memory_space<vmem>>
      %dma_wait3A_78 = tpu.memref_squeeze %dma_wait3A_77 : memref<1x128x128xf32, #tpu.memory_space<vmem>> -> memref<128x128xf32, #tpu.memory_space<vmem>>
      tpu.wait_dma2 semaphore(%run_scoped3A_56 : memref<!tpu.dma_semaphore, #tpu.memory_space<semaphore_mem>>) src(%dma_wait3A_78 : memref<128x128xf32, #tpu.memory_space<vmem>>) dst(%dma_wait3A_74 : memref<128x128xf32, #tpu.memory_space<vmem_shared>>)
      tpu.yield
    }) : () -> ()
    %add3A_15 = arith.constant 384 : i32
    %add3A_16 = arith.addi %mul3A_2, %add3A_15 : i32
    %run_scoped3A_17 = arith.constant 0 : i32
    "tpu.region"() ({
      %run_scoped3A_56 = tpu.sem_alloc : memref<!tpu.dma_semaphore, #tpu.memory_space<semaphore_mem>>
      %dma_start3A = arith.constant 0 : i32
      %dma_start3A_57 = arith.constant 0 : i32
      %dma_start3A_58 = tpu.memref_slice %arg9[%run_scoped3A_17, %dma_start3A, %dma_start3A_57] : memref<2x128x128xf32, #tpu.memory_space<vmem>> -> memref<1x128x128xf32, #tpu.memory_space<vmem>>
      %dma_start3A_59 = tpu.memref_squeeze %dma_start3A_58 : memref<1x128x128xf32, #tpu.memory_space<vmem>> -> memref<128x128xf32, #tpu.memory_space<vmem>>
      %dma_start3A_60 = arith.constant 0 : i32
      %dma_start3A_61 = tpu.memref_slice %arg11[%add3A_16, %dma_start3A_60] : memref<10000x128xf32, #tpu.memory_space<vmem_shared>> -> memref<128x128xf32, #tpu.memory_space<vmem_shared>>
      %dma_start3A_62 = arith.constant 0 : i32
      %dma_start3A_63 = tpu.memref_slice %arg11[%add3A_16, %dma_start3A_62] : memref<10000x128xf32, #tpu.memory_space<vmem_shared>> -> memref<128x128xf32, #tpu.memory_space<vmem_shared>>
      %dma_start3A_64 = arith.constant 0 : i32
      %dma_start3A_65 = arith.constant 0 : i32
      %dma_start3A_66 = tpu.memref_slice %arg9[%run_scoped3A_17, %dma_start3A_64, %dma_start3A_65] : memref<2x128x128xf32, #tpu.memory_space<vmem>> -> memref<1x128x128xf32, #tpu.memory_space<vmem>>
      %dma_start3A_67 = tpu.memref_squeeze %dma_start3A_66 : memref<1x128x128xf32, #tpu.memory_space<vmem>> -> memref<128x128xf32, #tpu.memory_space<vmem>>
      tpu.enqueue_dma source(%dma_start3A_67 : memref<128x128xf32, #tpu.memory_space<vmem>>) target(%dma_start3A_63 : memref<128x128xf32, #tpu.memory_space<vmem_shared>>) target_semaphore(%run_scoped3A_56 : memref<!tpu.dma_semaphore, #tpu.memory_space<semaphore_mem>>)
      %dma_wait3A = arith.constant 0 : i32
      %dma_wait3A_68 = arith.constant 0 : i32
      %dma_wait3A_69 = tpu.memref_slice %arg9[%run_scoped3A_17, %dma_wait3A, %dma_wait3A_68] : memref<2x128x128xf32, #tpu.memory_space<vmem>> -> memref<1x128x128xf32, #tpu.memory_space<vmem>>
      %dma_wait3A_70 = tpu.memref_squeeze %dma_wait3A_69 : memref<1x128x128xf32, #tpu.memory_space<vmem>> -> memref<128x128xf32, #tpu.memory_space<vmem>>
      %dma_wait3A_71 = arith.constant 0 : i32
      %dma_wait3A_72 = tpu.memref_slice %arg11[%add3A_16, %dma_wait3A_71] : memref<10000x128xf32, #tpu.memory_space<vmem_shared>> -> memref<128x128xf32, #tpu.memory_space<vmem_shared>>
      %dma_wait3A_73 = arith.constant 0 : i32
      %dma_wait3A_74 = tpu.memref_slice %arg11[%add3A_16, %dma_wait3A_73] : memref<10000x128xf32, #tpu.memory_space<vmem_shared>> -> memref<128x128xf32, #tpu.memory_space<vmem_shared>>
      %dma_wait3A_75 = arith.constant 0 : i32
      %dma_wait3A_76 = arith.constant 0 : i32
      %dma_wait3A_77 = tpu.memref_slice %arg9[%run_scoped3A_17, %dma_wait3A_75, %dma_wait3A_76] : memref<2x128x128xf32, #tpu.memory_space<vmem>> -> memref<1x128x128xf32, #tpu.memory_space<vmem>>
      %dma_wait3A_78 = tpu.memref_squeeze %dma_wait3A_77 : memref<1x128x128xf32, #tpu.memory_space<vmem>> -> memref<128x128xf32, #tpu.memory_space<vmem>>
      tpu.wait_dma2 semaphore(%run_scoped3A_56 : memref<!tpu.dma_semaphore, #tpu.memory_space<semaphore_mem>>) src(%dma_wait3A_78 : memref<128x128xf32, #tpu.memory_space<vmem>>) dst(%dma_wait3A_74 : memref<128x128xf32, #tpu.memory_space<vmem_shared>>)
      tpu.yield
    }) : () -> ()
    %lt3A = arith.constant 15 : i32
    %lt3A_18 = arith.cmpi slt, %arg1, %lt3A : i32
    %convert_element_type3A = arith.extui %lt3A_18 : i1 to i32
    %cond3A = arith.constant 0 : i32
    %cond3A_19 = arith.cmpi ne, %convert_element_type3A, %cond3A : i32
    scf.if %cond3A_19 {
      %add3A_56 = arith.constant 512 : i32
      %add3A_57 = arith.addi %mul3A_2, %add3A_56 : i32
      %run_scoped3A_58 = arith.constant 0 : i32
      "tpu.region"() ({
        %run_scoped3A_59 = tpu.sem_alloc : memref<!tpu.dma_semaphore, #tpu.memory_space<semaphore_mem>>
        %dma_start3A = arith.constant 0 : i32
        %dma_start3A_60 = arith.constant 0 : i32
        %dma_start3A_61 = tpu.memref_slice %arg9[%run_scoped3A_58, %dma_start3A, %dma_start3A_60] : memref<2x128x128xf32, #tpu.memory_space<vmem>> -> memref<1x120x128xf32, #tpu.memory_space<vmem>>
        %dma_start3A_62 = tpu.memref_squeeze %dma_start3A_61 : memref<1x120x128xf32, #tpu.memory_space<vmem>> -> memref<120x128xf32, #tpu.memory_space<vmem>>
        %dma_start3A_63 = arith.constant 0 : i32
        %dma_start3A_64 = tpu.memref_slice %arg11[%add3A_57, %dma_start3A_63] : memref<10000x128xf32, #tpu.memory_space<vmem_shared>> -> memref<120x128xf32, #tpu.memory_space<vmem_shared>>
        %dma_start3A_65 = arith.constant 0 : i32
        %dma_start3A_66 = tpu.memref_slice %arg11[%add3A_57, %dma_start3A_65] : memref<10000x128xf32, #tpu.memory_space<vmem_shared>> -> memref<120x128xf32, #tpu.memory_space<vmem_shared>>
        %dma_start3A_67 = arith.constant 0 : i32
        %dma_start3A_68 = arith.constant 0 : i32
        %dma_start3A_69 = tpu.memref_slice %arg9[%run_scoped3A_58, %dma_start3A_67, %dma_start3A_68] : memref<2x128x128xf32, #tpu.memory_space<vmem>> -> memref<1x120x128xf32, #tpu.memory_space<vmem>>
        %dma_start3A_70 = tpu.memref_squeeze %dma_start3A_69 : memref<1x120x128xf32, #tpu.memory_space<vmem>> -> memref<120x128xf32, #tpu.memory_space<vmem>>
        tpu.enqueue_dma source(%dma_start3A_70 : memref<120x128xf32, #tpu.memory_space<vmem>>) target(%dma_start3A_66 : memref<120x128xf32, #tpu.memory_space<vmem_shared>>) target_semaphore(%run_scoped3A_59 : memref<!tpu.dma_semaphore, #tpu.memory_space<semaphore_mem>>)
        %dma_wait3A = arith.constant 0 : i32
        %dma_wait3A_71 = arith.constant 0 : i32
        %dma_wait3A_72 = tpu.memref_slice %arg9[%run_scoped3A_58, %dma_wait3A, %dma_wait3A_71] : memref<2x128x128xf32, #tpu.memory_space<vmem>> -> memref<1x120x128xf32, #tpu.memory_space<vmem>>
        %dma_wait3A_73 = tpu.memref_squeeze %dma_wait3A_72 : memref<1x120x128xf32, #tpu.memory_space<vmem>> -> memref<120x128xf32, #tpu.memory_space<vmem>>
        %dma_wait3A_74 = arith.constant 0 : i32
        %dma_wait3A_75 = tpu.memref_slice %arg11[%add3A_57, %dma_wait3A_74] : memref<10000x128xf32, #tpu.memory_space<vmem_shared>> -> memref<120x128xf32, #tpu.memory_space<vmem_shared>>
        %dma_wait3A_76 = arith.constant 0 : i32
        %dma_wait3A_77 = tpu.memref_slice %arg11[%add3A_57, %dma_wait3A_76] : memref<10000x128xf32, #tpu.memory_space<vmem_shared>> -> memref<120x128xf32, #tpu.memory_space<vmem_shared>>
        %dma_wait3A_78 = arith.constant 0 : i32
        %dma_wait3A_79 = arith.constant 0 : i32
        %dma_wait3A_80 = tpu.memref_slice %arg9[%run_scoped3A_58, %dma_wait3A_78, %dma_wait3A_79] : memref<2x128x128xf32, #tpu.memory_space<vmem>> -> memref<1x120x128xf32, #tpu.memory_space<vmem>>
        %dma_wait3A_81 = tpu.memref_squeeze %dma_wait3A_80 : memref<1x120x128xf32, #tpu.memory_space<vmem>> -> memref<120x128xf32, #tpu.memory_space<vmem>>
        tpu.wait_dma2 semaphore(%run_scoped3A_59 : memref<!tpu.dma_semaphore, #tpu.memory_space<semaphore_mem>>) src(%dma_wait3A_81 : memref<120x128xf32, #tpu.memory_space<vmem>>) dst(%dma_wait3A_77 : memref<120x128xf32, #tpu.memory_space<vmem_shared>>)
        tpu.yield
      }) : () -> ()
    } else {
    }
    %eq3A = arith.constant 15 : i32
    %eq3A_20 = arith.cmpi eq, %arg1, %eq3A : i32
    %convert_element_type3A_21 = arith.extui %eq3A_20 : i1 to i32
    %cond3A_22 = arith.constant 0 : i32
    %cond3A_23 = arith.cmpi ne, %convert_element_type3A_21, %cond3A_22 : i32
    scf.if %cond3A_23 {
      %add3A_56 = arith.constant 512 : i32
      %add3A_57 = arith.addi %mul3A_2, %add3A_56 : i32
      %run_scoped3A_58 = arith.constant 0 : i32
      "tpu.region"() ({
        %run_scoped3A_59 = tpu.sem_alloc : memref<!tpu.dma_semaphore, #tpu.memory_space<semaphore_mem>>
        %dma_start3A = arith.constant 0 : i32
        %dma_start3A_60 = arith.constant 0 : i32
        %dma_start3A_61 = tpu.memref_slice %arg9[%run_scoped3A_58, %dma_start3A, %dma_start3A_60] : memref<2x128x128xf32, #tpu.memory_space<vmem>> -> memref<1x8x128xf32, #tpu.memory_space<vmem>>
        %dma_start3A_62 = tpu.memref_squeeze %dma_start3A_61 : memref<1x8x128xf32, #tpu.memory_space<vmem>> -> memref<8x128xf32, #tpu.memory_space<vmem>>
        %dma_start3A_63 = arith.constant 0 : i32
        %dma_start3A_64 = tpu.memref_slice %arg11[%add3A_57, %dma_start3A_63] : memref<10000x128xf32, #tpu.memory_space<vmem_shared>> -> memref<8x128xf32, #tpu.memory_space<vmem_shared>>
        %dma_start3A_65 = arith.constant 0 : i32
        %dma_start3A_66 = tpu.memref_slice %arg11[%add3A_57, %dma_start3A_65] : memref<10000x128xf32, #tpu.memory_space<vmem_shared>> -> memref<8x128xf32, #tpu.memory_space<vmem_shared>>
        %dma_start3A_67 = arith.constant 0 : i32
        %dma_start3A_68 = arith.constant 0 : i32
        %dma_start3A_69 = tpu.memref_slice %arg9[%run_scoped3A_58, %dma_start3A_67, %dma_start3A_68] : memref<2x128x128xf32, #tpu.memory_space<vmem>> -> memref<1x8x128xf32, #tpu.memory_space<vmem>>
        %dma_start3A_70 = tpu.memref_squeeze %dma_start3A_69 : memref<1x8x128xf32, #tpu.memory_space<vmem>> -> memref<8x128xf32, #tpu.memory_space<vmem>>
        tpu.enqueue_dma source(%dma_start3A_70 : memref<8x128xf32, #tpu.memory_space<vmem>>) target(%dma_start3A_66 : memref<8x128xf32, #tpu.memory_space<vmem_shared>>) target_semaphore(%run_scoped3A_59 : memref<!tpu.dma_semaphore, #tpu.memory_space<semaphore_mem>>)
        %dma_wait3A = arith.constant 0 : i32
        %dma_wait3A_71 = arith.constant 0 : i32
        %dma_wait3A_72 = tpu.memref_slice %arg9[%run_scoped3A_58, %dma_wait3A, %dma_wait3A_71] : memref<2x128x128xf32, #tpu.memory_space<vmem>> -> memref<1x8x128xf32, #tpu.memory_space<vmem>>
        %dma_wait3A_73 = tpu.memref_squeeze %dma_wait3A_72 : memref<1x8x128xf32, #tpu.memory_space<vmem>> -> memref<8x128xf32, #tpu.memory_space<vmem>>
        %dma_wait3A_74 = arith.constant 0 : i32
        %dma_wait3A_75 = tpu.memref_slice %arg11[%add3A_57, %dma_wait3A_74] : memref<10000x128xf32, #tpu.memory_space<vmem_shared>> -> memref<8x128xf32, #tpu.memory_space<vmem_shared>>
        %dma_wait3A_76 = arith.constant 0 : i32
        %dma_wait3A_77 = tpu.memref_slice %arg11[%add3A_57, %dma_wait3A_76] : memref<10000x128xf32, #tpu.memory_space<vmem_shared>> -> memref<8x128xf32, #tpu.memory_space<vmem_shared>>
        %dma_wait3A_78 = arith.constant 0 : i32
        %dma_wait3A_79 = arith.constant 0 : i32
        %dma_wait3A_80 = tpu.memref_slice %arg9[%run_scoped3A_58, %dma_wait3A_78, %dma_wait3A_79] : memref<2x128x128xf32, #tpu.memory_space<vmem>> -> memref<1x8x128xf32, #tpu.memory_space<vmem>>
        %dma_wait3A_81 = tpu.memref_squeeze %dma_wait3A_80 : memref<1x8x128xf32, #tpu.memory_space<vmem>> -> memref<8x128xf32, #tpu.memory_space<vmem>>
        tpu.wait_dma2 semaphore(%run_scoped3A_59 : memref<!tpu.dma_semaphore, #tpu.memory_space<semaphore_mem>>) src(%dma_wait3A_81 : memref<8x128xf32, #tpu.memory_space<vmem>>) dst(%dma_wait3A_77 : memref<8x128xf32, #tpu.memory_space<vmem_shared>>)
        tpu.yield
      }) : () -> ()
    } else {
    }
    %barrier3A = arith.constant 0 : index
    tpu.barrier barrier_id(%barrier3A)
    %scan3A_24 = arith.constant 0 : i32
    %scan3A_25 = arith.constant 20 : i32
    %scan3A_26 = arith.addi %scan3A_24, %scan3A_25 : i32
    %scan3A_27 = arith.constant 1 : i32
    scf.for %scan3A_56 = %scan3A_24 to %scan3A_26 step %scan3A_27  : i32 {
      %mul3A_57 = arith.constant 1 : i32
      %mul3A_58 = arith.muli %scan3A_56, %mul3A_57 : i32
      %add3A_59 = arith.constant 0 : i32
      %add3A_60 = arith.addi %add3A_59, %mul3A_58 : i32
      %mul3A_61 = arith.constant 80 : i32
      %mul3A_62 = arith.muli %add3A, %mul3A_61 : i32
      %mul3A_63 = arith.constant 4 : i32
      %mul3A_64 = arith.muli %add3A_60, %mul3A_63 : i32
      %add3A_65 = arith.addi %mul3A_62, %mul3A_64 : i32
      "tpu.region"() ({
        %run_scoped3A_324 = tpu.sem_alloc : memref<!tpu.dma_semaphore, #tpu.memory_space<semaphore_mem>>
        %dma_start3A_325 = arith.constant 0 : i32
        %dma_start3A_326 = tpu.memref_slice %arg3[%add3A_65, %dma_start3A_325] : memref<2560x128xi32, #tpu.memory_space<hbm>> -> memref<4x128xi32, #tpu.memory_space<hbm>>
        %dma_start3A_327 = arith.constant 0 : i32
        %dma_start3A_328 = tpu.memref_slice %arg3[%add3A_65, %dma_start3A_327] : memref<2560x128xi32, #tpu.memory_space<hbm>> -> memref<4x128xi32, #tpu.memory_space<hbm>>
        tpu.enqueue_dma source(%dma_start3A_328 : memref<4x128xi32, #tpu.memory_space<hbm>>) target(%arg7 : memref<4x128xi32, #tpu.memory_space<vmem>>) target_semaphore(%run_scoped3A_324 : memref<!tpu.dma_semaphore, #tpu.memory_space<semaphore_mem>>)
        %dma_wait3A_329 = arith.constant 0 : i32
        %dma_wait3A_330 = tpu.memref_slice %arg3[%add3A_65, %dma_wait3A_329] : memref<2560x128xi32, #tpu.memory_space<hbm>> -> memref<4x128xi32, #tpu.memory_space<hbm>>
        %dma_wait3A_331 = arith.constant 0 : i32
        %dma_wait3A_332 = tpu.memref_slice %arg3[%add3A_65, %dma_wait3A_331] : memref<2560x128xi32, #tpu.memory_space<hbm>> -> memref<4x128xi32, #tpu.memory_space<hbm>>
        tpu.wait_dma2 semaphore(%run_scoped3A_324 : memref<!tpu.dma_semaphore, #tpu.memory_space<semaphore_mem>>) src(%dma_wait3A_332 : memref<4x128xi32, #tpu.memory_space<hbm>>) dst(%arg7 : memref<4x128xi32, #tpu.memory_space<vmem>>)
        tpu.yield
      }) : () -> ()
      "tpu.region"() ({
        %run_scoped3A_324 = tpu.sem_alloc : memref<!tpu.dma_semaphore, #tpu.memory_space<semaphore_mem>>
        %dma_start3A_325 = arith.constant 0 : i32
        %dma_start3A_326 = tpu.memref_slice %arg4[%add3A_65, %dma_start3A_325] : memref<2560x128xi32, #tpu.memory_space<hbm>> -> memref<4x128xi32, #tpu.memory_space<hbm>>
        %dma_start3A_327 = arith.constant 0 : i32
        %dma_start3A_328 = tpu.memref_slice %arg4[%add3A_65, %dma_start3A_327] : memref<2560x128xi32, #tpu.memory_space<hbm>> -> memref<4x128xi32, #tpu.memory_space<hbm>>
        tpu.enqueue_dma source(%dma_start3A_328 : memref<4x128xi32, #tpu.memory_space<hbm>>) target(%arg8 : memref<4x128xi32, #tpu.memory_space<vmem>>) target_semaphore(%run_scoped3A_324 : memref<!tpu.dma_semaphore, #tpu.memory_space<semaphore_mem>>)
        %dma_wait3A_329 = arith.constant 0 : i32
        %dma_wait3A_330 = tpu.memref_slice %arg4[%add3A_65, %dma_wait3A_329] : memref<2560x128xi32, #tpu.memory_space<hbm>> -> memref<4x128xi32, #tpu.memory_space<hbm>>
        %dma_wait3A_331 = arith.constant 0 : i32
        %dma_wait3A_332 = tpu.memref_slice %arg4[%add3A_65, %dma_wait3A_331] : memref<2560x128xi32, #tpu.memory_space<hbm>> -> memref<4x128xi32, #tpu.memory_space<hbm>>
        tpu.wait_dma2 semaphore(%run_scoped3A_324 : memref<!tpu.dma_semaphore, #tpu.memory_space<semaphore_mem>>) src(%dma_wait3A_332 : memref<4x128xi32, #tpu.memory_space<hbm>>) dst(%arg8 : memref<4x128xi32, #tpu.memory_space<vmem>>)
        tpu.yield
      }) : () -> ()
      %dma_start3A = arith.constant 0 : i32
      %dma_start3A_66 = arith.constant 0 : i32
      %dma_start3A_67 = arith.constant 0 : i32
      %dma_start3A_68 = arith.constant 0 : i32
      %dma_start3A_69 = tpu.memref_slice %arg9[%dma_start3A_66, %dma_start3A_67, %dma_start3A_68] : memref<2x128x128xf32, #tpu.memory_space<vmem>> -> memref<1x128x128xf32, #tpu.memory_space<vmem>>
      %dma_start3A_70 = tpu.memref_squeeze %dma_start3A_69 : memref<1x128x128xf32, #tpu.memory_space<vmem>> -> memref<128x128xf32, #tpu.memory_space<vmem>>
      %dma_start3A_71 = arith.constant 0 : i32
      %dma_start3A_72 = tpu.memref_slice %arg7[%dma_start3A, %dma_start3A_71] : memref<4x128xi32, #tpu.memory_space<vmem>> -> memref<1x128xi32, #tpu.memory_space<vmem>>
      %dma_start3A_73 = tpu.memref_squeeze %dma_start3A_72 : memref<1x128xi32, #tpu.memory_space<vmem>> -> memref<128xi32, #tpu.memory_space<vmem>>
      %dma_start3A_74 = arith.constant 0 : i32
      %dma_start3A_75 = arith.constant 0 : i32
      %dma_start3A_76 = tpu.memref_slice %arg11[%dma_start3A_74, %dma_start3A_75] : memref<10000x128xf32, #tpu.memory_space<vmem_shared>> -> memref<10000x128xf32, #tpu.memory_space<vmem_shared>>
      tpu.enqueue_indirect_dma source(%dma_start3A_76 : memref<10000x128xf32, #tpu.memory_space<vmem_shared>>) target(%dma_start3A_70 : memref<128x128xf32, #tpu.memory_space<vmem>>) offsets(%dma_start3A_73 : memref<128xi32, #tpu.memory_space<vmem>>) semaphore(%arg12 : memref<!tpu.dma_semaphore, #tpu.memory_space<semaphore_mem>>)
      %add3A_77 = arith.constant 0 : i32
      %add3A_78 = arith.addi %add3A_65, %add3A_77 : i32
      %mul3A_79 = arith.constant 128 : i32
      %mul3A_80 = arith.muli %add3A_78, %mul3A_79 : i32
      %dma_start3A_81 = arith.constant 0 : i32
      %dma_start3A_82 = tpu.memref_slice %arg5[%mul3A_80, %dma_start3A_81] : memref<327680x128xf32, #tpu.memory_space<hbm>> -> memref<128x128xf32, #tpu.memory_space<hbm>>
      %dma_start3A_83 = arith.constant 0 : i32
      %dma_start3A_84 = tpu.memref_slice %arg5[%mul3A_80, %dma_start3A_83] : memref<327680x128xf32, #tpu.memory_space<hbm>> -> memref<128x128xf32, #tpu.memory_space<hbm>>
      tpu.enqueue_dma source(%dma_start3A_84 : memref<128x128xf32, #tpu.memory_space<hbm>>) target(%arg10 : memref<128x128xf32, #tpu.memory_space<vmem>>) target_semaphore(%arg14 : memref<!tpu.dma_semaphore, #tpu.memory_space<semaphore_mem>>)
      %dma_start3A_85 = arith.constant 1 : i32
      %dma_start3A_86 = arith.constant 1 : i32
      %dma_start3A_87 = arith.constant 0 : i32
      %dma_start3A_88 = arith.constant 0 : i32
      %dma_start3A_89 = tpu.memref_slice %arg9[%dma_start3A_86, %dma_start3A_87, %dma_start3A_88] : memref<2x128x128xf32, #tpu.memory_space<vmem>> -> memref<1x128x128xf32, #tpu.memory_space<vmem>>
      %dma_start3A_90 = tpu.memref_squeeze %dma_start3A_89 : memref<1x128x128xf32, #tpu.memory_space<vmem>> -> memref<128x128xf32, #tpu.memory_space<vmem>>
      %dma_start3A_91 = arith.constant 0 : i32
      %dma_start3A_92 = tpu.memref_slice %arg7[%dma_start3A_85, %dma_start3A_91] : memref<4x128xi32, #tpu.memory_space<vmem>> -> memref<1x128xi32, #tpu.memory_space<vmem>>
      %dma_start3A_93 = tpu.memref_squeeze %dma_start3A_92 : memref<1x128xi32, #tpu.memory_space<vmem>> -> memref<128xi32, #tpu.memory_space<vmem>>
      %dma_start3A_94 = arith.constant 0 : i32
      %dma_start3A_95 = arith.constant 0 : i32
      %dma_start3A_96 = tpu.memref_slice %arg11[%dma_start3A_94, %dma_start3A_95] : memref<10000x128xf32, #tpu.memory_space<vmem_shared>> -> memref<10000x128xf32, #tpu.memory_space<vmem_shared>>
      tpu.enqueue_indirect_dma source(%dma_start3A_96 : memref<10000x128xf32, #tpu.memory_space<vmem_shared>>) target(%dma_start3A_90 : memref<128x128xf32, #tpu.memory_space<vmem>>) offsets(%dma_start3A_93 : memref<128xi32, #tpu.memory_space<vmem>>) semaphore(%arg13 : memref<!tpu.dma_semaphore, #tpu.memory_space<semaphore_mem>>)
      %dma_wait3A = arith.constant 0 : i32
      %dma_wait3A_97 = arith.constant 0 : i32
      %dma_wait3A_98 = arith.constant 0 : i32
      %dma_wait3A_99 = arith.constant 0 : i32
      %dma_wait3A_100 = tpu.memref_slice %arg9[%dma_wait3A_97, %dma_wait3A_98, %dma_wait3A_99] : memref<2x128x128xf32, #tpu.memory_space<vmem>> -> memref<1x128x128xf32, #tpu.memory_space<vmem>>
      %dma_wait3A_101 = tpu.memref_squeeze %dma_wait3A_100 : memref<1x128x128xf32, #tpu.memory_space<vmem>> -> memref<128x128xf32, #tpu.memory_space<vmem>>
      %dma_wait3A_102 = arith.constant 0 : i32
      %dma_wait3A_103 = tpu.memref_slice %arg7[%dma_wait3A, %dma_wait3A_102] : memref<4x128xi32, #tpu.memory_space<vmem>> -> memref<1x128xi32, #tpu.memory_space<vmem>>
      %dma_wait3A_104 = tpu.memref_squeeze %dma_wait3A_103 : memref<1x128xi32, #tpu.memory_space<vmem>> -> memref<128xi32, #tpu.memory_space<vmem>>
      %dma_wait3A_105 = arith.constant 0 : i32
      %dma_wait3A_106 = arith.constant 0 : i32
      %dma_wait3A_107 = tpu.memref_slice %arg11[%dma_wait3A_105, %dma_wait3A_106] : memref<10000x128xf32, #tpu.memory_space<vmem_shared>> -> memref<10000x128xf32, #tpu.memory_space<vmem_shared>>
      tpu.wait_indirect_dma semaphore(%arg12 : memref<!tpu.dma_semaphore, #tpu.memory_space<semaphore_mem>>) src(%dma_wait3A_107 : memref<10000x128xf32, #tpu.memory_space<vmem_shared>>) dst(%dma_wait3A_101 : memref<128x128xf32, #tpu.memory_space<vmem>>)
      %dma_wait3A_108 = arith.constant 0 : i32
      %dma_wait3A_109 = tpu.memref_slice %arg5[%mul3A_80, %dma_wait3A_108] : memref<327680x128xf32, #tpu.memory_space<hbm>> -> memref<128x128xf32, #tpu.memory_space<hbm>>
      %dma_wait3A_110 = arith.constant 0 : i32
      %dma_wait3A_111 = tpu.memref_slice %arg5[%mul3A_80, %dma_wait3A_110] : memref<327680x128xf32, #tpu.memory_space<hbm>> -> memref<128x128xf32, #tpu.memory_space<hbm>>
      tpu.wait_dma2 semaphore(%arg14 : memref<!tpu.dma_semaphore, #tpu.memory_space<semaphore_mem>>) src(%dma_wait3A_111 : memref<128x128xf32, #tpu.memory_space<hbm>>) dst(%arg10 : memref<128x128xf32, #tpu.memory_space<vmem>>)
      %scan3A_112 = arith.constant 0 : i32
      %scan3A_113 = arith.constant 128 : i32
      %scan3A_114 = arith.addi %scan3A_112, %scan3A_113 : i32
      %scan3A_115 = arith.constant 1 : i32
      scf.for %scan3A_324 = %scan3A_112 to %scan3A_114 step %scan3A_115  : i32 {
        %mul3A_325 = arith.constant 1 : i32
        %mul3A_326 = arith.muli %scan3A_324, %mul3A_325 : i32
        %add3A_327 = arith.constant 0 : i32
        %add3A_328 = arith.addi %add3A_327, %mul3A_326 : i32
        %get3A = arith.constant 0 : i32
        %get3A_329 = arith.index_cast %get3A : i32 to index
        %get3A_330 = arith.index_cast %add3A_328 : i32 to index
        %get3A_331 = arith.constant 0 : index
        %get3A_332 = tpu.vector_load %arg9[%get3A_329, %get3A_330, %get3A_331] {strides = array<i32>} : memref<2x128x128xf32, #tpu.memory_space<vmem>>, vector<1x1x16xf32>,
        %get3A_333 = vector.shape_cast %get3A_332 : vector<1x1x16xf32> to vector<16xf32>
        %get3A_334 = arith.index_cast %add3A_328 : i32 to index
        %get3A_335 = arith.constant 0 : index
        %get3A_336 = tpu.vector_load %arg10[%get3A_334, %get3A_335] {strides = array<i32>} : memref<128x128xf32, #tpu.memory_space<vmem>>, vector<1x16xf32>,
        %get3A_337 = vector.shape_cast %get3A_336 : vector<1x16xf32> to vector<16xf32>
        %mul3A_338 = arith.mulf %get3A_333, %get3A_337 : vector<16xf32>
        %swap3A = arith.constant 0 : i32
        %swap3A_339 = arith.index_cast %swap3A : i32 to index
        %swap3A_340 = arith.index_cast %add3A_328 : i32 to index
        %swap3A_341 = arith.constant 0 : index
        %swap3A_342 = tpu.vector_load %arg9[%swap3A_339, %swap3A_340, %swap3A_341] {strides = array<i32>} : memref<2x128x128xf32, #tpu.memory_space<vmem>>, vector<1x1x16xf32>,
        %swap3A_343 = vector.shape_cast %swap3A_342 : vector<1x1x16xf32> to vector<16xf32>
        %swap3A_344 = vector.shape_cast %mul3A_338 : vector<16xf32> to vector<1x1x16xf32>
        tpu.vector_store %arg9[%swap3A_339, %swap3A_340, %swap3A_341], %swap3A_344 {strides = array<i32>} : memref<2x128x128xf32, #tpu.memory_space<vmem>>, vector<1x1x16xf32>,
        %get3A_345 = arith.constant 0 : i32
        %get3A_346 = arith.index_cast %get3A_345 : i32 to index
        %get3A_347 = arith.index_cast %add3A_328 : i32 to index
        %get3A_348 = arith.constant 16 : index
        %get3A_349 = tpu.vector_load %arg9[%get3A_346, %get3A_347, %get3A_348] {strides = array<i32>} : memref<2x128x128xf32, #tpu.memory_space<vmem>>, vector<1x1x16xf32>,
        %get3A_350 = vector.shape_cast %get3A_349 : vector<1x1x16xf32> to vector<16xf32>
        %get3A_351 = arith.index_cast %add3A_328 : i32 to index
        %get3A_352 = arith.constant 16 : index
        %get3A_353 = tpu.vector_load %arg10[%get3A_351, %get3A_352] {strides = array<i32>} : memref<128x128xf32, #tpu.memory_space<vmem>>, vector<1x16xf32>,
        %get3A_354 = vector.shape_cast %get3A_353 : vector<1x16xf32> to vector<16xf32>
        %mul3A_355 = arith.mulf %get3A_350, %get3A_354 : vector<16xf32>
        %swap3A_356 = arith.constant 0 : i32
        %swap3A_357 = arith.index_cast %swap3A_356 : i32 to index
        %swap3A_358 = arith.index_cast %add3A_328 : i32 to index
        %swap3A_359 = arith.constant 16 : index
        %swap3A_360 = tpu.vector_load %arg9[%swap3A_357, %swap3A_358, %swap3A_359] {strides = array<i32>} : memref<2x128x128xf32, #tpu.memory_space<vmem>>, vector<1x1x16xf32>,
        %swap3A_361 = vector.shape_cast %swap3A_360 : vector<1x1x16xf32> to vector<16xf32>
        %swap3A_362 = vector.shape_cast %mul3A_355 : vector<16xf32> to vector<1x1x16xf32>
        tpu.vector_store %arg9[%swap3A_357, %swap3A_358, %swap3A_359], %swap3A_362 {strides = array<i32>} : memref<2x128x128xf32, #tpu.memory_space<vmem>>, vector<1x1x16xf32>,
        %get3A_363 = arith.constant 0 : i32
        %get3A_364 = arith.index_cast %get3A_363 : i32 to index
        %get3A_365 = arith.index_cast %add3A_328 : i32 to index
        %get3A_366 = arith.constant 32 : index
        %get3A_367 = tpu.vector_load %arg9[%get3A_364, %get3A_365, %get3A_366] {strides = array<i32>} : memref<2x128x128xf32, #tpu.memory_space<vmem>>, vector<1x1x16xf32>,
        %get3A_368 = vector.shape_cast %get3A_367 : vector<1x1x16xf32> to vector<16xf32>
        %get3A_369 = arith.index_cast %add3A_328 : i32 to index
        %get3A_370 = arith.constant 32 : index
        %get3A_371 = tpu.vector_load %arg10[%get3A_369, %get3A_370] {strides = array<i32>} : memref<128x128xf32, #tpu.memory_space<vmem>>, vector<1x16xf32>,
        %get3A_372 = vector.shape_cast %get3A_371 : vector<1x16xf32> to vector<16xf32>
        %mul3A_373 = arith.mulf %get3A_368, %get3A_372 : vector<16xf32>
        %swap3A_374 = arith.constant 0 : i32
        %swap3A_375 = arith.index_cast %swap3A_374 : i32 to index
        %swap3A_376 = arith.index_cast %add3A_328 : i32 to index
        %swap3A_377 = arith.constant 32 : index
        %swap3A_378 = tpu.vector_load %arg9[%swap3A_375, %swap3A_376, %swap3A_377] {strides = array<i32>} : memref<2x128x128xf32, #tpu.memory_space<vmem>>, vector<1x1x16xf32>,
        %swap3A_379 = vector.shape_cast %swap3A_378 : vector<1x1x16xf32> to vector<16xf32>
        %swap3A_380 = vector.shape_cast %mul3A_373 : vector<16xf32> to vector<1x1x16xf32>
        tpu.vector_store %arg9[%swap3A_375, %swap3A_376, %swap3A_377], %swap3A_380 {strides = array<i32>} : memref<2x128x128xf32, #tpu.memory_space<vmem>>, vector<1x1x16xf32>,
        %get3A_381 = arith.constant 0 : i32
        %get3A_382 = arith.index_cast %get3A_381 : i32 to index
        %get3A_383 = arith.index_cast %add3A_328 : i32 to index
        %get3A_384 = arith.constant 48 : index
        %get3A_385 = tpu.vector_load %arg9[%get3A_382, %get3A_383, %get3A_384] {strides = array<i32>} : memref<2x128x128xf32, #tpu.memory_space<vmem>>, vector<1x1x16xf32>,
        %get3A_386 = vector.shape_cast %get3A_385 : vector<1x1x16xf32> to vector<16xf32>
        %get3A_387 = arith.index_cast %add3A_328 : i32 to index
        %get3A_388 = arith.constant 48 : index
        %get3A_389 = tpu.vector_load %arg10[%get3A_387, %get3A_388] {strides = array<i32>} : memref<128x128xf32, #tpu.memory_space<vmem>>, vector<1x16xf32>,
        %get3A_390 = vector.shape_cast %get3A_389 : vector<1x16xf32> to vector<16xf32>
        %mul3A_391 = arith.mulf %get3A_386, %get3A_390 : vector<16xf32>
        %swap3A_392 = arith.constant 0 : i32
        %swap3A_393 = arith.index_cast %swap3A_392 : i32 to index
        %swap3A_394 = arith.index_cast %add3A_328 : i32 to index
        %swap3A_395 = arith.constant 48 : index
        %swap3A_396 = tpu.vector_load %arg9[%swap3A_393, %swap3A_394, %swap3A_395] {strides = array<i32>} : memref<2x128x128xf32, #tpu.memory_space<vmem>>, vector<1x1x16xf32>,
        %swap3A_397 = vector.shape_cast %swap3A_396 : vector<1x1x16xf32> to vector<16xf32>
        %swap3A_398 = vector.shape_cast %mul3A_391 : vector<16xf32> to vector<1x1x16xf32>
        tpu.vector_store %arg9[%swap3A_393, %swap3A_394, %swap3A_395], %swap3A_398 {strides = array<i32>} : memref<2x128x128xf32, #tpu.memory_space<vmem>>, vector<1x1x16xf32>,
        %get3A_399 = arith.constant 0 : i32
        %get3A_400 = arith.index_cast %get3A_399 : i32 to index
        %get3A_401 = arith.index_cast %add3A_328 : i32 to index
        %get3A_402 = arith.constant 64 : index
        %get3A_403 = tpu.vector_load %arg9[%get3A_400, %get3A_401, %get3A_402] {strides = array<i32>} : memref<2x128x128xf32, #tpu.memory_space<vmem>>, vector<1x1x16xf32>,
        %get3A_404 = vector.shape_cast %get3A_403 : vector<1x1x16xf32> to vector<16xf32>
        %get3A_405 = arith.index_cast %add3A_328 : i32 to index
        %get3A_406 = arith.constant 64 : index
        %get3A_407 = tpu.vector_load %arg10[%get3A_405, %get3A_406] {strides = array<i32>} : memref<128x128xf32, #tpu.memory_space<vmem>>, vector<1x16xf32>,
        %get3A_408 = vector.shape_cast %get3A_407 : vector<1x16xf32> to vector<16xf32>
        %mul3A_409 = arith.mulf %get3A_404, %get3A_408 : vector<16xf32>
        %swap3A_410 = arith.constant 0 : i32
        %swap3A_411 = arith.index_cast %swap3A_410 : i32 to index
        %swap3A_412 = arith.index_cast %add3A_328 : i32 to index
        %swap3A_413 = arith.constant 64 : index
        %swap3A_414 = tpu.vector_load %arg9[%swap3A_411, %swap3A_412, %swap3A_413] {strides = array<i32>} : memref<2x128x128xf32, #tpu.memory_space<vmem>>, vector<1x1x16xf32>,
        %swap3A_415 = vector.shape_cast %swap3A_414 : vector<1x1x16xf32> to vector<16xf32>
        %swap3A_416 = vector.shape_cast %mul3A_409 : vector<16xf32> to vector<1x1x16xf32>
        tpu.vector_store %arg9[%swap3A_411, %swap3A_412, %swap3A_413], %swap3A_416 {strides = array<i32>} : memref<2x128x128xf32, #tpu.memory_space<vmem>>, vector<1x1x16xf32>,
        %get3A_417 = arith.constant 0 : i32
        %get3A_418 = arith.index_cast %get3A_417 : i32 to index
        %get3A_419 = arith.index_cast %add3A_328 : i32 to index
        %get3A_420 = arith.constant 80 : index
        %get3A_421 = tpu.vector_load %arg9[%get3A_418, %get3A_419, %get3A_420] {strides = array<i32>} : memref<2x128x128xf32, #tpu.memory_space<vmem>>, vector<1x1x16xf32>,
        %get3A_422 = vector.shape_cast %get3A_421 : vector<1x1x16xf32> to vector<16xf32>
        %get3A_423 = arith.index_cast %add3A_328 : i32 to index
        %get3A_424 = arith.constant 80 : index
        %get3A_425 = tpu.vector_load %arg10[%get3A_423, %get3A_424] {strides = array<i32>} : memref<128x128xf32, #tpu.memory_space<vmem>>, vector<1x16xf32>,
        %get3A_426 = vector.shape_cast %get3A_425 : vector<1x16xf32> to vector<16xf32>
        %mul3A_427 = arith.mulf %get3A_422, %get3A_426 : vector<16xf32>
        %swap3A_428 = arith.constant 0 : i32
        %swap3A_429 = arith.index_cast %swap3A_428 : i32 to index
        %swap3A_430 = arith.index_cast %add3A_328 : i32 to index
        %swap3A_431 = arith.constant 80 : index
        %swap3A_432 = tpu.vector_load %arg9[%swap3A_429, %swap3A_430, %swap3A_431] {strides = array<i32>} : memref<2x128x128xf32, #tpu.memory_space<vmem>>, vector<1x1x16xf32>,
        %swap3A_433 = vector.shape_cast %swap3A_432 : vector<1x1x16xf32> to vector<16xf32>
        %swap3A_434 = vector.shape_cast %mul3A_427 : vector<16xf32> to vector<1x1x16xf32>
        tpu.vector_store %arg9[%swap3A_429, %swap3A_430, %swap3A_431], %swap3A_434 {strides = array<i32>} : memref<2x128x128xf32, #tpu.memory_space<vmem>>, vector<1x1x16xf32>,
        %get3A_435 = arith.constant 0 : i32
        %get3A_436 = arith.index_cast %get3A_435 : i32 to index
        %get3A_437 = arith.index_cast %add3A_328 : i32 to index
        %get3A_438 = arith.constant 96 : index
        %get3A_439 = tpu.vector_load %arg9[%get3A_436, %get3A_437, %get3A_438] {strides = array<i32>} : memref<2x128x128xf32, #tpu.memory_space<vmem>>, vector<1x1x16xf32>,
        %get3A_440 = vector.shape_cast %get3A_439 : vector<1x1x16xf32> to vector<16xf32>
        %get3A_441 = arith.index_cast %add3A_328 : i32 to index
        %get3A_442 = arith.constant 96 : index
        %get3A_443 = tpu.vector_load %arg10[%get3A_441, %get3A_442] {strides = array<i32>} : memref<128x128xf32, #tpu.memory_space<vmem>>, vector<1x16xf32>,
        %get3A_444 = vector.shape_cast %get3A_443 : vector<1x16xf32> to vector<16xf32>
        %mul3A_445 = arith.mulf %get3A_440, %get3A_444 : vector<16xf32>
        %swap3A_446 = arith.constant 0 : i32
        %swap3A_447 = arith.index_cast %swap3A_446 : i32 to index
        %swap3A_448 = arith.index_cast %add3A_328 : i32 to index
        %swap3A_449 = arith.constant 96 : index
        %swap3A_450 = tpu.vector_load %arg9[%swap3A_447, %swap3A_448, %swap3A_449] {strides = array<i32>} : memref<2x128x128xf32, #tpu.memory_space<vmem>>, vector<1x1x16xf32>,
        %swap3A_451 = vector.shape_cast %swap3A_450 : vector<1x1x16xf32> to vector<16xf32>
        %swap3A_452 = vector.shape_cast %mul3A_445 : vector<16xf32> to vector<1x1x16xf32>
        tpu.vector_store %arg9[%swap3A_447, %swap3A_448, %swap3A_449], %swap3A_452 {strides = array<i32>} : memref<2x128x128xf32, #tpu.memory_space<vmem>>, vector<1x1x16xf32>,
        %get3A_453 = arith.constant 0 : i32
        %get3A_454 = arith.index_cast %get3A_453 : i32 to index
        %get3A_455 = arith.index_cast %add3A_328 : i32 to index
        %get3A_456 = arith.constant 112 : index
        %get3A_457 = tpu.vector_load %arg9[%get3A_454, %get3A_455, %get3A_456] {strides = array<i32>} : memref<2x128x128xf32, #tpu.memory_space<vmem>>, vector<1x1x16xf32>,
        %get3A_458 = vector.shape_cast %get3A_457 : vector<1x1x16xf32> to vector<16xf32>
        %get3A_459 = arith.index_cast %add3A_328 : i32 to index
        %get3A_460 = arith.constant 112 : index
        %get3A_461 = tpu.vector_load %arg10[%get3A_459, %get3A_460] {strides = array<i32>} : memref<128x128xf32, #tpu.memory_space<vmem>>, vector<1x16xf32>,
        %get3A_462 = vector.shape_cast %get3A_461 : vector<1x16xf32> to vector<16xf32>
        %mul3A_463 = arith.mulf %get3A_458, %get3A_462 : vector<16xf32>
        %swap3A_464 = arith.constant 0 : i32
        %swap3A_465 = arith.index_cast %swap3A_464 : i32 to index
        %swap3A_466 = arith.index_cast %add3A_328 : i32 to index
        %swap3A_467 = arith.constant 112 : index
        %swap3A_468 = tpu.vector_load %arg9[%swap3A_465, %swap3A_466, %swap3A_467] {strides = array<i32>} : memref<2x128x128xf32, #tpu.memory_space<vmem>>, vector<1x1x16xf32>,
        %swap3A_469 = vector.shape_cast %swap3A_468 : vector<1x1x16xf32> to vector<16xf32>
        %swap3A_470 = vector.shape_cast %mul3A_463 : vector<16xf32> to vector<1x1x16xf32>
        tpu.vector_store %arg9[%swap3A_465, %swap3A_466, %swap3A_467], %swap3A_470 {strides = array<i32>} : memref<2x128x128xf32, #tpu.memory_space<vmem>>, vector<1x1x16xf32>,
      }
      %scan3A_116 = arith.constant 128 : i32
      %add3A_117 = arith.constant 1 : i32
      %add3A_118 = arith.addi %add3A_65, %add3A_117 : i32
      %mul3A_119 = arith.constant 128 : i32
      %mul3A_120 = arith.muli %add3A_118, %mul3A_119 : i32
      %dma_start3A_121 = arith.constant 0 : i32
      %dma_start3A_122 = tpu.memref_slice %arg5[%mul3A_120, %dma_start3A_121] : memref<327680x128xf32, #tpu.memory_space<hbm>> -> memref<128x128xf32, #tpu.memory_space<hbm>>
      %dma_start3A_123 = arith.constant 0 : i32
      %dma_start3A_124 = tpu.memref_slice %arg5[%mul3A_120, %dma_start3A_123] : memref<327680x128xf32, #tpu.memory_space<hbm>> -> memref<128x128xf32, #tpu.memory_space<hbm>>
      tpu.enqueue_dma source(%dma_start3A_124 : memref<128x128xf32, #tpu.memory_space<hbm>>) target(%arg10 : memref<128x128xf32, #tpu.memory_space<vmem>>) target_semaphore(%arg14 : memref<!tpu.dma_semaphore, #tpu.memory_space<semaphore_mem>>)
      %dma_start3A_125 = arith.constant 0 : i32
      %dma_start3A_126 = arith.constant 0 : i32
      %dma_start3A_127 = arith.constant 0 : i32
      %dma_start3A_128 = arith.constant 0 : i32
      %dma_start3A_129 = tpu.memref_slice %arg9[%dma_start3A_125, %dma_start3A_127, %dma_start3A_128] : memref<2x128x128xf32, #tpu.memory_space<vmem>> -> memref<1x128x128xf32, #tpu.memory_space<vmem>>
      %dma_start3A_130 = tpu.memref_squeeze %dma_start3A_129 : memref<1x128x128xf32, #tpu.memory_space<vmem>> -> memref<128x128xf32, #tpu.memory_space<vmem>>
      %dma_start3A_131 = arith.constant 0 : i32
      %dma_start3A_132 = tpu.memref_slice %arg8[%dma_start3A_126, %dma_start3A_131] : memref<4x128xi32, #tpu.memory_space<vmem>> -> memref<1x128xi32, #tpu.memory_space<vmem>>
      %dma_start3A_133 = tpu.memref_squeeze %dma_start3A_132 : memref<1x128xi32, #tpu.memory_space<vmem>> -> memref<128xi32, #tpu.memory_space<vmem>>
      %dma_start3A_134 = arith.constant 0 : i32
      %dma_start3A_135 = arith.constant 0 : i32
      %dma_start3A_136 = tpu.memref_slice %arg11[%dma_start3A_134, %dma_start3A_135] : memref<10000x128xf32, #tpu.memory_space<vmem_shared>> -> memref<10000x128xf32, #tpu.memory_space<vmem_shared>>
      tpu.enqueue_indirect_dma source(%dma_start3A_130 : memref<128x128xf32, #tpu.memory_space<vmem>>) target(%dma_start3A_136 : memref<10000x128xf32, #tpu.memory_space<vmem_shared>>) offsets(%dma_start3A_133 : memref<128xi32, #tpu.memory_space<vmem>>) semaphore(%arg15 : memref<!tpu.dma_semaphore, #tpu.memory_space<semaphore_mem>>) {add = true}
      %dma_wait3A_137 = arith.constant 0 : i32
      %dma_wait3A_138 = arith.constant 0 : i32
      %dma_wait3A_139 = arith.constant 0 : i32
      %dma_wait3A_140 = arith.constant 0 : i32
      %dma_wait3A_141 = tpu.memref_slice %arg9[%dma_wait3A_137, %dma_wait3A_139, %dma_wait3A_140] : memref<2x128x128xf32, #tpu.memory_space<vmem>> -> memref<1x128x128xf32, #tpu.memory_space<vmem>>
      %dma_wait3A_142 = tpu.memref_squeeze %dma_wait3A_141 : memref<1x128x128xf32, #tpu.memory_space<vmem>> -> memref<128x128xf32, #tpu.memory_space<vmem>>
      %dma_wait3A_143 = arith.constant 0 : i32
      %dma_wait3A_144 = tpu.memref_slice %arg8[%dma_wait3A_138, %dma_wait3A_143] : memref<4x128xi32, #tpu.memory_space<vmem>> -> memref<1x128xi32, #tpu.memory_space<vmem>>
      %dma_wait3A_145 = tpu.memref_squeeze %dma_wait3A_144 : memref<1x128xi32, #tpu.memory_space<vmem>> -> memref<128xi32, #tpu.memory_space<vmem>>
      %dma_wait3A_146 = arith.constant 0 : i32
      %dma_wait3A_147 = arith.constant 0 : i32
      %dma_wait3A_148 = tpu.memref_slice %arg11[%dma_wait3A_146, %dma_wait3A_147] : memref<10000x128xf32, #tpu.memory_space<vmem_shared>> -> memref<10000x128xf32, #tpu.memory_space<vmem_shared>>
      tpu.wait_indirect_dma semaphore(%arg15 : memref<!tpu.dma_semaphore, #tpu.memory_space<semaphore_mem>>) src(%dma_wait3A_142 : memref<128x128xf32, #tpu.memory_space<vmem>>) dst(%dma_wait3A_148 : memref<10000x128xf32, #tpu.memory_space<vmem_shared>>)
      %dma_start3A_149 = arith.constant 2 : i32
      %dma_start3A_150 = arith.constant 0 : i32
      %dma_start3A_151 = arith.constant 0 : i32
      %dma_start3A_152 = arith.constant 0 : i32
      %dma_start3A_153 = tpu.memref_slice %arg9[%dma_start3A_150, %dma_start3A_151, %dma_start3A_152] : memref<2x128x128xf32, #tpu.memory_space<vmem>> -> memref<1x128x128xf32, #tpu.memory_space<vmem>>
      %dma_start3A_154 = tpu.memref_squeeze %dma_start3A_153 : memref<1x128x128xf32, #tpu.memory_space<vmem>> -> memref<128x128xf32, #tpu.memory_space<vmem>>
      %dma_start3A_155 = arith.constant 0 : i32
      %dma_start3A_156 = tpu.memref_slice %arg7[%dma_start3A_149, %dma_start3A_155] : memref<4x128xi32, #tpu.memory_space<vmem>> -> memref<1x128xi32, #tpu.memory_space<vmem>>
      %dma_start3A_157 = tpu.memref_squeeze %dma_start3A_156 : memref<1x128xi32, #tpu.memory_space<vmem>> -> memref<128xi32, #tpu.memory_space<vmem>>
      %dma_start3A_158 = arith.constant 0 : i32
      %dma_start3A_159 = arith.constant 0 : i32
      %dma_start3A_160 = tpu.memref_slice %arg11[%dma_start3A_158, %dma_start3A_159] : memref<10000x128xf32, #tpu.memory_space<vmem_shared>> -> memref<10000x128xf32, #tpu.memory_space<vmem_shared>>
      tpu.enqueue_indirect_dma source(%dma_start3A_160 : memref<10000x128xf32, #tpu.memory_space<vmem_shared>>) target(%dma_start3A_154 : memref<128x128xf32, #tpu.memory_space<vmem>>) offsets(%dma_start3A_157 : memref<128xi32, #tpu.memory_space<vmem>>) semaphore(%arg12 : memref<!tpu.dma_semaphore, #tpu.memory_space<semaphore_mem>>)
      %dma_wait3A_161 = arith.constant 1 : i32
      %dma_wait3A_162 = arith.constant 1 : i32
      %dma_wait3A_163 = arith.constant 0 : i32
      %dma_wait3A_164 = arith.constant 0 : i32
      %dma_wait3A_165 = tpu.memref_slice %arg9[%dma_wait3A_162, %dma_wait3A_163, %dma_wait3A_164] : memref<2x128x128xf32, #tpu.memory_space<vmem>> -> memref<1x128x128xf32, #tpu.memory_space<vmem>>
      %dma_wait3A_166 = tpu.memref_squeeze %dma_wait3A_165 : memref<1x128x128xf32, #tpu.memory_space<vmem>> -> memref<128x128xf32, #tpu.memory_space<vmem>>
      %dma_wait3A_167 = arith.constant 0 : i32
      %dma_wait3A_168 = tpu.memref_slice %arg7[%dma_wait3A_161, %dma_wait3A_167] : memref<4x128xi32, #tpu.memory_space<vmem>> -> memref<1x128xi32, #tpu.memory_space<vmem>>
      %dma_wait3A_169 = tpu.memref_squeeze %dma_wait3A_168 : memref<1x128xi32, #tpu.memory_space<vmem>> -> memref<128xi32, #tpu.memory_space<vmem>>
      %dma_wait3A_170 = arith.constant 0 : i32
      %dma_wait3A_171 = arith.constant 0 : i32
      %dma_wait3A_172 = tpu.memref_slice %arg11[%dma_wait3A_170, %dma_wait3A_171] : memref<10000x128xf32, #tpu.memory_space<vmem_shared>> -> memref<10000x128xf32, #tpu.memory_space<vmem_shared>>
      tpu.wait_indirect_dma semaphore(%arg13 : memref<!tpu.dma_semaphore, #tpu.memory_space<semaphore_mem>>) src(%dma_wait3A_172 : memref<10000x128xf32, #tpu.memory_space<vmem_shared>>) dst(%dma_wait3A_166 : memref<128x128xf32, #tpu.memory_space<vmem>>)
      %dma_wait3A_173 = arith.constant 0 : i32
      %dma_wait3A_174 = tpu.memref_slice %arg5[%mul3A_120, %dma_wait3A_173] : memref<327680x128xf32, #tpu.memory_space<hbm>> -> memref<128x128xf32, #tpu.memory_space<hbm>>
      %dma_wait3A_175 = arith.constant 0 : i32
      %dma_wait3A_176 = tpu.memref_slice %arg5[%mul3A_120, %dma_wait3A_175] : memref<327680x128xf32, #tpu.memory_space<hbm>> -> memref<128x128xf32, #tpu.memory_space<hbm>>
      tpu.wait_dma2 semaphore(%arg14 : memref<!tpu.dma_semaphore, #tpu.memory_space<semaphore_mem>>) src(%dma_wait3A_176 : memref<128x128xf32, #tpu.memory_space<hbm>>) dst(%arg10 : memref<128x128xf32, #tpu.memory_space<vmem>>)
      %scan3A_177 = arith.constant 0 : i32
      %scan3A_178 = arith.constant 128 : i32
      %scan3A_179 = arith.addi %scan3A_177, %scan3A_178 : i32
      %scan3A_180 = arith.constant 1 : i32
      scf.for %scan3A_324 = %scan3A_177 to %scan3A_179 step %scan3A_180  : i32 {
        %mul3A_325 = arith.constant 1 : i32
        %mul3A_326 = arith.muli %scan3A_324, %mul3A_325 : i32
        %add3A_327 = arith.constant 0 : i32
        %add3A_328 = arith.addi %add3A_327, %mul3A_326 : i32
        %get3A = arith.constant 1 : i32
        %get3A_329 = arith.index_cast %get3A : i32 to index
        %get3A_330 = arith.index_cast %add3A_328 : i32 to index
        %get3A_331 = arith.constant 0 : index
        %get3A_332 = tpu.vector_load %arg9[%get3A_329, %get3A_330, %get3A_331] {strides = array<i32>} : memref<2x128x128xf32, #tpu.memory_space<vmem>>, vector<1x1x16xf32>,
        %get3A_333 = vector.shape_cast %get3A_332 : vector<1x1x16xf32> to vector<16xf32>
        %get3A_334 = arith.index_cast %add3A_328 : i32 to index
        %get3A_335 = arith.constant 0 : index
        %get3A_336 = tpu.vector_load %arg10[%get3A_334, %get3A_335] {strides = array<i32>} : memref<128x128xf32, #tpu.memory_space<vmem>>, vector<1x16xf32>,
        %get3A_337 = vector.shape_cast %get3A_336 : vector<1x16xf32> to vector<16xf32>
        %mul3A_338 = arith.mulf %get3A_333, %get3A_337 : vector<16xf32>
        %swap3A = arith.constant 1 : i32
        %swap3A_339 = arith.index_cast %swap3A : i32 to index
        %swap3A_340 = arith.index_cast %add3A_328 : i32 to index
        %swap3A_341 = arith.constant 0 : index
        %swap3A_342 = tpu.vector_load %arg9[%swap3A_339, %swap3A_340, %swap3A_341] {strides = array<i32>} : memref<2x128x128xf32, #tpu.memory_space<vmem>>, vector<1x1x16xf32>,
        %swap3A_343 = vector.shape_cast %swap3A_342 : vector<1x1x16xf32> to vector<16xf32>
        %swap3A_344 = vector.shape_cast %mul3A_338 : vector<16xf32> to vector<1x1x16xf32>
        tpu.vector_store %arg9[%swap3A_339, %swap3A_340, %swap3A_341], %swap3A_344 {strides = array<i32>} : memref<2x128x128xf32, #tpu.memory_space<vmem>>, vector<1x1x16xf32>,
        %get3A_345 = arith.constant 1 : i32
        %get3A_346 = arith.index_cast %get3A_345 : i32 to index
        %get3A_347 = arith.index_cast %add3A_328 : i32 to index
        %get3A_348 = arith.constant 16 : index
        %get3A_349 = tpu.vector_load %arg9[%get3A_346, %get3A_347, %get3A_348] {strides = array<i32>} : memref<2x128x128xf32, #tpu.memory_space<vmem>>, vector<1x1x16xf32>,
        %get3A_350 = vector.shape_cast %get3A_349 : vector<1x1x16xf32> to vector<16xf32>
        %get3A_351 = arith.index_cast %add3A_328 : i32 to index
        %get3A_352 = arith.constant 16 : index
        %get3A_353 = tpu.vector_load %arg10[%get3A_351, %get3A_352] {strides = array<i32>} : memref<128x128xf32, #tpu.memory_space<vmem>>, vector<1x16xf32>,
        %get3A_354 = vector.shape_cast %get3A_353 : vector<1x16xf32> to vector<16xf32>
        %mul3A_355 = arith.mulf %get3A_350, %get3A_354 : vector<16xf32>
        %swap3A_356 = arith.constant 1 : i32
        %swap3A_357 = arith.index_cast %swap3A_356 : i32 to index
        %swap3A_358 = arith.index_cast %add3A_328 : i32 to index
        %swap3A_359 = arith.constant 16 : index
        %swap3A_360 = tpu.vector_load %arg9[%swap3A_357, %swap3A_358, %swap3A_359] {strides = array<i32>} : memref<2x128x128xf32, #tpu.memory_space<vmem>>, vector<1x1x16xf32>,
        %swap3A_361 = vector.shape_cast %swap3A_360 : vector<1x1x16xf32> to vector<16xf32>
        %swap3A_362 = vector.shape_cast %mul3A_355 : vector<16xf32> to vector<1x1x16xf32>
        tpu.vector_store %arg9[%swap3A_357, %swap3A_358, %swap3A_359], %swap3A_362 {strides = array<i32>} : memref<2x128x128xf32, #tpu.memory_space<vmem>>, vector<1x1x16xf32>,
        %get3A_363 = arith.constant 1 : i32
        %get3A_364 = arith.index_cast %get3A_363 : i32 to index
        %get3A_365 = arith.index_cast %add3A_328 : i32 to index
        %get3A_366 = arith.constant 32 : index
        %get3A_367 = tpu.vector_load %arg9[%get3A_364, %get3A_365, %get3A_366] {strides = array<i32>} : memref<2x128x128xf32, #tpu.memory_space<vmem>>, vector<1x1x16xf32>,
        %get3A_368 = vector.shape_cast %get3A_367 : vector<1x1x16xf32> to vector<16xf32>
        %get3A_369 = arith.index_cast %add3A_328 : i32 to index
        %get3A_370 = arith.constant 32 : index
        %get3A_371 = tpu.vector_load %arg10[%get3A_369, %get3A_370] {strides = array<i32>} : memref<128x128xf32, #tpu.memory_space<vmem>>, vector<1x16xf32>,
        %get3A_372 = vector.shape_cast %get3A_371 : vector<1x16xf32> to vector<16xf32>
        %mul3A_373 = arith.mulf %get3A_368, %get3A_372 : vector<16xf32>
        %swap3A_374 = arith.constant 1 : i32
        %swap3A_375 = arith.index_cast %swap3A_374 : i32 to index
        %swap3A_376 = arith.index_cast %add3A_328 : i32 to index
        %swap3A_377 = arith.constant 32 : index
        %swap3A_378 = tpu.vector_load %arg9[%swap3A_375, %swap3A_376, %swap3A_377] {strides = array<i32>} : memref<2x128x128xf32, #tpu.memory_space<vmem>>, vector<1x1x16xf32>,
        %swap3A_379 = vector.shape_cast %swap3A_378 : vector<1x1x16xf32> to vector<16xf32>
        %swap3A_380 = vector.shape_cast %mul3A_373 : vector<16xf32> to vector<1x1x16xf32>
        tpu.vector_store %arg9[%swap3A_375, %swap3A_376, %swap3A_377], %swap3A_380 {strides = array<i32>} : memref<2x128x128xf32, #tpu.memory_space<vmem>>, vector<1x1x16xf32>,
        %get3A_381 = arith.constant 1 : i32
        %get3A_382 = arith.index_cast %get3A_381 : i32 to index
        %get3A_383 = arith.index_cast %add3A_328 : i32 to index
        %get3A_384 = arith.constant 48 : index
        %get3A_385 = tpu.vector_load %arg9[%get3A_382, %get3A_383, %get3A_384] {strides = array<i32>} : memref<2x128x128xf32, #tpu.memory_space<vmem>>, vector<1x1x16xf32>,
        %get3A_386 = vector.shape_cast %get3A_385 : vector<1x1x16xf32> to vector<16xf32>
        %get3A_387 = arith.index_cast %add3A_328 : i32 to index
        %get3A_388 = arith.constant 48 : index
        %get3A_389 = tpu.vector_load %arg10[%get3A_387, %get3A_388] {strides = array<i32>} : memref<128x128xf32, #tpu.memory_space<vmem>>, vector<1x16xf32>,
        %get3A_390 = vector.shape_cast %get3A_389 : vector<1x16xf32> to vector<16xf32>
        %mul3A_391 = arith.mulf %get3A_386, %get3A_390 : vector<16xf32>
        %swap3A_392 = arith.constant 1 : i32
        %swap3A_393 = arith.index_cast %swap3A_392 : i32 to index
        %swap3A_394 = arith.index_cast %add3A_328 : i32 to index
        %swap3A_395 = arith.constant 48 : index
        %swap3A_396 = tpu.vector_load %arg9[%swap3A_393, %swap3A_394, %swap3A_395] {strides = array<i32>} : memref<2x128x128xf32, #tpu.memory_space<vmem>>, vector<1x1x16xf32>,
        %swap3A_397 = vector.shape_cast %swap3A_396 : vector<1x1x16xf32> to vector<16xf32>
        %swap3A_398 = vector.shape_cast %mul3A_391 : vector<16xf32> to vector<1x1x16xf32>
        tpu.vector_store %arg9[%swap3A_393, %swap3A_394, %swap3A_395], %swap3A_398 {strides = array<i32>} : memref<2x128x128xf32, #tpu.memory_space<vmem>>, vector<1x1x16xf32>,
        %get3A_399 = arith.constant 1 : i32
        %get3A_400 = arith.index_cast %get3A_399 : i32 to index
        %get3A_401 = arith.index_cast %add3A_328 : i32 to index
        %get3A_402 = arith.constant 64 : index
        %get3A_403 = tpu.vector_load %arg9[%get3A_400, %get3A_401, %get3A_402] {strides = array<i32>} : memref<2x128x128xf32, #tpu.memory_space<vmem>>, vector<1x1x16xf32>,
        %get3A_404 = vector.shape_cast %get3A_403 : vector<1x1x16xf32> to vector<16xf32>
        %get3A_405 = arith.index_cast %add3A_328 : i32 to index
        %get3A_406 = arith.constant 64 : index
        %get3A_407 = tpu.vector_load %arg10[%get3A_405, %get3A_406] {strides = array<i32>} : memref<128x128xf32, #tpu.memory_space<vmem>>, vector<1x16xf32>,
        %get3A_408 = vector.shape_cast %get3A_407 : vector<1x16xf32> to vector<16xf32>
        %mul3A_409 = arith.mulf %get3A_404, %get3A_408 : vector<16xf32>
        %swap3A_410 = arith.constant 1 : i32
        %swap3A_411 = arith.index_cast %swap3A_410 : i32 to index
        %swap3A_412 = arith.index_cast %add3A_328 : i32 to index
        %swap3A_413 = arith.constant 64 : index
        %swap3A_414 = tpu.vector_load %arg9[%swap3A_411, %swap3A_412, %swap3A_413] {strides = array<i32>} : memref<2x128x128xf32, #tpu.memory_space<vmem>>, vector<1x1x16xf32>,
        %swap3A_415 = vector.shape_cast %swap3A_414 : vector<1x1x16xf32> to vector<16xf32>
        %swap3A_416 = vector.shape_cast %mul3A_409 : vector<16xf32> to vector<1x1x16xf32>
        tpu.vector_store %arg9[%swap3A_411, %swap3A_412, %swap3A_413], %swap3A_416 {strides = array<i32>} : memref<2x128x128xf32, #tpu.memory_space<vmem>>, vector<1x1x16xf32>,
        %get3A_417 = arith.constant 1 : i32
        %get3A_418 = arith.index_cast %get3A_417 : i32 to index
        %get3A_419 = arith.index_cast %add3A_328 : i32 to index
        %get3A_420 = arith.constant 80 : index
        %get3A_421 = tpu.vector_load %arg9[%get3A_418, %get3A_419, %get3A_420] {strides = array<i32>} : memref<2x128x128xf32, #tpu.memory_space<vmem>>, vector<1x1x16xf32>,
        %get3A_422 = vector.shape_cast %get3A_421 : vector<1x1x16xf32> to vector<16xf32>
        %get3A_423 = arith.index_cast %add3A_328 : i32 to index
        %get3A_424 = arith.constant 80 : index
        %get3A_425 = tpu.vector_load %arg10[%get3A_423, %get3A_424] {strides = array<i32>} : memref<128x128xf32, #tpu.memory_space<vmem>>, vector<1x16xf32>,
        %get3A_426 = vector.shape_cast %get3A_425 : vector<1x16xf32> to vector<16xf32>
        %mul3A_427 = arith.mulf %get3A_422, %get3A_426 : vector<16xf32>
        %swap3A_428 = arith.constant 1 : i32
        %swap3A_429 = arith.index_cast %swap3A_428 : i32 to index
        %swap3A_430 = arith.index_cast %add3A_328 : i32 to index
        %swap3A_431 = arith.constant 80 : index
        %swap3A_432 = tpu.vector_load %arg9[%swap3A_429, %swap3A_430, %swap3A_431] {strides = array<i32>} : memref<2x128x128xf32, #tpu.memory_space<vmem>>, vector<1x1x16xf32>,
        %swap3A_433 = vector.shape_cast %swap3A_432 : vector<1x1x16xf32> to vector<16xf32>
        %swap3A_434 = vector.shape_cast %mul3A_427 : vector<16xf32> to vector<1x1x16xf32>
        tpu.vector_store %arg9[%swap3A_429, %swap3A_430, %swap3A_431], %swap3A_434 {strides = array<i32>} : memref<2x128x128xf32, #tpu.memory_space<vmem>>, vector<1x1x16xf32>,
        %get3A_435 = arith.constant 1 : i32
        %get3A_436 = arith.index_cast %get3A_435 : i32 to index
        %get3A_437 = arith.index_cast %add3A_328 : i32 to index
        %get3A_438 = arith.constant 96 : index
        %get3A_439 = tpu.vector_load %arg9[%get3A_436, %get3A_437, %get3A_438] {strides = array<i32>} : memref<2x128x128xf32, #tpu.memory_space<vmem>>, vector<1x1x16xf32>,
        %get3A_440 = vector.shape_cast %get3A_439 : vector<1x1x16xf32> to vector<16xf32>
        %get3A_441 = arith.index_cast %add3A_328 : i32 to index
        %get3A_442 = arith.constant 96 : index
        %get3A_443 = tpu.vector_load %arg10[%get3A_441, %get3A_442] {strides = array<i32>} : memref<128x128xf32, #tpu.memory_space<vmem>>, vector<1x16xf32>,
        %get3A_444 = vector.shape_cast %get3A_443 : vector<1x16xf32> to vector<16xf32>
        %mul3A_445 = arith.mulf %get3A_440, %get3A_444 : vector<16xf32>
        %swap3A_446 = arith.constant 1 : i32
        %swap3A_447 = arith.index_cast %swap3A_446 : i32 to index
        %swap3A_448 = arith.index_cast %add3A_328 : i32 to index
        %swap3A_449 = arith.constant 96 : index
        %swap3A_450 = tpu.vector_load %arg9[%swap3A_447, %swap3A_448, %swap3A_449] {strides = array<i32>} : memref<2x128x128xf32, #tpu.memory_space<vmem>>, vector<1x1x16xf32>,
        %swap3A_451 = vector.shape_cast %swap3A_450 : vector<1x1x16xf32> to vector<16xf32>
        %swap3A_452 = vector.shape_cast %mul3A_445 : vector<16xf32> to vector<1x1x16xf32>
        tpu.vector_store %arg9[%swap3A_447, %swap3A_448, %swap3A_449], %swap3A_452 {strides = array<i32>} : memref<2x128x128xf32, #tpu.memory_space<vmem>>, vector<1x1x16xf32>,
        %get3A_453 = arith.constant 1 : i32
        %get3A_454 = arith.index_cast %get3A_453 : i32 to index
        %get3A_455 = arith.index_cast %add3A_328 : i32 to index
        %get3A_456 = arith.constant 112 : index
        %get3A_457 = tpu.vector_load %arg9[%get3A_454, %get3A_455, %get3A_456] {strides = array<i32>} : memref<2x128x128xf32, #tpu.memory_space<vmem>>, vector<1x1x16xf32>,
        %get3A_458 = vector.shape_cast %get3A_457 : vector<1x1x16xf32> to vector<16xf32>
        %get3A_459 = arith.index_cast %add3A_328 : i32 to index
        %get3A_460 = arith.constant 112 : index
        %get3A_461 = tpu.vector_load %arg10[%get3A_459, %get3A_460] {strides = array<i32>} : memref<128x128xf32, #tpu.memory_space<vmem>>, vector<1x16xf32>,
        %get3A_462 = vector.shape_cast %get3A_461 : vector<1x16xf32> to vector<16xf32>
        %mul3A_463 = arith.mulf %get3A_458, %get3A_462 : vector<16xf32>
        %swap3A_464 = arith.constant 1 : i32
        %swap3A_465 = arith.index_cast %swap3A_464 : i32 to index
        %swap3A_466 = arith.index_cast %add3A_328 : i32 to index
        %swap3A_467 = arith.constant 112 : index
        %swap3A_468 = tpu.vector_load %arg9[%swap3A_465, %swap3A_466, %swap3A_467] {strides = array<i32>} : memref<2x128x128xf32, #tpu.memory_space<vmem>>, vector<1x1x16xf32>,
        %swap3A_469 = vector.shape_cast %swap3A_468 : vector<1x1x16xf32> to vector<16xf32>
        %swap3A_470 = vector.shape_cast %mul3A_463 : vector<16xf32> to vector<1x1x16xf32>
        tpu.vector_store %arg9[%swap3A_465, %swap3A_466, %swap3A_467], %swap3A_470 {strides = array<i32>} : memref<2x128x128xf32, #tpu.memory_space<vmem>>, vector<1x1x16xf32>,
      }
      %scan3A_181 = arith.constant 128 : i32
      %add3A_182 = arith.constant 2 : i32
      %add3A_183 = arith.addi %add3A_65, %add3A_182 : i32
      %mul3A_184 = arith.constant 128 : i32
      %mul3A_185 = arith.muli %add3A_183, %mul3A_184 : i32
      %dma_start3A_186 = arith.constant 0 : i32
      %dma_start3A_187 = tpu.memref_slice %arg5[%mul3A_185, %dma_start3A_186] : memref<327680x128xf32, #tpu.memory_space<hbm>> -> memref<128x128xf32, #tpu.memory_space<hbm>>
      %dma_start3A_188 = arith.constant 0 : i32
      %dma_start3A_189 = tpu.memref_slice %arg5[%mul3A_185, %dma_start3A_188] : memref<327680x128xf32, #tpu.memory_space<hbm>> -> memref<128x128xf32, #tpu.memory_space<hbm>>
      tpu.enqueue_dma source(%dma_start3A_189 : memref<128x128xf32, #tpu.memory_space<hbm>>) target(%arg10 : memref<128x128xf32, #tpu.memory_space<vmem>>) target_semaphore(%arg14 : memref<!tpu.dma_semaphore, #tpu.memory_space<semaphore_mem>>)
      %dma_start3A_190 = arith.constant 1 : i32
      %dma_start3A_191 = arith.constant 1 : i32
      %dma_start3A_192 = arith.constant 0 : i32
      %dma_start3A_193 = arith.constant 0 : i32
      %dma_start3A_194 = tpu.memref_slice %arg9[%dma_start3A_190, %dma_start3A_192, %dma_start3A_193] : memref<2x128x128xf32, #tpu.memory_space<vmem>> -> memref<1x128x128xf32, #tpu.memory_space<vmem>>
      %dma_start3A_195 = tpu.memref_squeeze %dma_start3A_194 : memref<1x128x128xf32, #tpu.memory_space<vmem>> -> memref<128x128xf32, #tpu.memory_space<vmem>>
      %dma_start3A_196 = arith.constant 0 : i32
      %dma_start3A_197 = tpu.memref_slice %arg8[%dma_start3A_191, %dma_start3A_196] : memref<4x128xi32, #tpu.memory_space<vmem>> -> memref<1x128xi32, #tpu.memory_space<vmem>>
      %dma_start3A_198 = tpu.memref_squeeze %dma_start3A_197 : memref<1x128xi32, #tpu.memory_space<vmem>> -> memref<128xi32, #tpu.memory_space<vmem>>
      %dma_start3A_199 = arith.constant 0 : i32
      %dma_start3A_200 = arith.constant 0 : i32
      %dma_start3A_201 = tpu.memref_slice %arg11[%dma_start3A_199, %dma_start3A_200] : memref<10000x128xf32, #tpu.memory_space<vmem_shared>> -> memref<10000x128xf32, #tpu.memory_space<vmem_shared>>
      tpu.enqueue_indirect_dma source(%dma_start3A_195 : memref<128x128xf32, #tpu.memory_space<vmem>>) target(%dma_start3A_201 : memref<10000x128xf32, #tpu.memory_space<vmem_shared>>) offsets(%dma_start3A_198 : memref<128xi32, #tpu.memory_space<vmem>>) semaphore(%arg16 : memref<!tpu.dma_semaphore, #tpu.memory_space<semaphore_mem>>) {add = true}
      %dma_wait3A_202 = arith.constant 1 : i32
      %dma_wait3A_203 = arith.constant 1 : i32
      %dma_wait3A_204 = arith.constant 0 : i32
      %dma_wait3A_205 = arith.constant 0 : i32
      %dma_wait3A_206 = tpu.memref_slice %arg9[%dma_wait3A_202, %dma_wait3A_204, %dma_wait3A_205] : memref<2x128x128xf32, #tpu.memory_space<vmem>> -> memref<1x128x128xf32, #tpu.memory_space<vmem>>
      %dma_wait3A_207 = tpu.memref_squeeze %dma_wait3A_206 : memref<1x128x128xf32, #tpu.memory_space<vmem>> -> memref<128x128xf32, #tpu.memory_space<vmem>>
      %dma_wait3A_208 = arith.constant 0 : i32
      %dma_wait3A_209 = tpu.memref_slice %arg8[%dma_wait3A_203, %dma_wait3A_208] : memref<4x128xi32, #tpu.memory_space<vmem>> -> memref<1x128xi32, #tpu.memory_space<vmem>>
      %dma_wait3A_210 = tpu.memref_squeeze %dma_wait3A_209 : memref<1x128xi32, #tpu.memory_space<vmem>> -> memref<128xi32, #tpu.memory_space<vmem>>
      %dma_wait3A_211 = arith.constant 0 : i32
      %dma_wait3A_212 = arith.constant 0 : i32
      %dma_wait3A_213 = tpu.memref_slice %arg11[%dma_wait3A_211, %dma_wait3A_212] : memref<10000x128xf32, #tpu.memory_space<vmem_shared>> -> memref<10000x128xf32, #tpu.memory_space<vmem_shared>>
      tpu.wait_indirect_dma semaphore(%arg16 : memref<!tpu.dma_semaphore, #tpu.memory_space<semaphore_mem>>) src(%dma_wait3A_207 : memref<128x128xf32, #tpu.memory_space<vmem>>) dst(%dma_wait3A_213 : memref<10000x128xf32, #tpu.memory_space<vmem_shared>>)
      %dma_start3A_214 = arith.constant 3 : i32
      %dma_start3A_215 = arith.constant 1 : i32
      %dma_start3A_216 = arith.constant 0 : i32
      %dma_start3A_217 = arith.constant 0 : i32
      %dma_start3A_218 = tpu.memref_slice %arg9[%dma_start3A_215, %dma_start3A_216, %dma_start3A_217] : memref<2x128x128xf32, #tpu.memory_space<vmem>> -> memref<1x128x128xf32, #tpu.memory_space<vmem>>
      %dma_start3A_219 = tpu.memref_squeeze %dma_start3A_218 : memref<1x128x128xf32, #tpu.memory_space<vmem>> -> memref<128x128xf32, #tpu.memory_space<vmem>>
      %dma_start3A_220 = arith.constant 0 : i32
      %dma_start3A_221 = tpu.memref_slice %arg7[%dma_start3A_214, %dma_start3A_220] : memref<4x128xi32, #tpu.memory_space<vmem>> -> memref<1x128xi32, #tpu.memory_space<vmem>>
      %dma_start3A_222 = tpu.memref_squeeze %dma_start3A_221 : memref<1x128xi32, #tpu.memory_space<vmem>> -> memref<128xi32, #tpu.memory_space<vmem>>
      %dma_start3A_223 = arith.constant 0 : i32
      %dma_start3A_224 = arith.constant 0 : i32
      %dma_start3A_225 = tpu.memref_slice %arg11[%dma_start3A_223, %dma_start3A_224] : memref<10000x128xf32, #tpu.memory_space<vmem_shared>> -> memref<10000x128xf32, #tpu.memory_space<vmem_shared>>
      tpu.enqueue_indirect_dma source(%dma_start3A_225 : memref<10000x128xf32, #tpu.memory_space<vmem_shared>>) target(%dma_start3A_219 : memref<128x128xf32, #tpu.memory_space<vmem>>) offsets(%dma_start3A_222 : memref<128xi32, #tpu.memory_space<vmem>>) semaphore(%arg13 : memref<!tpu.dma_semaphore, #tpu.memory_space<semaphore_mem>>)
      %dma_wait3A_226 = arith.constant 2 : i32
      %dma_wait3A_227 = arith.constant 0 : i32
      %dma_wait3A_228 = arith.constant 0 : i32
      %dma_wait3A_229 = arith.constant 0 : i32
      %dma_wait3A_230 = tpu.memref_slice %arg9[%dma_wait3A_227, %dma_wait3A_228, %dma_wait3A_229] : memref<2x128x128xf32, #tpu.memory_space<vmem>> -> memref<1x128x128xf32, #tpu.memory_space<vmem>>
      %dma_wait3A_231 = tpu.memref_squeeze %dma_wait3A_230 : memref<1x128x128xf32, #tpu.memory_space<vmem>> -> memref<128x128xf32, #tpu.memory_space<vmem>>
      %dma_wait3A_232 = arith.constant 0 : i32
      %dma_wait3A_233 = tpu.memref_slice %arg7[%dma_wait3A_226, %dma_wait3A_232] : memref<4x128xi32, #tpu.memory_space<vmem>> -> memref<1x128xi32, #tpu.memory_space<vmem>>
      %dma_wait3A_234 = tpu.memref_squeeze %dma_wait3A_233 : memref<1x128xi32, #tpu.memory_space<vmem>> -> memref<128xi32, #tpu.memory_space<vmem>>
      %dma_wait3A_235 = arith.constant 0 : i32
      %dma_wait3A_236 = arith.constant 0 : i32
      %dma_wait3A_237 = tpu.memref_slice %arg11[%dma_wait3A_235, %dma_wait3A_236] : memref<10000x128xf32, #tpu.memory_space<vmem_shared>> -> memref<10000x128xf32, #tpu.memory_space<vmem_shared>>
      tpu.wait_indirect_dma semaphore(%arg12 : memref<!tpu.dma_semaphore, #tpu.memory_space<semaphore_mem>>) src(%dma_wait3A_237 : memref<10000x128xf32, #tpu.memory_space<vmem_shared>>) dst(%dma_wait3A_231 : memref<128x128xf32, #tpu.memory_space<vmem>>)
      %dma_wait3A_238 = arith.constant 0 : i32
      %dma_wait3A_239 = tpu.memref_slice %arg5[%mul3A_185, %dma_wait3A_238] : memref<327680x128xf32, #tpu.memory_space<hbm>> -> memref<128x128xf32, #tpu.memory_space<hbm>>
      %dma_wait3A_240 = arith.constant 0 : i32
      %dma_wait3A_241 = tpu.memref_slice %arg5[%mul3A_185, %dma_wait3A_240] : memref<327680x128xf32, #tpu.memory_space<hbm>> -> memref<128x128xf32, #tpu.memory_space<hbm>>
      tpu.wait_dma2 semaphore(%arg14 : memref<!tpu.dma_semaphore, #tpu.memory_space<semaphore_mem>>) src(%dma_wait3A_241 : memref<128x128xf32, #tpu.memory_space<hbm>>) dst(%arg10 : memref<128x128xf32, #tpu.memory_space<vmem>>)
      %scan3A_242 = arith.constant 0 : i32
      %scan3A_243 = arith.constant 128 : i32
      %scan3A_244 = arith.addi %scan3A_242, %scan3A_243 : i32
      %scan3A_245 = arith.constant 1 : i32
      scf.for %scan3A_324 = %scan3A_242 to %scan3A_244 step %scan3A_245  : i32 {
        %mul3A_325 = arith.constant 1 : i32
        %mul3A_326 = arith.muli %scan3A_324, %mul3A_325 : i32
        %add3A_327 = arith.constant 0 : i32
        %add3A_328 = arith.addi %add3A_327, %mul3A_326 : i32
        %get3A = arith.constant 0 : i32
        %get3A_329 = arith.index_cast %get3A : i32 to index
        %get3A_330 = arith.index_cast %add3A_328 : i32 to index
        %get3A_331 = arith.constant 0 : index
        %get3A_332 = tpu.vector_load %arg9[%get3A_329, %get3A_330, %get3A_331] {strides = array<i32>} : memref<2x128x128xf32, #tpu.memory_space<vmem>>, vector<1x1x16xf32>,
        %get3A_333 = vector.shape_cast %get3A_332 : vector<1x1x16xf32> to vector<16xf32>
        %get3A_334 = arith.index_cast %add3A_328 : i32 to index
        %get3A_335 = arith.constant 0 : index
        %get3A_336 = tpu.vector_load %arg10[%get3A_334, %get3A_335] {strides = array<i32>} : memref<128x128xf32, #tpu.memory_space<vmem>>, vector<1x16xf32>,
        %get3A_337 = vector.shape_cast %get3A_336 : vector<1x16xf32> to vector<16xf32>
        %mul3A_338 = arith.mulf %get3A_333, %get3A_337 : vector<16xf32>
        %swap3A = arith.constant 0 : i32
        %swap3A_339 = arith.index_cast %swap3A : i32 to index
        %swap3A_340 = arith.index_cast %add3A_328 : i32 to index
        %swap3A_341 = arith.constant 0 : index
        %swap3A_342 = tpu.vector_load %arg9[%swap3A_339, %swap3A_340, %swap3A_341] {strides = array<i32>} : memref<2x128x128xf32, #tpu.memory_space<vmem>>, vector<1x1x16xf32>,
        %swap3A_343 = vector.shape_cast %swap3A_342 : vector<1x1x16xf32> to vector<16xf32>
        %swap3A_344 = vector.shape_cast %mul3A_338 : vector<16xf32> to vector<1x1x16xf32>
        tpu.vector_store %arg9[%swap3A_339, %swap3A_340, %swap3A_341], %swap3A_344 {strides = array<i32>} : memref<2x128x128xf32, #tpu.memory_space<vmem>>, vector<1x1x16xf32>,
        %get3A_345 = arith.constant 0 : i32
        %get3A_346 = arith.index_cast %get3A_345 : i32 to index
        %get3A_347 = arith.index_cast %add3A_328 : i32 to index
        %get3A_348 = arith.constant 16 : index
        %get3A_349 = tpu.vector_load %arg9[%get3A_346, %get3A_347, %get3A_348] {strides = array<i32>} : memref<2x128x128xf32, #tpu.memory_space<vmem>>, vector<1x1x16xf32>,
        %get3A_350 = vector.shape_cast %get3A_349 : vector<1x1x16xf32> to vector<16xf32>
        %get3A_351 = arith.index_cast %add3A_328 : i32 to index
        %get3A_352 = arith.constant 16 : index
        %get3A_353 = tpu.vector_load %arg10[%get3A_351, %get3A_352] {strides = array<i32>} : memref<128x128xf32, #tpu.memory_space<vmem>>, vector<1x16xf32>,
        %get3A_354 = vector.shape_cast %get3A_353 : vector<1x16xf32> to vector<16xf32>
        %mul3A_355 = arith.mulf %get3A_350, %get3A_354 : vector<16xf32>
        %swap3A_356 = arith.constant 0 : i32
        %swap3A_357 = arith.index_cast %swap3A_356 : i32 to index
        %swap3A_358 = arith.index_cast %add3A_328 : i32 to index
        %swap3A_359 = arith.constant 16 : index
        %swap3A_360 = tpu.vector_load %arg9[%swap3A_357, %swap3A_358, %swap3A_359] {strides = array<i32>} : memref<2x128x128xf32, #tpu.memory_space<vmem>>, vector<1x1x16xf32>,
        %swap3A_361 = vector.shape_cast %swap3A_360 : vector<1x1x16xf32> to vector<16xf32>
        %swap3A_362 = vector.shape_cast %mul3A_355 : vector<16xf32> to vector<1x1x16xf32>
        tpu.vector_store %arg9[%swap3A_357, %swap3A_358, %swap3A_359], %swap3A_362 {strides = array<i32>} : memref<2x128x128xf32, #tpu.memory_space<vmem>>, vector<1x1x16xf32>,
        %get3A_363 = arith.constant 0 : i32
        %get3A_364 = arith.index_cast %get3A_363 : i32 to index
        %get3A_365 = arith.index_cast %add3A_328 : i32 to index
        %get3A_366 = arith.constant 32 : index
        %get3A_367 = tpu.vector_load %arg9[%get3A_364, %get3A_365, %get3A_366] {strides = array<i32>} : memref<2x128x128xf32, #tpu.memory_space<vmem>>, vector<1x1x16xf32>,
        %get3A_368 = vector.shape_cast %get3A_367 : vector<1x1x16xf32> to vector<16xf32>
        %get3A_369 = arith.index_cast %add3A_328 : i32 to index
        %get3A_370 = arith.constant 32 : index
        %get3A_371 = tpu.vector_load %arg10[%get3A_369, %get3A_370] {strides = array<i32>} : memref<128x128xf32, #tpu.memory_space<vmem>>, vector<1x16xf32>,
        %get3A_372 = vector.shape_cast %get3A_371 : vector<1x16xf32> to vector<16xf32>
        %mul3A_373 = arith.mulf %get3A_368, %get3A_372 : vector<16xf32>
        %swap3A_374 = arith.constant 0 : i32
        %swap3A_375 = arith.index_cast %swap3A_374 : i32 to index
        %swap3A_376 = arith.index_cast %add3A_328 : i32 to index
        %swap3A_377 = arith.constant 32 : index
        %swap3A_378 = tpu.vector_load %arg9[%swap3A_375, %swap3A_376, %swap3A_377] {strides = array<i32>} : memref<2x128x128xf32, #tpu.memory_space<vmem>>, vector<1x1x16xf32>,
        %swap3A_379 = vector.shape_cast %swap3A_378 : vector<1x1x16xf32> to vector<16xf32>
        %swap3A_380 = vector.shape_cast %mul3A_373 : vector<16xf32> to vector<1x1x16xf32>
        tpu.vector_store %arg9[%swap3A_375, %swap3A_376, %swap3A_377], %swap3A_380 {strides = array<i32>} : memref<2x128x128xf32, #tpu.memory_space<vmem>>, vector<1x1x16xf32>,
        %get3A_381 = arith.constant 0 : i32
        %get3A_382 = arith.index_cast %get3A_381 : i32 to index
        %get3A_383 = arith.index_cast %add3A_328 : i32 to index
        %get3A_384 = arith.constant 48 : index
        %get3A_385 = tpu.vector_load %arg9[%get3A_382, %get3A_383, %get3A_384] {strides = array<i32>} : memref<2x128x128xf32, #tpu.memory_space<vmem>>, vector<1x1x16xf32>,
        %get3A_386 = vector.shape_cast %get3A_385 : vector<1x1x16xf32> to vector<16xf32>
        %get3A_387 = arith.index_cast %add3A_328 : i32 to index
        %get3A_388 = arith.constant 48 : index
        %get3A_389 = tpu.vector_load %arg10[%get3A_387, %get3A_388] {strides = array<i32>} : memref<128x128xf32, #tpu.memory_space<vmem>>, vector<1x16xf32>,
        %get3A_390 = vector.shape_cast %get3A_389 : vector<1x16xf32> to vector<16xf32>
        %mul3A_391 = arith.mulf %get3A_386, %get3A_390 : vector<16xf32>
        %swap3A_392 = arith.constant 0 : i32
        %swap3A_393 = arith.index_cast %swap3A_392 : i32 to index
        %swap3A_394 = arith.index_cast %add3A_328 : i32 to index
        %swap3A_395 = arith.constant 48 : index
        %swap3A_396 = tpu.vector_load %arg9[%swap3A_393, %swap3A_394, %swap3A_395] {strides = array<i32>} : memref<2x128x128xf32, #tpu.memory_space<vmem>>, vector<1x1x16xf32>,
        %swap3A_397 = vector.shape_cast %swap3A_396 : vector<1x1x16xf32> to vector<16xf32>
        %swap3A_398 = vector.shape_cast %mul3A_391 : vector<16xf32> to vector<1x1x16xf32>
        tpu.vector_store %arg9[%swap3A_393, %swap3A_394, %swap3A_395], %swap3A_398 {strides = array<i32>} : memref<2x128x128xf32, #tpu.memory_space<vmem>>, vector<1x1x16xf32>,
        %get3A_399 = arith.constant 0 : i32
        %get3A_400 = arith.index_cast %get3A_399 : i32 to index
        %get3A_401 = arith.index_cast %add3A_328 : i32 to index
        %get3A_402 = arith.constant 64 : index
        %get3A_403 = tpu.vector_load %arg9[%get3A_400, %get3A_401, %get3A_402] {strides = array<i32>} : memref<2x128x128xf32, #tpu.memory_space<vmem>>, vector<1x1x16xf32>,
        %get3A_404 = vector.shape_cast %get3A_403 : vector<1x1x16xf32> to vector<16xf32>
        %get3A_405 = arith.index_cast %add3A_328 : i32 to index
        %get3A_406 = arith.constant 64 : index
        %get3A_407 = tpu.vector_load %arg10[%get3A_405, %get3A_406] {strides = array<i32>} : memref<128x128xf32, #tpu.memory_space<vmem>>, vector<1x16xf32>,
        %get3A_408 = vector.shape_cast %get3A_407 : vector<1x16xf32> to vector<16xf32>
        %mul3A_409 = arith.mulf %get3A_404, %get3A_408 : vector<16xf32>
        %swap3A_410 = arith.constant 0 : i32
        %swap3A_411 = arith.index_cast %swap3A_410 : i32 to index
        %swap3A_412 = arith.index_cast %add3A_328 : i32 to index
        %swap3A_413 = arith.constant 64 : index
        %swap3A_414 = tpu.vector_load %arg9[%swap3A_411, %swap3A_412, %swap3A_413] {strides = array<i32>} : memref<2x128x128xf32, #tpu.memory_space<vmem>>, vector<1x1x16xf32>,
        %swap3A_415 = vector.shape_cast %swap3A_414 : vector<1x1x16xf32> to vector<16xf32>
        %swap3A_416 = vector.shape_cast %mul3A_409 : vector<16xf32> to vector<1x1x16xf32>
        tpu.vector_store %arg9[%swap3A_411, %swap3A_412, %swap3A_413], %swap3A_416 {strides = array<i32>} : memref<2x128x128xf32, #tpu.memory_space<vmem>>, vector<1x1x16xf32>,
        %get3A_417 = arith.constant 0 : i32
        %get3A_418 = arith.index_cast %get3A_417 : i32 to index
        %get3A_419 = arith.index_cast %add3A_328 : i32 to index
        %get3A_420 = arith.constant 80 : index
        %get3A_421 = tpu.vector_load %arg9[%get3A_418, %get3A_419, %get3A_420] {strides = array<i32>} : memref<2x128x128xf32, #tpu.memory_space<vmem>>, vector<1x1x16xf32>,
        %get3A_422 = vector.shape_cast %get3A_421 : vector<1x1x16xf32> to vector<16xf32>
        %get3A_423 = arith.index_cast %add3A_328 : i32 to index
        %get3A_424 = arith.constant 80 : index
        %get3A_425 = tpu.vector_load %arg10[%get3A_423, %get3A_424] {strides = array<i32>} : memref<128x128xf32, #tpu.memory_space<vmem>>, vector<1x16xf32>,
        %get3A_426 = vector.shape_cast %get3A_425 : vector<1x16xf32> to vector<16xf32>
        %mul3A_427 = arith.mulf %get3A_422, %get3A_426 : vector<16xf32>
        %swap3A_428 = arith.constant 0 : i32
        %swap3A_429 = arith.index_cast %swap3A_428 : i32 to index
        %swap3A_430 = arith.index_cast %add3A_328 : i32 to index
        %swap3A_431 = arith.constant 80 : index
        %swap3A_432 = tpu.vector_load %arg9[%swap3A_429, %swap3A_430, %swap3A_431] {strides = array<i32>} : memref<2x128x128xf32, #tpu.memory_space<vmem>>, vector<1x1x16xf32>,
        %swap3A_433 = vector.shape_cast %swap3A_432 : vector<1x1x16xf32> to vector<16xf32>
        %swap3A_434 = vector.shape_cast %mul3A_427 : vector<16xf32> to vector<1x1x16xf32>
        tpu.vector_store %arg9[%swap3A_429, %swap3A_430, %swap3A_431], %swap3A_434 {strides = array<i32>} : memref<2x128x128xf32, #tpu.memory_space<vmem>>, vector<1x1x16xf32>,
        %get3A_435 = arith.constant 0 : i32
        %get3A_436 = arith.index_cast %get3A_435 : i32 to index
        %get3A_437 = arith.index_cast %add3A_328 : i32 to index
        %get3A_438 = arith.constant 96 : index
        %get3A_439 = tpu.vector_load %arg9[%get3A_436, %get3A_437, %get3A_438] {strides = array<i32>} : memref<2x128x128xf32, #tpu.memory_space<vmem>>, vector<1x1x16xf32>,
        %get3A_440 = vector.shape_cast %get3A_439 : vector<1x1x16xf32> to vector<16xf32>
        %get3A_441 = arith.index_cast %add3A_328 : i32 to index
        %get3A_442 = arith.constant 96 : index
        %get3A_443 = tpu.vector_load %arg10[%get3A_441, %get3A_442] {strides = array<i32>} : memref<128x128xf32, #tpu.memory_space<vmem>>, vector<1x16xf32>,
        %get3A_444 = vector.shape_cast %get3A_443 : vector<1x16xf32> to vector<16xf32>
        %mul3A_445 = arith.mulf %get3A_440, %get3A_444 : vector<16xf32>
        %swap3A_446 = arith.constant 0 : i32
        %swap3A_447 = arith.index_cast %swap3A_446 : i32 to index
        %swap3A_448 = arith.index_cast %add3A_328 : i32 to index
        %swap3A_449 = arith.constant 96 : index
        %swap3A_450 = tpu.vector_load %arg9[%swap3A_447, %swap3A_448, %swap3A_449] {strides = array<i32>} : memref<2x128x128xf32, #tpu.memory_space<vmem>>, vector<1x1x16xf32>,
        %swap3A_451 = vector.shape_cast %swap3A_450 : vector<1x1x16xf32> to vector<16xf32>
        %swap3A_452 = vector.shape_cast %mul3A_445 : vector<16xf32> to vector<1x1x16xf32>
        tpu.vector_store %arg9[%swap3A_447, %swap3A_448, %swap3A_449], %swap3A_452 {strides = array<i32>} : memref<2x128x128xf32, #tpu.memory_space<vmem>>, vector<1x1x16xf32>,
        %get3A_453 = arith.constant 0 : i32
        %get3A_454 = arith.index_cast %get3A_453 : i32 to index
        %get3A_455 = arith.index_cast %add3A_328 : i32 to index
        %get3A_456 = arith.constant 112 : index
        %get3A_457 = tpu.vector_load %arg9[%get3A_454, %get3A_455, %get3A_456] {strides = array<i32>} : memref<2x128x128xf32, #tpu.memory_space<vmem>>, vector<1x1x16xf32>,
        %get3A_458 = vector.shape_cast %get3A_457 : vector<1x1x16xf32> to vector<16xf32>
        %get3A_459 = arith.index_cast %add3A_328 : i32 to index
        %get3A_460 = arith.constant 112 : index
        %get3A_461 = tpu.vector_load %arg10[%get3A_459, %get3A_460] {strides = array<i32>} : memref<128x128xf32, #tpu.memory_space<vmem>>, vector<1x16xf32>,
        %get3A_462 = vector.shape_cast %get3A_461 : vector<1x16xf32> to vector<16xf32>
        %mul3A_463 = arith.mulf %get3A_458, %get3A_462 : vector<16xf32>
        %swap3A_464 = arith.constant 0 : i32
        %swap3A_465 = arith.index_cast %swap3A_464 : i32 to index
        %swap3A_466 = arith.index_cast %add3A_328 : i32 to index
        %swap3A_467 = arith.constant 112 : index
        %swap3A_468 = tpu.vector_load %arg9[%swap3A_465, %swap3A_466, %swap3A_467] {strides = array<i32>} : memref<2x128x128xf32, #tpu.memory_space<vmem>>, vector<1x1x16xf32>,
        %swap3A_469 = vector.shape_cast %swap3A_468 : vector<1x1x16xf32> to vector<16xf32>
        %swap3A_470 = vector.shape_cast %mul3A_463 : vector<16xf32> to vector<1x1x16xf32>
        tpu.vector_store %arg9[%swap3A_465, %swap3A_466, %swap3A_467], %swap3A_470 {strides = array<i32>} : memref<2x128x128xf32, #tpu.memory_space<vmem>>, vector<1x1x16xf32>,
      }
      %scan3A_246 = arith.constant 128 : i32
      %add3A_247 = arith.constant 3 : i32
      %add3A_248 = arith.addi %add3A_65, %add3A_247 : i32
      %mul3A_249 = arith.constant 128 : i32
      %mul3A_250 = arith.muli %add3A_248, %mul3A_249 : i32
      %dma_start3A_251 = arith.constant 0 : i32
      %dma_start3A_252 = tpu.memref_slice %arg5[%mul3A_250, %dma_start3A_251] : memref<327680x128xf32, #tpu.memory_space<hbm>> -> memref<128x128xf32, #tpu.memory_space<hbm>>
      %dma_start3A_253 = arith.constant 0 : i32
      %dma_start3A_254 = tpu.memref_slice %arg5[%mul3A_250, %dma_start3A_253] : memref<327680x128xf32, #tpu.memory_space<hbm>> -> memref<128x128xf32, #tpu.memory_space<hbm>>
      tpu.enqueue_dma source(%dma_start3A_254 : memref<128x128xf32, #tpu.memory_space<hbm>>) target(%arg10 : memref<128x128xf32, #tpu.memory_space<vmem>>) target_semaphore(%arg14 : memref<!tpu.dma_semaphore, #tpu.memory_space<semaphore_mem>>)
      %dma_start3A_255 = arith.constant 0 : i32
      %dma_start3A_256 = arith.constant 2 : i32
      %dma_start3A_257 = arith.constant 0 : i32
      %dma_start3A_258 = arith.constant 0 : i32
      %dma_start3A_259 = tpu.memref_slice %arg9[%dma_start3A_255, %dma_start3A_257, %dma_start3A_258] : memref<2x128x128xf32, #tpu.memory_space<vmem>> -> memref<1x128x128xf32, #tpu.memory_space<vmem>>
      %dma_start3A_260 = tpu.memref_squeeze %dma_start3A_259 : memref<1x128x128xf32, #tpu.memory_space<vmem>> -> memref<128x128xf32, #tpu.memory_space<vmem>>
      %dma_start3A_261 = arith.constant 0 : i32
      %dma_start3A_262 = tpu.memref_slice %arg8[%dma_start3A_256, %dma_start3A_261] : memref<4x128xi32, #tpu.memory_space<vmem>> -> memref<1x128xi32, #tpu.memory_space<vmem>>
      %dma_start3A_263 = tpu.memref_squeeze %dma_start3A_262 : memref<1x128xi32, #tpu.memory_space<vmem>> -> memref<128xi32, #tpu.memory_space<vmem>>
      %dma_start3A_264 = arith.constant 0 : i32
      %dma_start3A_265 = arith.constant 0 : i32
      %dma_start3A_266 = tpu.memref_slice %arg11[%dma_start3A_264, %dma_start3A_265] : memref<10000x128xf32, #tpu.memory_space<vmem_shared>> -> memref<10000x128xf32, #tpu.memory_space<vmem_shared>>
      tpu.enqueue_indirect_dma source(%dma_start3A_260 : memref<128x128xf32, #tpu.memory_space<vmem>>) target(%dma_start3A_266 : memref<10000x128xf32, #tpu.memory_space<vmem_shared>>) offsets(%dma_start3A_263 : memref<128xi32, #tpu.memory_space<vmem>>) semaphore(%arg15 : memref<!tpu.dma_semaphore, #tpu.memory_space<semaphore_mem>>) {add = true}
      %dma_wait3A_267 = arith.constant 3 : i32
      %dma_wait3A_268 = arith.constant 1 : i32
      %dma_wait3A_269 = arith.constant 0 : i32
      %dma_wait3A_270 = arith.constant 0 : i32
      %dma_wait3A_271 = tpu.memref_slice %arg9[%dma_wait3A_268, %dma_wait3A_269, %dma_wait3A_270] : memref<2x128x128xf32, #tpu.memory_space<vmem>> -> memref<1x128x128xf32, #tpu.memory_space<vmem>>
      %dma_wait3A_272 = tpu.memref_squeeze %dma_wait3A_271 : memref<1x128x128xf32, #tpu.memory_space<vmem>> -> memref<128x128xf32, #tpu.memory_space<vmem>>
      %dma_wait3A_273 = arith.constant 0 : i32
      %dma_wait3A_274 = tpu.memref_slice %arg7[%dma_wait3A_267, %dma_wait3A_273] : memref<4x128xi32, #tpu.memory_space<vmem>> -> memref<1x128xi32, #tpu.memory_space<vmem>>
      %dma_wait3A_275 = tpu.memref_squeeze %dma_wait3A_274 : memref<1x128xi32, #tpu.memory_space<vmem>> -> memref<128xi32, #tpu.memory_space<vmem>>
      %dma_wait3A_276 = arith.constant 0 : i32
      %dma_wait3A_277 = arith.constant 0 : i32
      %dma_wait3A_278 = tpu.memref_slice %arg11[%dma_wait3A_276, %dma_wait3A_277] : memref<10000x128xf32, #tpu.memory_space<vmem_shared>> -> memref<10000x128xf32, #tpu.memory_space<vmem_shared>>
      tpu.wait_indirect_dma semaphore(%arg13 : memref<!tpu.dma_semaphore, #tpu.memory_space<semaphore_mem>>) src(%dma_wait3A_278 : memref<10000x128xf32, #tpu.memory_space<vmem_shared>>) dst(%dma_wait3A_272 : memref<128x128xf32, #tpu.memory_space<vmem>>)
      %dma_wait3A_279 = arith.constant 0 : i32
      %dma_wait3A_280 = tpu.memref_slice %arg5[%mul3A_250, %dma_wait3A_279] : memref<327680x128xf32, #tpu.memory_space<hbm>> -> memref<128x128xf32, #tpu.memory_space<hbm>>
      %dma_wait3A_281 = arith.constant 0 : i32
      %dma_wait3A_282 = tpu.memref_slice %arg5[%mul3A_250, %dma_wait3A_281] : memref<327680x128xf32, #tpu.memory_space<hbm>> -> memref<128x128xf32, #tpu.memory_space<hbm>>
      tpu.wait_dma2 semaphore(%arg14 : memref<!tpu.dma_semaphore, #tpu.memory_space<semaphore_mem>>) src(%dma_wait3A_282 : memref<128x128xf32, #tpu.memory_space<hbm>>) dst(%arg10 : memref<128x128xf32, #tpu.memory_space<vmem>>)
      %scan3A_283 = arith.constant 0 : i32
      %scan3A_284 = arith.constant 128 : i32
      %scan3A_285 = arith.addi %scan3A_283, %scan3A_284 : i32
      %scan3A_286 = arith.constant 1 : i32
      scf.for %scan3A_324 = %scan3A_283 to %scan3A_285 step %scan3A_286  : i32 {
        %mul3A_325 = arith.constant 1 : i32
        %mul3A_326 = arith.muli %scan3A_324, %mul3A_325 : i32
        %add3A_327 = arith.constant 0 : i32
        %add3A_328 = arith.addi %add3A_327, %mul3A_326 : i32
        %get3A = arith.constant 1 : i32
        %get3A_329 = arith.index_cast %get3A : i32 to index
        %get3A_330 = arith.index_cast %add3A_328 : i32 to index
        %get3A_331 = arith.constant 0 : index
        %get3A_332 = tpu.vector_load %arg9[%get3A_329, %get3A_330, %get3A_331] {strides = array<i32>} : memref<2x128x128xf32, #tpu.memory_space<vmem>>, vector<1x1x16xf32>,
        %get3A_333 = vector.shape_cast %get3A_332 : vector<1x1x16xf32> to vector<16xf32>
        %get3A_334 = arith.index_cast %add3A_328 : i32 to index
        %get3A_335 = arith.constant 0 : index
        %get3A_336 = tpu.vector_load %arg10[%get3A_334, %get3A_335] {strides = array<i32>} : memref<128x128xf32, #tpu.memory_space<vmem>>, vector<1x16xf32>,
        %get3A_337 = vector.shape_cast %get3A_336 : vector<1x16xf32> to vector<16xf32>
        %mul3A_338 = arith.mulf %get3A_333, %get3A_337 : vector<16xf32>
        %swap3A = arith.constant 1 : i32
        %swap3A_339 = arith.index_cast %swap3A : i32 to index
        %swap3A_340 = arith.index_cast %add3A_328 : i32 to index
        %swap3A_341 = arith.constant 0 : index
        %swap3A_342 = tpu.vector_load %arg9[%swap3A_339, %swap3A_340, %swap3A_341] {strides = array<i32>} : memref<2x128x128xf32, #tpu.memory_space<vmem>>, vector<1x1x16xf32>,
        %swap3A_343 = vector.shape_cast %swap3A_342 : vector<1x1x16xf32> to vector<16xf32>
        %swap3A_344 = vector.shape_cast %mul3A_338 : vector<16xf32> to vector<1x1x16xf32>
        tpu.vector_store %arg9[%swap3A_339, %swap3A_340, %swap3A_341], %swap3A_344 {strides = array<i32>} : memref<2x128x128xf32, #tpu.memory_space<vmem>>, vector<1x1x16xf32>,
        %get3A_345 = arith.constant 1 : i32
        %get3A_346 = arith.index_cast %get3A_345 : i32 to index
        %get3A_347 = arith.index_cast %add3A_328 : i32 to index
        %get3A_348 = arith.constant 16 : index
        %get3A_349 = tpu.vector_load %arg9[%get3A_346, %get3A_347, %get3A_348] {strides = array<i32>} : memref<2x128x128xf32, #tpu.memory_space<vmem>>, vector<1x1x16xf32>,
        %get3A_350 = vector.shape_cast %get3A_349 : vector<1x1x16xf32> to vector<16xf32>
        %get3A_351 = arith.index_cast %add3A_328 : i32 to index
        %get3A_352 = arith.constant 16 : index
        %get3A_353 = tpu.vector_load %arg10[%get3A_351, %get3A_352] {strides = array<i32>} : memref<128x128xf32, #tpu.memory_space<vmem>>, vector<1x16xf32>,
        %get3A_354 = vector.shape_cast %get3A_353 : vector<1x16xf32> to vector<16xf32>
        %mul3A_355 = arith.mulf %get3A_350, %get3A_354 : vector<16xf32>
        %swap3A_356 = arith.constant 1 : i32
        %swap3A_357 = arith.index_cast %swap3A_356 : i32 to index
        %swap3A_358 = arith.index_cast %add3A_328 : i32 to index
        %swap3A_359 = arith.constant 16 : index
        %swap3A_360 = tpu.vector_load %arg9[%swap3A_357, %swap3A_358, %swap3A_359] {strides = array<i32>} : memref<2x128x128xf32, #tpu.memory_space<vmem>>, vector<1x1x16xf32>,
        %swap3A_361 = vector.shape_cast %swap3A_360 : vector<1x1x16xf32> to vector<16xf32>
        %swap3A_362 = vector.shape_cast %mul3A_355 : vector<16xf32> to vector<1x1x16xf32>
        tpu.vector_store %arg9[%swap3A_357, %swap3A_358, %swap3A_359], %swap3A_362 {strides = array<i32>} : memref<2x128x128xf32, #tpu.memory_space<vmem>>, vector<1x1x16xf32>,
        %get3A_363 = arith.constant 1 : i32
        %get3A_364 = arith.index_cast %get3A_363 : i32 to index
        %get3A_365 = arith.index_cast %add3A_328 : i32 to index
        %get3A_366 = arith.constant 32 : index
        %get3A_367 = tpu.vector_load %arg9[%get3A_364, %get3A_365, %get3A_366] {strides = array<i32>} : memref<2x128x128xf32, #tpu.memory_space<vmem>>, vector<1x1x16xf32>,
        %get3A_368 = vector.shape_cast %get3A_367 : vector<1x1x16xf32> to vector<16xf32>
        %get3A_369 = arith.index_cast %add3A_328 : i32 to index
        %get3A_370 = arith.constant 32 : index
        %get3A_371 = tpu.vector_load %arg10[%get3A_369, %get3A_370] {strides = array<i32>} : memref<128x128xf32, #tpu.memory_space<vmem>>, vector<1x16xf32>,
        %get3A_372 = vector.shape_cast %get3A_371 : vector<1x16xf32> to vector<16xf32>
        %mul3A_373 = arith.mulf %get3A_368, %get3A_372 : vector<16xf32>
        %swap3A_374 = arith.constant 1 : i32
        %swap3A_375 = arith.index_cast %swap3A_374 : i32 to index
        %swap3A_376 = arith.index_cast %add3A_328 : i32 to index
        %swap3A_377 = arith.constant 32 : index
        %swap3A_378 = tpu.vector_load %arg9[%swap3A_375, %swap3A_376, %swap3A_377] {strides = array<i32>} : memref<2x128x128xf32, #tpu.memory_space<vmem>>, vector<1x1x16xf32>,
        %swap3A_379 = vector.shape_cast %swap3A_378 : vector<1x1x16xf32> to vector<16xf32>
        %swap3A_380 = vector.shape_cast %mul3A_373 : vector<16xf32> to vector<1x1x16xf32>
        tpu.vector_store %arg9[%swap3A_375, %swap3A_376, %swap3A_377], %swap3A_380 {strides = array<i32>} : memref<2x128x128xf32, #tpu.memory_space<vmem>>, vector<1x1x16xf32>,
        %get3A_381 = arith.constant 1 : i32
        %get3A_382 = arith.index_cast %get3A_381 : i32 to index
        %get3A_383 = arith.index_cast %add3A_328 : i32 to index
        %get3A_384 = arith.constant 48 : index
        %get3A_385 = tpu.vector_load %arg9[%get3A_382, %get3A_383, %get3A_384] {strides = array<i32>} : memref<2x128x128xf32, #tpu.memory_space<vmem>>, vector<1x1x16xf32>,
        %get3A_386 = vector.shape_cast %get3A_385 : vector<1x1x16xf32> to vector<16xf32>
        %get3A_387 = arith.index_cast %add3A_328 : i32 to index
        %get3A_388 = arith.constant 48 : index
        %get3A_389 = tpu.vector_load %arg10[%get3A_387, %get3A_388] {strides = array<i32>} : memref<128x128xf32, #tpu.memory_space<vmem>>, vector<1x16xf32>,
        %get3A_390 = vector.shape_cast %get3A_389 : vector<1x16xf32> to vector<16xf32>
        %mul3A_391 = arith.mulf %get3A_386, %get3A_390 : vector<16xf32>
        %swap3A_392 = arith.constant 1 : i32
        %swap3A_393 = arith.index_cast %swap3A_392 : i32 to index
        %swap3A_394 = arith.index_cast %add3A_328 : i32 to index
        %swap3A_395 = arith.constant 48 : index
        %swap3A_396 = tpu.vector_load %arg9[%swap3A_393, %swap3A_394, %swap3A_395] {strides = array<i32>} : memref<2x128x128xf32, #tpu.memory_space<vmem>>, vector<1x1x16xf32>,
        %swap3A_397 = vector.shape_cast %swap3A_396 : vector<1x1x16xf32> to vector<16xf32>
        %swap3A_398 = vector.shape_cast %mul3A_391 : vector<16xf32> to vector<1x1x16xf32>
        tpu.vector_store %arg9[%swap3A_393, %swap3A_394, %swap3A_395], %swap3A_398 {strides = array<i32>} : memref<2x128x128xf32, #tpu.memory_space<vmem>>, vector<1x1x16xf32>,
        %get3A_399 = arith.constant 1 : i32
        %get3A_400 = arith.index_cast %get3A_399 : i32 to index
        %get3A_401 = arith.index_cast %add3A_328 : i32 to index
        %get3A_402 = arith.constant 64 : index
        %get3A_403 = tpu.vector_load %arg9[%get3A_400, %get3A_401, %get3A_402] {strides = array<i32>} : memref<2x128x128xf32, #tpu.memory_space<vmem>>, vector<1x1x16xf32>,
        %get3A_404 = vector.shape_cast %get3A_403 : vector<1x1x16xf32> to vector<16xf32>
        %get3A_405 = arith.index_cast %add3A_328 : i32 to index
        %get3A_406 = arith.constant 64 : index
        %get3A_407 = tpu.vector_load %arg10[%get3A_405, %get3A_406] {strides = array<i32>} : memref<128x128xf32, #tpu.memory_space<vmem>>, vector<1x16xf32>,
        %get3A_408 = vector.shape_cast %get3A_407 : vector<1x16xf32> to vector<16xf32>
        %mul3A_409 = arith.mulf %get3A_404, %get3A_408 : vector<16xf32>
        %swap3A_410 = arith.constant 1 : i32
        %swap3A_411 = arith.index_cast %swap3A_410 : i32 to index
        %swap3A_412 = arith.index_cast %add3A_328 : i32 to index
        %swap3A_413 = arith.constant 64 : index
        %swap3A_414 = tpu.vector_load %arg9[%swap3A_411, %swap3A_412, %swap3A_413] {strides = array<i32>} : memref<2x128x128xf32, #tpu.memory_space<vmem>>, vector<1x1x16xf32>,
        %swap3A_415 = vector.shape_cast %swap3A_414 : vector<1x1x16xf32> to vector<16xf32>
        %swap3A_416 = vector.shape_cast %mul3A_409 : vector<16xf32> to vector<1x1x16xf32>
        tpu.vector_store %arg9[%swap3A_411, %swap3A_412, %swap3A_413], %swap3A_416 {strides = array<i32>} : memref<2x128x128xf32, #tpu.memory_space<vmem>>, vector<1x1x16xf32>,
        %get3A_417 = arith.constant 1 : i32
        %get3A_418 = arith.index_cast %get3A_417 : i32 to index
        %get3A_419 = arith.index_cast %add3A_328 : i32 to index
        %get3A_420 = arith.constant 80 : index
        %get3A_421 = tpu.vector_load %arg9[%get3A_418, %get3A_419, %get3A_420] {strides = array<i32>} : memref<2x128x128xf32, #tpu.memory_space<vmem>>, vector<1x1x16xf32>,
        %get3A_422 = vector.shape_cast %get3A_421 : vector<1x1x16xf32> to vector<16xf32>
        %get3A_423 = arith.index_cast %add3A_328 : i32 to index
        %get3A_424 = arith.constant 80 : index
        %get3A_425 = tpu.vector_load %arg10[%get3A_423, %get3A_424] {strides = array<i32>} : memref<128x128xf32, #tpu.memory_space<vmem>>, vector<1x16xf32>,
        %get3A_426 = vector.shape_cast %get3A_425 : vector<1x16xf32> to vector<16xf32>
        %mul3A_427 = arith.mulf %get3A_422, %get3A_426 : vector<16xf32>
        %swap3A_428 = arith.constant 1 : i32
        %swap3A_429 = arith.index_cast %swap3A_428 : i32 to index
        %swap3A_430 = arith.index_cast %add3A_328 : i32 to index
        %swap3A_431 = arith.constant 80 : index
        %swap3A_432 = tpu.vector_load %arg9[%swap3A_429, %swap3A_430, %swap3A_431] {strides = array<i32>} : memref<2x128x128xf32, #tpu.memory_space<vmem>>, vector<1x1x16xf32>,
        %swap3A_433 = vector.shape_cast %swap3A_432 : vector<1x1x16xf32> to vector<16xf32>
        %swap3A_434 = vector.shape_cast %mul3A_427 : vector<16xf32> to vector<1x1x16xf32>
        tpu.vector_store %arg9[%swap3A_429, %swap3A_430, %swap3A_431], %swap3A_434 {strides = array<i32>} : memref<2x128x128xf32, #tpu.memory_space<vmem>>, vector<1x1x16xf32>,
        %get3A_435 = arith.constant 1 : i32
        %get3A_436 = arith.index_cast %get3A_435 : i32 to index
        %get3A_437 = arith.index_cast %add3A_328 : i32 to index
        %get3A_438 = arith.constant 96 : index
        %get3A_439 = tpu.vector_load %arg9[%get3A_436, %get3A_437, %get3A_438] {strides = array<i32>} : memref<2x128x128xf32, #tpu.memory_space<vmem>>, vector<1x1x16xf32>,
        %get3A_440 = vector.shape_cast %get3A_439 : vector<1x1x16xf32> to vector<16xf32>
        %get3A_441 = arith.index_cast %add3A_328 : i32 to index
        %get3A_442 = arith.constant 96 : index
        %get3A_443 = tpu.vector_load %arg10[%get3A_441, %get3A_442] {strides = array<i32>} : memref<128x128xf32, #tpu.memory_space<vmem>>, vector<1x16xf32>,
        %get3A_444 = vector.shape_cast %get3A_443 : vector<1x16xf32> to vector<16xf32>
        %mul3A_445 = arith.mulf %get3A_440, %get3A_444 : vector<16xf32>
        %swap3A_446 = arith.constant 1 : i32
        %swap3A_447 = arith.index_cast %swap3A_446 : i32 to index
        %swap3A_448 = arith.index_cast %add3A_328 : i32 to index
        %swap3A_449 = arith.constant 96 : index
        %swap3A_450 = tpu.vector_load %arg9[%swap3A_447, %swap3A_448, %swap3A_449] {strides = array<i32>} : memref<2x128x128xf32, #tpu.memory_space<vmem>>, vector<1x1x16xf32>,
        %swap3A_451 = vector.shape_cast %swap3A_450 : vector<1x1x16xf32> to vector<16xf32>
        %swap3A_452 = vector.shape_cast %mul3A_445 : vector<16xf32> to vector<1x1x16xf32>
        tpu.vector_store %arg9[%swap3A_447, %swap3A_448, %swap3A_449], %swap3A_452 {strides = array<i32>} : memref<2x128x128xf32, #tpu.memory_space<vmem>>, vector<1x1x16xf32>,
        %get3A_453 = arith.constant 1 : i32
        %get3A_454 = arith.index_cast %get3A_453 : i32 to index
        %get3A_455 = arith.index_cast %add3A_328 : i32 to index
        %get3A_456 = arith.constant 112 : index
        %get3A_457 = tpu.vector_load %arg9[%get3A_454, %get3A_455, %get3A_456] {strides = array<i32>} : memref<2x128x128xf32, #tpu.memory_space<vmem>>, vector<1x1x16xf32>,
        %get3A_458 = vector.shape_cast %get3A_457 : vector<1x1x16xf32> to vector<16xf32>
        %get3A_459 = arith.index_cast %add3A_328 : i32 to index
        %get3A_460 = arith.constant 112 : index
        %get3A_461 = tpu.vector_load %arg10[%get3A_459, %get3A_460] {strides = array<i32>} : memref<128x128xf32, #tpu.memory_space<vmem>>, vector<1x16xf32>,
        %get3A_462 = vector.shape_cast %get3A_461 : vector<1x16xf32> to vector<16xf32>
        %mul3A_463 = arith.mulf %get3A_458, %get3A_462 : vector<16xf32>
        %swap3A_464 = arith.constant 1 : i32
        %swap3A_465 = arith.index_cast %swap3A_464 : i32 to index
        %swap3A_466 = arith.index_cast %add3A_328 : i32 to index
        %swap3A_467 = arith.constant 112 : index
        %swap3A_468 = tpu.vector_load %arg9[%swap3A_465, %swap3A_466, %swap3A_467] {strides = array<i32>} : memref<2x128x128xf32, #tpu.memory_space<vmem>>, vector<1x1x16xf32>,
        %swap3A_469 = vector.shape_cast %swap3A_468 : vector<1x1x16xf32> to vector<16xf32>
        %swap3A_470 = vector.shape_cast %mul3A_463 : vector<16xf32> to vector<1x1x16xf32>
        tpu.vector_store %arg9[%swap3A_465, %swap3A_466, %swap3A_467], %swap3A_470 {strides = array<i32>} : memref<2x128x128xf32, #tpu.memory_space<vmem>>, vector<1x1x16xf32>,
      }
      %scan3A_287 = arith.constant 128 : i32
      %dma_start3A_288 = arith.constant 1 : i32
      %dma_start3A_289 = arith.constant 3 : i32
      %dma_start3A_290 = arith.constant 0 : i32
      %dma_start3A_291 = arith.constant 0 : i32
      %dma_start3A_292 = tpu.memref_slice %arg9[%dma_start3A_288, %dma_start3A_290, %dma_start3A_291] : memref<2x128x128xf32, #tpu.memory_space<vmem>> -> memref<1x128x128xf32, #tpu.memory_space<vmem>>
      %dma_start3A_293 = tpu.memref_squeeze %dma_start3A_292 : memref<1x128x128xf32, #tpu.memory_space<vmem>> -> memref<128x128xf32, #tpu.memory_space<vmem>>
      %dma_start3A_294 = arith.constant 0 : i32
      %dma_start3A_295 = tpu.memref_slice %arg8[%dma_start3A_289, %dma_start3A_294] : memref<4x128xi32, #tpu.memory_space<vmem>> -> memref<1x128xi32, #tpu.memory_space<vmem>>
      %dma_start3A_296 = tpu.memref_squeeze %dma_start3A_295 : memref<1x128xi32, #tpu.memory_space<vmem>> -> memref<128xi32, #tpu.memory_space<vmem>>
      %dma_start3A_297 = arith.constant 0 : i32
      %dma_start3A_298 = arith.constant 0 : i32
      %dma_start3A_299 = tpu.memref_slice %arg11[%dma_start3A_297, %dma_start3A_298] : memref<10000x128xf32, #tpu.memory_space<vmem_shared>> -> memref<10000x128xf32, #tpu.memory_space<vmem_shared>>
      tpu.enqueue_indirect_dma source(%dma_start3A_293 : memref<128x128xf32, #tpu.memory_space<vmem>>) target(%dma_start3A_299 : memref<10000x128xf32, #tpu.memory_space<vmem_shared>>) offsets(%dma_start3A_296 : memref<128xi32, #tpu.memory_space<vmem>>) semaphore(%arg16 : memref<!tpu.dma_semaphore, #tpu.memory_space<semaphore_mem>>) {add = true}
      %dma_wait3A_300 = arith.constant 0 : i32
      %dma_wait3A_301 = arith.constant 2 : i32
      %dma_wait3A_302 = arith.constant 0 : i32
      %dma_wait3A_303 = arith.constant 0 : i32
      %dma_wait3A_304 = tpu.memref_slice %arg9[%dma_wait3A_300, %dma_wait3A_302, %dma_wait3A_303] : memref<2x128x128xf32, #tpu.memory_space<vmem>> -> memref<1x128x128xf32, #tpu.memory_space<vmem>>
      %dma_wait3A_305 = tpu.memref_squeeze %dma_wait3A_304 : memref<1x128x128xf32, #tpu.memory_space<vmem>> -> memref<128x128xf32, #tpu.memory_space<vmem>>
      %dma_wait3A_306 = arith.constant 0 : i32
      %dma_wait3A_307 = tpu.memref_slice %arg8[%dma_wait3A_301, %dma_wait3A_306] : memref<4x128xi32, #tpu.memory_space<vmem>> -> memref<1x128xi32, #tpu.memory_space<vmem>>
      %dma_wait3A_308 = tpu.memref_squeeze %dma_wait3A_307 : memref<1x128xi32, #tpu.memory_space<vmem>> -> memref<128xi32, #tpu.memory_space<vmem>>
      %dma_wait3A_309 = arith.constant 0 : i32
      %dma_wait3A_310 = arith.constant 0 : i32
      %dma_wait3A_311 = tpu.memref_slice %arg11[%dma_wait3A_309, %dma_wait3A_310] : memref<10000x128xf32, #tpu.memory_space<vmem_shared>> -> memref<10000x128xf32, #tpu.memory_space<vmem_shared>>
      tpu.wait_indirect_dma semaphore(%arg15 : memref<!tpu.dma_semaphore, #tpu.memory_space<semaphore_mem>>) src(%dma_wait3A_305 : memref<128x128xf32, #tpu.memory_space<vmem>>) dst(%dma_wait3A_311 : memref<10000x128xf32, #tpu.memory_space<vmem_shared>>)
      %dma_wait3A_312 = arith.constant 1 : i32
      %dma_wait3A_313 = arith.constant 3 : i32
      %dma_wait3A_314 = arith.constant 0 : i32
      %dma_wait3A_315 = arith.constant 0 : i32
      %dma_wait3A_316 = tpu.memref_slice %arg9[%dma_wait3A_312, %dma_wait3A_314, %dma_wait3A_315] : memref<2x128x128xf32, #tpu.memory_space<vmem>> -> memref<1x128x128xf32, #tpu.memory_space<vmem>>
      %dma_wait3A_317 = tpu.memref_squeeze %dma_wait3A_316 : memref<1x128x128xf32, #tpu.memory_space<vmem>> -> memref<128x128xf32, #tpu.memory_space<vmem>>
      %dma_wait3A_318 = arith.constant 0 : i32
      %dma_wait3A_319 = tpu.memref_slice %arg8[%dma_wait3A_313, %dma_wait3A_318] : memref<4x128xi32, #tpu.memory_space<vmem>> -> memref<1x128xi32, #tpu.memory_space<vmem>>
      %dma_wait3A_320 = tpu.memref_squeeze %dma_wait3A_319 : memref<1x128xi32, #tpu.memory_space<vmem>> -> memref<128xi32, #tpu.memory_space<vmem>>
      %dma_wait3A_321 = arith.constant 0 : i32
      %dma_wait3A_322 = arith.constant 0 : i32
      %dma_wait3A_323 = tpu.memref_slice %arg11[%dma_wait3A_321, %dma_wait3A_322] : memref<10000x128xf32, #tpu.memory_space<vmem_shared>> -> memref<10000x128xf32, #tpu.memory_space<vmem_shared>>
      tpu.wait_indirect_dma semaphore(%arg16 : memref<!tpu.dma_semaphore, #tpu.memory_space<semaphore_mem>>) src(%dma_wait3A_317 : memref<128x128xf32, #tpu.memory_space<vmem>>) dst(%dma_wait3A_323 : memref<10000x128xf32, #tpu.memory_space<vmem_shared>>)
    }
    %scan3A_28 = arith.constant 20 : i32
    %barrier3A_29 = arith.constant 0 : index
    tpu.barrier barrier_id(%barrier3A_29)
    %add3A_30 = arith.constant 0 : i32
    %add3A_31 = arith.addi %mul3A_2, %add3A_30 : i32
    %run_scoped3A_32 = arith.constant 0 : i32
    "tpu.region"() ({
      %run_scoped3A_56 = tpu.sem_alloc : memref<!tpu.dma_semaphore, #tpu.memory_space<semaphore_mem>>
      %dma_start3A = arith.constant 0 : i32
      %dma_start3A_57 = arith.constant 0 : i32
      %dma_start3A_58 = tpu.memref_slice %arg9[%run_scoped3A_32, %dma_start3A, %dma_start3A_57] : memref<2x128x128xf32, #tpu.memory_space<vmem>> -> memref<1x128x128xf32, #tpu.memory_space<vmem>>
      %dma_start3A_59 = tpu.memref_squeeze %dma_start3A_58 : memref<1x128x128xf32, #tpu.memory_space<vmem>> -> memref<128x128xf32, #tpu.memory_space<vmem>>
      %dma_start3A_60 = arith.constant 0 : i32
      %dma_start3A_61 = tpu.memref_slice %arg11[%add3A_31, %dma_start3A_60] : memref<10000x128xf32, #tpu.memory_space<vmem_shared>> -> memref<128x128xf32, #tpu.memory_space<vmem_shared>>
      %dma_start3A_62 = arith.constant 0 : i32
      %dma_start3A_63 = arith.constant 0 : i32
      %dma_start3A_64 = tpu.memref_slice %arg9[%run_scoped3A_32, %dma_start3A_62, %dma_start3A_63] : memref<2x128x128xf32, #tpu.memory_space<vmem>> -> memref<1x128x128xf32, #tpu.memory_space<vmem>>
      %dma_start3A_65 = tpu.memref_squeeze %dma_start3A_64 : memref<1x128x128xf32, #tpu.memory_space<vmem>> -> memref<128x128xf32, #tpu.memory_space<vmem>>
      %dma_start3A_66 = arith.constant 0 : i32
      %dma_start3A_67 = tpu.memref_slice %arg11[%add3A_31, %dma_start3A_66] : memref<10000x128xf32, #tpu.memory_space<vmem_shared>> -> memref<128x128xf32, #tpu.memory_space<vmem_shared>>
      tpu.enqueue_dma source(%dma_start3A_67 : memref<128x128xf32, #tpu.memory_space<vmem_shared>>) target(%dma_start3A_65 : memref<128x128xf32, #tpu.memory_space<vmem>>) target_semaphore(%run_scoped3A_56 : memref<!tpu.dma_semaphore, #tpu.memory_space<semaphore_mem>>)
      %dma_wait3A = arith.constant 0 : i32
      %dma_wait3A_68 = arith.constant 0 : i32
      %dma_wait3A_69 = tpu.memref_slice %arg9[%run_scoped3A_32, %dma_wait3A, %dma_wait3A_68] : memref<2x128x128xf32, #tpu.memory_space<vmem>> -> memref<1x128x128xf32, #tpu.memory_space<vmem>>
      %dma_wait3A_70 = tpu.memref_squeeze %dma_wait3A_69 : memref<1x128x128xf32, #tpu.memory_space<vmem>> -> memref<128x128xf32, #tpu.memory_space<vmem>>
      %dma_wait3A_71 = arith.constant 0 : i32
      %dma_wait3A_72 = tpu.memref_slice %arg11[%add3A_31, %dma_wait3A_71] : memref<10000x128xf32, #tpu.memory_space<vmem_shared>> -> memref<128x128xf32, #tpu.memory_space<vmem_shared>>
      %dma_wait3A_73 = arith.constant 0 : i32
      %dma_wait3A_74 = arith.constant 0 : i32
      %dma_wait3A_75 = tpu.memref_slice %arg9[%run_scoped3A_32, %dma_wait3A_73, %dma_wait3A_74] : memref<2x128x128xf32, #tpu.memory_space<vmem>> -> memref<1x128x128xf32, #tpu.memory_space<vmem>>
      %dma_wait3A_76 = tpu.memref_squeeze %dma_wait3A_75 : memref<1x128x128xf32, #tpu.memory_space<vmem>> -> memref<128x128xf32, #tpu.memory_space<vmem>>
      %dma_wait3A_77 = arith.constant 0 : i32
      %dma_wait3A_78 = tpu.memref_slice %arg11[%add3A_31, %dma_wait3A_77] : memref<10000x128xf32, #tpu.memory_space<vmem_shared>> -> memref<128x128xf32, #tpu.memory_space<vmem_shared>>
      tpu.wait_dma2 semaphore(%run_scoped3A_56 : memref<!tpu.dma_semaphore, #tpu.memory_space<semaphore_mem>>) src(%dma_wait3A_78 : memref<128x128xf32, #tpu.memory_space<vmem_shared>>) dst(%dma_wait3A_76 : memref<128x128xf32, #tpu.memory_space<vmem>>)
      tpu.yield
    }) : () -> ()
    %run_scoped3A_33 = arith.constant 0 : i32
    "tpu.region"() ({
      %run_scoped3A_56 = tpu.sem_alloc : memref<!tpu.dma_semaphore, #tpu.memory_space<semaphore_mem>>
      %dma_start3A = arith.constant 0 : i32
      %dma_start3A_57 = arith.constant 0 : i32
      %dma_start3A_58 = tpu.memref_slice %arg9[%run_scoped3A_33, %dma_start3A, %dma_start3A_57] : memref<2x128x128xf32, #tpu.memory_space<vmem>> -> memref<1x128x128xf32, #tpu.memory_space<vmem>>
      %dma_start3A_59 = tpu.memref_squeeze %dma_start3A_58 : memref<1x128x128xf32, #tpu.memory_space<vmem>> -> memref<128x128xf32, #tpu.memory_space<vmem>>
      %dma_start3A_60 = arith.constant 0 : i32
      %dma_start3A_61 = tpu.memref_slice %arg6[%arg0, %add3A_31, %dma_start3A_60] : memref<2x10000x128xf32, #tpu.memory_space<hbm>> -> memref<1x128x128xf32, #tpu.memory_space<hbm>>
      %dma_start3A_62 = tpu.memref_squeeze %dma_start3A_61 : memref<1x128x128xf32, #tpu.memory_space<hbm>> -> memref<128x128xf32, #tpu.memory_space<hbm>>
      %dma_start3A_63 = arith.constant 0 : i32
      %dma_start3A_64 = tpu.memref_slice %arg6[%arg0, %add3A_31, %dma_start3A_63] : memref<2x10000x128xf32, #tpu.memory_space<hbm>> -> memref<1x128x128xf32, #tpu.memory_space<hbm>>
      %dma_start3A_65 = tpu.memref_squeeze %dma_start3A_64 : memref<1x128x128xf32, #tpu.memory_space<hbm>> -> memref<128x128xf32, #tpu.memory_space<hbm>>
      %dma_start3A_66 = arith.constant 0 : i32
      %dma_start3A_67 = arith.constant 0 : i32
      %dma_start3A_68 = tpu.memref_slice %arg9[%run_scoped3A_33, %dma_start3A_66, %dma_start3A_67] : memref<2x128x128xf32, #tpu.memory_space<vmem>> -> memref<1x128x128xf32, #tpu.memory_space<vmem>>
      %dma_start3A_69 = tpu.memref_squeeze %dma_start3A_68 : memref<1x128x128xf32, #tpu.memory_space<vmem>> -> memref<128x128xf32, #tpu.memory_space<vmem>>
      tpu.enqueue_dma source(%dma_start3A_69 : memref<128x128xf32, #tpu.memory_space<vmem>>) target(%dma_start3A_65 : memref<128x128xf32, #tpu.memory_space<hbm>>) target_semaphore(%run_scoped3A_56 : memref<!tpu.dma_semaphore, #tpu.memory_space<semaphore_mem>>)
      %dma_wait3A = arith.constant 0 : i32
      %dma_wait3A_70 = arith.constant 0 : i32
      %dma_wait3A_71 = tpu.memref_slice %arg9[%run_scoped3A_33, %dma_wait3A, %dma_wait3A_70] : memref<2x128x128xf32, #tpu.memory_space<vmem>> -> memref<1x128x128xf32, #tpu.memory_space<vmem>>
      %dma_wait3A_72 = tpu.memref_squeeze %dma_wait3A_71 : memref<1x128x128xf32, #tpu.memory_space<vmem>> -> memref<128x128xf32, #tpu.memory_space<vmem>>
      %dma_wait3A_73 = arith.constant 0 : i32
      %dma_wait3A_74 = tpu.memref_slice %arg6[%arg0, %add3A_31, %dma_wait3A_73] : memref<2x10000x128xf32, #tpu.memory_space<hbm>> -> memref<1x128x128xf32, #tpu.memory_space<hbm>>
      %dma_wait3A_75 = tpu.memref_squeeze %dma_wait3A_74 : memref<1x128x128xf32, #tpu.memory_space<hbm>> -> memref<128x128xf32, #tpu.memory_space<hbm>>
      %dma_wait3A_76 = arith.constant 0 : i32
      %dma_wait3A_77 = tpu.memref_slice %arg6[%arg0, %add3A_31, %dma_wait3A_76] : memref<2x10000x128xf32, #tpu.memory_space<hbm>> -> memref<1x128x128xf32, #tpu.memory_space<hbm>>
      %dma_wait3A_78 = tpu.memref_squeeze %dma_wait3A_77 : memref<1x128x128xf32, #tpu.memory_space<hbm>> -> memref<128x128xf32, #tpu.memory_space<hbm>>
      %dma_wait3A_79 = arith.constant 0 : i32
      %dma_wait3A_80 = arith.constant 0 : i32
      %dma_wait3A_81 = tpu.memref_slice %arg9[%run_scoped3A_33, %dma_wait3A_79, %dma_wait3A_80] : memref<2x128x128xf32, #tpu.memory_space<vmem>> -> memref<1x128x128xf32, #tpu.memory_space<vmem>>
      %dma_wait3A_82 = tpu.memref_squeeze %dma_wait3A_81 : memref<1x128x128xf32, #tpu.memory_space<vmem>> -> memref<128x128xf32, #tpu.memory_space<vmem>>
      tpu.wait_dma2 semaphore(%run_scoped3A_56 : memref<!tpu.dma_semaphore, #tpu.memory_space<semaphore_mem>>) src(%dma_wait3A_82 : memref<128x128xf32, #tpu.memory_space<vmem>>) dst(%dma_wait3A_78 : memref<128x128xf32, #tpu.memory_space<hbm>>)
      tpu.yield
    }) : () -> ()
    %add3A_34 = arith.constant 128 : i32
    %add3A_35 = arith.addi %mul3A_2, %add3A_34 : i32
    %run_scoped3A_36 = arith.constant 0 : i32
    "tpu.region"() ({
      %run_scoped3A_56 = tpu.sem_alloc : memref<!tpu.dma_semaphore, #tpu.memory_space<semaphore_mem>>
      %dma_start3A = arith.constant 0 : i32
      %dma_start3A_57 = arith.constant 0 : i32
      %dma_start3A_58 = tpu.memref_slice %arg9[%run_scoped3A_36, %dma_start3A, %dma_start3A_57] : memref<2x128x128xf32, #tpu.memory_space<vmem>> -> memref<1x128x128xf32, #tpu.memory_space<vmem>>
      %dma_start3A_59 = tpu.memref_squeeze %dma_start3A_58 : memref<1x128x128xf32, #tpu.memory_space<vmem>> -> memref<128x128xf32, #tpu.memory_space<vmem>>
      %dma_start3A_60 = arith.constant 0 : i32
      %dma_start3A_61 = tpu.memref_slice %arg11[%add3A_35, %dma_start3A_60] : memref<10000x128xf32, #tpu.memory_space<vmem_shared>> -> memref<128x128xf32, #tpu.memory_space<vmem_shared>>
      %dma_start3A_62 = arith.constant 0 : i32
      %dma_start3A_63 = arith.constant 0 : i32
      %dma_start3A_64 = tpu.memref_slice %arg9[%run_scoped3A_36, %dma_start3A_62, %dma_start3A_63] : memref<2x128x128xf32, #tpu.memory_space<vmem>> -> memref<1x128x128xf32, #tpu.memory_space<vmem>>
      %dma_start3A_65 = tpu.memref_squeeze %dma_start3A_64 : memref<1x128x128xf32, #tpu.memory_space<vmem>> -> memref<128x128xf32, #tpu.memory_space<vmem>>
      %dma_start3A_66 = arith.constant 0 : i32
      %dma_start3A_67 = tpu.memref_slice %arg11[%add3A_35, %dma_start3A_66] : memref<10000x128xf32, #tpu.memory_space<vmem_shared>> -> memref<128x128xf32, #tpu.memory_space<vmem_shared>>
      tpu.enqueue_dma source(%dma_start3A_67 : memref<128x128xf32, #tpu.memory_space<vmem_shared>>) target(%dma_start3A_65 : memref<128x128xf32, #tpu.memory_space<vmem>>) target_semaphore(%run_scoped3A_56 : memref<!tpu.dma_semaphore, #tpu.memory_space<semaphore_mem>>)
      %dma_wait3A = arith.constant 0 : i32
      %dma_wait3A_68 = arith.constant 0 : i32
      %dma_wait3A_69 = tpu.memref_slice %arg9[%run_scoped3A_36, %dma_wait3A, %dma_wait3A_68] : memref<2x128x128xf32, #tpu.memory_space<vmem>> -> memref<1x128x128xf32, #tpu.memory_space<vmem>>
      %dma_wait3A_70 = tpu.memref_squeeze %dma_wait3A_69 : memref<1x128x128xf32, #tpu.memory_space<vmem>> -> memref<128x128xf32, #tpu.memory_space<vmem>>
      %dma_wait3A_71 = arith.constant 0 : i32
      %dma_wait3A_72 = tpu.memref_slice %arg11[%add3A_35, %dma_wait3A_71] : memref<10000x128xf32, #tpu.memory_space<vmem_shared>> -> memref<128x128xf32, #tpu.memory_space<vmem_shared>>
      %dma_wait3A_73 = arith.constant 0 : i32
      %dma_wait3A_74 = arith.constant 0 : i32
      %dma_wait3A_75 = tpu.memref_slice %arg9[%run_scoped3A_36, %dma_wait3A_73, %dma_wait3A_74] : memref<2x128x128xf32, #tpu.memory_space<vmem>> -> memref<1x128x128xf32, #tpu.memory_space<vmem>>
      %dma_wait3A_76 = tpu.memref_squeeze %dma_wait3A_75 : memref<1x128x128xf32, #tpu.memory_space<vmem>> -> memref<128x128xf32, #tpu.memory_space<vmem>>
      %dma_wait3A_77 = arith.constant 0 : i32
      %dma_wait3A_78 = tpu.memref_slice %arg11[%add3A_35, %dma_wait3A_77] : memref<10000x128xf32, #tpu.memory_space<vmem_shared>> -> memref<128x128xf32, #tpu.memory_space<vmem_shared>>
      tpu.wait_dma2 semaphore(%run_scoped3A_56 : memref<!tpu.dma_semaphore, #tpu.memory_space<semaphore_mem>>) src(%dma_wait3A_78 : memref<128x128xf32, #tpu.memory_space<vmem_shared>>) dst(%dma_wait3A_76 : memref<128x128xf32, #tpu.memory_space<vmem>>)
      tpu.yield
    }) : () -> ()
    %run_scoped3A_37 = arith.constant 0 : i32
    "tpu.region"() ({
      %run_scoped3A_56 = tpu.sem_alloc : memref<!tpu.dma_semaphore, #tpu.memory_space<semaphore_mem>>
      %dma_start3A = arith.constant 0 : i32
      %dma_start3A_57 = arith.constant 0 : i32
      %dma_start3A_58 = tpu.memref_slice %arg9[%run_scoped3A_37, %dma_start3A, %dma_start3A_57] : memref<2x128x128xf32, #tpu.memory_space<vmem>> -> memref<1x128x128xf32, #tpu.memory_space<vmem>>
      %dma_start3A_59 = tpu.memref_squeeze %dma_start3A_58 : memref<1x128x128xf32, #tpu.memory_space<vmem>> -> memref<128x128xf32, #tpu.memory_space<vmem>>
      %dma_start3A_60 = arith.constant 0 : i32
      %dma_start3A_61 = tpu.memref_slice %arg6[%arg0, %add3A_35, %dma_start3A_60] : memref<2x10000x128xf32, #tpu.memory_space<hbm>> -> memref<1x128x128xf32, #tpu.memory_space<hbm>>
      %dma_start3A_62 = tpu.memref_squeeze %dma_start3A_61 : memref<1x128x128xf32, #tpu.memory_space<hbm>> -> memref<128x128xf32, #tpu.memory_space<hbm>>
      %dma_start3A_63 = arith.constant 0 : i32
      %dma_start3A_64 = tpu.memref_slice %arg6[%arg0, %add3A_35, %dma_start3A_63] : memref<2x10000x128xf32, #tpu.memory_space<hbm>> -> memref<1x128x128xf32, #tpu.memory_space<hbm>>
      %dma_start3A_65 = tpu.memref_squeeze %dma_start3A_64 : memref<1x128x128xf32, #tpu.memory_space<hbm>> -> memref<128x128xf32, #tpu.memory_space<hbm>>
      %dma_start3A_66 = arith.constant 0 : i32
      %dma_start3A_67 = arith.constant 0 : i32
      %dma_start3A_68 = tpu.memref_slice %arg9[%run_scoped3A_37, %dma_start3A_66, %dma_start3A_67] : memref<2x128x128xf32, #tpu.memory_space<vmem>> -> memref<1x128x128xf32, #tpu.memory_space<vmem>>
      %dma_start3A_69 = tpu.memref_squeeze %dma_start3A_68 : memref<1x128x128xf32, #tpu.memory_space<vmem>> -> memref<128x128xf32, #tpu.memory_space<vmem>>
      tpu.enqueue_dma source(%dma_start3A_69 : memref<128x128xf32, #tpu.memory_space<vmem>>) target(%dma_start3A_65 : memref<128x128xf32, #tpu.memory_space<hbm>>) target_semaphore(%run_scoped3A_56 : memref<!tpu.dma_semaphore, #tpu.memory_space<semaphore_mem>>)
      %dma_wait3A = arith.constant 0 : i32
      %dma_wait3A_70 = arith.constant 0 : i32
      %dma_wait3A_71 = tpu.memref_slice %arg9[%run_scoped3A_37, %dma_wait3A, %dma_wait3A_70] : memref<2x128x128xf32, #tpu.memory_space<vmem>> -> memref<1x128x128xf32, #tpu.memory_space<vmem>>
      %dma_wait3A_72 = tpu.memref_squeeze %dma_wait3A_71 : memref<1x128x128xf32, #tpu.memory_space<vmem>> -> memref<128x128xf32, #tpu.memory_space<vmem>>
      %dma_wait3A_73 = arith.constant 0 : i32
      %dma_wait3A_74 = tpu.memref_slice %arg6[%arg0, %add3A_35, %dma_wait3A_73] : memref<2x10000x128xf32, #tpu.memory_space<hbm>> -> memref<1x128x128xf32, #tpu.memory_space<hbm>>
      %dma_wait3A_75 = tpu.memref_squeeze %dma_wait3A_74 : memref<1x128x128xf32, #tpu.memory_space<hbm>> -> memref<128x128xf32, #tpu.memory_space<hbm>>
      %dma_wait3A_76 = arith.constant 0 : i32
      %dma_wait3A_77 = tpu.memref_slice %arg6[%arg0, %add3A_35, %dma_wait3A_76] : memref<2x10000x128xf32, #tpu.memory_space<hbm>> -> memref<1x128x128xf32, #tpu.memory_space<hbm>>
      %dma_wait3A_78 = tpu.memref_squeeze %dma_wait3A_77 : memref<1x128x128xf32, #tpu.memory_space<hbm>> -> memref<128x128xf32, #tpu.memory_space<hbm>>
      %dma_wait3A_79 = arith.constant 0 : i32
      %dma_wait3A_80 = arith.constant 0 : i32
      %dma_wait3A_81 = tpu.memref_slice %arg9[%run_scoped3A_37, %dma_wait3A_79, %dma_wait3A_80] : memref<2x128x128xf32, #tpu.memory_space<vmem>> -> memref<1x128x128xf32, #tpu.memory_space<vmem>>
      %dma_wait3A_82 = tpu.memref_squeeze %dma_wait3A_81 : memref<1x128x128xf32, #tpu.memory_space<vmem>> -> memref<128x128xf32, #tpu.memory_space<vmem>>
      tpu.wait_dma2 semaphore(%run_scoped3A_56 : memref<!tpu.dma_semaphore, #tpu.memory_space<semaphore_mem>>) src(%dma_wait3A_82 : memref<128x128xf32, #tpu.memory_space<vmem>>) dst(%dma_wait3A_78 : memref<128x128xf32, #tpu.memory_space<hbm>>)
      tpu.yield
    }) : () -> ()
    %add3A_38 = arith.constant 256 : i32
    %add3A_39 = arith.addi %mul3A_2, %add3A_38 : i32
    %run_scoped3A_40 = arith.constant 0 : i32
    "tpu.region"() ({
      %run_scoped3A_56 = tpu.sem_alloc : memref<!tpu.dma_semaphore, #tpu.memory_space<semaphore_mem>>
      %dma_start3A = arith.constant 0 : i32
      %dma_start3A_57 = arith.constant 0 : i32
      %dma_start3A_58 = tpu.memref_slice %arg9[%run_scoped3A_40, %dma_start3A, %dma_start3A_57] : memref<2x128x128xf32, #tpu.memory_space<vmem>> -> memref<1x128x128xf32, #tpu.memory_space<vmem>>
      %dma_start3A_59 = tpu.memref_squeeze %dma_start3A_58 : memref<1x128x128xf32, #tpu.memory_space<vmem>> -> memref<128x128xf32, #tpu.memory_space<vmem>>
      %dma_start3A_60 = arith.constant 0 : i32
      %dma_start3A_61 = tpu.memref_slice %arg11[%add3A_39, %dma_start3A_60] : memref<10000x128xf32, #tpu.memory_space<vmem_shared>> -> memref<128x128xf32, #tpu.memory_space<vmem_shared>>
      %dma_start3A_62 = arith.constant 0 : i32
      %dma_start3A_63 = arith.constant 0 : i32
      %dma_start3A_64 = tpu.memref_slice %arg9[%run_scoped3A_40, %dma_start3A_62, %dma_start3A_63] : memref<2x128x128xf32, #tpu.memory_space<vmem>> -> memref<1x128x128xf32, #tpu.memory_space<vmem>>
      %dma_start3A_65 = tpu.memref_squeeze %dma_start3A_64 : memref<1x128x128xf32, #tpu.memory_space<vmem>> -> memref<128x128xf32, #tpu.memory_space<vmem>>
      %dma_start3A_66 = arith.constant 0 : i32
      %dma_start3A_67 = tpu.memref_slice %arg11[%add3A_39, %dma_start3A_66] : memref<10000x128xf32, #tpu.memory_space<vmem_shared>> -> memref<128x128xf32, #tpu.memory_space<vmem_shared>>
      tpu.enqueue_dma source(%dma_start3A_67 : memref<128x128xf32, #tpu.memory_space<vmem_shared>>) target(%dma_start3A_65 : memref<128x128xf32, #tpu.memory_space<vmem>>) target_semaphore(%run_scoped3A_56 : memref<!tpu.dma_semaphore, #tpu.memory_space<semaphore_mem>>)
      %dma_wait3A = arith.constant 0 : i32
      %dma_wait3A_68 = arith.constant 0 : i32
      %dma_wait3A_69 = tpu.memref_slice %arg9[%run_scoped3A_40, %dma_wait3A, %dma_wait3A_68] : memref<2x128x128xf32, #tpu.memory_space<vmem>> -> memref<1x128x128xf32, #tpu.memory_space<vmem>>
      %dma_wait3A_70 = tpu.memref_squeeze %dma_wait3A_69 : memref<1x128x128xf32, #tpu.memory_space<vmem>> -> memref<128x128xf32, #tpu.memory_space<vmem>>
      %dma_wait3A_71 = arith.constant 0 : i32
      %dma_wait3A_72 = tpu.memref_slice %arg11[%add3A_39, %dma_wait3A_71] : memref<10000x128xf32, #tpu.memory_space<vmem_shared>> -> memref<128x128xf32, #tpu.memory_space<vmem_shared>>
      %dma_wait3A_73 = arith.constant 0 : i32
      %dma_wait3A_74 = arith.constant 0 : i32
      %dma_wait3A_75 = tpu.memref_slice %arg9[%run_scoped3A_40, %dma_wait3A_73, %dma_wait3A_74] : memref<2x128x128xf32, #tpu.memory_space<vmem>> -> memref<1x128x128xf32, #tpu.memory_space<vmem>>
      %dma_wait3A_76 = tpu.memref_squeeze %dma_wait3A_75 : memref<1x128x128xf32, #tpu.memory_space<vmem>> -> memref<128x128xf32, #tpu.memory_space<vmem>>
      %dma_wait3A_77 = arith.constant 0 : i32
      %dma_wait3A_78 = tpu.memref_slice %arg11[%add3A_39, %dma_wait3A_77] : memref<10000x128xf32, #tpu.memory_space<vmem_shared>> -> memref<128x128xf32, #tpu.memory_space<vmem_shared>>
      tpu.wait_dma2 semaphore(%run_scoped3A_56 : memref<!tpu.dma_semaphore, #tpu.memory_space<semaphore_mem>>) src(%dma_wait3A_78 : memref<128x128xf32, #tpu.memory_space<vmem_shared>>) dst(%dma_wait3A_76 : memref<128x128xf32, #tpu.memory_space<vmem>>)
      tpu.yield
    }) : () -> ()
    %run_scoped3A_41 = arith.constant 0 : i32
    "tpu.region"() ({
      %run_scoped3A_56 = tpu.sem_alloc : memref<!tpu.dma_semaphore, #tpu.memory_space<semaphore_mem>>
      %dma_start3A = arith.constant 0 : i32
      %dma_start3A_57 = arith.constant 0 : i32
      %dma_start3A_58 = tpu.memref_slice %arg9[%run_scoped3A_41, %dma_start3A, %dma_start3A_57] : memref<2x128x128xf32, #tpu.memory_space<vmem>> -> memref<1x128x128xf32, #tpu.memory_space<vmem>>
      %dma_start3A_59 = tpu.memref_squeeze %dma_start3A_58 : memref<1x128x128xf32, #tpu.memory_space<vmem>> -> memref<128x128xf32, #tpu.memory_space<vmem>>
      %dma_start3A_60 = arith.constant 0 : i32
      %dma_start3A_61 = tpu.memref_slice %arg6[%arg0, %add3A_39, %dma_start3A_60] : memref<2x10000x128xf32, #tpu.memory_space<hbm>> -> memref<1x128x128xf32, #tpu.memory_space<hbm>>
      %dma_start3A_62 = tpu.memref_squeeze %dma_start3A_61 : memref<1x128x128xf32, #tpu.memory_space<hbm>> -> memref<128x128xf32, #tpu.memory_space<hbm>>
      %dma_start3A_63 = arith.constant 0 : i32
      %dma_start3A_64 = tpu.memref_slice %arg6[%arg0, %add3A_39, %dma_start3A_63] : memref<2x10000x128xf32, #tpu.memory_space<hbm>> -> memref<1x128x128xf32, #tpu.memory_space<hbm>>
      %dma_start3A_65 = tpu.memref_squeeze %dma_start3A_64 : memref<1x128x128xf32, #tpu.memory_space<hbm>> -> memref<128x128xf32, #tpu.memory_space<hbm>>
      %dma_start3A_66 = arith.constant 0 : i32
      %dma_start3A_67 = arith.constant 0 : i32
      %dma_start3A_68 = tpu.memref_slice %arg9[%run_scoped3A_41, %dma_start3A_66, %dma_start3A_67] : memref<2x128x128xf32, #tpu.memory_space<vmem>> -> memref<1x128x128xf32, #tpu.memory_space<vmem>>
      %dma_start3A_69 = tpu.memref_squeeze %dma_start3A_68 : memref<1x128x128xf32, #tpu.memory_space<vmem>> -> memref<128x128xf32, #tpu.memory_space<vmem>>
      tpu.enqueue_dma source(%dma_start3A_69 : memref<128x128xf32, #tpu.memory_space<vmem>>) target(%dma_start3A_65 : memref<128x128xf32, #tpu.memory_space<hbm>>) target_semaphore(%run_scoped3A_56 : memref<!tpu.dma_semaphore, #tpu.memory_space<semaphore_mem>>)
      %dma_wait3A = arith.constant 0 : i32
      %dma_wait3A_70 = arith.constant 0 : i32
      %dma_wait3A_71 = tpu.memref_slice %arg9[%run_scoped3A_41, %dma_wait3A, %dma_wait3A_70] : memref<2x128x128xf32, #tpu.memory_space<vmem>> -> memref<1x128x128xf32, #tpu.memory_space<vmem>>
      %dma_wait3A_72 = tpu.memref_squeeze %dma_wait3A_71 : memref<1x128x128xf32, #tpu.memory_space<vmem>> -> memref<128x128xf32, #tpu.memory_space<vmem>>
      %dma_wait3A_73 = arith.constant 0 : i32
      %dma_wait3A_74 = tpu.memref_slice %arg6[%arg0, %add3A_39, %dma_wait3A_73] : memref<2x10000x128xf32, #tpu.memory_space<hbm>> -> memref<1x128x128xf32, #tpu.memory_space<hbm>>
      %dma_wait3A_75 = tpu.memref_squeeze %dma_wait3A_74 : memref<1x128x128xf32, #tpu.memory_space<hbm>> -> memref<128x128xf32, #tpu.memory_space<hbm>>
      %dma_wait3A_76 = arith.constant 0 : i32
      %dma_wait3A_77 = tpu.memref_slice %arg6[%arg0, %add3A_39, %dma_wait3A_76] : memref<2x10000x128xf32, #tpu.memory_space<hbm>> -> memref<1x128x128xf32, #tpu.memory_space<hbm>>
      %dma_wait3A_78 = tpu.memref_squeeze %dma_wait3A_77 : memref<1x128x128xf32, #tpu.memory_space<hbm>> -> memref<128x128xf32, #tpu.memory_space<hbm>>
      %dma_wait3A_79 = arith.constant 0 : i32
      %dma_wait3A_80 = arith.constant 0 : i32
      %dma_wait3A_81 = tpu.memref_slice %arg9[%run_scoped3A_41, %dma_wait3A_79, %dma_wait3A_80] : memref<2x128x128xf32, #tpu.memory_space<vmem>> -> memref<1x128x128xf32, #tpu.memory_space<vmem>>
      %dma_wait3A_82 = tpu.memref_squeeze %dma_wait3A_81 : memref<1x128x128xf32, #tpu.memory_space<vmem>> -> memref<128x128xf32, #tpu.memory_space<vmem>>
      tpu.wait_dma2 semaphore(%run_scoped3A_56 : memref<!tpu.dma_semaphore, #tpu.memory_space<semaphore_mem>>) src(%dma_wait3A_82 : memref<128x128xf32, #tpu.memory_space<vmem>>) dst(%dma_wait3A_78 : memref<128x128xf32, #tpu.memory_space<hbm>>)
      tpu.yield
    }) : () -> ()
    %add3A_42 = arith.constant 384 : i32
    %add3A_43 = arith.addi %mul3A_2, %add3A_42 : i32
    %run_scoped3A_44 = arith.constant 0 : i32
    "tpu.region"() ({
      %run_scoped3A_56 = tpu.sem_alloc : memref<!tpu.dma_semaphore, #tpu.memory_space<semaphore_mem>>
      %dma_start3A = arith.constant 0 : i32
      %dma_start3A_57 = arith.constant 0 : i32
      %dma_start3A_58 = tpu.memref_slice %arg9[%run_scoped3A_44, %dma_start3A, %dma_start3A_57] : memref<2x128x128xf32, #tpu.memory_space<vmem>> -> memref<1x128x128xf32, #tpu.memory_space<vmem>>
      %dma_start3A_59 = tpu.memref_squeeze %dma_start3A_58 : memref<1x128x128xf32, #tpu.memory_space<vmem>> -> memref<128x128xf32, #tpu.memory_space<vmem>>
      %dma_start3A_60 = arith.constant 0 : i32
      %dma_start3A_61 = tpu.memref_slice %arg11[%add3A_43, %dma_start3A_60] : memref<10000x128xf32, #tpu.memory_space<vmem_shared>> -> memref<128x128xf32, #tpu.memory_space<vmem_shared>>
      %dma_start3A_62 = arith.constant 0 : i32
      %dma_start3A_63 = arith.constant 0 : i32
      %dma_start3A_64 = tpu.memref_slice %arg9[%run_scoped3A_44, %dma_start3A_62, %dma_start3A_63] : memref<2x128x128xf32, #tpu.memory_space<vmem>> -> memref<1x128x128xf32, #tpu.memory_space<vmem>>
      %dma_start3A_65 = tpu.memref_squeeze %dma_start3A_64 : memref<1x128x128xf32, #tpu.memory_space<vmem>> -> memref<128x128xf32, #tpu.memory_space<vmem>>
      %dma_start3A_66 = arith.constant 0 : i32
      %dma_start3A_67 = tpu.memref_slice %arg11[%add3A_43, %dma_start3A_66] : memref<10000x128xf32, #tpu.memory_space<vmem_shared>> -> memref<128x128xf32, #tpu.memory_space<vmem_shared>>
      tpu.enqueue_dma source(%dma_start3A_67 : memref<128x128xf32, #tpu.memory_space<vmem_shared>>) target(%dma_start3A_65 : memref<128x128xf32, #tpu.memory_space<vmem>>) target_semaphore(%run_scoped3A_56 : memref<!tpu.dma_semaphore, #tpu.memory_space<semaphore_mem>>)
      %dma_wait3A = arith.constant 0 : i32
      %dma_wait3A_68 = arith.constant 0 : i32
      %dma_wait3A_69 = tpu.memref_slice %arg9[%run_scoped3A_44, %dma_wait3A, %dma_wait3A_68] : memref<2x128x128xf32, #tpu.memory_space<vmem>> -> memref<1x128x128xf32, #tpu.memory_space<vmem>>
      %dma_wait3A_70 = tpu.memref_squeeze %dma_wait3A_69 : memref<1x128x128xf32, #tpu.memory_space<vmem>> -> memref<128x128xf32, #tpu.memory_space<vmem>>
      %dma_wait3A_71 = arith.constant 0 : i32
      %dma_wait3A_72 = tpu.memref_slice %arg11[%add3A_43, %dma_wait3A_71] : memref<10000x128xf32, #tpu.memory_space<vmem_shared>> -> memref<128x128xf32, #tpu.memory_space<vmem_shared>>
      %dma_wait3A_73 = arith.constant 0 : i32
      %dma_wait3A_74 = arith.constant 0 : i32
      %dma_wait3A_75 = tpu.memref_slice %arg9[%run_scoped3A_44, %dma_wait3A_73, %dma_wait3A_74] : memref<2x128x128xf32, #tpu.memory_space<vmem>> -> memref<1x128x128xf32, #tpu.memory_space<vmem>>
      %dma_wait3A_76 = tpu.memref_squeeze %dma_wait3A_75 : memref<1x128x128xf32, #tpu.memory_space<vmem>> -> memref<128x128xf32, #tpu.memory_space<vmem>>
      %dma_wait3A_77 = arith.constant 0 : i32
      %dma_wait3A_78 = tpu.memref_slice %arg11[%add3A_43, %dma_wait3A_77] : memref<10000x128xf32, #tpu.memory_space<vmem_shared>> -> memref<128x128xf32, #tpu.memory_space<vmem_shared>>
      tpu.wait_dma2 semaphore(%run_scoped3A_56 : memref<!tpu.dma_semaphore, #tpu.memory_space<semaphore_mem>>) src(%dma_wait3A_78 : memref<128x128xf32, #tpu.memory_space<vmem_shared>>) dst(%dma_wait3A_76 : memref<128x128xf32, #tpu.memory_space<vmem>>)
      tpu.yield
    }) : () -> ()
    %run_scoped3A_45 = arith.constant 0 : i32
    "tpu.region"() ({
      %run_scoped3A_56 = tpu.sem_alloc : memref<!tpu.dma_semaphore, #tpu.memory_space<semaphore_mem>>
      %dma_start3A = arith.constant 0 : i32
      %dma_start3A_57 = arith.constant 0 : i32
      %dma_start3A_58 = tpu.memref_slice %arg9[%run_scoped3A_45, %dma_start3A, %dma_start3A_57] : memref<2x128x128xf32, #tpu.memory_space<vmem>> -> memref<1x128x128xf32, #tpu.memory_space<vmem>>
      %dma_start3A_59 = tpu.memref_squeeze %dma_start3A_58 : memref<1x128x128xf32, #tpu.memory_space<vmem>> -> memref<128x128xf32, #tpu.memory_space<vmem>>
      %dma_start3A_60 = arith.constant 0 : i32
      %dma_start3A_61 = tpu.memref_slice %arg6[%arg0, %add3A_43, %dma_start3A_60] : memref<2x10000x128xf32, #tpu.memory_space<hbm>> -> memref<1x128x128xf32, #tpu.memory_space<hbm>>
      %dma_start3A_62 = tpu.memref_squeeze %dma_start3A_61 : memref<1x128x128xf32, #tpu.memory_space<hbm>> -> memref<128x128xf32, #tpu.memory_space<hbm>>
      %dma_start3A_63 = arith.constant 0 : i32
      %dma_start3A_64 = tpu.memref_slice %arg6[%arg0, %add3A_43, %dma_start3A_63] : memref<2x10000x128xf32, #tpu.memory_space<hbm>> -> memref<1x128x128xf32, #tpu.memory_space<hbm>>
      %dma_start3A_65 = tpu.memref_squeeze %dma_start3A_64 : memref<1x128x128xf32, #tpu.memory_space<hbm>> -> memref<128x128xf32, #tpu.memory_space<hbm>>
      %dma_start3A_66 = arith.constant 0 : i32
      %dma_start3A_67 = arith.constant 0 : i32
      %dma_start3A_68 = tpu.memref_slice %arg9[%run_scoped3A_45, %dma_start3A_66, %dma_start3A_67] : memref<2x128x128xf32, #tpu.memory_space<vmem>> -> memref<1x128x128xf32, #tpu.memory_space<vmem>>
      %dma_start3A_69 = tpu.memref_squeeze %dma_start3A_68 : memref<1x128x128xf32, #tpu.memory_space<vmem>> -> memref<128x128xf32, #tpu.memory_space<vmem>>
      tpu.enqueue_dma source(%dma_start3A_69 : memref<128x128xf32, #tpu.memory_space<vmem>>) target(%dma_start3A_65 : memref<128x128xf32, #tpu.memory_space<hbm>>) target_semaphore(%run_scoped3A_56 : memref<!tpu.dma_semaphore, #tpu.memory_space<semaphore_mem>>)
      %dma_wait3A = arith.constant 0 : i32
      %dma_wait3A_70 = arith.constant 0 : i32
      %dma_wait3A_71 = tpu.memref_slice %arg9[%run_scoped3A_45, %dma_wait3A, %dma_wait3A_70] : memref<2x128x128xf32, #tpu.memory_space<vmem>> -> memref<1x128x128xf32, #tpu.memory_space<vmem>>
      %dma_wait3A_72 = tpu.memref_squeeze %dma_wait3A_71 : memref<1x128x128xf32, #tpu.memory_space<vmem>> -> memref<128x128xf32, #tpu.memory_space<vmem>>
      %dma_wait3A_73 = arith.constant 0 : i32
      %dma_wait3A_74 = tpu.memref_slice %arg6[%arg0, %add3A_43, %dma_wait3A_73] : memref<2x10000x128xf32, #tpu.memory_space<hbm>> -> memref<1x128x128xf32, #tpu.memory_space<hbm>>
      %dma_wait3A_75 = tpu.memref_squeeze %dma_wait3A_74 : memref<1x128x128xf32, #tpu.memory_space<hbm>> -> memref<128x128xf32, #tpu.memory_space<hbm>>
      %dma_wait3A_76 = arith.constant 0 : i32
      %dma_wait3A_77 = tpu.memref_slice %arg6[%arg0, %add3A_43, %dma_wait3A_76] : memref<2x10000x128xf32, #tpu.memory_space<hbm>> -> memref<1x128x128xf32, #tpu.memory_space<hbm>>
      %dma_wait3A_78 = tpu.memref_squeeze %dma_wait3A_77 : memref<1x128x128xf32, #tpu.memory_space<hbm>> -> memref<128x128xf32, #tpu.memory_space<hbm>>
      %dma_wait3A_79 = arith.constant 0 : i32
      %dma_wait3A_80 = arith.constant 0 : i32
      %dma_wait3A_81 = tpu.memref_slice %arg9[%run_scoped3A_45, %dma_wait3A_79, %dma_wait3A_80] : memref<2x128x128xf32, #tpu.memory_space<vmem>> -> memref<1x128x128xf32, #tpu.memory_space<vmem>>
      %dma_wait3A_82 = tpu.memref_squeeze %dma_wait3A_81 : memref<1x128x128xf32, #tpu.memory_space<vmem>> -> memref<128x128xf32, #tpu.memory_space<vmem>>
      tpu.wait_dma2 semaphore(%run_scoped3A_56 : memref<!tpu.dma_semaphore, #tpu.memory_space<semaphore_mem>>) src(%dma_wait3A_82 : memref<128x128xf32, #tpu.memory_space<vmem>>) dst(%dma_wait3A_78 : memref<128x128xf32, #tpu.memory_space<hbm>>)
      tpu.yield
    }) : () -> ()
    %lt3A_46 = arith.constant 15 : i32
    %lt3A_47 = arith.cmpi slt, %arg1, %lt3A_46 : i32
    %convert_element_type3A_48 = arith.extui %lt3A_47 : i1 to i32
    %cond3A_49 = arith.constant 0 : i32
    %cond3A_50 = arith.cmpi ne, %convert_element_type3A_48, %cond3A_49 : i32
    scf.if %cond3A_50 {
      %add3A_56 = arith.constant 512 : i32
      %add3A_57 = arith.addi %mul3A_2, %add3A_56 : i32
      %run_scoped3A_58 = arith.constant 0 : i32
      "tpu.region"() ({
        %run_scoped3A_60 = tpu.sem_alloc : memref<!tpu.dma_semaphore, #tpu.memory_space<semaphore_mem>>
        %dma_start3A = arith.constant 0 : i32
        %dma_start3A_61 = arith.constant 0 : i32
        %dma_start3A_62 = tpu.memref_slice %arg9[%run_scoped3A_58, %dma_start3A, %dma_start3A_61] : memref<2x128x128xf32, #tpu.memory_space<vmem>> -> memref<1x120x128xf32, #tpu.memory_space<vmem>>
        %dma_start3A_63 = tpu.memref_squeeze %dma_start3A_62 : memref<1x120x128xf32, #tpu.memory_space<vmem>> -> memref<120x128xf32, #tpu.memory_space<vmem>>
        %dma_start3A_64 = arith.constant 0 : i32
        %dma_start3A_65 = tpu.memref_slice %arg11[%add3A_57, %dma_start3A_64] : memref<10000x128xf32, #tpu.memory_space<vmem_shared>> -> memref<120x128xf32, #tpu.memory_space<vmem_shared>>
        %dma_start3A_66 = arith.constant 0 : i32
        %dma_start3A_67 = arith.constant 0 : i32
        %dma_start3A_68 = tpu.memref_slice %arg9[%run_scoped3A_58, %dma_start3A_66, %dma_start3A_67] : memref<2x128x128xf32, #tpu.memory_space<vmem>> -> memref<1x120x128xf32, #tpu.memory_space<vmem>>
        %dma_start3A_69 = tpu.memref_squeeze %dma_start3A_68 : memref<1x120x128xf32, #tpu.memory_space<vmem>> -> memref<120x128xf32, #tpu.memory_space<vmem>>
        %dma_start3A_70 = arith.constant 0 : i32
        %dma_start3A_71 = tpu.memref_slice %arg11[%add3A_57, %dma_start3A_70] : memref<10000x128xf32, #tpu.memory_space<vmem_shared>> -> memref<120x128xf32, #tpu.memory_space<vmem_shared>>
        tpu.enqueue_dma source(%dma_start3A_71 : memref<120x128xf32, #tpu.memory_space<vmem_shared>>) target(%dma_start3A_69 : memref<120x128xf32, #tpu.memory_space<vmem>>) target_semaphore(%run_scoped3A_60 : memref<!tpu.dma_semaphore, #tpu.memory_space<semaphore_mem>>)
        %dma_wait3A = arith.constant 0 : i32
        %dma_wait3A_72 = arith.constant 0 : i32
        %dma_wait3A_73 = tpu.memref_slice %arg9[%run_scoped3A_58, %dma_wait3A, %dma_wait3A_72] : memref<2x128x128xf32, #tpu.memory_space<vmem>> -> memref<1x120x128xf32, #tpu.memory_space<vmem>>
        %dma_wait3A_74 = tpu.memref_squeeze %dma_wait3A_73 : memref<1x120x128xf32, #tpu.memory_space<vmem>> -> memref<120x128xf32, #tpu.memory_space<vmem>>
        %dma_wait3A_75 = arith.constant 0 : i32
        %dma_wait3A_76 = tpu.memref_slice %arg11[%add3A_57, %dma_wait3A_75] : memref<10000x128xf32, #tpu.memory_space<vmem_shared>> -> memref<120x128xf32, #tpu.memory_space<vmem_shared>>
        %dma_wait3A_77 = arith.constant 0 : i32
        %dma_wait3A_78 = arith.constant 0 : i32
        %dma_wait3A_79 = tpu.memref_slice %arg9[%run_scoped3A_58, %dma_wait3A_77, %dma_wait3A_78] : memref<2x128x128xf32, #tpu.memory_space<vmem>> -> memref<1x120x128xf32, #tpu.memory_space<vmem>>
        %dma_wait3A_80 = tpu.memref_squeeze %dma_wait3A_79 : memref<1x120x128xf32, #tpu.memory_space<vmem>> -> memref<120x128xf32, #tpu.memory_space<vmem>>
        %dma_wait3A_81 = arith.constant 0 : i32
        %dma_wait3A_82 = tpu.memref_slice %arg11[%add3A_57, %dma_wait3A_81] : memref<10000x128xf32, #tpu.memory_space<vmem_shared>> -> memref<120x128xf32, #tpu.memory_space<vmem_shared>>
        tpu.wait_dma2 semaphore(%run_scoped3A_60 : memref<!tpu.dma_semaphore, #tpu.memory_space<semaphore_mem>>) src(%dma_wait3A_82 : memref<120x128xf32, #tpu.memory_space<vmem_shared>>) dst(%dma_wait3A_80 : memref<120x128xf32, #tpu.memory_space<vmem>>)
        tpu.yield
      }) : () -> ()
      %run_scoped3A_59 = arith.constant 0 : i32
      "tpu.region"() ({
        %run_scoped3A_60 = tpu.sem_alloc : memref<!tpu.dma_semaphore, #tpu.memory_space<semaphore_mem>>
        %dma_start3A = arith.constant 0 : i32
        %dma_start3A_61 = arith.constant 0 : i32
        %dma_start3A_62 = tpu.memref_slice %arg9[%run_scoped3A_59, %dma_start3A, %dma_start3A_61] : memref<2x128x128xf32, #tpu.memory_space<vmem>> -> memref<1x120x128xf32, #tpu.memory_space<vmem>>
        %dma_start3A_63 = tpu.memref_squeeze %dma_start3A_62 : memref<1x120x128xf32, #tpu.memory_space<vmem>> -> memref<120x128xf32, #tpu.memory_space<vmem>>
        %dma_start3A_64 = arith.constant 0 : i32
        %dma_start3A_65 = tpu.memref_slice %arg6[%arg0, %add3A_57, %dma_start3A_64] : memref<2x10000x128xf32, #tpu.memory_space<hbm>> -> memref<1x120x128xf32, #tpu.memory_space<hbm>>
        %dma_start3A_66 = tpu.memref_squeeze %dma_start3A_65 : memref<1x120x128xf32, #tpu.memory_space<hbm>> -> memref<120x128xf32, #tpu.memory_space<hbm>>
        %dma_start3A_67 = arith.constant 0 : i32
        %dma_start3A_68 = tpu.memref_slice %arg6[%arg0, %add3A_57, %dma_start3A_67] : memref<2x10000x128xf32, #tpu.memory_space<hbm>> -> memref<1x120x128xf32, #tpu.memory_space<hbm>>
        %dma_start3A_69 = tpu.memref_squeeze %dma_start3A_68 : memref<1x120x128xf32, #tpu.memory_space<hbm>> -> memref<120x128xf32, #tpu.memory_space<hbm>>
        %dma_start3A_70 = arith.constant 0 : i32
        %dma_start3A_71 = arith.constant 0 : i32
        %dma_start3A_72 = tpu.memref_slice %arg9[%run_scoped3A_59, %dma_start3A_70, %dma_start3A_71] : memref<2x128x128xf32, #tpu.memory_space<vmem>> -> memref<1x120x128xf32, #tpu.memory_space<vmem>>
        %dma_start3A_73 = tpu.memref_squeeze %dma_start3A_72 : memref<1x120x128xf32, #tpu.memory_space<vmem>> -> memref<120x128xf32, #tpu.memory_space<vmem>>
        tpu.enqueue_dma source(%dma_start3A_73 : memref<120x128xf32, #tpu.memory_space<vmem>>) target(%dma_start3A_69 : memref<120x128xf32, #tpu.memory_space<hbm>>) target_semaphore(%run_scoped3A_60 : memref<!tpu.dma_semaphore, #tpu.memory_space<semaphore_mem>>)
        %dma_wait3A = arith.constant 0 : i32
        %dma_wait3A_74 = arith.constant 0 : i32
        %dma_wait3A_75 = tpu.memref_slice %arg9[%run_scoped3A_59, %dma_wait3A, %dma_wait3A_74] : memref<2x128x128xf32, #tpu.memory_space<vmem>> -> memref<1x120x128xf32, #tpu.memory_space<vmem>>
        %dma_wait3A_76 = tpu.memref_squeeze %dma_wait3A_75 : memref<1x120x128xf32, #tpu.memory_space<vmem>> -> memref<120x128xf32, #tpu.memory_space<vmem>>
        %dma_wait3A_77 = arith.constant 0 : i32
        %dma_wait3A_78 = tpu.memref_slice %arg6[%arg0, %add3A_57, %dma_wait3A_77] : memref<2x10000x128xf32, #tpu.memory_space<hbm>> -> memref<1x120x128xf32, #tpu.memory_space<hbm>>
        %dma_wait3A_79 = tpu.memref_squeeze %dma_wait3A_78 : memref<1x120x128xf32, #tpu.memory_space<hbm>> -> memref<120x128xf32, #tpu.memory_space<hbm>>
        %dma_wait3A_80 = arith.constant 0 : i32
        %dma_wait3A_81 = tpu.memref_slice %arg6[%arg0, %add3A_57, %dma_wait3A_80] : memref<2x10000x128xf32, #tpu.memory_space<hbm>> -> memref<1x120x128xf32, #tpu.memory_space<hbm>>
        %dma_wait3A_82 = tpu.memref_squeeze %dma_wait3A_81 : memref<1x120x128xf32, #tpu.memory_space<hbm>> -> memref<120x128xf32, #tpu.memory_space<hbm>>
        %dma_wait3A_83 = arith.constant 0 : i32
        %dma_wait3A_84 = arith.constant 0 : i32
        %dma_wait3A_85 = tpu.memref_slice %arg9[%run_scoped3A_59, %dma_wait3A_83, %dma_wait3A_84] : memref<2x128x128xf32, #tpu.memory_space<vmem>> -> memref<1x120x128xf32, #tpu.memory_space<vmem>>
        %dma_wait3A_86 = tpu.memref_squeeze %dma_wait3A_85 : memref<1x120x128xf32, #tpu.memory_space<vmem>> -> memref<120x128xf32, #tpu.memory_space<vmem>>
        tpu.wait_dma2 semaphore(%run_scoped3A_60 : memref<!tpu.dma_semaphore, #tpu.memory_space<semaphore_mem>>) src(%dma_wait3A_86 : memref<120x128xf32, #tpu.memory_space<vmem>>) dst(%dma_wait3A_82 : memref<120x128xf32, #tpu.memory_space<hbm>>)
        tpu.yield
      }) : () -> ()
    } else {
    }
    %eq3A_51 = arith.constant 15 : i32
    %eq3A_52 = arith.cmpi eq, %arg1, %eq3A_51 : i32
    %convert_element_type3A_53 = arith.extui %eq3A_52 : i1 to i32
    %cond3A_54 = arith.constant 0 : i32
    %cond3A_55 = arith.cmpi ne, %convert_element_type3A_53, %cond3A_54 : i32
    scf.if %cond3A_55 {
      %add3A_56 = arith.constant 512 : i32
      %add3A_57 = arith.addi %mul3A_2, %add3A_56 : i32
      %run_scoped3A_58 = arith.constant 0 : i32
      "tpu.region"() ({
        %run_scoped3A_60 = tpu.sem_alloc : memref<!tpu.dma_semaphore, #tpu.memory_space<semaphore_mem>>
        %dma_start3A = arith.constant 0 : i32
        %dma_start3A_61 = arith.constant 0 : i32
        %dma_start3A_62 = tpu.memref_slice %arg9[%run_scoped3A_58, %dma_start3A, %dma_start3A_61] : memref<2x128x128xf32, #tpu.memory_space<vmem>> -> memref<1x8x128xf32, #tpu.memory_space<vmem>>
        %dma_start3A_63 = tpu.memref_squeeze %dma_start3A_62 : memref<1x8x128xf32, #tpu.memory_space<vmem>> -> memref<8x128xf32, #tpu.memory_space<vmem>>
        %dma_start3A_64 = arith.constant 0 : i32
        %dma_start3A_65 = tpu.memref_slice %arg11[%add3A_57, %dma_start3A_64] : memref<10000x128xf32, #tpu.memory_space<vmem_shared>> -> memref<8x128xf32, #tpu.memory_space<vmem_shared>>
        %dma_start3A_66 = arith.constant 0 : i32
        %dma_start3A_67 = arith.constant 0 : i32
        %dma_start3A_68 = tpu.memref_slice %arg9[%run_scoped3A_58, %dma_start3A_66, %dma_start3A_67] : memref<2x128x128xf32, #tpu.memory_space<vmem>> -> memref<1x8x128xf32, #tpu.memory_space<vmem>>
        %dma_start3A_69 = tpu.memref_squeeze %dma_start3A_68 : memref<1x8x128xf32, #tpu.memory_space<vmem>> -> memref<8x128xf32, #tpu.memory_space<vmem>>
        %dma_start3A_70 = arith.constant 0 : i32
        %dma_start3A_71 = tpu.memref_slice %arg11[%add3A_57, %dma_start3A_70] : memref<10000x128xf32, #tpu.memory_space<vmem_shared>> -> memref<8x128xf32, #tpu.memory_space<vmem_shared>>
        tpu.enqueue_dma source(%dma_start3A_71 : memref<8x128xf32, #tpu.memory_space<vmem_shared>>) target(%dma_start3A_69 : memref<8x128xf32, #tpu.memory_space<vmem>>) target_semaphore(%run_scoped3A_60 : memref<!tpu.dma_semaphore, #tpu.memory_space<semaphore_mem>>)
        %dma_wait3A = arith.constant 0 : i32
        %dma_wait3A_72 = arith.constant 0 : i32
        %dma_wait3A_73 = tpu.memref_slice %arg9[%run_scoped3A_58, %dma_wait3A, %dma_wait3A_72] : memref<2x128x128xf32, #tpu.memory_space<vmem>> -> memref<1x8x128xf32, #tpu.memory_space<vmem>>
        %dma_wait3A_74 = tpu.memref_squeeze %dma_wait3A_73 : memref<1x8x128xf32, #tpu.memory_space<vmem>> -> memref<8x128xf32, #tpu.memory_space<vmem>>
        %dma_wait3A_75 = arith.constant 0 : i32
        %dma_wait3A_76 = tpu.memref_slice %arg11[%add3A_57, %dma_wait3A_75] : memref<10000x128xf32, #tpu.memory_space<vmem_shared>> -> memref<8x128xf32, #tpu.memory_space<vmem_shared>>
        %dma_wait3A_77 = arith.constant 0 : i32
        %dma_wait3A_78 = arith.constant 0 : i32
        %dma_wait3A_79 = tpu.memref_slice %arg9[%run_scoped3A_58, %dma_wait3A_77, %dma_wait3A_78] : memref<2x128x128xf32, #tpu.memory_space<vmem>> -> memref<1x8x128xf32, #tpu.memory_space<vmem>>
        %dma_wait3A_80 = tpu.memref_squeeze %dma_wait3A_79 : memref<1x8x128xf32, #tpu.memory_space<vmem>> -> memref<8x128xf32, #tpu.memory_space<vmem>>
        %dma_wait3A_81 = arith.constant 0 : i32
        %dma_wait3A_82 = tpu.memref_slice %arg11[%add3A_57, %dma_wait3A_81] : memref<10000x128xf32, #tpu.memory_space<vmem_shared>> -> memref<8x128xf32, #tpu.memory_space<vmem_shared>>
        tpu.wait_dma2 semaphore(%run_scoped3A_60 : memref<!tpu.dma_semaphore, #tpu.memory_space<semaphore_mem>>) src(%dma_wait3A_82 : memref<8x128xf32, #tpu.memory_space<vmem_shared>>) dst(%dma_wait3A_80 : memref<8x128xf32, #tpu.memory_space<vmem>>)
        tpu.yield
      }) : () -> ()
      %run_scoped3A_59 = arith.constant 0 : i32
      "tpu.region"() ({
        %run_scoped3A_60 = tpu.sem_alloc : memref<!tpu.dma_semaphore, #tpu.memory_space<semaphore_mem>>
        %dma_start3A = arith.constant 0 : i32
        %dma_start3A_61 = arith.constant 0 : i32
        %dma_start3A_62 = tpu.memref_slice %arg9[%run_scoped3A_59, %dma_start3A, %dma_start3A_61] : memref<2x128x128xf32, #tpu.memory_space<vmem>> -> memref<1x8x128xf32, #tpu.memory_space<vmem>>
        %dma_start3A_63 = tpu.memref_squeeze %dma_start3A_62 : memref<1x8x128xf32, #tpu.memory_space<vmem>> -> memref<8x128xf32, #tpu.memory_space<vmem>>
        %dma_start3A_64 = arith.constant 0 : i32
        %dma_start3A_65 = tpu.memref_slice %arg6[%arg0, %add3A_57, %dma_start3A_64] : memref<2x10000x128xf32, #tpu.memory_space<hbm>> -> memref<1x8x128xf32, #tpu.memory_space<hbm>>
        %dma_start3A_66 = tpu.memref_squeeze %dma_start3A_65 : memref<1x8x128xf32, #tpu.memory_space<hbm>> -> memref<8x128xf32, #tpu.memory_space<hbm>>
        %dma_start3A_67 = arith.constant 0 : i32
        %dma_start3A_68 = tpu.memref_slice %arg6[%arg0, %add3A_57, %dma_start3A_67] : memref<2x10000x128xf32, #tpu.memory_space<hbm>> -> memref<1x8x128xf32, #tpu.memory_space<hbm>>
        %dma_start3A_69 = tpu.memref_squeeze %dma_start3A_68 : memref<1x8x128xf32, #tpu.memory_space<hbm>> -> memref<8x128xf32, #tpu.memory_space<hbm>>
        %dma_start3A_70 = arith.constant 0 : i32
        %dma_start3A_71 = arith.constant 0 : i32
        %dma_start3A_72 = tpu.memref_slice %arg9[%run_scoped3A_59, %dma_start3A_70, %dma_start3A_71] : memref<2x128x128xf32, #tpu.memory_space<vmem>> -> memref<1x8x128xf32, #tpu.memory_space<vmem>>
        %dma_start3A_73 = tpu.memref_squeeze %dma_start3A_72 : memref<1x8x128xf32, #tpu.memory_space<vmem>> -> memref<8x128xf32, #tpu.memory_space<vmem>>
        tpu.enqueue_dma source(%dma_start3A_73 : memref<8x128xf32, #tpu.memory_space<vmem>>) target(%dma_start3A_69 : memref<8x128xf32, #tpu.memory_space<hbm>>) target_semaphore(%run_scoped3A_60 : memref<!tpu.dma_semaphore, #tpu.memory_space<semaphore_mem>>)
        %dma_wait3A = arith.constant 0 : i32
        %dma_wait3A_74 = arith.constant 0 : i32
        %dma_wait3A_75 = tpu.memref_slice %arg9[%run_scoped3A_59, %dma_wait3A, %dma_wait3A_74] : memref<2x128x128xf32, #tpu.memory_space<vmem>> -> memref<1x8x128xf32, #tpu.memory_space<vmem>>
        %dma_wait3A_76 = tpu.memref_squeeze %dma_wait3A_75 : memref<1x8x128xf32, #tpu.memory_space<vmem>> -> memref<8x128xf32, #tpu.memory_space<vmem>>
        %dma_wait3A_77 = arith.constant 0 : i32
        %dma_wait3A_78 = tpu.memref_slice %arg6[%arg0, %add3A_57, %dma_wait3A_77] : memref<2x10000x128xf32, #tpu.memory_space<hbm>> -> memref<1x8x128xf32, #tpu.memory_space<hbm>>
        %dma_wait3A_79 = tpu.memref_squeeze %dma_wait3A_78 : memref<1x8x128xf32, #tpu.memory_space<hbm>> -> memref<8x128xf32, #tpu.memory_space<hbm>>
        %dma_wait3A_80 = arith.constant 0 : i32
        %dma_wait3A_81 = tpu.memref_slice %arg6[%arg0, %add3A_57, %dma_wait3A_80] : memref<2x10000x128xf32, #tpu.memory_space<hbm>> -> memref<1x8x128xf32, #tpu.memory_space<hbm>>
        %dma_wait3A_82 = tpu.memref_squeeze %dma_wait3A_81 : memref<1x8x128xf32, #tpu.memory_space<hbm>> -> memref<8x128xf32, #tpu.memory_space<hbm>>
        %dma_wait3A_83 = arith.constant 0 : i32
        %dma_wait3A_84 = arith.constant 0 : i32
        %dma_wait3A_85 = tpu.memref_slice %arg9[%run_scoped3A_59, %dma_wait3A_83, %dma_wait3A_84] : memref<2x128x128xf32, #tpu.memory_space<vmem>> -> memref<1x8x128xf32, #tpu.memory_space<vmem>>
        %dma_wait3A_86 = tpu.memref_squeeze %dma_wait3A_85 : memref<1x8x128xf32, #tpu.memory_space<vmem>> -> memref<8x128xf32, #tpu.memory_space<vmem>>
        tpu.wait_dma2 semaphore(%run_scoped3A_60 : memref<!tpu.dma_semaphore, #tpu.memory_space<semaphore_mem>>) src(%dma_wait3A_86 : memref<8x128xf32, #tpu.memory_space<vmem>>) dst(%dma_wait3A_82 : memref<8x128xf32, #tpu.memory_space<hbm>>)
        tpu.yield
      }) : () -> ()
    } else {
    }
    return
  }
}

#map = affine_map<(d0, d1) -> (0, 0)>
#map1 = affine_map<(d0, d1) -> (0, 0, 0)>
module attributes {stable_mosaic.version = 14 : i64} {
  func.func @_sc_layer_body(%arg0: i32, %arg1: i32, %arg2: memref<10000x128xf32, #tpu.memory_space<hbm>>, %arg3: memref<2560x128xi32, #tpu.memory_space<hbm>>, %arg4: memref<2560x128xi32, #tpu.memory_space<hbm>>, %arg5: memref<327680x128xf32, #tpu.memory_space<hbm>>, %arg6: memref<2x10000x128xf32, #tpu.memory_space<hbm>>, %arg7: memref<4x128xi32, #tpu.memory_space<vmem>>, %arg8: memref<4x128xi32, #tpu.memory_space<vmem>>, %arg9: memref<2x128x128xf32, #tpu.memory_space<vmem>>, %arg10: memref<128x128xf32, #tpu.memory_space<vmem>>, %arg11: memref<10000x128xf32, #tpu.memory_space<vmem_shared>>, %arg12: memref<!tpu.dma_semaphore, #tpu.memory_space<semaphore_mem>>, %arg13: memref<!tpu.dma_semaphore, #tpu.memory_space<semaphore_mem>>, %arg14: memref<!tpu.dma_semaphore, #tpu.memory_space<semaphore_mem>>, %arg15: memref<!tpu.dma_semaphore, #tpu.memory_space<semaphore_mem>>, %arg16: memref<!tpu.dma_semaphore, #tpu.memory_space<semaphore_mem>>) attributes {dimension_semantics = [#tpu.dimension_semantics<core_parallel>, #tpu.dimension_semantics<subcore_parallel>], iteration_bounds = array<i64: 2, 16>, scalar_prefetch = 0 : i64, scratch_operands = 10 : i64, tpu.core_type = #tpu.core_type<sc_vector_subcore>, window_params = [{transform_indices = #map}, {transform_indices = #map}, {transform_indices = #map}, {transform_indices = #map}, {transform_indices = #map1}]} {
    %mul3A = arith.constant 16 : i32
    %mul3A_0 = arith.muli %arg0, %mul3A : i32
    %add3A = arith.addi %mul3A_0, %arg1 : i32
    %mul3A_1 = arith.constant 632 : i32
    %mul3A_2 = arith.muli %arg1, %mul3A_1 : i32
    %scan3A = arith.constant 0 : i32
    %scan3A_3 = arith.constant 128 : i32
    %scan3A_4 = arith.addi %scan3A, %scan3A_3 : i32
    %scan3A_5 = arith.constant 1 : i32
    scf.for %scan3A_56 = %scan3A to %scan3A_4 step %scan3A_5  : i32 {
      %mul3A_57 = arith.constant 1 : i32
      %mul3A_58 = arith.muli %scan3A_56, %mul3A_57 : i32
      %add3A_59 = arith.constant 0 : i32
      %add3A_60 = arith.addi %add3A_59, %mul3A_58 : i32
      %broadcast_in_dim3A = arith.constant 0.000000e+00 : f32
      %broadcast_in_dim3A_61 = vector.broadcast %broadcast_in_dim3A : f32 to vector<16xf32>
      %swap3A = arith.constant 0 : i32
      %swap3A_62 = arith.index_cast %swap3A : i32 to index
      %swap3A_63 = arith.index_cast %add3A_60 : i32 to index
      %swap3A_64 = arith.constant 0 : index
      %swap3A_65 = tpu.vector_load %arg9[%swap3A_62, %swap3A_63, %swap3A_64] {strides = array<i32>} : memref<2x128x128xf32, #tpu.memory_space<vmem>>, vector<1x1x16xf32>,
      %swap3A_66 = vector.shape_cast %swap3A_65 : vector<1x1x16xf32> to vector<16xf32>
      %swap3A_67 = vector.shape_cast %broadcast_in_dim3A_61 : vector<16xf32> to vector<1x1x16xf32>
      tpu.vector_store %arg9[%swap3A_62, %swap3A_63, %swap3A_64], %swap3A_67 {strides = array<i32>} : memref<2x128x128xf32, #tpu.memory_space<vmem>>, vector<1x1x16xf32>,
      %broadcast_in_dim3A_68 = arith.constant 0.000000e+00 : f32
      %broadcast_in_dim3A_69 = vector.broadcast %broadcast_in_dim3A_68 : f32 to vector<16xf32>
      %swap3A_70 = arith.constant 0 : i32
      %swap3A_71 = arith.index_cast %swap3A_70 : i32 to index
      %swap3A_72 = arith.index_cast %add3A_60 : i32 to index
      %swap3A_73 = arith.constant 16 : index
      %swap3A_74 = tpu.vector_load %arg9[%swap3A_71, %swap3A_72, %swap3A_73] {strides = array<i32>} : memref<2x128x128xf32, #tpu.memory_space<vmem>>, vector<1x1x16xf32>,
      %swap3A_75 = vector.shape_cast %swap3A_74 : vector<1x1x16xf32> to vector<16xf32>
      %swap3A_76 = vector.shape_cast %broadcast_in_dim3A_69 : vector<16xf32> to vector<1x1x16xf32>
      tpu.vector_store %arg9[%swap3A_71, %swap3A_72, %swap3A_73], %swap3A_76 {strides = array<i32>} : memref<2x128x128xf32, #tpu.memory_space<vmem>>, vector<1x1x16xf32>,
      %broadcast_in_dim3A_77 = arith.constant 0.000000e+00 : f32
      %broadcast_in_dim3A_78 = vector.broadcast %broadcast_in_dim3A_77 : f32 to vector<16xf32>
      %swap3A_79 = arith.constant 0 : i32
      %swap3A_80 = arith.index_cast %swap3A_79 : i32 to index
      %swap3A_81 = arith.index_cast %add3A_60 : i32 to index
      %swap3A_82 = arith.constant 32 : index
      %swap3A_83 = tpu.vector_load %arg9[%swap3A_80, %swap3A_81, %swap3A_82] {strides = array<i32>} : memref<2x128x128xf32, #tpu.memory_space<vmem>>, vector<1x1x16xf32>,
      %swap3A_84 = vector.shape_cast %swap3A_83 : vector<1x1x16xf32> to vector<16xf32>
      %swap3A_85 = vector.shape_cast %broadcast_in_dim3A_78 : vector<16xf32> to vector<1x1x16xf32>
      tpu.vector_store %arg9[%swap3A_80, %swap3A_81, %swap3A_82], %swap3A_85 {strides = array<i32>} : memref<2x128x128xf32, #tpu.memory_space<vmem>>, vector<1x1x16xf32>,
      %broadcast_in_dim3A_86 = arith.constant 0.000000e+00 : f32
      %broadcast_in_dim3A_87 = vector.broadcast %broadcast_in_dim3A_86 : f32 to vector<16xf32>
      %swap3A_88 = arith.constant 0 : i32
      %swap3A_89 = arith.index_cast %swap3A_88 : i32 to index
      %swap3A_90 = arith.index_cast %add3A_60 : i32 to index
      %swap3A_91 = arith.constant 48 : index
      %swap3A_92 = tpu.vector_load %arg9[%swap3A_89, %swap3A_90, %swap3A_91] {strides = array<i32>} : memref<2x128x128xf32, #tpu.memory_space<vmem>>, vector<1x1x16xf32>,
      %swap3A_93 = vector.shape_cast %swap3A_92 : vector<1x1x16xf32> to vector<16xf32>
      %swap3A_94 = vector.shape_cast %broadcast_in_dim3A_87 : vector<16xf32> to vector<1x1x16xf32>
      tpu.vector_store %arg9[%swap3A_89, %swap3A_90, %swap3A_91], %swap3A_94 {strides = array<i32>} : memref<2x128x128xf32, #tpu.memory_space<vmem>>, vector<1x1x16xf32>,
      %broadcast_in_dim3A_95 = arith.constant 0.000000e+00 : f32
      %broadcast_in_dim3A_96 = vector.broadcast %broadcast_in_dim3A_95 : f32 to vector<16xf32>
      %swap3A_97 = arith.constant 0 : i32
      %swap3A_98 = arith.index_cast %swap3A_97 : i32 to index
      %swap3A_99 = arith.index_cast %add3A_60 : i32 to index
      %swap3A_100 = arith.constant 64 : index
      %swap3A_101 = tpu.vector_load %arg9[%swap3A_98, %swap3A_99, %swap3A_100] {strides = array<i32>} : memref<2x128x128xf32, #tpu.memory_space<vmem>>, vector<1x1x16xf32>,
      %swap3A_102 = vector.shape_cast %swap3A_101 : vector<1x1x16xf32> to vector<16xf32>
      %swap3A_103 = vector.shape_cast %broadcast_in_dim3A_96 : vector<16xf32> to vector<1x1x16xf32>
      tpu.vector_store %arg9[%swap3A_98, %swap3A_99, %swap3A_100], %swap3A_103 {strides = array<i32>} : memref<2x128x128xf32, #tpu.memory_space<vmem>>, vector<1x1x16xf32>,
      %broadcast_in_dim3A_104 = arith.constant 0.000000e+00 : f32
      %broadcast_in_dim3A_105 = vector.broadcast %broadcast_in_dim3A_104 : f32 to vector<16xf32>
      %swap3A_106 = arith.constant 0 : i32
      %swap3A_107 = arith.index_cast %swap3A_106 : i32 to index
      %swap3A_108 = arith.index_cast %add3A_60 : i32 to index
      %swap3A_109 = arith.constant 80 : index
      %swap3A_110 = tpu.vector_load %arg9[%swap3A_107, %swap3A_108, %swap3A_109] {strides = array<i32>} : memref<2x128x128xf32, #tpu.memory_space<vmem>>, vector<1x1x16xf32>,
      %swap3A_111 = vector.shape_cast %swap3A_110 : vector<1x1x16xf32> to vector<16xf32>
      %swap3A_112 = vector.shape_cast %broadcast_in_dim3A_105 : vector<16xf32> to vector<1x1x16xf32>
      tpu.vector_store %arg9[%swap3A_107, %swap3A_108, %swap3A_109], %swap3A_112 {strides = array<i32>} : memref<2x128x128xf32, #tpu.memory_space<vmem>>, vector<1x1x16xf32>,
      %broadcast_in_dim3A_113 = arith.constant 0.000000e+00 : f32
      %broadcast_in_dim3A_114 = vector.broadcast %broadcast_in_dim3A_113 : f32 to vector<16xf32>
      %swap3A_115 = arith.constant 0 : i32
      %swap3A_116 = arith.index_cast %swap3A_115 : i32 to index
      %swap3A_117 = arith.index_cast %add3A_60 : i32 to index
      %swap3A_118 = arith.constant 96 : index
      %swap3A_119 = tpu.vector_load %arg9[%swap3A_116, %swap3A_117, %swap3A_118] {strides = array<i32>} : memref<2x128x128xf32, #tpu.memory_space<vmem>>, vector<1x1x16xf32>,
      %swap3A_120 = vector.shape_cast %swap3A_119 : vector<1x1x16xf32> to vector<16xf32>
      %swap3A_121 = vector.shape_cast %broadcast_in_dim3A_114 : vector<16xf32> to vector<1x1x16xf32>
      tpu.vector_store %arg9[%swap3A_116, %swap3A_117, %swap3A_118], %swap3A_121 {strides = array<i32>} : memref<2x128x128xf32, #tpu.memory_space<vmem>>, vector<1x1x16xf32>,
      %broadcast_in_dim3A_122 = arith.constant 0.000000e+00 : f32
      %broadcast_in_dim3A_123 = vector.broadcast %broadcast_in_dim3A_122 : f32 to vector<16xf32>
      %swap3A_124 = arith.constant 0 : i32
      %swap3A_125 = arith.index_cast %swap3A_124 : i32 to index
      %swap3A_126 = arith.index_cast %add3A_60 : i32 to index
      %swap3A_127 = arith.constant 112 : index
      %swap3A_128 = tpu.vector_load %arg9[%swap3A_125, %swap3A_126, %swap3A_127] {strides = array<i32>} : memref<2x128x128xf32, #tpu.memory_space<vmem>>, vector<1x1x16xf32>,
      %swap3A_129 = vector.shape_cast %swap3A_128 : vector<1x1x16xf32> to vector<16xf32>
      %swap3A_130 = vector.shape_cast %broadcast_in_dim3A_123 : vector<16xf32> to vector<1x1x16xf32>
      tpu.vector_store %arg9[%swap3A_125, %swap3A_126, %swap3A_127], %swap3A_130 {strides = array<i32>} : memref<2x128x128xf32, #tpu.memory_space<vmem>>, vector<1x1x16xf32>,
    }
    %scan3A_6 = arith.constant 128 : i32
    %add3A_7 = arith.constant 0 : i32
    %add3A_8 = arith.addi %mul3A_2, %add3A_7 : i32
    %run_scoped3A = arith.constant 0 : i32
    "tpu.region"() ({
      %run_scoped3A_56 = tpu.sem_alloc : memref<!tpu.dma_semaphore, #tpu.memory_space<semaphore_mem>>
      %dma_start3A = arith.constant 0 : i32
      %dma_start3A_57 = arith.constant 0 : i32
      %dma_start3A_58 = tpu.memref_slice %arg9[%run_scoped3A, %dma_start3A, %dma_start3A_57] : memref<2x128x128xf32, #tpu.memory_space<vmem>> -> memref<1x128x128xf32, #tpu.memory_space<vmem>>
      %dma_start3A_59 = tpu.memref_squeeze %dma_start3A_58 : memref<1x128x128xf32, #tpu.memory_space<vmem>> -> memref<128x128xf32, #tpu.memory_space<vmem>>
      %dma_start3A_60 = arith.constant 0 : i32
      %dma_start3A_61 = tpu.memref_slice %arg11[%add3A_8, %dma_start3A_60] : memref<10000x128xf32, #tpu.memory_space<vmem_shared>> -> memref<128x128xf32, #tpu.memory_space<vmem_shared>>
      %dma_start3A_62 = arith.constant 0 : i32
      %dma_start3A_63 = tpu.memref_slice %arg11[%add3A_8, %dma_start3A_62] : memref<10000x128xf32, #tpu.memory_space<vmem_shared>> -> memref<128x128xf32, #tpu.memory_space<vmem_shared>>
      %dma_start3A_64 = arith.constant 0 : i32
      %dma_start3A_65 = arith.constant 0 : i32
      %dma_start3A_66 = tpu.memref_slice %arg9[%run_scoped3A, %dma_start3A_64, %dma_start3A_65] : memref<2x128x128xf32, #tpu.memory_space<vmem>> -> memref<1x128x128xf32, #tpu.memory_space<vmem>>
      %dma_start3A_67 = tpu.memref_squeeze %dma_start3A_66 : memref<1x128x128xf32, #tpu.memory_space<vmem>> -> memref<128x128xf32, #tpu.memory_space<vmem>>
      tpu.enqueue_dma source(%dma_start3A_67 : memref<128x128xf32, #tpu.memory_space<vmem>>) target(%dma_start3A_63 : memref<128x128xf32, #tpu.memory_space<vmem_shared>>) target_semaphore(%run_scoped3A_56 : memref<!tpu.dma_semaphore, #tpu.memory_space<semaphore_mem>>)
      %dma_wait3A = arith.constant 0 : i32
      %dma_wait3A_68 = arith.constant 0 : i32
      %dma_wait3A_69 = tpu.memref_slice %arg9[%run_scoped3A, %dma_wait3A, %dma_wait3A_68] : memref<2x128x128xf32, #tpu.memory_space<vmem>> -> memref<1x128x128xf32, #tpu.memory_space<vmem>>
      %dma_wait3A_70 = tpu.memref_squeeze %dma_wait3A_69 : memref<1x128x128xf32, #tpu.memory_space<vmem>> -> memref<128x128xf32, #tpu.memory_space<vmem>>
      %dma_wait3A_71 = arith.constant 0 : i32
      %dma_wait3A_72 = tpu.memref_slice %arg11[%add3A_8, %dma_wait3A_71] : memref<10000x128xf32, #tpu.memory_space<vmem_shared>> -> memref<128x128xf32, #tpu.memory_space<vmem_shared>>
      %dma_wait3A_73 = arith.constant 0 : i32
      %dma_wait3A_74 = tpu.memref_slice %arg11[%add3A_8, %dma_wait3A_73] : memref<10000x128xf32, #tpu.memory_space<vmem_shared>> -> memref<128x128xf32, #tpu.memory_space<vmem_shared>>
      %dma_wait3A_75 = arith.constant 0 : i32
      %dma_wait3A_76 = arith.constant 0 : i32
      %dma_wait3A_77 = tpu.memref_slice %arg9[%run_scoped3A, %dma_wait3A_75, %dma_wait3A_76] : memref<2x128x128xf32, #tpu.memory_space<vmem>> -> memref<1x128x128xf32, #tpu.memory_space<vmem>>
      %dma_wait3A_78 = tpu.memref_squeeze %dma_wait3A_77 : memref<1x128x128xf32, #tpu.memory_space<vmem>> -> memref<128x128xf32, #tpu.memory_space<vmem>>
      tpu.wait_dma2 semaphore(%run_scoped3A_56 : memref<!tpu.dma_semaphore, #tpu.memory_space<semaphore_mem>>) src(%dma_wait3A_78 : memref<128x128xf32, #tpu.memory_space<vmem>>) dst(%dma_wait3A_74 : memref<128x128xf32, #tpu.memory_space<vmem_shared>>)
      tpu.yield
    }) : () -> ()
    %add3A_9 = arith.constant 128 : i32
    %add3A_10 = arith.addi %mul3A_2, %add3A_9 : i32
    %run_scoped3A_11 = arith.constant 0 : i32
    "tpu.region"() ({
      %run_scoped3A_56 = tpu.sem_alloc : memref<!tpu.dma_semaphore, #tpu.memory_space<semaphore_mem>>
      %dma_start3A = arith.constant 0 : i32
      %dma_start3A_57 = arith.constant 0 : i32
      %dma_start3A_58 = tpu.memref_slice %arg9[%run_scoped3A_11, %dma_start3A, %dma_start3A_57] : memref<2x128x128xf32, #tpu.memory_space<vmem>> -> memref<1x128x128xf32, #tpu.memory_space<vmem>>
      %dma_start3A_59 = tpu.memref_squeeze %dma_start3A_58 : memref<1x128x128xf32, #tpu.memory_space<vmem>> -> memref<128x128xf32, #tpu.memory_space<vmem>>
      %dma_start3A_60 = arith.constant 0 : i32
      %dma_start3A_61 = tpu.memref_slice %arg11[%add3A_10, %dma_start3A_60] : memref<10000x128xf32, #tpu.memory_space<vmem_shared>> -> memref<128x128xf32, #tpu.memory_space<vmem_shared>>
      %dma_start3A_62 = arith.constant 0 : i32
      %dma_start3A_63 = tpu.memref_slice %arg11[%add3A_10, %dma_start3A_62] : memref<10000x128xf32, #tpu.memory_space<vmem_shared>> -> memref<128x128xf32, #tpu.memory_space<vmem_shared>>
      %dma_start3A_64 = arith.constant 0 : i32
      %dma_start3A_65 = arith.constant 0 : i32
      %dma_start3A_66 = tpu.memref_slice %arg9[%run_scoped3A_11, %dma_start3A_64, %dma_start3A_65] : memref<2x128x128xf32, #tpu.memory_space<vmem>> -> memref<1x128x128xf32, #tpu.memory_space<vmem>>
      %dma_start3A_67 = tpu.memref_squeeze %dma_start3A_66 : memref<1x128x128xf32, #tpu.memory_space<vmem>> -> memref<128x128xf32, #tpu.memory_space<vmem>>
      tpu.enqueue_dma source(%dma_start3A_67 : memref<128x128xf32, #tpu.memory_space<vmem>>) target(%dma_start3A_63 : memref<128x128xf32, #tpu.memory_space<vmem_shared>>) target_semaphore(%run_scoped3A_56 : memref<!tpu.dma_semaphore, #tpu.memory_space<semaphore_mem>>)
      %dma_wait3A = arith.constant 0 : i32
      %dma_wait3A_68 = arith.constant 0 : i32
      %dma_wait3A_69 = tpu.memref_slice %arg9[%run_scoped3A_11, %dma_wait3A, %dma_wait3A_68] : memref<2x128x128xf32, #tpu.memory_space<vmem>> -> memref<1x128x128xf32, #tpu.memory_space<vmem>>
      %dma_wait3A_70 = tpu.memref_squeeze %dma_wait3A_69 : memref<1x128x128xf32, #tpu.memory_space<vmem>> -> memref<128x128xf32, #tpu.memory_space<vmem>>
      %dma_wait3A_71 = arith.constant 0 : i32
      %dma_wait3A_72 = tpu.memref_slice %arg11[%add3A_10, %dma_wait3A_71] : memref<10000x128xf32, #tpu.memory_space<vmem_shared>> -> memref<128x128xf32, #tpu.memory_space<vmem_shared>>
      %dma_wait3A_73 = arith.constant 0 : i32
      %dma_wait3A_74 = tpu.memref_slice %arg11[%add3A_10, %dma_wait3A_73] : memref<10000x128xf32, #tpu.memory_space<vmem_shared>> -> memref<128x128xf32, #tpu.memory_space<vmem_shared>>
      %dma_wait3A_75 = arith.constant 0 : i32
      %dma_wait3A_76 = arith.constant 0 : i32
      %dma_wait3A_77 = tpu.memref_slice %arg9[%run_scoped3A_11, %dma_wait3A_75, %dma_wait3A_76] : memref<2x128x128xf32, #tpu.memory_space<vmem>> -> memref<1x128x128xf32, #tpu.memory_space<vmem>>
      %dma_wait3A_78 = tpu.memref_squeeze %dma_wait3A_77 : memref<1x128x128xf32, #tpu.memory_space<vmem>> -> memref<128x128xf32, #tpu.memory_space<vmem>>
      tpu.wait_dma2 semaphore(%run_scoped3A_56 : memref<!tpu.dma_semaphore, #tpu.memory_space<semaphore_mem>>) src(%dma_wait3A_78 : memref<128x128xf32, #tpu.memory_space<vmem>>) dst(%dma_wait3A_74 : memref<128x128xf32, #tpu.memory_space<vmem_shared>>)
      tpu.yield
    }) : () -> ()
    %add3A_12 = arith.constant 256 : i32
    %add3A_13 = arith.addi %mul3A_2, %add3A_12 : i32
    %run_scoped3A_14 = arith.constant 0 : i32
    "tpu.region"() ({
      %run_scoped3A_56 = tpu.sem_alloc : memref<!tpu.dma_semaphore, #tpu.memory_space<semaphore_mem>>
      %dma_start3A = arith.constant 0 : i32
      %dma_start3A_57 = arith.constant 0 : i32
      %dma_start3A_58 = tpu.memref_slice %arg9[%run_scoped3A_14, %dma_start3A, %dma_start3A_57] : memref<2x128x128xf32, #tpu.memory_space<vmem>> -> memref<1x128x128xf32, #tpu.memory_space<vmem>>
      %dma_start3A_59 = tpu.memref_squeeze %dma_start3A_58 : memref<1x128x128xf32, #tpu.memory_space<vmem>> -> memref<128x128xf32, #tpu.memory_space<vmem>>
      %dma_start3A_60 = arith.constant 0 : i32
      %dma_start3A_61 = tpu.memref_slice %arg11[%add3A_13, %dma_start3A_60] : memref<10000x128xf32, #tpu.memory_space<vmem_shared>> -> memref<128x128xf32, #tpu.memory_space<vmem_shared>>
      %dma_start3A_62 = arith.constant 0 : i32
      %dma_start3A_63 = tpu.memref_slice %arg11[%add3A_13, %dma_start3A_62] : memref<10000x128xf32, #tpu.memory_space<vmem_shared>> -> memref<128x128xf32, #tpu.memory_space<vmem_shared>>
      %dma_start3A_64 = arith.constant 0 : i32
      %dma_start3A_65 = arith.constant 0 : i32
      %dma_start3A_66 = tpu.memref_slice %arg9[%run_scoped3A_14, %dma_start3A_64, %dma_start3A_65] : memref<2x128x128xf32, #tpu.memory_space<vmem>> -> memref<1x128x128xf32, #tpu.memory_space<vmem>>
      %dma_start3A_67 = tpu.memref_squeeze %dma_start3A_66 : memref<1x128x128xf32, #tpu.memory_space<vmem>> -> memref<128x128xf32, #tpu.memory_space<vmem>>
      tpu.enqueue_dma source(%dma_start3A_67 : memref<128x128xf32, #tpu.memory_space<vmem>>) target(%dma_start3A_63 : memref<128x128xf32, #tpu.memory_space<vmem_shared>>) target_semaphore(%run_scoped3A_56 : memref<!tpu.dma_semaphore, #tpu.memory_space<semaphore_mem>>)
      %dma_wait3A = arith.constant 0 : i32
      %dma_wait3A_68 = arith.constant 0 : i32
      %dma_wait3A_69 = tpu.memref_slice %arg9[%run_scoped3A_14, %dma_wait3A, %dma_wait3A_68] : memref<2x128x128xf32, #tpu.memory_space<vmem>> -> memref<1x128x128xf32, #tpu.memory_space<vmem>>
      %dma_wait3A_70 = tpu.memref_squeeze %dma_wait3A_69 : memref<1x128x128xf32, #tpu.memory_space<vmem>> -> memref<128x128xf32, #tpu.memory_space<vmem>>
      %dma_wait3A_71 = arith.constant 0 : i32
      %dma_wait3A_72 = tpu.memref_slice %arg11[%add3A_13, %dma_wait3A_71] : memref<10000x128xf32, #tpu.memory_space<vmem_shared>> -> memref<128x128xf32, #tpu.memory_space<vmem_shared>>
      %dma_wait3A_73 = arith.constant 0 : i32
      %dma_wait3A_74 = tpu.memref_slice %arg11[%add3A_13, %dma_wait3A_73] : memref<10000x128xf32, #tpu.memory_space<vmem_shared>> -> memref<128x128xf32, #tpu.memory_space<vmem_shared>>
      %dma_wait3A_75 = arith.constant 0 : i32
      %dma_wait3A_76 = arith.constant 0 : i32
      %dma_wait3A_77 = tpu.memref_slice %arg9[%run_scoped3A_14, %dma_wait3A_75, %dma_wait3A_76] : memref<2x128x128xf32, #tpu.memory_space<vmem>> -> memref<1x128x128xf32, #tpu.memory_space<vmem>>
      %dma_wait3A_78 = tpu.memref_squeeze %dma_wait3A_77 : memref<1x128x128xf32, #tpu.memory_space<vmem>> -> memref<128x128xf32, #tpu.memory_space<vmem>>
      tpu.wait_dma2 semaphore(%run_scoped3A_56 : memref<!tpu.dma_semaphore, #tpu.memory_space<semaphore_mem>>) src(%dma_wait3A_78 : memref<128x128xf32, #tpu.memory_space<vmem>>) dst(%dma_wait3A_74 : memref<128x128xf32, #tpu.memory_space<vmem_shared>>)
      tpu.yield
    }) : () -> ()
    %add3A_15 = arith.constant 384 : i32
    %add3A_16 = arith.addi %mul3A_2, %add3A_15 : i32
    %run_scoped3A_17 = arith.constant 0 : i32
    "tpu.region"() ({
      %run_scoped3A_56 = tpu.sem_alloc : memref<!tpu.dma_semaphore, #tpu.memory_space<semaphore_mem>>
      %dma_start3A = arith.constant 0 : i32
      %dma_start3A_57 = arith.constant 0 : i32
      %dma_start3A_58 = tpu.memref_slice %arg9[%run_scoped3A_17, %dma_start3A, %dma_start3A_57] : memref<2x128x128xf32, #tpu.memory_space<vmem>> -> memref<1x128x128xf32, #tpu.memory_space<vmem>>
      %dma_start3A_59 = tpu.memref_squeeze %dma_start3A_58 : memref<1x128x128xf32, #tpu.memory_space<vmem>> -> memref<128x128xf32, #tpu.memory_space<vmem>>
      %dma_start3A_60 = arith.constant 0 : i32
      %dma_start3A_61 = tpu.memref_slice %arg11[%add3A_16, %dma_start3A_60] : memref<10000x128xf32, #tpu.memory_space<vmem_shared>> -> memref<128x128xf32, #tpu.memory_space<vmem_shared>>
      %dma_start3A_62 = arith.constant 0 : i32
      %dma_start3A_63 = tpu.memref_slice %arg11[%add3A_16, %dma_start3A_62] : memref<10000x128xf32, #tpu.memory_space<vmem_shared>> -> memref<128x128xf32, #tpu.memory_space<vmem_shared>>
      %dma_start3A_64 = arith.constant 0 : i32
      %dma_start3A_65 = arith.constant 0 : i32
      %dma_start3A_66 = tpu.memref_slice %arg9[%run_scoped3A_17, %dma_start3A_64, %dma_start3A_65] : memref<2x128x128xf32, #tpu.memory_space<vmem>> -> memref<1x128x128xf32, #tpu.memory_space<vmem>>
      %dma_start3A_67 = tpu.memref_squeeze %dma_start3A_66 : memref<1x128x128xf32, #tpu.memory_space<vmem>> -> memref<128x128xf32, #tpu.memory_space<vmem>>
      tpu.enqueue_dma source(%dma_start3A_67 : memref<128x128xf32, #tpu.memory_space<vmem>>) target(%dma_start3A_63 : memref<128x128xf32, #tpu.memory_space<vmem_shared>>) target_semaphore(%run_scoped3A_56 : memref<!tpu.dma_semaphore, #tpu.memory_space<semaphore_mem>>)
      %dma_wait3A = arith.constant 0 : i32
      %dma_wait3A_68 = arith.constant 0 : i32
      %dma_wait3A_69 = tpu.memref_slice %arg9[%run_scoped3A_17, %dma_wait3A, %dma_wait3A_68] : memref<2x128x128xf32, #tpu.memory_space<vmem>> -> memref<1x128x128xf32, #tpu.memory_space<vmem>>
      %dma_wait3A_70 = tpu.memref_squeeze %dma_wait3A_69 : memref<1x128x128xf32, #tpu.memory_space<vmem>> -> memref<128x128xf32, #tpu.memory_space<vmem>>
      %dma_wait3A_71 = arith.constant 0 : i32
      %dma_wait3A_72 = tpu.memref_slice %arg11[%add3A_16, %dma_wait3A_71] : memref<10000x128xf32, #tpu.memory_space<vmem_shared>> -> memref<128x128xf32, #tpu.memory_space<vmem_shared>>
      %dma_wait3A_73 = arith.constant 0 : i32
      %dma_wait3A_74 = tpu.memref_slice %arg11[%add3A_16, %dma_wait3A_73] : memref<10000x128xf32, #tpu.memory_space<vmem_shared>> -> memref<128x128xf32, #tpu.memory_space<vmem_shared>>
      %dma_wait3A_75 = arith.constant 0 : i32
      %dma_wait3A_76 = arith.constant 0 : i32
      %dma_wait3A_77 = tpu.memref_slice %arg9[%run_scoped3A_17, %dma_wait3A_75, %dma_wait3A_76] : memref<2x128x128xf32, #tpu.memory_space<vmem>> -> memref<1x128x128xf32, #tpu.memory_space<vmem>>
      %dma_wait3A_78 = tpu.memref_squeeze %dma_wait3A_77 : memref<1x128x128xf32, #tpu.memory_space<vmem>> -> memref<128x128xf32, #tpu.memory_space<vmem>>
      tpu.wait_dma2 semaphore(%run_scoped3A_56 : memref<!tpu.dma_semaphore, #tpu.memory_space<semaphore_mem>>) src(%dma_wait3A_78 : memref<128x128xf32, #tpu.memory_space<vmem>>) dst(%dma_wait3A_74 : memref<128x128xf32, #tpu.memory_space<vmem_shared>>)
      tpu.yield
    }) : () -> ()
    %lt3A = arith.constant 15 : i32
    %lt3A_18 = arith.cmpi slt, %arg1, %lt3A : i32
    %convert_element_type3A = arith.extui %lt3A_18 : i1 to i32
    %cond3A = arith.constant 0 : i32
    %cond3A_19 = arith.cmpi ne, %convert_element_type3A, %cond3A : i32
    scf.if %cond3A_19 {
      %add3A_56 = arith.constant 512 : i32
      %add3A_57 = arith.addi %mul3A_2, %add3A_56 : i32
      %run_scoped3A_58 = arith.constant 0 : i32
      "tpu.region"() ({
        %run_scoped3A_59 = tpu.sem_alloc : memref<!tpu.dma_semaphore, #tpu.memory_space<semaphore_mem>>
        %dma_start3A = arith.constant 0 : i32
        %dma_start3A_60 = arith.constant 0 : i32
        %dma_start3A_61 = tpu.memref_slice %arg9[%run_scoped3A_58, %dma_start3A, %dma_start3A_60] : memref<2x128x128xf32, #tpu.memory_space<vmem>> -> memref<1x120x128xf32, #tpu.memory_space<vmem>>
        %dma_start3A_62 = tpu.memref_squeeze %dma_start3A_61 : memref<1x120x128xf32, #tpu.memory_space<vmem>> -> memref<120x128xf32, #tpu.memory_space<vmem>>
        %dma_start3A_63 = arith.constant 0 : i32
        %dma_start3A_64 = tpu.memref_slice %arg11[%add3A_57, %dma_start3A_63] : memref<10000x128xf32, #tpu.memory_space<vmem_shared>> -> memref<120x128xf32, #tpu.memory_space<vmem_shared>>
        %dma_start3A_65 = arith.constant 0 : i32
        %dma_start3A_66 = tpu.memref_slice %arg11[%add3A_57, %dma_start3A_65] : memref<10000x128xf32, #tpu.memory_space<vmem_shared>> -> memref<120x128xf32, #tpu.memory_space<vmem_shared>>
        %dma_start3A_67 = arith.constant 0 : i32
        %dma_start3A_68 = arith.constant 0 : i32
        %dma_start3A_69 = tpu.memref_slice %arg9[%run_scoped3A_58, %dma_start3A_67, %dma_start3A_68] : memref<2x128x128xf32, #tpu.memory_space<vmem>> -> memref<1x120x128xf32, #tpu.memory_space<vmem>>
        %dma_start3A_70 = tpu.memref_squeeze %dma_start3A_69 : memref<1x120x128xf32, #tpu.memory_space<vmem>> -> memref<120x128xf32, #tpu.memory_space<vmem>>
        tpu.enqueue_dma source(%dma_start3A_70 : memref<120x128xf32, #tpu.memory_space<vmem>>) target(%dma_start3A_66 : memref<120x128xf32, #tpu.memory_space<vmem_shared>>) target_semaphore(%run_scoped3A_59 : memref<!tpu.dma_semaphore, #tpu.memory_space<semaphore_mem>>)
        %dma_wait3A = arith.constant 0 : i32
        %dma_wait3A_71 = arith.constant 0 : i32
        %dma_wait3A_72 = tpu.memref_slice %arg9[%run_scoped3A_58, %dma_wait3A, %dma_wait3A_71] : memref<2x128x128xf32, #tpu.memory_space<vmem>> -> memref<1x120x128xf32, #tpu.memory_space<vmem>>
        %dma_wait3A_73 = tpu.memref_squeeze %dma_wait3A_72 : memref<1x120x128xf32, #tpu.memory_space<vmem>> -> memref<120x128xf32, #tpu.memory_space<vmem>>
        %dma_wait3A_74 = arith.constant 0 : i32
        %dma_wait3A_75 = tpu.memref_slice %arg11[%add3A_57, %dma_wait3A_74] : memref<10000x128xf32, #tpu.memory_space<vmem_shared>> -> memref<120x128xf32, #tpu.memory_space<vmem_shared>>
        %dma_wait3A_76 = arith.constant 0 : i32
        %dma_wait3A_77 = tpu.memref_slice %arg11[%add3A_57, %dma_wait3A_76] : memref<10000x128xf32, #tpu.memory_space<vmem_shared>> -> memref<120x128xf32, #tpu.memory_space<vmem_shared>>
        %dma_wait3A_78 = arith.constant 0 : i32
        %dma_wait3A_79 = arith.constant 0 : i32
        %dma_wait3A_80 = tpu.memref_slice %arg9[%run_scoped3A_58, %dma_wait3A_78, %dma_wait3A_79] : memref<2x128x128xf32, #tpu.memory_space<vmem>> -> memref<1x120x128xf32, #tpu.memory_space<vmem>>
        %dma_wait3A_81 = tpu.memref_squeeze %dma_wait3A_80 : memref<1x120x128xf32, #tpu.memory_space<vmem>> -> memref<120x128xf32, #tpu.memory_space<vmem>>
        tpu.wait_dma2 semaphore(%run_scoped3A_59 : memref<!tpu.dma_semaphore, #tpu.memory_space<semaphore_mem>>) src(%dma_wait3A_81 : memref<120x128xf32, #tpu.memory_space<vmem>>) dst(%dma_wait3A_77 : memref<120x128xf32, #tpu.memory_space<vmem_shared>>)
        tpu.yield
      }) : () -> ()
    } else {
    }
    %eq3A = arith.constant 15 : i32
    %eq3A_20 = arith.cmpi eq, %arg1, %eq3A : i32
    %convert_element_type3A_21 = arith.extui %eq3A_20 : i1 to i32
    %cond3A_22 = arith.constant 0 : i32
    %cond3A_23 = arith.cmpi ne, %convert_element_type3A_21, %cond3A_22 : i32
    scf.if %cond3A_23 {
      %add3A_56 = arith.constant 512 : i32
      %add3A_57 = arith.addi %mul3A_2, %add3A_56 : i32
      %run_scoped3A_58 = arith.constant 0 : i32
      "tpu.region"() ({
        %run_scoped3A_59 = tpu.sem_alloc : memref<!tpu.dma_semaphore, #tpu.memory_space<semaphore_mem>>
        %dma_start3A = arith.constant 0 : i32
        %dma_start3A_60 = arith.constant 0 : i32
        %dma_start3A_61 = tpu.memref_slice %arg9[%run_scoped3A_58, %dma_start3A, %dma_start3A_60] : memref<2x128x128xf32, #tpu.memory_space<vmem>> -> memref<1x8x128xf32, #tpu.memory_space<vmem>>
        %dma_start3A_62 = tpu.memref_squeeze %dma_start3A_61 : memref<1x8x128xf32, #tpu.memory_space<vmem>> -> memref<8x128xf32, #tpu.memory_space<vmem>>
        %dma_start3A_63 = arith.constant 0 : i32
        %dma_start3A_64 = tpu.memref_slice %arg11[%add3A_57, %dma_start3A_63] : memref<10000x128xf32, #tpu.memory_space<vmem_shared>> -> memref<8x128xf32, #tpu.memory_space<vmem_shared>>
        %dma_start3A_65 = arith.constant 0 : i32
        %dma_start3A_66 = tpu.memref_slice %arg11[%add3A_57, %dma_start3A_65] : memref<10000x128xf32, #tpu.memory_space<vmem_shared>> -> memref<8x128xf32, #tpu.memory_space<vmem_shared>>
        %dma_start3A_67 = arith.constant 0 : i32
        %dma_start3A_68 = arith.constant 0 : i32
        %dma_start3A_69 = tpu.memref_slice %arg9[%run_scoped3A_58, %dma_start3A_67, %dma_start3A_68] : memref<2x128x128xf32, #tpu.memory_space<vmem>> -> memref<1x8x128xf32, #tpu.memory_space<vmem>>
        %dma_start3A_70 = tpu.memref_squeeze %dma_start3A_69 : memref<1x8x128xf32, #tpu.memory_space<vmem>> -> memref<8x128xf32, #tpu.memory_space<vmem>>
        tpu.enqueue_dma source(%dma_start3A_70 : memref<8x128xf32, #tpu.memory_space<vmem>>) target(%dma_start3A_66 : memref<8x128xf32, #tpu.memory_space<vmem_shared>>) target_semaphore(%run_scoped3A_59 : memref<!tpu.dma_semaphore, #tpu.memory_space<semaphore_mem>>)
        %dma_wait3A = arith.constant 0 : i32
        %dma_wait3A_71 = arith.constant 0 : i32
        %dma_wait3A_72 = tpu.memref_slice %arg9[%run_scoped3A_58, %dma_wait3A, %dma_wait3A_71] : memref<2x128x128xf32, #tpu.memory_space<vmem>> -> memref<1x8x128xf32, #tpu.memory_space<vmem>>
        %dma_wait3A_73 = tpu.memref_squeeze %dma_wait3A_72 : memref<1x8x128xf32, #tpu.memory_space<vmem>> -> memref<8x128xf32, #tpu.memory_space<vmem>>
        %dma_wait3A_74 = arith.constant 0 : i32
        %dma_wait3A_75 = tpu.memref_slice %arg11[%add3A_57, %dma_wait3A_74] : memref<10000x128xf32, #tpu.memory_space<vmem_shared>> -> memref<8x128xf32, #tpu.memory_space<vmem_shared>>
        %dma_wait3A_76 = arith.constant 0 : i32
        %dma_wait3A_77 = tpu.memref_slice %arg11[%add3A_57, %dma_wait3A_76] : memref<10000x128xf32, #tpu.memory_space<vmem_shared>> -> memref<8x128xf32, #tpu.memory_space<vmem_shared>>
        %dma_wait3A_78 = arith.constant 0 : i32
        %dma_wait3A_79 = arith.constant 0 : i32
        %dma_wait3A_80 = tpu.memref_slice %arg9[%run_scoped3A_58, %dma_wait3A_78, %dma_wait3A_79] : memref<2x128x128xf32, #tpu.memory_space<vmem>> -> memref<1x8x128xf32, #tpu.memory_space<vmem>>
        %dma_wait3A_81 = tpu.memref_squeeze %dma_wait3A_80 : memref<1x8x128xf32, #tpu.memory_space<vmem>> -> memref<8x128xf32, #tpu.memory_space<vmem>>
        tpu.wait_dma2 semaphore(%run_scoped3A_59 : memref<!tpu.dma_semaphore, #tpu.memory_space<semaphore_mem>>) src(%dma_wait3A_81 : memref<8x128xf32, #tpu.memory_space<vmem>>) dst(%dma_wait3A_77 : memref<8x128xf32, #tpu.memory_space<vmem_shared>>)
        tpu.yield
      }) : () -> ()
    } else {
    }
    %barrier3A = arith.constant 0 : index
    tpu.barrier barrier_id(%barrier3A)
    %scan3A_24 = arith.constant 0 : i32
    %scan3A_25 = arith.constant 20 : i32
    %scan3A_26 = arith.addi %scan3A_24, %scan3A_25 : i32
    %scan3A_27 = arith.constant 1 : i32
    scf.for %scan3A_56 = %scan3A_24 to %scan3A_26 step %scan3A_27  : i32 {
      %mul3A_57 = arith.constant 1 : i32
      %mul3A_58 = arith.muli %scan3A_56, %mul3A_57 : i32
      %add3A_59 = arith.constant 0 : i32
      %add3A_60 = arith.addi %add3A_59, %mul3A_58 : i32
      %mul3A_61 = arith.constant 80 : i32
      %mul3A_62 = arith.muli %add3A, %mul3A_61 : i32
      %mul3A_63 = arith.constant 4 : i32
      %mul3A_64 = arith.muli %add3A_60, %mul3A_63 : i32
      %add3A_65 = arith.addi %mul3A_62, %mul3A_64 : i32
      "tpu.region"() ({
        %run_scoped3A_324 = tpu.sem_alloc : memref<!tpu.dma_semaphore, #tpu.memory_space<semaphore_mem>>
        %dma_start3A_325 = arith.constant 0 : i32
        %dma_start3A_326 = tpu.memref_slice %arg3[%add3A_65, %dma_start3A_325] : memref<2560x128xi32, #tpu.memory_space<hbm>> -> memref<4x128xi32, #tpu.memory_space<hbm>>
        %dma_start3A_327 = arith.constant 0 : i32
        %dma_start3A_328 = tpu.memref_slice %arg3[%add3A_65, %dma_start3A_327] : memref<2560x128xi32, #tpu.memory_space<hbm>> -> memref<4x128xi32, #tpu.memory_space<hbm>>
        tpu.enqueue_dma source(%dma_start3A_328 : memref<4x128xi32, #tpu.memory_space<hbm>>) target(%arg7 : memref<4x128xi32, #tpu.memory_space<vmem>>) target_semaphore(%run_scoped3A_324 : memref<!tpu.dma_semaphore, #tpu.memory_space<semaphore_mem>>)
        %dma_wait3A_329 = arith.constant 0 : i32
        %dma_wait3A_330 = tpu.memref_slice %arg3[%add3A_65, %dma_wait3A_329] : memref<2560x128xi32, #tpu.memory_space<hbm>> -> memref<4x128xi32, #tpu.memory_space<hbm>>
        %dma_wait3A_331 = arith.constant 0 : i32
        %dma_wait3A_332 = tpu.memref_slice %arg3[%add3A_65, %dma_wait3A_331] : memref<2560x128xi32, #tpu.memory_space<hbm>> -> memref<4x128xi32, #tpu.memory_space<hbm>>
        tpu.wait_dma2 semaphore(%run_scoped3A_324 : memref<!tpu.dma_semaphore, #tpu.memory_space<semaphore_mem>>) src(%dma_wait3A_332 : memref<4x128xi32, #tpu.memory_space<hbm>>) dst(%arg7 : memref<4x128xi32, #tpu.memory_space<vmem>>)
        tpu.yield
      }) : () -> ()
      "tpu.region"() ({
        %run_scoped3A_324 = tpu.sem_alloc : memref<!tpu.dma_semaphore, #tpu.memory_space<semaphore_mem>>
        %dma_start3A_325 = arith.constant 0 : i32
        %dma_start3A_326 = tpu.memref_slice %arg4[%add3A_65, %dma_start3A_325] : memref<2560x128xi32, #tpu.memory_space<hbm>> -> memref<4x128xi32, #tpu.memory_space<hbm>>
        %dma_start3A_327 = arith.constant 0 : i32
        %dma_start3A_328 = tpu.memref_slice %arg4[%add3A_65, %dma_start3A_327] : memref<2560x128xi32, #tpu.memory_space<hbm>> -> memref<4x128xi32, #tpu.memory_space<hbm>>
        tpu.enqueue_dma source(%dma_start3A_328 : memref<4x128xi32, #tpu.memory_space<hbm>>) target(%arg8 : memref<4x128xi32, #tpu.memory_space<vmem>>) target_semaphore(%run_scoped3A_324 : memref<!tpu.dma_semaphore, #tpu.memory_space<semaphore_mem>>)
        %dma_wait3A_329 = arith.constant 0 : i32
        %dma_wait3A_330 = tpu.memref_slice %arg4[%add3A_65, %dma_wait3A_329] : memref<2560x128xi32, #tpu.memory_space<hbm>> -> memref<4x128xi32, #tpu.memory_space<hbm>>
        %dma_wait3A_331 = arith.constant 0 : i32
        %dma_wait3A_332 = tpu.memref_slice %arg4[%add3A_65, %dma_wait3A_331] : memref<2560x128xi32, #tpu.memory_space<hbm>> -> memref<4x128xi32, #tpu.memory_space<hbm>>
        tpu.wait_dma2 semaphore(%run_scoped3A_324 : memref<!tpu.dma_semaphore, #tpu.memory_space<semaphore_mem>>) src(%dma_wait3A_332 : memref<4x128xi32, #tpu.memory_space<hbm>>) dst(%arg8 : memref<4x128xi32, #tpu.memory_space<vmem>>)
        tpu.yield
      }) : () -> ()
      %dma_start3A = arith.constant 0 : i32
      %dma_start3A_66 = arith.constant 0 : i32
      %dma_start3A_67 = arith.constant 0 : i32
      %dma_start3A_68 = arith.constant 0 : i32
      %dma_start3A_69 = tpu.memref_slice %arg9[%dma_start3A_66, %dma_start3A_67, %dma_start3A_68] : memref<2x128x128xf32, #tpu.memory_space<vmem>> -> memref<1x128x128xf32, #tpu.memory_space<vmem>>
      %dma_start3A_70 = tpu.memref_squeeze %dma_start3A_69 : memref<1x128x128xf32, #tpu.memory_space<vmem>> -> memref<128x128xf32, #tpu.memory_space<vmem>>
      %dma_start3A_71 = arith.constant 0 : i32
      %dma_start3A_72 = tpu.memref_slice %arg7[%dma_start3A, %dma_start3A_71] : memref<4x128xi32, #tpu.memory_space<vmem>> -> memref<1x128xi32, #tpu.memory_space<vmem>>
      %dma_start3A_73 = tpu.memref_squeeze %dma_start3A_72 : memref<1x128xi32, #tpu.memory_space<vmem>> -> memref<128xi32, #tpu.memory_space<vmem>>
      %dma_start3A_74 = arith.constant 0 : i32
      %dma_start3A_75 = arith.constant 0 : i32
      %dma_start3A_76 = tpu.memref_slice %arg11[%dma_start3A_74, %dma_start3A_75] : memref<10000x128xf32, #tpu.memory_space<vmem_shared>> -> memref<10000x128xf32, #tpu.memory_space<vmem_shared>>
      tpu.enqueue_indirect_dma source(%dma_start3A_76 : memref<10000x128xf32, #tpu.memory_space<vmem_shared>>) target(%dma_start3A_70 : memref<128x128xf32, #tpu.memory_space<vmem>>) offsets(%dma_start3A_73 : memref<128xi32, #tpu.memory_space<vmem>>) semaphore(%arg12 : memref<!tpu.dma_semaphore, #tpu.memory_space<semaphore_mem>>)
      %add3A_77 = arith.constant 0 : i32
      %add3A_78 = arith.addi %add3A_65, %add3A_77 : i32
      %mul3A_79 = arith.constant 128 : i32
      %mul3A_80 = arith.muli %add3A_78, %mul3A_79 : i32
      %dma_start3A_81 = arith.constant 0 : i32
      %dma_start3A_82 = tpu.memref_slice %arg5[%mul3A_80, %dma_start3A_81] : memref<327680x128xf32, #tpu.memory_space<hbm>> -> memref<128x128xf32, #tpu.memory_space<hbm>>
      %dma_start3A_83 = arith.constant 0 : i32
      %dma_start3A_84 = tpu.memref_slice %arg5[%mul3A_80, %dma_start3A_83] : memref<327680x128xf32, #tpu.memory_space<hbm>> -> memref<128x128xf32, #tpu.memory_space<hbm>>
      tpu.enqueue_dma source(%dma_start3A_84 : memref<128x128xf32, #tpu.memory_space<hbm>>) target(%arg10 : memref<128x128xf32, #tpu.memory_space<vmem>>) target_semaphore(%arg14 : memref<!tpu.dma_semaphore, #tpu.memory_space<semaphore_mem>>)
      %dma_start3A_85 = arith.constant 1 : i32
      %dma_start3A_86 = arith.constant 1 : i32
      %dma_start3A_87 = arith.constant 0 : i32
      %dma_start3A_88 = arith.constant 0 : i32
      %dma_start3A_89 = tpu.memref_slice %arg9[%dma_start3A_86, %dma_start3A_87, %dma_start3A_88] : memref<2x128x128xf32, #tpu.memory_space<vmem>> -> memref<1x128x128xf32, #tpu.memory_space<vmem>>
      %dma_start3A_90 = tpu.memref_squeeze %dma_start3A_89 : memref<1x128x128xf32, #tpu.memory_space<vmem>> -> memref<128x128xf32, #tpu.memory_space<vmem>>
      %dma_start3A_91 = arith.constant 0 : i32
      %dma_start3A_92 = tpu.memref_slice %arg7[%dma_start3A_85, %dma_start3A_91] : memref<4x128xi32, #tpu.memory_space<vmem>> -> memref<1x128xi32, #tpu.memory_space<vmem>>
      %dma_start3A_93 = tpu.memref_squeeze %dma_start3A_92 : memref<1x128xi32, #tpu.memory_space<vmem>> -> memref<128xi32, #tpu.memory_space<vmem>>
      %dma_start3A_94 = arith.constant 0 : i32
      %dma_start3A_95 = arith.constant 0 : i32
      %dma_start3A_96 = tpu.memref_slice %arg11[%dma_start3A_94, %dma_start3A_95] : memref<10000x128xf32, #tpu.memory_space<vmem_shared>> -> memref<10000x128xf32, #tpu.memory_space<vmem_shared>>
      tpu.enqueue_indirect_dma source(%dma_start3A_96 : memref<10000x128xf32, #tpu.memory_space<vmem_shared>>) target(%dma_start3A_90 : memref<128x128xf32, #tpu.memory_space<vmem>>) offsets(%dma_start3A_93 : memref<128xi32, #tpu.memory_space<vmem>>) semaphore(%arg13 : memref<!tpu.dma_semaphore, #tpu.memory_space<semaphore_mem>>)
      %dma_wait3A = arith.constant 0 : i32
      %dma_wait3A_97 = arith.constant 0 : i32
      %dma_wait3A_98 = arith.constant 0 : i32
      %dma_wait3A_99 = arith.constant 0 : i32
      %dma_wait3A_100 = tpu.memref_slice %arg9[%dma_wait3A_97, %dma_wait3A_98, %dma_wait3A_99] : memref<2x128x128xf32, #tpu.memory_space<vmem>> -> memref<1x128x128xf32, #tpu.memory_space<vmem>>
      %dma_wait3A_101 = tpu.memref_squeeze %dma_wait3A_100 : memref<1x128x128xf32, #tpu.memory_space<vmem>> -> memref<128x128xf32, #tpu.memory_space<vmem>>
      %dma_wait3A_102 = arith.constant 0 : i32
      %dma_wait3A_103 = tpu.memref_slice %arg7[%dma_wait3A, %dma_wait3A_102] : memref<4x128xi32, #tpu.memory_space<vmem>> -> memref<1x128xi32, #tpu.memory_space<vmem>>
      %dma_wait3A_104 = tpu.memref_squeeze %dma_wait3A_103 : memref<1x128xi32, #tpu.memory_space<vmem>> -> memref<128xi32, #tpu.memory_space<vmem>>
      %dma_wait3A_105 = arith.constant 0 : i32
      %dma_wait3A_106 = arith.constant 0 : i32
      %dma_wait3A_107 = tpu.memref_slice %arg11[%dma_wait3A_105, %dma_wait3A_106] : memref<10000x128xf32, #tpu.memory_space<vmem_shared>> -> memref<10000x128xf32, #tpu.memory_space<vmem_shared>>
      tpu.wait_indirect_dma semaphore(%arg12 : memref<!tpu.dma_semaphore, #tpu.memory_space<semaphore_mem>>) src(%dma_wait3A_107 : memref<10000x128xf32, #tpu.memory_space<vmem_shared>>) dst(%dma_wait3A_101 : memref<128x128xf32, #tpu.memory_space<vmem>>)
      %dma_wait3A_108 = arith.constant 0 : i32
      %dma_wait3A_109 = tpu.memref_slice %arg5[%mul3A_80, %dma_wait3A_108] : memref<327680x128xf32, #tpu.memory_space<hbm>> -> memref<128x128xf32, #tpu.memory_space<hbm>>
      %dma_wait3A_110 = arith.constant 0 : i32
      %dma_wait3A_111 = tpu.memref_slice %arg5[%mul3A_80, %dma_wait3A_110] : memref<327680x128xf32, #tpu.memory_space<hbm>> -> memref<128x128xf32, #tpu.memory_space<hbm>>
      tpu.wait_dma2 semaphore(%arg14 : memref<!tpu.dma_semaphore, #tpu.memory_space<semaphore_mem>>) src(%dma_wait3A_111 : memref<128x128xf32, #tpu.memory_space<hbm>>) dst(%arg10 : memref<128x128xf32, #tpu.memory_space<vmem>>)
      %scan3A_112 = arith.constant 0 : i32
      %scan3A_113 = arith.constant 128 : i32
      %scan3A_114 = arith.addi %scan3A_112, %scan3A_113 : i32
      %scan3A_115 = arith.constant 1 : i32
      scf.for %scan3A_324 = %scan3A_112 to %scan3A_114 step %scan3A_115  : i32 {
        %mul3A_325 = arith.constant 1 : i32
        %mul3A_326 = arith.muli %scan3A_324, %mul3A_325 : i32
        %add3A_327 = arith.constant 0 : i32
        %add3A_328 = arith.addi %add3A_327, %mul3A_326 : i32
        %get3A = arith.constant 0 : i32
        %get3A_329 = arith.index_cast %get3A : i32 to index
        %get3A_330 = arith.index_cast %add3A_328 : i32 to index
        %get3A_331 = arith.constant 0 : index
        %get3A_332 = tpu.vector_load %arg9[%get3A_329, %get3A_330, %get3A_331] {strides = array<i32>} : memref<2x128x128xf32, #tpu.memory_space<vmem>>, vector<1x1x16xf32>,
        %get3A_333 = vector.shape_cast %get3A_332 : vector<1x1x16xf32> to vector<16xf32>
        %get3A_334 = arith.index_cast %add3A_328 : i32 to index
        %get3A_335 = arith.constant 0 : index
        %get3A_336 = tpu.vector_load %arg10[%get3A_334, %get3A_335] {strides = array<i32>} : memref<128x128xf32, #tpu.memory_space<vmem>>, vector<1x16xf32>,
        %get3A_337 = vector.shape_cast %get3A_336 : vector<1x16xf32> to vector<16xf32>
        %mul3A_338 = arith.mulf %get3A_333, %get3A_337 : vector<16xf32>
        %swap3A = arith.constant 0 : i32
        %swap3A_339 = arith.index_cast %swap3A : i32 to index
        %swap3A_340 = arith.index_cast %add3A_328 : i32 to index
        %swap3A_341 = arith.constant 0 : index
        %swap3A_342 = tpu.vector_load %arg9[%swap3A_339, %swap3A_340, %swap3A_341] {strides = array<i32>} : memref<2x128x128xf32, #tpu.memory_space<vmem>>, vector<1x1x16xf32>,
        %swap3A_343 = vector.shape_cast %swap3A_342 : vector<1x1x16xf32> to vector<16xf32>
        %swap3A_344 = vector.shape_cast %mul3A_338 : vector<16xf32> to vector<1x1x16xf32>
        tpu.vector_store %arg9[%swap3A_339, %swap3A_340, %swap3A_341], %swap3A_344 {strides = array<i32>} : memref<2x128x128xf32, #tpu.memory_space<vmem>>, vector<1x1x16xf32>,
        %get3A_345 = arith.constant 0 : i32
        %get3A_346 = arith.index_cast %get3A_345 : i32 to index
        %get3A_347 = arith.index_cast %add3A_328 : i32 to index
        %get3A_348 = arith.constant 16 : index
        %get3A_349 = tpu.vector_load %arg9[%get3A_346, %get3A_347, %get3A_348] {strides = array<i32>} : memref<2x128x128xf32, #tpu.memory_space<vmem>>, vector<1x1x16xf32>,
        %get3A_350 = vector.shape_cast %get3A_349 : vector<1x1x16xf32> to vector<16xf32>
        %get3A_351 = arith.index_cast %add3A_328 : i32 to index
        %get3A_352 = arith.constant 16 : index
        %get3A_353 = tpu.vector_load %arg10[%get3A_351, %get3A_352] {strides = array<i32>} : memref<128x128xf32, #tpu.memory_space<vmem>>, vector<1x16xf32>,
        %get3A_354 = vector.shape_cast %get3A_353 : vector<1x16xf32> to vector<16xf32>
        %mul3A_355 = arith.mulf %get3A_350, %get3A_354 : vector<16xf32>
        %swap3A_356 = arith.constant 0 : i32
        %swap3A_357 = arith.index_cast %swap3A_356 : i32 to index
        %swap3A_358 = arith.index_cast %add3A_328 : i32 to index
        %swap3A_359 = arith.constant 16 : index
        %swap3A_360 = tpu.vector_load %arg9[%swap3A_357, %swap3A_358, %swap3A_359] {strides = array<i32>} : memref<2x128x128xf32, #tpu.memory_space<vmem>>, vector<1x1x16xf32>,
        %swap3A_361 = vector.shape_cast %swap3A_360 : vector<1x1x16xf32> to vector<16xf32>
        %swap3A_362 = vector.shape_cast %mul3A_355 : vector<16xf32> to vector<1x1x16xf32>
        tpu.vector_store %arg9[%swap3A_357, %swap3A_358, %swap3A_359], %swap3A_362 {strides = array<i32>} : memref<2x128x128xf32, #tpu.memory_space<vmem>>, vector<1x1x16xf32>,
        %get3A_363 = arith.constant 0 : i32
        %get3A_364 = arith.index_cast %get3A_363 : i32 to index
        %get3A_365 = arith.index_cast %add3A_328 : i32 to index
        %get3A_366 = arith.constant 32 : index
        %get3A_367 = tpu.vector_load %arg9[%get3A_364, %get3A_365, %get3A_366] {strides = array<i32>} : memref<2x128x128xf32, #tpu.memory_space<vmem>>, vector<1x1x16xf32>,
        %get3A_368 = vector.shape_cast %get3A_367 : vector<1x1x16xf32> to vector<16xf32>
        %get3A_369 = arith.index_cast %add3A_328 : i32 to index
        %get3A_370 = arith.constant 32 : index
        %get3A_371 = tpu.vector_load %arg10[%get3A_369, %get3A_370] {strides = array<i32>} : memref<128x128xf32, #tpu.memory_space<vmem>>, vector<1x16xf32>,
        %get3A_372 = vector.shape_cast %get3A_371 : vector<1x16xf32> to vector<16xf32>
        %mul3A_373 = arith.mulf %get3A_368, %get3A_372 : vector<16xf32>
        %swap3A_374 = arith.constant 0 : i32
        %swap3A_375 = arith.index_cast %swap3A_374 : i32 to index
        %swap3A_376 = arith.index_cast %add3A_328 : i32 to index
        %swap3A_377 = arith.constant 32 : index
        %swap3A_378 = tpu.vector_load %arg9[%swap3A_375, %swap3A_376, %swap3A_377] {strides = array<i32>} : memref<2x128x128xf32, #tpu.memory_space<vmem>>, vector<1x1x16xf32>,
        %swap3A_379 = vector.shape_cast %swap3A_378 : vector<1x1x16xf32> to vector<16xf32>
        %swap3A_380 = vector.shape_cast %mul3A_373 : vector<16xf32> to vector<1x1x16xf32>
        tpu.vector_store %arg9[%swap3A_375, %swap3A_376, %swap3A_377], %swap3A_380 {strides = array<i32>} : memref<2x128x128xf32, #tpu.memory_space<vmem>>, vector<1x1x16xf32>,
        %get3A_381 = arith.constant 0 : i32
        %get3A_382 = arith.index_cast %get3A_381 : i32 to index
        %get3A_383 = arith.index_cast %add3A_328 : i32 to index
        %get3A_384 = arith.constant 48 : index
        %get3A_385 = tpu.vector_load %arg9[%get3A_382, %get3A_383, %get3A_384] {strides = array<i32>} : memref<2x128x128xf32, #tpu.memory_space<vmem>>, vector<1x1x16xf32>,
        %get3A_386 = vector.shape_cast %get3A_385 : vector<1x1x16xf32> to vector<16xf32>
        %get3A_387 = arith.index_cast %add3A_328 : i32 to index
        %get3A_388 = arith.constant 48 : index
        %get3A_389 = tpu.vector_load %arg10[%get3A_387, %get3A_388] {strides = array<i32>} : memref<128x128xf32, #tpu.memory_space<vmem>>, vector<1x16xf32>,
        %get3A_390 = vector.shape_cast %get3A_389 : vector<1x16xf32> to vector<16xf32>
        %mul3A_391 = arith.mulf %get3A_386, %get3A_390 : vector<16xf32>
        %swap3A_392 = arith.constant 0 : i32
        %swap3A_393 = arith.index_cast %swap3A_392 : i32 to index
        %swap3A_394 = arith.index_cast %add3A_328 : i32 to index
        %swap3A_395 = arith.constant 48 : index
        %swap3A_396 = tpu.vector_load %arg9[%swap3A_393, %swap3A_394, %swap3A_395] {strides = array<i32>} : memref<2x128x128xf32, #tpu.memory_space<vmem>>, vector<1x1x16xf32>,
        %swap3A_397 = vector.shape_cast %swap3A_396 : vector<1x1x16xf32> to vector<16xf32>
        %swap3A_398 = vector.shape_cast %mul3A_391 : vector<16xf32> to vector<1x1x16xf32>
        tpu.vector_store %arg9[%swap3A_393, %swap3A_394, %swap3A_395], %swap3A_398 {strides = array<i32>} : memref<2x128x128xf32, #tpu.memory_space<vmem>>, vector<1x1x16xf32>,
        %get3A_399 = arith.constant 0 : i32
        %get3A_400 = arith.index_cast %get3A_399 : i32 to index
        %get3A_401 = arith.index_cast %add3A_328 : i32 to index
        %get3A_402 = arith.constant 64 : index
        %get3A_403 = tpu.vector_load %arg9[%get3A_400, %get3A_401, %get3A_402] {strides = array<i32>} : memref<2x128x128xf32, #tpu.memory_space<vmem>>, vector<1x1x16xf32>,
        %get3A_404 = vector.shape_cast %get3A_403 : vector<1x1x16xf32> to vector<16xf32>
        %get3A_405 = arith.index_cast %add3A_328 : i32 to index
        %get3A_406 = arith.constant 64 : index
        %get3A_407 = tpu.vector_load %arg10[%get3A_405, %get3A_406] {strides = array<i32>} : memref<128x128xf32, #tpu.memory_space<vmem>>, vector<1x16xf32>,
        %get3A_408 = vector.shape_cast %get3A_407 : vector<1x16xf32> to vector<16xf32>
        %mul3A_409 = arith.mulf %get3A_404, %get3A_408 : vector<16xf32>
        %swap3A_410 = arith.constant 0 : i32
        %swap3A_411 = arith.index_cast %swap3A_410 : i32 to index
        %swap3A_412 = arith.index_cast %add3A_328 : i32 to index
        %swap3A_413 = arith.constant 64 : index
        %swap3A_414 = tpu.vector_load %arg9[%swap3A_411, %swap3A_412, %swap3A_413] {strides = array<i32>} : memref<2x128x128xf32, #tpu.memory_space<vmem>>, vector<1x1x16xf32>,
        %swap3A_415 = vector.shape_cast %swap3A_414 : vector<1x1x16xf32> to vector<16xf32>
        %swap3A_416 = vector.shape_cast %mul3A_409 : vector<16xf32> to vector<1x1x16xf32>
        tpu.vector_store %arg9[%swap3A_411, %swap3A_412, %swap3A_413], %swap3A_416 {strides = array<i32>} : memref<2x128x128xf32, #tpu.memory_space<vmem>>, vector<1x1x16xf32>,
        %get3A_417 = arith.constant 0 : i32
        %get3A_418 = arith.index_cast %get3A_417 : i32 to index
        %get3A_419 = arith.index_cast %add3A_328 : i32 to index
        %get3A_420 = arith.constant 80 : index
        %get3A_421 = tpu.vector_load %arg9[%get3A_418, %get3A_419, %get3A_420] {strides = array<i32>} : memref<2x128x128xf32, #tpu.memory_space<vmem>>, vector<1x1x16xf32>,
        %get3A_422 = vector.shape_cast %get3A_421 : vector<1x1x16xf32> to vector<16xf32>
        %get3A_423 = arith.index_cast %add3A_328 : i32 to index
        %get3A_424 = arith.constant 80 : index
        %get3A_425 = tpu.vector_load %arg10[%get3A_423, %get3A_424] {strides = array<i32>} : memref<128x128xf32, #tpu.memory_space<vmem>>, vector<1x16xf32>,
        %get3A_426 = vector.shape_cast %get3A_425 : vector<1x16xf32> to vector<16xf32>
        %mul3A_427 = arith.mulf %get3A_422, %get3A_426 : vector<16xf32>
        %swap3A_428 = arith.constant 0 : i32
        %swap3A_429 = arith.index_cast %swap3A_428 : i32 to index
        %swap3A_430 = arith.index_cast %add3A_328 : i32 to index
        %swap3A_431 = arith.constant 80 : index
        %swap3A_432 = tpu.vector_load %arg9[%swap3A_429, %swap3A_430, %swap3A_431] {strides = array<i32>} : memref<2x128x128xf32, #tpu.memory_space<vmem>>, vector<1x1x16xf32>,
        %swap3A_433 = vector.shape_cast %swap3A_432 : vector<1x1x16xf32> to vector<16xf32>
        %swap3A_434 = vector.shape_cast %mul3A_427 : vector<16xf32> to vector<1x1x16xf32>
        tpu.vector_store %arg9[%swap3A_429, %swap3A_430, %swap3A_431], %swap3A_434 {strides = array<i32>} : memref<2x128x128xf32, #tpu.memory_space<vmem>>, vector<1x1x16xf32>,
        %get3A_435 = arith.constant 0 : i32
        %get3A_436 = arith.index_cast %get3A_435 : i32 to index
        %get3A_437 = arith.index_cast %add3A_328 : i32 to index
        %get3A_438 = arith.constant 96 : index
        %get3A_439 = tpu.vector_load %arg9[%get3A_436, %get3A_437, %get3A_438] {strides = array<i32>} : memref<2x128x128xf32, #tpu.memory_space<vmem>>, vector<1x1x16xf32>,
        %get3A_440 = vector.shape_cast %get3A_439 : vector<1x1x16xf32> to vector<16xf32>
        %get3A_441 = arith.index_cast %add3A_328 : i32 to index
        %get3A_442 = arith.constant 96 : index
        %get3A_443 = tpu.vector_load %arg10[%get3A_441, %get3A_442] {strides = array<i32>} : memref<128x128xf32, #tpu.memory_space<vmem>>, vector<1x16xf32>,
        %get3A_444 = vector.shape_cast %get3A_443 : vector<1x16xf32> to vector<16xf32>
        %mul3A_445 = arith.mulf %get3A_440, %get3A_444 : vector<16xf32>
        %swap3A_446 = arith.constant 0 : i32
        %swap3A_447 = arith.index_cast %swap3A_446 : i32 to index
        %swap3A_448 = arith.index_cast %add3A_328 : i32 to index
        %swap3A_449 = arith.constant 96 : index
        %swap3A_450 = tpu.vector_load %arg9[%swap3A_447, %swap3A_448, %swap3A_449] {strides = array<i32>} : memref<2x128x128xf32, #tpu.memory_space<vmem>>, vector<1x1x16xf32>,
        %swap3A_451 = vector.shape_cast %swap3A_450 : vector<1x1x16xf32> to vector<16xf32>
        %swap3A_452 = vector.shape_cast %mul3A_445 : vector<16xf32> to vector<1x1x16xf32>
        tpu.vector_store %arg9[%swap3A_447, %swap3A_448, %swap3A_449], %swap3A_452 {strides = array<i32>} : memref<2x128x128xf32, #tpu.memory_space<vmem>>, vector<1x1x16xf32>,
        %get3A_453 = arith.constant 0 : i32
        %get3A_454 = arith.index_cast %get3A_453 : i32 to index
        %get3A_455 = arith.index_cast %add3A_328 : i32 to index
        %get3A_456 = arith.constant 112 : index
        %get3A_457 = tpu.vector_load %arg9[%get3A_454, %get3A_455, %get3A_456] {strides = array<i32>} : memref<2x128x128xf32, #tpu.memory_space<vmem>>, vector<1x1x16xf32>,
        %get3A_458 = vector.shape_cast %get3A_457 : vector<1x1x16xf32> to vector<16xf32>
        %get3A_459 = arith.index_cast %add3A_328 : i32 to index
        %get3A_460 = arith.constant 112 : index
        %get3A_461 = tpu.vector_load %arg10[%get3A_459, %get3A_460] {strides = array<i32>} : memref<128x128xf32, #tpu.memory_space<vmem>>, vector<1x16xf32>,
        %get3A_462 = vector.shape_cast %get3A_461 : vector<1x16xf32> to vector<16xf32>
        %mul3A_463 = arith.mulf %get3A_458, %get3A_462 : vector<16xf32>
        %swap3A_464 = arith.constant 0 : i32
        %swap3A_465 = arith.index_cast %swap3A_464 : i32 to index
        %swap3A_466 = arith.index_cast %add3A_328 : i32 to index
        %swap3A_467 = arith.constant 112 : index
        %swap3A_468 = tpu.vector_load %arg9[%swap3A_465, %swap3A_466, %swap3A_467] {strides = array<i32>} : memref<2x128x128xf32, #tpu.memory_space<vmem>>, vector<1x1x16xf32>,
        %swap3A_469 = vector.shape_cast %swap3A_468 : vector<1x1x16xf32> to vector<16xf32>
        %swap3A_470 = vector.shape_cast %mul3A_463 : vector<16xf32> to vector<1x1x16xf32>
        tpu.vector_store %arg9[%swap3A_465, %swap3A_466, %swap3A_467], %swap3A_470 {strides = array<i32>} : memref<2x128x128xf32, #tpu.memory_space<vmem>>, vector<1x1x16xf32>,
      }
      %scan3A_116 = arith.constant 128 : i32
      %add3A_117 = arith.constant 1 : i32
      %add3A_118 = arith.addi %add3A_65, %add3A_117 : i32
      %mul3A_119 = arith.constant 128 : i32
      %mul3A_120 = arith.muli %add3A_118, %mul3A_119 : i32
      %dma_start3A_121 = arith.constant 0 : i32
      %dma_start3A_122 = tpu.memref_slice %arg5[%mul3A_120, %dma_start3A_121] : memref<327680x128xf32, #tpu.memory_space<hbm>> -> memref<128x128xf32, #tpu.memory_space<hbm>>
      %dma_start3A_123 = arith.constant 0 : i32
      %dma_start3A_124 = tpu.memref_slice %arg5[%mul3A_120, %dma_start3A_123] : memref<327680x128xf32, #tpu.memory_space<hbm>> -> memref<128x128xf32, #tpu.memory_space<hbm>>
      tpu.enqueue_dma source(%dma_start3A_124 : memref<128x128xf32, #tpu.memory_space<hbm>>) target(%arg10 : memref<128x128xf32, #tpu.memory_space<vmem>>) target_semaphore(%arg14 : memref<!tpu.dma_semaphore, #tpu.memory_space<semaphore_mem>>)
      %dma_start3A_125 = arith.constant 0 : i32
      %dma_start3A_126 = arith.constant 0 : i32
      %dma_start3A_127 = arith.constant 0 : i32
      %dma_start3A_128 = arith.constant 0 : i32
      %dma_start3A_129 = tpu.memref_slice %arg9[%dma_start3A_125, %dma_start3A_127, %dma_start3A_128] : memref<2x128x128xf32, #tpu.memory_space<vmem>> -> memref<1x128x128xf32, #tpu.memory_space<vmem>>
      %dma_start3A_130 = tpu.memref_squeeze %dma_start3A_129 : memref<1x128x128xf32, #tpu.memory_space<vmem>> -> memref<128x128xf32, #tpu.memory_space<vmem>>
      %dma_start3A_131 = arith.constant 0 : i32
      %dma_start3A_132 = tpu.memref_slice %arg8[%dma_start3A_126, %dma_start3A_131] : memref<4x128xi32, #tpu.memory_space<vmem>> -> memref<1x128xi32, #tpu.memory_space<vmem>>
      %dma_start3A_133 = tpu.memref_squeeze %dma_start3A_132 : memref<1x128xi32, #tpu.memory_space<vmem>> -> memref<128xi32, #tpu.memory_space<vmem>>
      %dma_start3A_134 = arith.constant 0 : i32
      %dma_start3A_135 = arith.constant 0 : i32
      %dma_start3A_136 = tpu.memref_slice %arg11[%dma_start3A_134, %dma_start3A_135] : memref<10000x128xf32, #tpu.memory_space<vmem_shared>> -> memref<10000x128xf32, #tpu.memory_space<vmem_shared>>
      tpu.enqueue_indirect_dma source(%dma_start3A_130 : memref<128x128xf32, #tpu.memory_space<vmem>>) target(%dma_start3A_136 : memref<10000x128xf32, #tpu.memory_space<vmem_shared>>) offsets(%dma_start3A_133 : memref<128xi32, #tpu.memory_space<vmem>>) semaphore(%arg15 : memref<!tpu.dma_semaphore, #tpu.memory_space<semaphore_mem>>) {add = true}
      %dma_wait3A_137 = arith.constant 0 : i32
      %dma_wait3A_138 = arith.constant 0 : i32
      %dma_wait3A_139 = arith.constant 0 : i32
      %dma_wait3A_140 = arith.constant 0 : i32
      %dma_wait3A_141 = tpu.memref_slice %arg9[%dma_wait3A_137, %dma_wait3A_139, %dma_wait3A_140] : memref<2x128x128xf32, #tpu.memory_space<vmem>> -> memref<1x128x128xf32, #tpu.memory_space<vmem>>
      %dma_wait3A_142 = tpu.memref_squeeze %dma_wait3A_141 : memref<1x128x128xf32, #tpu.memory_space<vmem>> -> memref<128x128xf32, #tpu.memory_space<vmem>>
      %dma_wait3A_143 = arith.constant 0 : i32
      %dma_wait3A_144 = tpu.memref_slice %arg8[%dma_wait3A_138, %dma_wait3A_143] : memref<4x128xi32, #tpu.memory_space<vmem>> -> memref<1x128xi32, #tpu.memory_space<vmem>>
      %dma_wait3A_145 = tpu.memref_squeeze %dma_wait3A_144 : memref<1x128xi32, #tpu.memory_space<vmem>> -> memref<128xi32, #tpu.memory_space<vmem>>
      %dma_wait3A_146 = arith.constant 0 : i32
      %dma_wait3A_147 = arith.constant 0 : i32
      %dma_wait3A_148 = tpu.memref_slice %arg11[%dma_wait3A_146, %dma_wait3A_147] : memref<10000x128xf32, #tpu.memory_space<vmem_shared>> -> memref<10000x128xf32, #tpu.memory_space<vmem_shared>>
      tpu.wait_indirect_dma semaphore(%arg15 : memref<!tpu.dma_semaphore, #tpu.memory_space<semaphore_mem>>) src(%dma_wait3A_142 : memref<128x128xf32, #tpu.memory_space<vmem>>) dst(%dma_wait3A_148 : memref<10000x128xf32, #tpu.memory_space<vmem_shared>>)
      %dma_start3A_149 = arith.constant 2 : i32
      %dma_start3A_150 = arith.constant 0 : i32
      %dma_start3A_151 = arith.constant 0 : i32
      %dma_start3A_152 = arith.constant 0 : i32
      %dma_start3A_153 = tpu.memref_slice %arg9[%dma_start3A_150, %dma_start3A_151, %dma_start3A_152] : memref<2x128x128xf32, #tpu.memory_space<vmem>> -> memref<1x128x128xf32, #tpu.memory_space<vmem>>
      %dma_start3A_154 = tpu.memref_squeeze %dma_start3A_153 : memref<1x128x128xf32, #tpu.memory_space<vmem>> -> memref<128x128xf32, #tpu.memory_space<vmem>>
      %dma_start3A_155 = arith.constant 0 : i32
      %dma_start3A_156 = tpu.memref_slice %arg7[%dma_start3A_149, %dma_start3A_155] : memref<4x128xi32, #tpu.memory_space<vmem>> -> memref<1x128xi32, #tpu.memory_space<vmem>>
      %dma_start3A_157 = tpu.memref_squeeze %dma_start3A_156 : memref<1x128xi32, #tpu.memory_space<vmem>> -> memref<128xi32, #tpu.memory_space<vmem>>
      %dma_start3A_158 = arith.constant 0 : i32
      %dma_start3A_159 = arith.constant 0 : i32
      %dma_start3A_160 = tpu.memref_slice %arg11[%dma_start3A_158, %dma_start3A_159] : memref<10000x128xf32, #tpu.memory_space<vmem_shared>> -> memref<10000x128xf32, #tpu.memory_space<vmem_shared>>
      tpu.enqueue_indirect_dma source(%dma_start3A_160 : memref<10000x128xf32, #tpu.memory_space<vmem_shared>>) target(%dma_start3A_154 : memref<128x128xf32, #tpu.memory_space<vmem>>) offsets(%dma_start3A_157 : memref<128xi32, #tpu.memory_space<vmem>>) semaphore(%arg12 : memref<!tpu.dma_semaphore, #tpu.memory_space<semaphore_mem>>)
      %dma_wait3A_161 = arith.constant 1 : i32
      %dma_wait3A_162 = arith.constant 1 : i32
      %dma_wait3A_163 = arith.constant 0 : i32
      %dma_wait3A_164 = arith.constant 0 : i32
      %dma_wait3A_165 = tpu.memref_slice %arg9[%dma_wait3A_162, %dma_wait3A_163, %dma_wait3A_164] : memref<2x128x128xf32, #tpu.memory_space<vmem>> -> memref<1x128x128xf32, #tpu.memory_space<vmem>>
      %dma_wait3A_166 = tpu.memref_squeeze %dma_wait3A_165 : memref<1x128x128xf32, #tpu.memory_space<vmem>> -> memref<128x128xf32, #tpu.memory_space<vmem>>
      %dma_wait3A_167 = arith.constant 0 : i32
      %dma_wait3A_168 = tpu.memref_slice %arg7[%dma_wait3A_161, %dma_wait3A_167] : memref<4x128xi32, #tpu.memory_space<vmem>> -> memref<1x128xi32, #tpu.memory_space<vmem>>
      %dma_wait3A_169 = tpu.memref_squeeze %dma_wait3A_168 : memref<1x128xi32, #tpu.memory_space<vmem>> -> memref<128xi32, #tpu.memory_space<vmem>>
      %dma_wait3A_170 = arith.constant 0 : i32
      %dma_wait3A_171 = arith.constant 0 : i32
      %dma_wait3A_172 = tpu.memref_slice %arg11[%dma_wait3A_170, %dma_wait3A_171] : memref<10000x128xf32, #tpu.memory_space<vmem_shared>> -> memref<10000x128xf32, #tpu.memory_space<vmem_shared>>
      tpu.wait_indirect_dma semaphore(%arg13 : memref<!tpu.dma_semaphore, #tpu.memory_space<semaphore_mem>>) src(%dma_wait3A_172 : memref<10000x128xf32, #tpu.memory_space<vmem_shared>>) dst(%dma_wait3A_166 : memref<128x128xf32, #tpu.memory_space<vmem>>)
      %dma_wait3A_173 = arith.constant 0 : i32
      %dma_wait3A_174 = tpu.memref_slice %arg5[%mul3A_120, %dma_wait3A_173] : memref<327680x128xf32, #tpu.memory_space<hbm>> -> memref<128x128xf32, #tpu.memory_space<hbm>>
      %dma_wait3A_175 = arith.constant 0 : i32
      %dma_wait3A_176 = tpu.memref_slice %arg5[%mul3A_120, %dma_wait3A_175] : memref<327680x128xf32, #tpu.memory_space<hbm>> -> memref<128x128xf32, #tpu.memory_space<hbm>>
      tpu.wait_dma2 semaphore(%arg14 : memref<!tpu.dma_semaphore, #tpu.memory_space<semaphore_mem>>) src(%dma_wait3A_176 : memref<128x128xf32, #tpu.memory_space<hbm>>) dst(%arg10 : memref<128x128xf32, #tpu.memory_space<vmem>>)
      %scan3A_177 = arith.constant 0 : i32
      %scan3A_178 = arith.constant 128 : i32
      %scan3A_179 = arith.addi %scan3A_177, %scan3A_178 : i32
      %scan3A_180 = arith.constant 1 : i32
      scf.for %scan3A_324 = %scan3A_177 to %scan3A_179 step %scan3A_180  : i32 {
        %mul3A_325 = arith.constant 1 : i32
        %mul3A_326 = arith.muli %scan3A_324, %mul3A_325 : i32
        %add3A_327 = arith.constant 0 : i32
        %add3A_328 = arith.addi %add3A_327, %mul3A_326 : i32
        %get3A = arith.constant 1 : i32
        %get3A_329 = arith.index_cast %get3A : i32 to index
        %get3A_330 = arith.index_cast %add3A_328 : i32 to index
        %get3A_331 = arith.constant 0 : index
        %get3A_332 = tpu.vector_load %arg9[%get3A_329, %get3A_330, %get3A_331] {strides = array<i32>} : memref<2x128x128xf32, #tpu.memory_space<vmem>>, vector<1x1x16xf32>,
        %get3A_333 = vector.shape_cast %get3A_332 : vector<1x1x16xf32> to vector<16xf32>
        %get3A_334 = arith.index_cast %add3A_328 : i32 to index
        %get3A_335 = arith.constant 0 : index
        %get3A_336 = tpu.vector_load %arg10[%get3A_334, %get3A_335] {strides = array<i32>} : memref<128x128xf32, #tpu.memory_space<vmem>>, vector<1x16xf32>,
        %get3A_337 = vector.shape_cast %get3A_336 : vector<1x16xf32> to vector<16xf32>
        %mul3A_338 = arith.mulf %get3A_333, %get3A_337 : vector<16xf32>
        %swap3A = arith.constant 1 : i32
        %swap3A_339 = arith.index_cast %swap3A : i32 to index
        %swap3A_340 = arith.index_cast %add3A_328 : i32 to index
        %swap3A_341 = arith.constant 0 : index
        %swap3A_342 = tpu.vector_load %arg9[%swap3A_339, %swap3A_340, %swap3A_341] {strides = array<i32>} : memref<2x128x128xf32, #tpu.memory_space<vmem>>, vector<1x1x16xf32>,
        %swap3A_343 = vector.shape_cast %swap3A_342 : vector<1x1x16xf32> to vector<16xf32>
        %swap3A_344 = vector.shape_cast %mul3A_338 : vector<16xf32> to vector<1x1x16xf32>
        tpu.vector_store %arg9[%swap3A_339, %swap3A_340, %swap3A_341], %swap3A_344 {strides = array<i32>} : memref<2x128x128xf32, #tpu.memory_space<vmem>>, vector<1x1x16xf32>,
        %get3A_345 = arith.constant 1 : i32
        %get3A_346 = arith.index_cast %get3A_345 : i32 to index
        %get3A_347 = arith.index_cast %add3A_328 : i32 to index
        %get3A_348 = arith.constant 16 : index
        %get3A_349 = tpu.vector_load %arg9[%get3A_346, %get3A_347, %get3A_348] {strides = array<i32>} : memref<2x128x128xf32, #tpu.memory_space<vmem>>, vector<1x1x16xf32>,
        %get3A_350 = vector.shape_cast %get3A_349 : vector<1x1x16xf32> to vector<16xf32>
        %get3A_351 = arith.index_cast %add3A_328 : i32 to index
        %get3A_352 = arith.constant 16 : index
        %get3A_353 = tpu.vector_load %arg10[%get3A_351, %get3A_352] {strides = array<i32>} : memref<128x128xf32, #tpu.memory_space<vmem>>, vector<1x16xf32>,
        %get3A_354 = vector.shape_cast %get3A_353 : vector<1x16xf32> to vector<16xf32>
        %mul3A_355 = arith.mulf %get3A_350, %get3A_354 : vector<16xf32>
        %swap3A_356 = arith.constant 1 : i32
        %swap3A_357 = arith.index_cast %swap3A_356 : i32 to index
        %swap3A_358 = arith.index_cast %add3A_328 : i32 to index
        %swap3A_359 = arith.constant 16 : index
        %swap3A_360 = tpu.vector_load %arg9[%swap3A_357, %swap3A_358, %swap3A_359] {strides = array<i32>} : memref<2x128x128xf32, #tpu.memory_space<vmem>>, vector<1x1x16xf32>,
        %swap3A_361 = vector.shape_cast %swap3A_360 : vector<1x1x16xf32> to vector<16xf32>
        %swap3A_362 = vector.shape_cast %mul3A_355 : vector<16xf32> to vector<1x1x16xf32>
        tpu.vector_store %arg9[%swap3A_357, %swap3A_358, %swap3A_359], %swap3A_362 {strides = array<i32>} : memref<2x128x128xf32, #tpu.memory_space<vmem>>, vector<1x1x16xf32>,
        %get3A_363 = arith.constant 1 : i32
        %get3A_364 = arith.index_cast %get3A_363 : i32 to index
        %get3A_365 = arith.index_cast %add3A_328 : i32 to index
        %get3A_366 = arith.constant 32 : index
        %get3A_367 = tpu.vector_load %arg9[%get3A_364, %get3A_365, %get3A_366] {strides = array<i32>} : memref<2x128x128xf32, #tpu.memory_space<vmem>>, vector<1x1x16xf32>,
        %get3A_368 = vector.shape_cast %get3A_367 : vector<1x1x16xf32> to vector<16xf32>
        %get3A_369 = arith.index_cast %add3A_328 : i32 to index
        %get3A_370 = arith.constant 32 : index
        %get3A_371 = tpu.vector_load %arg10[%get3A_369, %get3A_370] {strides = array<i32>} : memref<128x128xf32, #tpu.memory_space<vmem>>, vector<1x16xf32>,
        %get3A_372 = vector.shape_cast %get3A_371 : vector<1x16xf32> to vector<16xf32>
        %mul3A_373 = arith.mulf %get3A_368, %get3A_372 : vector<16xf32>
        %swap3A_374 = arith.constant 1 : i32
        %swap3A_375 = arith.index_cast %swap3A_374 : i32 to index
        %swap3A_376 = arith.index_cast %add3A_328 : i32 to index
        %swap3A_377 = arith.constant 32 : index
        %swap3A_378 = tpu.vector_load %arg9[%swap3A_375, %swap3A_376, %swap3A_377] {strides = array<i32>} : memref<2x128x128xf32, #tpu.memory_space<vmem>>, vector<1x1x16xf32>,
        %swap3A_379 = vector.shape_cast %swap3A_378 : vector<1x1x16xf32> to vector<16xf32>
        %swap3A_380 = vector.shape_cast %mul3A_373 : vector<16xf32> to vector<1x1x16xf32>
        tpu.vector_store %arg9[%swap3A_375, %swap3A_376, %swap3A_377], %swap3A_380 {strides = array<i32>} : memref<2x128x128xf32, #tpu.memory_space<vmem>>, vector<1x1x16xf32>,
        %get3A_381 = arith.constant 1 : i32
        %get3A_382 = arith.index_cast %get3A_381 : i32 to index
        %get3A_383 = arith.index_cast %add3A_328 : i32 to index
        %get3A_384 = arith.constant 48 : index
        %get3A_385 = tpu.vector_load %arg9[%get3A_382, %get3A_383, %get3A_384] {strides = array<i32>} : memref<2x128x128xf32, #tpu.memory_space<vmem>>, vector<1x1x16xf32>,
        %get3A_386 = vector.shape_cast %get3A_385 : vector<1x1x16xf32> to vector<16xf32>
        %get3A_387 = arith.index_cast %add3A_328 : i32 to index
        %get3A_388 = arith.constant 48 : index
        %get3A_389 = tpu.vector_load %arg10[%get3A_387, %get3A_388] {strides = array<i32>} : memref<128x128xf32, #tpu.memory_space<vmem>>, vector<1x16xf32>,
        %get3A_390 = vector.shape_cast %get3A_389 : vector<1x16xf32> to vector<16xf32>
        %mul3A_391 = arith.mulf %get3A_386, %get3A_390 : vector<16xf32>
        %swap3A_392 = arith.constant 1 : i32
        %swap3A_393 = arith.index_cast %swap3A_392 : i32 to index
        %swap3A_394 = arith.index_cast %add3A_328 : i32 to index
        %swap3A_395 = arith.constant 48 : index
        %swap3A_396 = tpu.vector_load %arg9[%swap3A_393, %swap3A_394, %swap3A_395] {strides = array<i32>} : memref<2x128x128xf32, #tpu.memory_space<vmem>>, vector<1x1x16xf32>,
        %swap3A_397 = vector.shape_cast %swap3A_396 : vector<1x1x16xf32> to vector<16xf32>
        %swap3A_398 = vector.shape_cast %mul3A_391 : vector<16xf32> to vector<1x1x16xf32>
        tpu.vector_store %arg9[%swap3A_393, %swap3A_394, %swap3A_395], %swap3A_398 {strides = array<i32>} : memref<2x128x128xf32, #tpu.memory_space<vmem>>, vector<1x1x16xf32>,
        %get3A_399 = arith.constant 1 : i32
        %get3A_400 = arith.index_cast %get3A_399 : i32 to index
        %get3A_401 = arith.index_cast %add3A_328 : i32 to index
        %get3A_402 = arith.constant 64 : index
        %get3A_403 = tpu.vector_load %arg9[%get3A_400, %get3A_401, %get3A_402] {strides = array<i32>} : memref<2x128x128xf32, #tpu.memory_space<vmem>>, vector<1x1x16xf32>,
        %get3A_404 = vector.shape_cast %get3A_403 : vector<1x1x16xf32> to vector<16xf32>
        %get3A_405 = arith.index_cast %add3A_328 : i32 to index
        %get3A_406 = arith.constant 64 : index
        %get3A_407 = tpu.vector_load %arg10[%get3A_405, %get3A_406] {strides = array<i32>} : memref<128x128xf32, #tpu.memory_space<vmem>>, vector<1x16xf32>,
        %get3A_408 = vector.shape_cast %get3A_407 : vector<1x16xf32> to vector<16xf32>
        %mul3A_409 = arith.mulf %get3A_404, %get3A_408 : vector<16xf32>
        %swap3A_410 = arith.constant 1 : i32
        %swap3A_411 = arith.index_cast %swap3A_410 : i32 to index
        %swap3A_412 = arith.index_cast %add3A_328 : i32 to index
        %swap3A_413 = arith.constant 64 : index
        %swap3A_414 = tpu.vector_load %arg9[%swap3A_411, %swap3A_412, %swap3A_413] {strides = array<i32>} : memref<2x128x128xf32, #tpu.memory_space<vmem>>, vector<1x1x16xf32>,
        %swap3A_415 = vector.shape_cast %swap3A_414 : vector<1x1x16xf32> to vector<16xf32>
        %swap3A_416 = vector.shape_cast %mul3A_409 : vector<16xf32> to vector<1x1x16xf32>
        tpu.vector_store %arg9[%swap3A_411, %swap3A_412, %swap3A_413], %swap3A_416 {strides = array<i32>} : memref<2x128x128xf32, #tpu.memory_space<vmem>>, vector<1x1x16xf32>,
        %get3A_417 = arith.constant 1 : i32
        %get3A_418 = arith.index_cast %get3A_417 : i32 to index
        %get3A_419 = arith.index_cast %add3A_328 : i32 to index
        %get3A_420 = arith.constant 80 : index
        %get3A_421 = tpu.vector_load %arg9[%get3A_418, %get3A_419, %get3A_420] {strides = array<i32>} : memref<2x128x128xf32, #tpu.memory_space<vmem>>, vector<1x1x16xf32>,
        %get3A_422 = vector.shape_cast %get3A_421 : vector<1x1x16xf32> to vector<16xf32>
        %get3A_423 = arith.index_cast %add3A_328 : i32 to index
        %get3A_424 = arith.constant 80 : index
        %get3A_425 = tpu.vector_load %arg10[%get3A_423, %get3A_424] {strides = array<i32>} : memref<128x128xf32, #tpu.memory_space<vmem>>, vector<1x16xf32>,
        %get3A_426 = vector.shape_cast %get3A_425 : vector<1x16xf32> to vector<16xf32>
        %mul3A_427 = arith.mulf %get3A_422, %get3A_426 : vector<16xf32>
        %swap3A_428 = arith.constant 1 : i32
        %swap3A_429 = arith.index_cast %swap3A_428 : i32 to index
        %swap3A_430 = arith.index_cast %add3A_328 : i32 to index
        %swap3A_431 = arith.constant 80 : index
        %swap3A_432 = tpu.vector_load %arg9[%swap3A_429, %swap3A_430, %swap3A_431] {strides = array<i32>} : memref<2x128x128xf32, #tpu.memory_space<vmem>>, vector<1x1x16xf32>,
        %swap3A_433 = vector.shape_cast %swap3A_432 : vector<1x1x16xf32> to vector<16xf32>
        %swap3A_434 = vector.shape_cast %mul3A_427 : vector<16xf32> to vector<1x1x16xf32>
        tpu.vector_store %arg9[%swap3A_429, %swap3A_430, %swap3A_431], %swap3A_434 {strides = array<i32>} : memref<2x128x128xf32, #tpu.memory_space<vmem>>, vector<1x1x16xf32>,
        %get3A_435 = arith.constant 1 : i32
        %get3A_436 = arith.index_cast %get3A_435 : i32 to index
        %get3A_437 = arith.index_cast %add3A_328 : i32 to index
        %get3A_438 = arith.constant 96 : index
        %get3A_439 = tpu.vector_load %arg9[%get3A_436, %get3A_437, %get3A_438] {strides = array<i32>} : memref<2x128x128xf32, #tpu.memory_space<vmem>>, vector<1x1x16xf32>,
        %get3A_440 = vector.shape_cast %get3A_439 : vector<1x1x16xf32> to vector<16xf32>
        %get3A_441 = arith.index_cast %add3A_328 : i32 to index
        %get3A_442 = arith.constant 96 : index
        %get3A_443 = tpu.vector_load %arg10[%get3A_441, %get3A_442] {strides = array<i32>} : memref<128x128xf32, #tpu.memory_space<vmem>>, vector<1x16xf32>,
        %get3A_444 = vector.shape_cast %get3A_443 : vector<1x16xf32> to vector<16xf32>
        %mul3A_445 = arith.mulf %get3A_440, %get3A_444 : vector<16xf32>
        %swap3A_446 = arith.constant 1 : i32
        %swap3A_447 = arith.index_cast %swap3A_446 : i32 to index
        %swap3A_448 = arith.index_cast %add3A_328 : i32 to index
        %swap3A_449 = arith.constant 96 : index
        %swap3A_450 = tpu.vector_load %arg9[%swap3A_447, %swap3A_448, %swap3A_449] {strides = array<i32>} : memref<2x128x128xf32, #tpu.memory_space<vmem>>, vector<1x1x16xf32>,
        %swap3A_451 = vector.shape_cast %swap3A_450 : vector<1x1x16xf32> to vector<16xf32>
        %swap3A_452 = vector.shape_cast %mul3A_445 : vector<16xf32> to vector<1x1x16xf32>
        tpu.vector_store %arg9[%swap3A_447, %swap3A_448, %swap3A_449], %swap3A_452 {strides = array<i32>} : memref<2x128x128xf32, #tpu.memory_space<vmem>>, vector<1x1x16xf32>,
        %get3A_453 = arith.constant 1 : i32
        %get3A_454 = arith.index_cast %get3A_453 : i32 to index
        %get3A_455 = arith.index_cast %add3A_328 : i32 to index
        %get3A_456 = arith.constant 112 : index
        %get3A_457 = tpu.vector_load %arg9[%get3A_454, %get3A_455, %get3A_456] {strides = array<i32>} : memref<2x128x128xf32, #tpu.memory_space<vmem>>, vector<1x1x16xf32>,
        %get3A_458 = vector.shape_cast %get3A_457 : vector<1x1x16xf32> to vector<16xf32>
        %get3A_459 = arith.index_cast %add3A_328 : i32 to index
        %get3A_460 = arith.constant 112 : index
        %get3A_461 = tpu.vector_load %arg10[%get3A_459, %get3A_460] {strides = array<i32>} : memref<128x128xf32, #tpu.memory_space<vmem>>, vector<1x16xf32>,
        %get3A_462 = vector.shape_cast %get3A_461 : vector<1x16xf32> to vector<16xf32>
        %mul3A_463 = arith.mulf %get3A_458, %get3A_462 : vector<16xf32>
        %swap3A_464 = arith.constant 1 : i32
        %swap3A_465 = arith.index_cast %swap3A_464 : i32 to index
        %swap3A_466 = arith.index_cast %add3A_328 : i32 to index
        %swap3A_467 = arith.constant 112 : index
        %swap3A_468 = tpu.vector_load %arg9[%swap3A_465, %swap3A_466, %swap3A_467] {strides = array<i32>} : memref<2x128x128xf32, #tpu.memory_space<vmem>>, vector<1x1x16xf32>,
        %swap3A_469 = vector.shape_cast %swap3A_468 : vector<1x1x16xf32> to vector<16xf32>
        %swap3A_470 = vector.shape_cast %mul3A_463 : vector<16xf32> to vector<1x1x16xf32>
        tpu.vector_store %arg9[%swap3A_465, %swap3A_466, %swap3A_467], %swap3A_470 {strides = array<i32>} : memref<2x128x128xf32, #tpu.memory_space<vmem>>, vector<1x1x16xf32>,
      }
      %scan3A_181 = arith.constant 128 : i32
      %add3A_182 = arith.constant 2 : i32
      %add3A_183 = arith.addi %add3A_65, %add3A_182 : i32
      %mul3A_184 = arith.constant 128 : i32
      %mul3A_185 = arith.muli %add3A_183, %mul3A_184 : i32
      %dma_start3A_186 = arith.constant 0 : i32
      %dma_start3A_187 = tpu.memref_slice %arg5[%mul3A_185, %dma_start3A_186] : memref<327680x128xf32, #tpu.memory_space<hbm>> -> memref<128x128xf32, #tpu.memory_space<hbm>>
      %dma_start3A_188 = arith.constant 0 : i32
      %dma_start3A_189 = tpu.memref_slice %arg5[%mul3A_185, %dma_start3A_188] : memref<327680x128xf32, #tpu.memory_space<hbm>> -> memref<128x128xf32, #tpu.memory_space<hbm>>
      tpu.enqueue_dma source(%dma_start3A_189 : memref<128x128xf32, #tpu.memory_space<hbm>>) target(%arg10 : memref<128x128xf32, #tpu.memory_space<vmem>>) target_semaphore(%arg14 : memref<!tpu.dma_semaphore, #tpu.memory_space<semaphore_mem>>)
      %dma_start3A_190 = arith.constant 1 : i32
      %dma_start3A_191 = arith.constant 1 : i32
      %dma_start3A_192 = arith.constant 0 : i32
      %dma_start3A_193 = arith.constant 0 : i32
      %dma_start3A_194 = tpu.memref_slice %arg9[%dma_start3A_190, %dma_start3A_192, %dma_start3A_193] : memref<2x128x128xf32, #tpu.memory_space<vmem>> -> memref<1x128x128xf32, #tpu.memory_space<vmem>>
      %dma_start3A_195 = tpu.memref_squeeze %dma_start3A_194 : memref<1x128x128xf32, #tpu.memory_space<vmem>> -> memref<128x128xf32, #tpu.memory_space<vmem>>
      %dma_start3A_196 = arith.constant 0 : i32
      %dma_start3A_197 = tpu.memref_slice %arg8[%dma_start3A_191, %dma_start3A_196] : memref<4x128xi32, #tpu.memory_space<vmem>> -> memref<1x128xi32, #tpu.memory_space<vmem>>
      %dma_start3A_198 = tpu.memref_squeeze %dma_start3A_197 : memref<1x128xi32, #tpu.memory_space<vmem>> -> memref<128xi32, #tpu.memory_space<vmem>>
      %dma_start3A_199 = arith.constant 0 : i32
      %dma_start3A_200 = arith.constant 0 : i32
      %dma_start3A_201 = tpu.memref_slice %arg11[%dma_start3A_199, %dma_start3A_200] : memref<10000x128xf32, #tpu.memory_space<vmem_shared>> -> memref<10000x128xf32, #tpu.memory_space<vmem_shared>>
      tpu.enqueue_indirect_dma source(%dma_start3A_195 : memref<128x128xf32, #tpu.memory_space<vmem>>) target(%dma_start3A_201 : memref<10000x128xf32, #tpu.memory_space<vmem_shared>>) offsets(%dma_start3A_198 : memref<128xi32, #tpu.memory_space<vmem>>) semaphore(%arg16 : memref<!tpu.dma_semaphore, #tpu.memory_space<semaphore_mem>>) {add = true}
      %dma_wait3A_202 = arith.constant 1 : i32
      %dma_wait3A_203 = arith.constant 1 : i32
      %dma_wait3A_204 = arith.constant 0 : i32
      %dma_wait3A_205 = arith.constant 0 : i32
      %dma_wait3A_206 = tpu.memref_slice %arg9[%dma_wait3A_202, %dma_wait3A_204, %dma_wait3A_205] : memref<2x128x128xf32, #tpu.memory_space<vmem>> -> memref<1x128x128xf32, #tpu.memory_space<vmem>>
      %dma_wait3A_207 = tpu.memref_squeeze %dma_wait3A_206 : memref<1x128x128xf32, #tpu.memory_space<vmem>> -> memref<128x128xf32, #tpu.memory_space<vmem>>
      %dma_wait3A_208 = arith.constant 0 : i32
      %dma_wait3A_209 = tpu.memref_slice %arg8[%dma_wait3A_203, %dma_wait3A_208] : memref<4x128xi32, #tpu.memory_space<vmem>> -> memref<1x128xi32, #tpu.memory_space<vmem>>
      %dma_wait3A_210 = tpu.memref_squeeze %dma_wait3A_209 : memref<1x128xi32, #tpu.memory_space<vmem>> -> memref<128xi32, #tpu.memory_space<vmem>>
      %dma_wait3A_211 = arith.constant 0 : i32
      %dma_wait3A_212 = arith.constant 0 : i32
      %dma_wait3A_213 = tpu.memref_slice %arg11[%dma_wait3A_211, %dma_wait3A_212] : memref<10000x128xf32, #tpu.memory_space<vmem_shared>> -> memref<10000x128xf32, #tpu.memory_space<vmem_shared>>
      tpu.wait_indirect_dma semaphore(%arg16 : memref<!tpu.dma_semaphore, #tpu.memory_space<semaphore_mem>>) src(%dma_wait3A_207 : memref<128x128xf32, #tpu.memory_space<vmem>>) dst(%dma_wait3A_213 : memref<10000x128xf32, #tpu.memory_space<vmem_shared>>)
      %dma_start3A_214 = arith.constant 3 : i32
      %dma_start3A_215 = arith.constant 1 : i32
      %dma_start3A_216 = arith.constant 0 : i32
      %dma_start3A_217 = arith.constant 0 : i32
      %dma_start3A_218 = tpu.memref_slice %arg9[%dma_start3A_215, %dma_start3A_216, %dma_start3A_217] : memref<2x128x128xf32, #tpu.memory_space<vmem>> -> memref<1x128x128xf32, #tpu.memory_space<vmem>>
      %dma_start3A_219 = tpu.memref_squeeze %dma_start3A_218 : memref<1x128x128xf32, #tpu.memory_space<vmem>> -> memref<128x128xf32, #tpu.memory_space<vmem>>
      %dma_start3A_220 = arith.constant 0 : i32
      %dma_start3A_221 = tpu.memref_slice %arg7[%dma_start3A_214, %dma_start3A_220] : memref<4x128xi32, #tpu.memory_space<vmem>> -> memref<1x128xi32, #tpu.memory_space<vmem>>
      %dma_start3A_222 = tpu.memref_squeeze %dma_start3A_221 : memref<1x128xi32, #tpu.memory_space<vmem>> -> memref<128xi32, #tpu.memory_space<vmem>>
      %dma_start3A_223 = arith.constant 0 : i32
      %dma_start3A_224 = arith.constant 0 : i32
      %dma_start3A_225 = tpu.memref_slice %arg11[%dma_start3A_223, %dma_start3A_224] : memref<10000x128xf32, #tpu.memory_space<vmem_shared>> -> memref<10000x128xf32, #tpu.memory_space<vmem_shared>>
      tpu.enqueue_indirect_dma source(%dma_start3A_225 : memref<10000x128xf32, #tpu.memory_space<vmem_shared>>) target(%dma_start3A_219 : memref<128x128xf32, #tpu.memory_space<vmem>>) offsets(%dma_start3A_222 : memref<128xi32, #tpu.memory_space<vmem>>) semaphore(%arg13 : memref<!tpu.dma_semaphore, #tpu.memory_space<semaphore_mem>>)
      %dma_wait3A_226 = arith.constant 2 : i32
      %dma_wait3A_227 = arith.constant 0 : i32
      %dma_wait3A_228 = arith.constant 0 : i32
      %dma_wait3A_229 = arith.constant 0 : i32
      %dma_wait3A_230 = tpu.memref_slice %arg9[%dma_wait3A_227, %dma_wait3A_228, %dma_wait3A_229] : memref<2x128x128xf32, #tpu.memory_space<vmem>> -> memref<1x128x128xf32, #tpu.memory_space<vmem>>
      %dma_wait3A_231 = tpu.memref_squeeze %dma_wait3A_230 : memref<1x128x128xf32, #tpu.memory_space<vmem>> -> memref<128x128xf32, #tpu.memory_space<vmem>>
      %dma_wait3A_232 = arith.constant 0 : i32
      %dma_wait3A_233 = tpu.memref_slice %arg7[%dma_wait3A_226, %dma_wait3A_232] : memref<4x128xi32, #tpu.memory_space<vmem>> -> memref<1x128xi32, #tpu.memory_space<vmem>>
      %dma_wait3A_234 = tpu.memref_squeeze %dma_wait3A_233 : memref<1x128xi32, #tpu.memory_space<vmem>> -> memref<128xi32, #tpu.memory_space<vmem>>
      %dma_wait3A_235 = arith.constant 0 : i32
      %dma_wait3A_236 = arith.constant 0 : i32
      %dma_wait3A_237 = tpu.memref_slice %arg11[%dma_wait3A_235, %dma_wait3A_236] : memref<10000x128xf32, #tpu.memory_space<vmem_shared>> -> memref<10000x128xf32, #tpu.memory_space<vmem_shared>>
      tpu.wait_indirect_dma semaphore(%arg12 : memref<!tpu.dma_semaphore, #tpu.memory_space<semaphore_mem>>) src(%dma_wait3A_237 : memref<10000x128xf32, #tpu.memory_space<vmem_shared>>) dst(%dma_wait3A_231 : memref<128x128xf32, #tpu.memory_space<vmem>>)
      %dma_wait3A_238 = arith.constant 0 : i32
      %dma_wait3A_239 = tpu.memref_slice %arg5[%mul3A_185, %dma_wait3A_238] : memref<327680x128xf32, #tpu.memory_space<hbm>> -> memref<128x128xf32, #tpu.memory_space<hbm>>
      %dma_wait3A_240 = arith.constant 0 : i32
      %dma_wait3A_241 = tpu.memref_slice %arg5[%mul3A_185, %dma_wait3A_240] : memref<327680x128xf32, #tpu.memory_space<hbm>> -> memref<128x128xf32, #tpu.memory_space<hbm>>
      tpu.wait_dma2 semaphore(%arg14 : memref<!tpu.dma_semaphore, #tpu.memory_space<semaphore_mem>>) src(%dma_wait3A_241 : memref<128x128xf32, #tpu.memory_space<hbm>>) dst(%arg10 : memref<128x128xf32, #tpu.memory_space<vmem>>)
      %scan3A_242 = arith.constant 0 : i32
      %scan3A_243 = arith.constant 128 : i32
      %scan3A_244 = arith.addi %scan3A_242, %scan3A_243 : i32
      %scan3A_245 = arith.constant 1 : i32
      scf.for %scan3A_324 = %scan3A_242 to %scan3A_244 step %scan3A_245  : i32 {
        %mul3A_325 = arith.constant 1 : i32
        %mul3A_326 = arith.muli %scan3A_324, %mul3A_325 : i32
        %add3A_327 = arith.constant 0 : i32
        %add3A_328 = arith.addi %add3A_327, %mul3A_326 : i32
        %get3A = arith.constant 0 : i32
        %get3A_329 = arith.index_cast %get3A : i32 to index
        %get3A_330 = arith.index_cast %add3A_328 : i32 to index
        %get3A_331 = arith.constant 0 : index
        %get3A_332 = tpu.vector_load %arg9[%get3A_329, %get3A_330, %get3A_331] {strides = array<i32>} : memref<2x128x128xf32, #tpu.memory_space<vmem>>, vector<1x1x16xf32>,
        %get3A_333 = vector.shape_cast %get3A_332 : vector<1x1x16xf32> to vector<16xf32>
        %get3A_334 = arith.index_cast %add3A_328 : i32 to index
        %get3A_335 = arith.constant 0 : index
        %get3A_336 = tpu.vector_load %arg10[%get3A_334, %get3A_335] {strides = array<i32>} : memref<128x128xf32, #tpu.memory_space<vmem>>, vector<1x16xf32>,
        %get3A_337 = vector.shape_cast %get3A_336 : vector<1x16xf32> to vector<16xf32>
        %mul3A_338 = arith.mulf %get3A_333, %get3A_337 : vector<16xf32>
        %swap3A = arith.constant 0 : i32
        %swap3A_339 = arith.index_cast %swap3A : i32 to index
        %swap3A_340 = arith.index_cast %add3A_328 : i32 to index
        %swap3A_341 = arith.constant 0 : index
        %swap3A_342 = tpu.vector_load %arg9[%swap3A_339, %swap3A_340, %swap3A_341] {strides = array<i32>} : memref<2x128x128xf32, #tpu.memory_space<vmem>>, vector<1x1x16xf32>,
        %swap3A_343 = vector.shape_cast %swap3A_342 : vector<1x1x16xf32> to vector<16xf32>
        %swap3A_344 = vector.shape_cast %mul3A_338 : vector<16xf32> to vector<1x1x16xf32>
        tpu.vector_store %arg9[%swap3A_339, %swap3A_340, %swap3A_341], %swap3A_344 {strides = array<i32>} : memref<2x128x128xf32, #tpu.memory_space<vmem>>, vector<1x1x16xf32>,
        %get3A_345 = arith.constant 0 : i32
        %get3A_346 = arith.index_cast %get3A_345 : i32 to index
        %get3A_347 = arith.index_cast %add3A_328 : i32 to index
        %get3A_348 = arith.constant 16 : index
        %get3A_349 = tpu.vector_load %arg9[%get3A_346, %get3A_347, %get3A_348] {strides = array<i32>} : memref<2x128x128xf32, #tpu.memory_space<vmem>>, vector<1x1x16xf32>,
        %get3A_350 = vector.shape_cast %get3A_349 : vector<1x1x16xf32> to vector<16xf32>
        %get3A_351 = arith.index_cast %add3A_328 : i32 to index
        %get3A_352 = arith.constant 16 : index
        %get3A_353 = tpu.vector_load %arg10[%get3A_351, %get3A_352] {strides = array<i32>} : memref<128x128xf32, #tpu.memory_space<vmem>>, vector<1x16xf32>,
        %get3A_354 = vector.shape_cast %get3A_353 : vector<1x16xf32> to vector<16xf32>
        %mul3A_355 = arith.mulf %get3A_350, %get3A_354 : vector<16xf32>
        %swap3A_356 = arith.constant 0 : i32
        %swap3A_357 = arith.index_cast %swap3A_356 : i32 to index
        %swap3A_358 = arith.index_cast %add3A_328 : i32 to index
        %swap3A_359 = arith.constant 16 : index
        %swap3A_360 = tpu.vector_load %arg9[%swap3A_357, %swap3A_358, %swap3A_359] {strides = array<i32>} : memref<2x128x128xf32, #tpu.memory_space<vmem>>, vector<1x1x16xf32>,
        %swap3A_361 = vector.shape_cast %swap3A_360 : vector<1x1x16xf32> to vector<16xf32>
        %swap3A_362 = vector.shape_cast %mul3A_355 : vector<16xf32> to vector<1x1x16xf32>
        tpu.vector_store %arg9[%swap3A_357, %swap3A_358, %swap3A_359], %swap3A_362 {strides = array<i32>} : memref<2x128x128xf32, #tpu.memory_space<vmem>>, vector<1x1x16xf32>,
        %get3A_363 = arith.constant 0 : i32
        %get3A_364 = arith.index_cast %get3A_363 : i32 to index
        %get3A_365 = arith.index_cast %add3A_328 : i32 to index
        %get3A_366 = arith.constant 32 : index
        %get3A_367 = tpu.vector_load %arg9[%get3A_364, %get3A_365, %get3A_366] {strides = array<i32>} : memref<2x128x128xf32, #tpu.memory_space<vmem>>, vector<1x1x16xf32>,
        %get3A_368 = vector.shape_cast %get3A_367 : vector<1x1x16xf32> to vector<16xf32>
        %get3A_369 = arith.index_cast %add3A_328 : i32 to index
        %get3A_370 = arith.constant 32 : index
        %get3A_371 = tpu.vector_load %arg10[%get3A_369, %get3A_370] {strides = array<i32>} : memref<128x128xf32, #tpu.memory_space<vmem>>, vector<1x16xf32>,
        %get3A_372 = vector.shape_cast %get3A_371 : vector<1x16xf32> to vector<16xf32>
        %mul3A_373 = arith.mulf %get3A_368, %get3A_372 : vector<16xf32>
        %swap3A_374 = arith.constant 0 : i32
        %swap3A_375 = arith.index_cast %swap3A_374 : i32 to index
        %swap3A_376 = arith.index_cast %add3A_328 : i32 to index
        %swap3A_377 = arith.constant 32 : index
        %swap3A_378 = tpu.vector_load %arg9[%swap3A_375, %swap3A_376, %swap3A_377] {strides = array<i32>} : memref<2x128x128xf32, #tpu.memory_space<vmem>>, vector<1x1x16xf32>,
        %swap3A_379 = vector.shape_cast %swap3A_378 : vector<1x1x16xf32> to vector<16xf32>
        %swap3A_380 = vector.shape_cast %mul3A_373 : vector<16xf32> to vector<1x1x16xf32>
        tpu.vector_store %arg9[%swap3A_375, %swap3A_376, %swap3A_377], %swap3A_380 {strides = array<i32>} : memref<2x128x128xf32, #tpu.memory_space<vmem>>, vector<1x1x16xf32>,
        %get3A_381 = arith.constant 0 : i32
        %get3A_382 = arith.index_cast %get3A_381 : i32 to index
        %get3A_383 = arith.index_cast %add3A_328 : i32 to index
        %get3A_384 = arith.constant 48 : index
        %get3A_385 = tpu.vector_load %arg9[%get3A_382, %get3A_383, %get3A_384] {strides = array<i32>} : memref<2x128x128xf32, #tpu.memory_space<vmem>>, vector<1x1x16xf32>,
        %get3A_386 = vector.shape_cast %get3A_385 : vector<1x1x16xf32> to vector<16xf32>
        %get3A_387 = arith.index_cast %add3A_328 : i32 to index
        %get3A_388 = arith.constant 48 : index
        %get3A_389 = tpu.vector_load %arg10[%get3A_387, %get3A_388] {strides = array<i32>} : memref<128x128xf32, #tpu.memory_space<vmem>>, vector<1x16xf32>,
        %get3A_390 = vector.shape_cast %get3A_389 : vector<1x16xf32> to vector<16xf32>
        %mul3A_391 = arith.mulf %get3A_386, %get3A_390 : vector<16xf32>
        %swap3A_392 = arith.constant 0 : i32
        %swap3A_393 = arith.index_cast %swap3A_392 : i32 to index
        %swap3A_394 = arith.index_cast %add3A_328 : i32 to index
        %swap3A_395 = arith.constant 48 : index
        %swap3A_396 = tpu.vector_load %arg9[%swap3A_393, %swap3A_394, %swap3A_395] {strides = array<i32>} : memref<2x128x128xf32, #tpu.memory_space<vmem>>, vector<1x1x16xf32>,
        %swap3A_397 = vector.shape_cast %swap3A_396 : vector<1x1x16xf32> to vector<16xf32>
        %swap3A_398 = vector.shape_cast %mul3A_391 : vector<16xf32> to vector<1x1x16xf32>
        tpu.vector_store %arg9[%swap3A_393, %swap3A_394, %swap3A_395], %swap3A_398 {strides = array<i32>} : memref<2x128x128xf32, #tpu.memory_space<vmem>>, vector<1x1x16xf32>,
        %get3A_399 = arith.constant 0 : i32
        %get3A_400 = arith.index_cast %get3A_399 : i32 to index
        %get3A_401 = arith.index_cast %add3A_328 : i32 to index
        %get3A_402 = arith.constant 64 : index
        %get3A_403 = tpu.vector_load %arg9[%get3A_400, %get3A_401, %get3A_402] {strides = array<i32>} : memref<2x128x128xf32, #tpu.memory_space<vmem>>, vector<1x1x16xf32>,
        %get3A_404 = vector.shape_cast %get3A_403 : vector<1x1x16xf32> to vector<16xf32>
        %get3A_405 = arith.index_cast %add3A_328 : i32 to index
        %get3A_406 = arith.constant 64 : index
        %get3A_407 = tpu.vector_load %arg10[%get3A_405, %get3A_406] {strides = array<i32>} : memref<128x128xf32, #tpu.memory_space<vmem>>, vector<1x16xf32>,
        %get3A_408 = vector.shape_cast %get3A_407 : vector<1x16xf32> to vector<16xf32>
        %mul3A_409 = arith.mulf %get3A_404, %get3A_408 : vector<16xf32>
        %swap3A_410 = arith.constant 0 : i32
        %swap3A_411 = arith.index_cast %swap3A_410 : i32 to index
        %swap3A_412 = arith.index_cast %add3A_328 : i32 to index
        %swap3A_413 = arith.constant 64 : index
        %swap3A_414 = tpu.vector_load %arg9[%swap3A_411, %swap3A_412, %swap3A_413] {strides = array<i32>} : memref<2x128x128xf32, #tpu.memory_space<vmem>>, vector<1x1x16xf32>,
        %swap3A_415 = vector.shape_cast %swap3A_414 : vector<1x1x16xf32> to vector<16xf32>
        %swap3A_416 = vector.shape_cast %mul3A_409 : vector<16xf32> to vector<1x1x16xf32>
        tpu.vector_store %arg9[%swap3A_411, %swap3A_412, %swap3A_413], %swap3A_416 {strides = array<i32>} : memref<2x128x128xf32, #tpu.memory_space<vmem>>, vector<1x1x16xf32>,
        %get3A_417 = arith.constant 0 : i32
        %get3A_418 = arith.index_cast %get3A_417 : i32 to index
        %get3A_419 = arith.index_cast %add3A_328 : i32 to index
        %get3A_420 = arith.constant 80 : index
        %get3A_421 = tpu.vector_load %arg9[%get3A_418, %get3A_419, %get3A_420] {strides = array<i32>} : memref<2x128x128xf32, #tpu.memory_space<vmem>>, vector<1x1x16xf32>,
        %get3A_422 = vector.shape_cast %get3A_421 : vector<1x1x16xf32> to vector<16xf32>
        %get3A_423 = arith.index_cast %add3A_328 : i32 to index
        %get3A_424 = arith.constant 80 : index
        %get3A_425 = tpu.vector_load %arg10[%get3A_423, %get3A_424] {strides = array<i32>} : memref<128x128xf32, #tpu.memory_space<vmem>>, vector<1x16xf32>,
        %get3A_426 = vector.shape_cast %get3A_425 : vector<1x16xf32> to vector<16xf32>
        %mul3A_427 = arith.mulf %get3A_422, %get3A_426 : vector<16xf32>
        %swap3A_428 = arith.constant 0 : i32
        %swap3A_429 = arith.index_cast %swap3A_428 : i32 to index
        %swap3A_430 = arith.index_cast %add3A_328 : i32 to index
        %swap3A_431 = arith.constant 80 : index
        %swap3A_432 = tpu.vector_load %arg9[%swap3A_429, %swap3A_430, %swap3A_431] {strides = array<i32>} : memref<2x128x128xf32, #tpu.memory_space<vmem>>, vector<1x1x16xf32>,
        %swap3A_433 = vector.shape_cast %swap3A_432 : vector<1x1x16xf32> to vector<16xf32>
        %swap3A_434 = vector.shape_cast %mul3A_427 : vector<16xf32> to vector<1x1x16xf32>
        tpu.vector_store %arg9[%swap3A_429, %swap3A_430, %swap3A_431], %swap3A_434 {strides = array<i32>} : memref<2x128x128xf32, #tpu.memory_space<vmem>>, vector<1x1x16xf32>,
        %get3A_435 = arith.constant 0 : i32
        %get3A_436 = arith.index_cast %get3A_435 : i32 to index
        %get3A_437 = arith.index_cast %add3A_328 : i32 to index
        %get3A_438 = arith.constant 96 : index
        %get3A_439 = tpu.vector_load %arg9[%get3A_436, %get3A_437, %get3A_438] {strides = array<i32>} : memref<2x128x128xf32, #tpu.memory_space<vmem>>, vector<1x1x16xf32>,
        %get3A_440 = vector.shape_cast %get3A_439 : vector<1x1x16xf32> to vector<16xf32>
        %get3A_441 = arith.index_cast %add3A_328 : i32 to index
        %get3A_442 = arith.constant 96 : index
        %get3A_443 = tpu.vector_load %arg10[%get3A_441, %get3A_442] {strides = array<i32>} : memref<128x128xf32, #tpu.memory_space<vmem>>, vector<1x16xf32>,
        %get3A_444 = vector.shape_cast %get3A_443 : vector<1x16xf32> to vector<16xf32>
        %mul3A_445 = arith.mulf %get3A_440, %get3A_444 : vector<16xf32>
        %swap3A_446 = arith.constant 0 : i32
        %swap3A_447 = arith.index_cast %swap3A_446 : i32 to index
        %swap3A_448 = arith.index_cast %add3A_328 : i32 to index
        %swap3A_449 = arith.constant 96 : index
        %swap3A_450 = tpu.vector_load %arg9[%swap3A_447, %swap3A_448, %swap3A_449] {strides = array<i32>} : memref<2x128x128xf32, #tpu.memory_space<vmem>>, vector<1x1x16xf32>,
        %swap3A_451 = vector.shape_cast %swap3A_450 : vector<1x1x16xf32> to vector<16xf32>
        %swap3A_452 = vector.shape_cast %mul3A_445 : vector<16xf32> to vector<1x1x16xf32>
        tpu.vector_store %arg9[%swap3A_447, %swap3A_448, %swap3A_449], %swap3A_452 {strides = array<i32>} : memref<2x128x128xf32, #tpu.memory_space<vmem>>, vector<1x1x16xf32>,
        %get3A_453 = arith.constant 0 : i32
        %get3A_454 = arith.index_cast %get3A_453 : i32 to index
        %get3A_455 = arith.index_cast %add3A_328 : i32 to index
        %get3A_456 = arith.constant 112 : index
        %get3A_457 = tpu.vector_load %arg9[%get3A_454, %get3A_455, %get3A_456] {strides = array<i32>} : memref<2x128x128xf32, #tpu.memory_space<vmem>>, vector<1x1x16xf32>,
        %get3A_458 = vector.shape_cast %get3A_457 : vector<1x1x16xf32> to vector<16xf32>
        %get3A_459 = arith.index_cast %add3A_328 : i32 to index
        %get3A_460 = arith.constant 112 : index
        %get3A_461 = tpu.vector_load %arg10[%get3A_459, %get3A_460] {strides = array<i32>} : memref<128x128xf32, #tpu.memory_space<vmem>>, vector<1x16xf32>,
        %get3A_462 = vector.shape_cast %get3A_461 : vector<1x16xf32> to vector<16xf32>
        %mul3A_463 = arith.mulf %get3A_458, %get3A_462 : vector<16xf32>
        %swap3A_464 = arith.constant 0 : i32
        %swap3A_465 = arith.index_cast %swap3A_464 : i32 to index
        %swap3A_466 = arith.index_cast %add3A_328 : i32 to index
        %swap3A_467 = arith.constant 112 : index
        %swap3A_468 = tpu.vector_load %arg9[%swap3A_465, %swap3A_466, %swap3A_467] {strides = array<i32>} : memref<2x128x128xf32, #tpu.memory_space<vmem>>, vector<1x1x16xf32>,
        %swap3A_469 = vector.shape_cast %swap3A_468 : vector<1x1x16xf32> to vector<16xf32>
        %swap3A_470 = vector.shape_cast %mul3A_463 : vector<16xf32> to vector<1x1x16xf32>
        tpu.vector_store %arg9[%swap3A_465, %swap3A_466, %swap3A_467], %swap3A_470 {strides = array<i32>} : memref<2x128x128xf32, #tpu.memory_space<vmem>>, vector<1x1x16xf32>,
      }
      %scan3A_246 = arith.constant 128 : i32
      %add3A_247 = arith.constant 3 : i32
      %add3A_248 = arith.addi %add3A_65, %add3A_247 : i32
      %mul3A_249 = arith.constant 128 : i32
      %mul3A_250 = arith.muli %add3A_248, %mul3A_249 : i32
      %dma_start3A_251 = arith.constant 0 : i32
      %dma_start3A_252 = tpu.memref_slice %arg5[%mul3A_250, %dma_start3A_251] : memref<327680x128xf32, #tpu.memory_space<hbm>> -> memref<128x128xf32, #tpu.memory_space<hbm>>
      %dma_start3A_253 = arith.constant 0 : i32
      %dma_start3A_254 = tpu.memref_slice %arg5[%mul3A_250, %dma_start3A_253] : memref<327680x128xf32, #tpu.memory_space<hbm>> -> memref<128x128xf32, #tpu.memory_space<hbm>>
      tpu.enqueue_dma source(%dma_start3A_254 : memref<128x128xf32, #tpu.memory_space<hbm>>) target(%arg10 : memref<128x128xf32, #tpu.memory_space<vmem>>) target_semaphore(%arg14 : memref<!tpu.dma_semaphore, #tpu.memory_space<semaphore_mem>>)
      %dma_start3A_255 = arith.constant 0 : i32
      %dma_start3A_256 = arith.constant 2 : i32
      %dma_start3A_257 = arith.constant 0 : i32
      %dma_start3A_258 = arith.constant 0 : i32
      %dma_start3A_259 = tpu.memref_slice %arg9[%dma_start3A_255, %dma_start3A_257, %dma_start3A_258] : memref<2x128x128xf32, #tpu.memory_space<vmem>> -> memref<1x128x128xf32, #tpu.memory_space<vmem>>
      %dma_start3A_260 = tpu.memref_squeeze %dma_start3A_259 : memref<1x128x128xf32, #tpu.memory_space<vmem>> -> memref<128x128xf32, #tpu.memory_space<vmem>>
      %dma_start3A_261 = arith.constant 0 : i32
      %dma_start3A_262 = tpu.memref_slice %arg8[%dma_start3A_256, %dma_start3A_261] : memref<4x128xi32, #tpu.memory_space<vmem>> -> memref<1x128xi32, #tpu.memory_space<vmem>>
      %dma_start3A_263 = tpu.memref_squeeze %dma_start3A_262 : memref<1x128xi32, #tpu.memory_space<vmem>> -> memref<128xi32, #tpu.memory_space<vmem>>
      %dma_start3A_264 = arith.constant 0 : i32
      %dma_start3A_265 = arith.constant 0 : i32
      %dma_start3A_266 = tpu.memref_slice %arg11[%dma_start3A_264, %dma_start3A_265] : memref<10000x128xf32, #tpu.memory_space<vmem_shared>> -> memref<10000x128xf32, #tpu.memory_space<vmem_shared>>
      tpu.enqueue_indirect_dma source(%dma_start3A_260 : memref<128x128xf32, #tpu.memory_space<vmem>>) target(%dma_start3A_266 : memref<10000x128xf32, #tpu.memory_space<vmem_shared>>) offsets(%dma_start3A_263 : memref<128xi32, #tpu.memory_space<vmem>>) semaphore(%arg15 : memref<!tpu.dma_semaphore, #tpu.memory_space<semaphore_mem>>) {add = true}
      %dma_wait3A_267 = arith.constant 3 : i32
      %dma_wait3A_268 = arith.constant 1 : i32
      %dma_wait3A_269 = arith.constant 0 : i32
      %dma_wait3A_270 = arith.constant 0 : i32
      %dma_wait3A_271 = tpu.memref_slice %arg9[%dma_wait3A_268, %dma_wait3A_269, %dma_wait3A_270] : memref<2x128x128xf32, #tpu.memory_space<vmem>> -> memref<1x128x128xf32, #tpu.memory_space<vmem>>
      %dma_wait3A_272 = tpu.memref_squeeze %dma_wait3A_271 : memref<1x128x128xf32, #tpu.memory_space<vmem>> -> memref<128x128xf32, #tpu.memory_space<vmem>>
      %dma_wait3A_273 = arith.constant 0 : i32
      %dma_wait3A_274 = tpu.memref_slice %arg7[%dma_wait3A_267, %dma_wait3A_273] : memref<4x128xi32, #tpu.memory_space<vmem>> -> memref<1x128xi32, #tpu.memory_space<vmem>>
      %dma_wait3A_275 = tpu.memref_squeeze %dma_wait3A_274 : memref<1x128xi32, #tpu.memory_space<vmem>> -> memref<128xi32, #tpu.memory_space<vmem>>
      %dma_wait3A_276 = arith.constant 0 : i32
      %dma_wait3A_277 = arith.constant 0 : i32
      %dma_wait3A_278 = tpu.memref_slice %arg11[%dma_wait3A_276, %dma_wait3A_277] : memref<10000x128xf32, #tpu.memory_space<vmem_shared>> -> memref<10000x128xf32, #tpu.memory_space<vmem_shared>>
      tpu.wait_indirect_dma semaphore(%arg13 : memref<!tpu.dma_semaphore, #tpu.memory_space<semaphore_mem>>) src(%dma_wait3A_278 : memref<10000x128xf32, #tpu.memory_space<vmem_shared>>) dst(%dma_wait3A_272 : memref<128x128xf32, #tpu.memory_space<vmem>>)
      %dma_wait3A_279 = arith.constant 0 : i32
      %dma_wait3A_280 = tpu.memref_slice %arg5[%mul3A_250, %dma_wait3A_279] : memref<327680x128xf32, #tpu.memory_space<hbm>> -> memref<128x128xf32, #tpu.memory_space<hbm>>
      %dma_wait3A_281 = arith.constant 0 : i32
      %dma_wait3A_282 = tpu.memref_slice %arg5[%mul3A_250, %dma_wait3A_281] : memref<327680x128xf32, #tpu.memory_space<hbm>> -> memref<128x128xf32, #tpu.memory_space<hbm>>
      tpu.wait_dma2 semaphore(%arg14 : memref<!tpu.dma_semaphore, #tpu.memory_space<semaphore_mem>>) src(%dma_wait3A_282 : memref<128x128xf32, #tpu.memory_space<hbm>>) dst(%arg10 : memref<128x128xf32, #tpu.memory_space<vmem>>)
      %scan3A_283 = arith.constant 0 : i32
      %scan3A_284 = arith.constant 128 : i32
      %scan3A_285 = arith.addi %scan3A_283, %scan3A_284 : i32
      %scan3A_286 = arith.constant 1 : i32
      scf.for %scan3A_324 = %scan3A_283 to %scan3A_285 step %scan3A_286  : i32 {
        %mul3A_325 = arith.constant 1 : i32
        %mul3A_326 = arith.muli %scan3A_324, %mul3A_325 : i32
        %add3A_327 = arith.constant 0 : i32
        %add3A_328 = arith.addi %add3A_327, %mul3A_326 : i32
        %get3A = arith.constant 1 : i32
        %get3A_329 = arith.index_cast %get3A : i32 to index
        %get3A_330 = arith.index_cast %add3A_328 : i32 to index
        %get3A_331 = arith.constant 0 : index
        %get3A_332 = tpu.vector_load %arg9[%get3A_329, %get3A_330, %get3A_331] {strides = array<i32>} : memref<2x128x128xf32, #tpu.memory_space<vmem>>, vector<1x1x16xf32>,
        %get3A_333 = vector.shape_cast %get3A_332 : vector<1x1x16xf32> to vector<16xf32>
        %get3A_334 = arith.index_cast %add3A_328 : i32 to index
        %get3A_335 = arith.constant 0 : index
        %get3A_336 = tpu.vector_load %arg10[%get3A_334, %get3A_335] {strides = array<i32>} : memref<128x128xf32, #tpu.memory_space<vmem>>, vector<1x16xf32>,
        %get3A_337 = vector.shape_cast %get3A_336 : vector<1x16xf32> to vector<16xf32>
        %mul3A_338 = arith.mulf %get3A_333, %get3A_337 : vector<16xf32>
        %swap3A = arith.constant 1 : i32
        %swap3A_339 = arith.index_cast %swap3A : i32 to index
        %swap3A_340 = arith.index_cast %add3A_328 : i32 to index
        %swap3A_341 = arith.constant 0 : index
        %swap3A_342 = tpu.vector_load %arg9[%swap3A_339, %swap3A_340, %swap3A_341] {strides = array<i32>} : memref<2x128x128xf32, #tpu.memory_space<vmem>>, vector<1x1x16xf32>,
        %swap3A_343 = vector.shape_cast %swap3A_342 : vector<1x1x16xf32> to vector<16xf32>
        %swap3A_344 = vector.shape_cast %mul3A_338 : vector<16xf32> to vector<1x1x16xf32>
        tpu.vector_store %arg9[%swap3A_339, %swap3A_340, %swap3A_341], %swap3A_344 {strides = array<i32>} : memref<2x128x128xf32, #tpu.memory_space<vmem>>, vector<1x1x16xf32>,
        %get3A_345 = arith.constant 1 : i32
        %get3A_346 = arith.index_cast %get3A_345 : i32 to index
        %get3A_347 = arith.index_cast %add3A_328 : i32 to index
        %get3A_348 = arith.constant 16 : index
        %get3A_349 = tpu.vector_load %arg9[%get3A_346, %get3A_347, %get3A_348] {strides = array<i32>} : memref<2x128x128xf32, #tpu.memory_space<vmem>>, vector<1x1x16xf32>,
        %get3A_350 = vector.shape_cast %get3A_349 : vector<1x1x16xf32> to vector<16xf32>
        %get3A_351 = arith.index_cast %add3A_328 : i32 to index
        %get3A_352 = arith.constant 16 : index
        %get3A_353 = tpu.vector_load %arg10[%get3A_351, %get3A_352] {strides = array<i32>} : memref<128x128xf32, #tpu.memory_space<vmem>>, vector<1x16xf32>,
        %get3A_354 = vector.shape_cast %get3A_353 : vector<1x16xf32> to vector<16xf32>
        %mul3A_355 = arith.mulf %get3A_350, %get3A_354 : vector<16xf32>
        %swap3A_356 = arith.constant 1 : i32
        %swap3A_357 = arith.index_cast %swap3A_356 : i32 to index
        %swap3A_358 = arith.index_cast %add3A_328 : i32 to index
        %swap3A_359 = arith.constant 16 : index
        %swap3A_360 = tpu.vector_load %arg9[%swap3A_357, %swap3A_358, %swap3A_359] {strides = array<i32>} : memref<2x128x128xf32, #tpu.memory_space<vmem>>, vector<1x1x16xf32>,
        %swap3A_361 = vector.shape_cast %swap3A_360 : vector<1x1x16xf32> to vector<16xf32>
        %swap3A_362 = vector.shape_cast %mul3A_355 : vector<16xf32> to vector<1x1x16xf32>
        tpu.vector_store %arg9[%swap3A_357, %swap3A_358, %swap3A_359], %swap3A_362 {strides = array<i32>} : memref<2x128x128xf32, #tpu.memory_space<vmem>>, vector<1x1x16xf32>,
        %get3A_363 = arith.constant 1 : i32
        %get3A_364 = arith.index_cast %get3A_363 : i32 to index
        %get3A_365 = arith.index_cast %add3A_328 : i32 to index
        %get3A_366 = arith.constant 32 : index
        %get3A_367 = tpu.vector_load %arg9[%get3A_364, %get3A_365, %get3A_366] {strides = array<i32>} : memref<2x128x128xf32, #tpu.memory_space<vmem>>, vector<1x1x16xf32>,
        %get3A_368 = vector.shape_cast %get3A_367 : vector<1x1x16xf32> to vector<16xf32>
        %get3A_369 = arith.index_cast %add3A_328 : i32 to index
        %get3A_370 = arith.constant 32 : index
        %get3A_371 = tpu.vector_load %arg10[%get3A_369, %get3A_370] {strides = array<i32>} : memref<128x128xf32, #tpu.memory_space<vmem>>, vector<1x16xf32>,
        %get3A_372 = vector.shape_cast %get3A_371 : vector<1x16xf32> to vector<16xf32>
        %mul3A_373 = arith.mulf %get3A_368, %get3A_372 : vector<16xf32>
        %swap3A_374 = arith.constant 1 : i32
        %swap3A_375 = arith.index_cast %swap3A_374 : i32 to index
        %swap3A_376 = arith.index_cast %add3A_328 : i32 to index
        %swap3A_377 = arith.constant 32 : index
        %swap3A_378 = tpu.vector_load %arg9[%swap3A_375, %swap3A_376, %swap3A_377] {strides = array<i32>} : memref<2x128x128xf32, #tpu.memory_space<vmem>>, vector<1x1x16xf32>,
        %swap3A_379 = vector.shape_cast %swap3A_378 : vector<1x1x16xf32> to vector<16xf32>
        %swap3A_380 = vector.shape_cast %mul3A_373 : vector<16xf32> to vector<1x1x16xf32>
        tpu.vector_store %arg9[%swap3A_375, %swap3A_376, %swap3A_377], %swap3A_380 {strides = array<i32>} : memref<2x128x128xf32, #tpu.memory_space<vmem>>, vector<1x1x16xf32>,
        %get3A_381 = arith.constant 1 : i32
        %get3A_382 = arith.index_cast %get3A_381 : i32 to index
        %get3A_383 = arith.index_cast %add3A_328 : i32 to index
        %get3A_384 = arith.constant 48 : index
        %get3A_385 = tpu.vector_load %arg9[%get3A_382, %get3A_383, %get3A_384] {strides = array<i32>} : memref<2x128x128xf32, #tpu.memory_space<vmem>>, vector<1x1x16xf32>,
        %get3A_386 = vector.shape_cast %get3A_385 : vector<1x1x16xf32> to vector<16xf32>
        %get3A_387 = arith.index_cast %add3A_328 : i32 to index
        %get3A_388 = arith.constant 48 : index
        %get3A_389 = tpu.vector_load %arg10[%get3A_387, %get3A_388] {strides = array<i32>} : memref<128x128xf32, #tpu.memory_space<vmem>>, vector<1x16xf32>,
        %get3A_390 = vector.shape_cast %get3A_389 : vector<1x16xf32> to vector<16xf32>
        %mul3A_391 = arith.mulf %get3A_386, %get3A_390 : vector<16xf32>
        %swap3A_392 = arith.constant 1 : i32
        %swap3A_393 = arith.index_cast %swap3A_392 : i32 to index
        %swap3A_394 = arith.index_cast %add3A_328 : i32 to index
        %swap3A_395 = arith.constant 48 : index
        %swap3A_396 = tpu.vector_load %arg9[%swap3A_393, %swap3A_394, %swap3A_395] {strides = array<i32>} : memref<2x128x128xf32, #tpu.memory_space<vmem>>, vector<1x1x16xf32>,
        %swap3A_397 = vector.shape_cast %swap3A_396 : vector<1x1x16xf32> to vector<16xf32>
        %swap3A_398 = vector.shape_cast %mul3A_391 : vector<16xf32> to vector<1x1x16xf32>
        tpu.vector_store %arg9[%swap3A_393, %swap3A_394, %swap3A_395], %swap3A_398 {strides = array<i32>} : memref<2x128x128xf32, #tpu.memory_space<vmem>>, vector<1x1x16xf32>,
        %get3A_399 = arith.constant 1 : i32
        %get3A_400 = arith.index_cast %get3A_399 : i32 to index
        %get3A_401 = arith.index_cast %add3A_328 : i32 to index
        %get3A_402 = arith.constant 64 : index
        %get3A_403 = tpu.vector_load %arg9[%get3A_400, %get3A_401, %get3A_402] {strides = array<i32>} : memref<2x128x128xf32, #tpu.memory_space<vmem>>, vector<1x1x16xf32>,
        %get3A_404 = vector.shape_cast %get3A_403 : vector<1x1x16xf32> to vector<16xf32>
        %get3A_405 = arith.index_cast %add3A_328 : i32 to index
        %get3A_406 = arith.constant 64 : index
        %get3A_407 = tpu.vector_load %arg10[%get3A_405, %get3A_406] {strides = array<i32>} : memref<128x128xf32, #tpu.memory_space<vmem>>, vector<1x16xf32>,
        %get3A_408 = vector.shape_cast %get3A_407 : vector<1x16xf32> to vector<16xf32>
        %mul3A_409 = arith.mulf %get3A_404, %get3A_408 : vector<16xf32>
        %swap3A_410 = arith.constant 1 : i32
        %swap3A_411 = arith.index_cast %swap3A_410 : i32 to index
        %swap3A_412 = arith.index_cast %add3A_328 : i32 to index
        %swap3A_413 = arith.constant 64 : index
        %swap3A_414 = tpu.vector_load %arg9[%swap3A_411, %swap3A_412, %swap3A_413] {strides = array<i32>} : memref<2x128x128xf32, #tpu.memory_space<vmem>>, vector<1x1x16xf32>,
        %swap3A_415 = vector.shape_cast %swap3A_414 : vector<1x1x16xf32> to vector<16xf32>
        %swap3A_416 = vector.shape_cast %mul3A_409 : vector<16xf32> to vector<1x1x16xf32>
        tpu.vector_store %arg9[%swap3A_411, %swap3A_412, %swap3A_413], %swap3A_416 {strides = array<i32>} : memref<2x128x128xf32, #tpu.memory_space<vmem>>, vector<1x1x16xf32>,
        %get3A_417 = arith.constant 1 : i32
        %get3A_418 = arith.index_cast %get3A_417 : i32 to index
        %get3A_419 = arith.index_cast %add3A_328 : i32 to index
        %get3A_420 = arith.constant 80 : index
        %get3A_421 = tpu.vector_load %arg9[%get3A_418, %get3A_419, %get3A_420] {strides = array<i32>} : memref<2x128x128xf32, #tpu.memory_space<vmem>>, vector<1x1x16xf32>,
        %get3A_422 = vector.shape_cast %get3A_421 : vector<1x1x16xf32> to vector<16xf32>
        %get3A_423 = arith.index_cast %add3A_328 : i32 to index
        %get3A_424 = arith.constant 80 : index
        %get3A_425 = tpu.vector_load %arg10[%get3A_423, %get3A_424] {strides = array<i32>} : memref<128x128xf32, #tpu.memory_space<vmem>>, vector<1x16xf32>,
        %get3A_426 = vector.shape_cast %get3A_425 : vector<1x16xf32> to vector<16xf32>
        %mul3A_427 = arith.mulf %get3A_422, %get3A_426 : vector<16xf32>
        %swap3A_428 = arith.constant 1 : i32
        %swap3A_429 = arith.index_cast %swap3A_428 : i32 to index
        %swap3A_430 = arith.index_cast %add3A_328 : i32 to index
        %swap3A_431 = arith.constant 80 : index
        %swap3A_432 = tpu.vector_load %arg9[%swap3A_429, %swap3A_430, %swap3A_431] {strides = array<i32>} : memref<2x128x128xf32, #tpu.memory_space<vmem>>, vector<1x1x16xf32>,
        %swap3A_433 = vector.shape_cast %swap3A_432 : vector<1x1x16xf32> to vector<16xf32>
        %swap3A_434 = vector.shape_cast %mul3A_427 : vector<16xf32> to vector<1x1x16xf32>
        tpu.vector_store %arg9[%swap3A_429, %swap3A_430, %swap3A_431], %swap3A_434 {strides = array<i32>} : memref<2x128x128xf32, #tpu.memory_space<vmem>>, vector<1x1x16xf32>,
        %get3A_435 = arith.constant 1 : i32
        %get3A_436 = arith.index_cast %get3A_435 : i32 to index
        %get3A_437 = arith.index_cast %add3A_328 : i32 to index
        %get3A_438 = arith.constant 96 : index
        %get3A_439 = tpu.vector_load %arg9[%get3A_436, %get3A_437, %get3A_438] {strides = array<i32>} : memref<2x128x128xf32, #tpu.memory_space<vmem>>, vector<1x1x16xf32>,
        %get3A_440 = vector.shape_cast %get3A_439 : vector<1x1x16xf32> to vector<16xf32>
        %get3A_441 = arith.index_cast %add3A_328 : i32 to index
        %get3A_442 = arith.constant 96 : index
        %get3A_443 = tpu.vector_load %arg10[%get3A_441, %get3A_442] {strides = array<i32>} : memref<128x128xf32, #tpu.memory_space<vmem>>, vector<1x16xf32>,
        %get3A_444 = vector.shape_cast %get3A_443 : vector<1x16xf32> to vector<16xf32>
        %mul3A_445 = arith.mulf %get3A_440, %get3A_444 : vector<16xf32>
        %swap3A_446 = arith.constant 1 : i32
        %swap3A_447 = arith.index_cast %swap3A_446 : i32 to index
        %swap3A_448 = arith.index_cast %add3A_328 : i32 to index
        %swap3A_449 = arith.constant 96 : index
        %swap3A_450 = tpu.vector_load %arg9[%swap3A_447, %swap3A_448, %swap3A_449] {strides = array<i32>} : memref<2x128x128xf32, #tpu.memory_space<vmem>>, vector<1x1x16xf32>,
        %swap3A_451 = vector.shape_cast %swap3A_450 : vector<1x1x16xf32> to vector<16xf32>
        %swap3A_452 = vector.shape_cast %mul3A_445 : vector<16xf32> to vector<1x1x16xf32>
        tpu.vector_store %arg9[%swap3A_447, %swap3A_448, %swap3A_449], %swap3A_452 {strides = array<i32>} : memref<2x128x128xf32, #tpu.memory_space<vmem>>, vector<1x1x16xf32>,
        %get3A_453 = arith.constant 1 : i32
        %get3A_454 = arith.index_cast %get3A_453 : i32 to index
        %get3A_455 = arith.index_cast %add3A_328 : i32 to index
        %get3A_456 = arith.constant 112 : index
        %get3A_457 = tpu.vector_load %arg9[%get3A_454, %get3A_455, %get3A_456] {strides = array<i32>} : memref<2x128x128xf32, #tpu.memory_space<vmem>>, vector<1x1x16xf32>,
        %get3A_458 = vector.shape_cast %get3A_457 : vector<1x1x16xf32> to vector<16xf32>
        %get3A_459 = arith.index_cast %add3A_328 : i32 to index
        %get3A_460 = arith.constant 112 : index
        %get3A_461 = tpu.vector_load %arg10[%get3A_459, %get3A_460] {strides = array<i32>} : memref<128x128xf32, #tpu.memory_space<vmem>>, vector<1x16xf32>,
        %get3A_462 = vector.shape_cast %get3A_461 : vector<1x16xf32> to vector<16xf32>
        %mul3A_463 = arith.mulf %get3A_458, %get3A_462 : vector<16xf32>
        %swap3A_464 = arith.constant 1 : i32
        %swap3A_465 = arith.index_cast %swap3A_464 : i32 to index
        %swap3A_466 = arith.index_cast %add3A_328 : i32 to index
        %swap3A_467 = arith.constant 112 : index
        %swap3A_468 = tpu.vector_load %arg9[%swap3A_465, %swap3A_466, %swap3A_467] {strides = array<i32>} : memref<2x128x128xf32, #tpu.memory_space<vmem>>, vector<1x1x16xf32>,
        %swap3A_469 = vector.shape_cast %swap3A_468 : vector<1x1x16xf32> to vector<16xf32>
        %swap3A_470 = vector.shape_cast %mul3A_463 : vector<16xf32> to vector<1x1x16xf32>
        tpu.vector_store %arg9[%swap3A_465, %swap3A_466, %swap3A_467], %swap3A_470 {strides = array<i32>} : memref<2x128x128xf32, #tpu.memory_space<vmem>>, vector<1x1x16xf32>,
      }
      %scan3A_287 = arith.constant 128 : i32
      %dma_start3A_288 = arith.constant 1 : i32
      %dma_start3A_289 = arith.constant 3 : i32
      %dma_start3A_290 = arith.constant 0 : i32
      %dma_start3A_291 = arith.constant 0 : i32
      %dma_start3A_292 = tpu.memref_slice %arg9[%dma_start3A_288, %dma_start3A_290, %dma_start3A_291] : memref<2x128x128xf32, #tpu.memory_space<vmem>> -> memref<1x128x128xf32, #tpu.memory_space<vmem>>
      %dma_start3A_293 = tpu.memref_squeeze %dma_start3A_292 : memref<1x128x128xf32, #tpu.memory_space<vmem>> -> memref<128x128xf32, #tpu.memory_space<vmem>>
      %dma_start3A_294 = arith.constant 0 : i32
      %dma_start3A_295 = tpu.memref_slice %arg8[%dma_start3A_289, %dma_start3A_294] : memref<4x128xi32, #tpu.memory_space<vmem>> -> memref<1x128xi32, #tpu.memory_space<vmem>>
      %dma_start3A_296 = tpu.memref_squeeze %dma_start3A_295 : memref<1x128xi32, #tpu.memory_space<vmem>> -> memref<128xi32, #tpu.memory_space<vmem>>
      %dma_start3A_297 = arith.constant 0 : i32
      %dma_start3A_298 = arith.constant 0 : i32
      %dma_start3A_299 = tpu.memref_slice %arg11[%dma_start3A_297, %dma_start3A_298] : memref<10000x128xf32, #tpu.memory_space<vmem_shared>> -> memref<10000x128xf32, #tpu.memory_space<vmem_shared>>
      tpu.enqueue_indirect_dma source(%dma_start3A_293 : memref<128x128xf32, #tpu.memory_space<vmem>>) target(%dma_start3A_299 : memref<10000x128xf32, #tpu.memory_space<vmem_shared>>) offsets(%dma_start3A_296 : memref<128xi32, #tpu.memory_space<vmem>>) semaphore(%arg16 : memref<!tpu.dma_semaphore, #tpu.memory_space<semaphore_mem>>) {add = true}
      %dma_wait3A_300 = arith.constant 0 : i32
      %dma_wait3A_301 = arith.constant 2 : i32
      %dma_wait3A_302 = arith.constant 0 : i32
      %dma_wait3A_303 = arith.constant 0 : i32
      %dma_wait3A_304 = tpu.memref_slice %arg9[%dma_wait3A_300, %dma_wait3A_302, %dma_wait3A_303] : memref<2x128x128xf32, #tpu.memory_space<vmem>> -> memref<1x128x128xf32, #tpu.memory_space<vmem>>
      %dma_wait3A_305 = tpu.memref_squeeze %dma_wait3A_304 : memref<1x128x128xf32, #tpu.memory_space<vmem>> -> memref<128x128xf32, #tpu.memory_space<vmem>>
      %dma_wait3A_306 = arith.constant 0 : i32
      %dma_wait3A_307 = tpu.memref_slice %arg8[%dma_wait3A_301, %dma_wait3A_306] : memref<4x128xi32, #tpu.memory_space<vmem>> -> memref<1x128xi32, #tpu.memory_space<vmem>>
      %dma_wait3A_308 = tpu.memref_squeeze %dma_wait3A_307 : memref<1x128xi32, #tpu.memory_space<vmem>> -> memref<128xi32, #tpu.memory_space<vmem>>
      %dma_wait3A_309 = arith.constant 0 : i32
      %dma_wait3A_310 = arith.constant 0 : i32
      %dma_wait3A_311 = tpu.memref_slice %arg11[%dma_wait3A_309, %dma_wait3A_310] : memref<10000x128xf32, #tpu.memory_space<vmem_shared>> -> memref<10000x128xf32, #tpu.memory_space<vmem_shared>>
      tpu.wait_indirect_dma semaphore(%arg15 : memref<!tpu.dma_semaphore, #tpu.memory_space<semaphore_mem>>) src(%dma_wait3A_305 : memref<128x128xf32, #tpu.memory_space<vmem>>) dst(%dma_wait3A_311 : memref<10000x128xf32, #tpu.memory_space<vmem_shared>>)
      %dma_wait3A_312 = arith.constant 1 : i32
      %dma_wait3A_313 = arith.constant 3 : i32
      %dma_wait3A_314 = arith.constant 0 : i32
      %dma_wait3A_315 = arith.constant 0 : i32
      %dma_wait3A_316 = tpu.memref_slice %arg9[%dma_wait3A_312, %dma_wait3A_314, %dma_wait3A_315] : memref<2x128x128xf32, #tpu.memory_space<vmem>> -> memref<1x128x128xf32, #tpu.memory_space<vmem>>
      %dma_wait3A_317 = tpu.memref_squeeze %dma_wait3A_316 : memref<1x128x128xf32, #tpu.memory_space<vmem>> -> memref<128x128xf32, #tpu.memory_space<vmem>>
      %dma_wait3A_318 = arith.constant 0 : i32
      %dma_wait3A_319 = tpu.memref_slice %arg8[%dma_wait3A_313, %dma_wait3A_318] : memref<4x128xi32, #tpu.memory_space<vmem>> -> memref<1x128xi32, #tpu.memory_space<vmem>>
      %dma_wait3A_320 = tpu.memref_squeeze %dma_wait3A_319 : memref<1x128xi32, #tpu.memory_space<vmem>> -> memref<128xi32, #tpu.memory_space<vmem>>
      %dma_wait3A_321 = arith.constant 0 : i32
      %dma_wait3A_322 = arith.constant 0 : i32
      %dma_wait3A_323 = tpu.memref_slice %arg11[%dma_wait3A_321, %dma_wait3A_322] : memref<10000x128xf32, #tpu.memory_space<vmem_shared>> -> memref<10000x128xf32, #tpu.memory_space<vmem_shared>>
      tpu.wait_indirect_dma semaphore(%arg16 : memref<!tpu.dma_semaphore, #tpu.memory_space<semaphore_mem>>) src(%dma_wait3A_317 : memref<128x128xf32, #tpu.memory_space<vmem>>) dst(%dma_wait3A_323 : memref<10000x128xf32, #tpu.memory_space<vmem_shared>>)
    }
    %scan3A_28 = arith.constant 20 : i32
    %barrier3A_29 = arith.constant 0 : index
    tpu.barrier barrier_id(%barrier3A_29)
    %add3A_30 = arith.constant 0 : i32
    %add3A_31 = arith.addi %mul3A_2, %add3A_30 : i32
    %run_scoped3A_32 = arith.constant 0 : i32
    "tpu.region"() ({
      %run_scoped3A_56 = tpu.sem_alloc : memref<!tpu.dma_semaphore, #tpu.memory_space<semaphore_mem>>
      %dma_start3A = arith.constant 0 : i32
      %dma_start3A_57 = arith.constant 0 : i32
      %dma_start3A_58 = tpu.memref_slice %arg9[%run_scoped3A_32, %dma_start3A, %dma_start3A_57] : memref<2x128x128xf32, #tpu.memory_space<vmem>> -> memref<1x128x128xf32, #tpu.memory_space<vmem>>
      %dma_start3A_59 = tpu.memref_squeeze %dma_start3A_58 : memref<1x128x128xf32, #tpu.memory_space<vmem>> -> memref<128x128xf32, #tpu.memory_space<vmem>>
      %dma_start3A_60 = arith.constant 0 : i32
      %dma_start3A_61 = tpu.memref_slice %arg11[%add3A_31, %dma_start3A_60] : memref<10000x128xf32, #tpu.memory_space<vmem_shared>> -> memref<128x128xf32, #tpu.memory_space<vmem_shared>>
      %dma_start3A_62 = arith.constant 0 : i32
      %dma_start3A_63 = arith.constant 0 : i32
      %dma_start3A_64 = tpu.memref_slice %arg9[%run_scoped3A_32, %dma_start3A_62, %dma_start3A_63] : memref<2x128x128xf32, #tpu.memory_space<vmem>> -> memref<1x128x128xf32, #tpu.memory_space<vmem>>
      %dma_start3A_65 = tpu.memref_squeeze %dma_start3A_64 : memref<1x128x128xf32, #tpu.memory_space<vmem>> -> memref<128x128xf32, #tpu.memory_space<vmem>>
      %dma_start3A_66 = arith.constant 0 : i32
      %dma_start3A_67 = tpu.memref_slice %arg11[%add3A_31, %dma_start3A_66] : memref<10000x128xf32, #tpu.memory_space<vmem_shared>> -> memref<128x128xf32, #tpu.memory_space<vmem_shared>>
      tpu.enqueue_dma source(%dma_start3A_67 : memref<128x128xf32, #tpu.memory_space<vmem_shared>>) target(%dma_start3A_65 : memref<128x128xf32, #tpu.memory_space<vmem>>) target_semaphore(%run_scoped3A_56 : memref<!tpu.dma_semaphore, #tpu.memory_space<semaphore_mem>>)
      %dma_wait3A = arith.constant 0 : i32
      %dma_wait3A_68 = arith.constant 0 : i32
      %dma_wait3A_69 = tpu.memref_slice %arg9[%run_scoped3A_32, %dma_wait3A, %dma_wait3A_68] : memref<2x128x128xf32, #tpu.memory_space<vmem>> -> memref<1x128x128xf32, #tpu.memory_space<vmem>>
      %dma_wait3A_70 = tpu.memref_squeeze %dma_wait3A_69 : memref<1x128x128xf32, #tpu.memory_space<vmem>> -> memref<128x128xf32, #tpu.memory_space<vmem>>
      %dma_wait3A_71 = arith.constant 0 : i32
      %dma_wait3A_72 = tpu.memref_slice %arg11[%add3A_31, %dma_wait3A_71] : memref<10000x128xf32, #tpu.memory_space<vmem_shared>> -> memref<128x128xf32, #tpu.memory_space<vmem_shared>>
      %dma_wait3A_73 = arith.constant 0 : i32
      %dma_wait3A_74 = arith.constant 0 : i32
      %dma_wait3A_75 = tpu.memref_slice %arg9[%run_scoped3A_32, %dma_wait3A_73, %dma_wait3A_74] : memref<2x128x128xf32, #tpu.memory_space<vmem>> -> memref<1x128x128xf32, #tpu.memory_space<vmem>>
      %dma_wait3A_76 = tpu.memref_squeeze %dma_wait3A_75 : memref<1x128x128xf32, #tpu.memory_space<vmem>> -> memref<128x128xf32, #tpu.memory_space<vmem>>
      %dma_wait3A_77 = arith.constant 0 : i32
      %dma_wait3A_78 = tpu.memref_slice %arg11[%add3A_31, %dma_wait3A_77] : memref<10000x128xf32, #tpu.memory_space<vmem_shared>> -> memref<128x128xf32, #tpu.memory_space<vmem_shared>>
      tpu.wait_dma2 semaphore(%run_scoped3A_56 : memref<!tpu.dma_semaphore, #tpu.memory_space<semaphore_mem>>) src(%dma_wait3A_78 : memref<128x128xf32, #tpu.memory_space<vmem_shared>>) dst(%dma_wait3A_76 : memref<128x128xf32, #tpu.memory_space<vmem>>)
      tpu.yield
    }) : () -> ()
    %run_scoped3A_33 = arith.constant 0 : i32
    "tpu.region"() ({
      %run_scoped3A_56 = tpu.sem_alloc : memref<!tpu.dma_semaphore, #tpu.memory_space<semaphore_mem>>
      %dma_start3A = arith.constant 0 : i32
      %dma_start3A_57 = arith.constant 0 : i32
      %dma_start3A_58 = tpu.memref_slice %arg9[%run_scoped3A_33, %dma_start3A, %dma_start3A_57] : memref<2x128x128xf32, #tpu.memory_space<vmem>> -> memref<1x128x128xf32, #tpu.memory_space<vmem>>
      %dma_start3A_59 = tpu.memref_squeeze %dma_start3A_58 : memref<1x128x128xf32, #tpu.memory_space<vmem>> -> memref<128x128xf32, #tpu.memory_space<vmem>>
      %dma_start3A_60 = arith.constant 0 : i32
      %dma_start3A_61 = tpu.memref_slice %arg6[%arg0, %add3A_31, %dma_start3A_60] : memref<2x10000x128xf32, #tpu.memory_space<hbm>> -> memref<1x128x128xf32, #tpu.memory_space<hbm>>
      %dma_start3A_62 = tpu.memref_squeeze %dma_start3A_61 : memref<1x128x128xf32, #tpu.memory_space<hbm>> -> memref<128x128xf32, #tpu.memory_space<hbm>>
      %dma_start3A_63 = arith.constant 0 : i32
      %dma_start3A_64 = tpu.memref_slice %arg6[%arg0, %add3A_31, %dma_start3A_63] : memref<2x10000x128xf32, #tpu.memory_space<hbm>> -> memref<1x128x128xf32, #tpu.memory_space<hbm>>
      %dma_start3A_65 = tpu.memref_squeeze %dma_start3A_64 : memref<1x128x128xf32, #tpu.memory_space<hbm>> -> memref<128x128xf32, #tpu.memory_space<hbm>>
      %dma_start3A_66 = arith.constant 0 : i32
      %dma_start3A_67 = arith.constant 0 : i32
      %dma_start3A_68 = tpu.memref_slice %arg9[%run_scoped3A_33, %dma_start3A_66, %dma_start3A_67] : memref<2x128x128xf32, #tpu.memory_space<vmem>> -> memref<1x128x128xf32, #tpu.memory_space<vmem>>
      %dma_start3A_69 = tpu.memref_squeeze %dma_start3A_68 : memref<1x128x128xf32, #tpu.memory_space<vmem>> -> memref<128x128xf32, #tpu.memory_space<vmem>>
      tpu.enqueue_dma source(%dma_start3A_69 : memref<128x128xf32, #tpu.memory_space<vmem>>) target(%dma_start3A_65 : memref<128x128xf32, #tpu.memory_space<hbm>>) target_semaphore(%run_scoped3A_56 : memref<!tpu.dma_semaphore, #tpu.memory_space<semaphore_mem>>)
      %dma_wait3A = arith.constant 0 : i32
      %dma_wait3A_70 = arith.constant 0 : i32
      %dma_wait3A_71 = tpu.memref_slice %arg9[%run_scoped3A_33, %dma_wait3A, %dma_wait3A_70] : memref<2x128x128xf32, #tpu.memory_space<vmem>> -> memref<1x128x128xf32, #tpu.memory_space<vmem>>
      %dma_wait3A_72 = tpu.memref_squeeze %dma_wait3A_71 : memref<1x128x128xf32, #tpu.memory_space<vmem>> -> memref<128x128xf32, #tpu.memory_space<vmem>>
      %dma_wait3A_73 = arith.constant 0 : i32
      %dma_wait3A_74 = tpu.memref_slice %arg6[%arg0, %add3A_31, %dma_wait3A_73] : memref<2x10000x128xf32, #tpu.memory_space<hbm>> -> memref<1x128x128xf32, #tpu.memory_space<hbm>>
      %dma_wait3A_75 = tpu.memref_squeeze %dma_wait3A_74 : memref<1x128x128xf32, #tpu.memory_space<hbm>> -> memref<128x128xf32, #tpu.memory_space<hbm>>
      %dma_wait3A_76 = arith.constant 0 : i32
      %dma_wait3A_77 = tpu.memref_slice %arg6[%arg0, %add3A_31, %dma_wait3A_76] : memref<2x10000x128xf32, #tpu.memory_space<hbm>> -> memref<1x128x128xf32, #tpu.memory_space<hbm>>
      %dma_wait3A_78 = tpu.memref_squeeze %dma_wait3A_77 : memref<1x128x128xf32, #tpu.memory_space<hbm>> -> memref<128x128xf32, #tpu.memory_space<hbm>>
      %dma_wait3A_79 = arith.constant 0 : i32
      %dma_wait3A_80 = arith.constant 0 : i32
      %dma_wait3A_81 = tpu.memref_slice %arg9[%run_scoped3A_33, %dma_wait3A_79, %dma_wait3A_80] : memref<2x128x128xf32, #tpu.memory_space<vmem>> -> memref<1x128x128xf32, #tpu.memory_space<vmem>>
      %dma_wait3A_82 = tpu.memref_squeeze %dma_wait3A_81 : memref<1x128x128xf32, #tpu.memory_space<vmem>> -> memref<128x128xf32, #tpu.memory_space<vmem>>
      tpu.wait_dma2 semaphore(%run_scoped3A_56 : memref<!tpu.dma_semaphore, #tpu.memory_space<semaphore_mem>>) src(%dma_wait3A_82 : memref<128x128xf32, #tpu.memory_space<vmem>>) dst(%dma_wait3A_78 : memref<128x128xf32, #tpu.memory_space<hbm>>)
      tpu.yield
    }) : () -> ()
    %add3A_34 = arith.constant 128 : i32
    %add3A_35 = arith.addi %mul3A_2, %add3A_34 : i32
    %run_scoped3A_36 = arith.constant 0 : i32
    "tpu.region"() ({
      %run_scoped3A_56 = tpu.sem_alloc : memref<!tpu.dma_semaphore, #tpu.memory_space<semaphore_mem>>
      %dma_start3A = arith.constant 0 : i32
      %dma_start3A_57 = arith.constant 0 : i32
      %dma_start3A_58 = tpu.memref_slice %arg9[%run_scoped3A_36, %dma_start3A, %dma_start3A_57] : memref<2x128x128xf32, #tpu.memory_space<vmem>> -> memref<1x128x128xf32, #tpu.memory_space<vmem>>
      %dma_start3A_59 = tpu.memref_squeeze %dma_start3A_58 : memref<1x128x128xf32, #tpu.memory_space<vmem>> -> memref<128x128xf32, #tpu.memory_space<vmem>>
      %dma_start3A_60 = arith.constant 0 : i32
      %dma_start3A_61 = tpu.memref_slice %arg11[%add3A_35, %dma_start3A_60] : memref<10000x128xf32, #tpu.memory_space<vmem_shared>> -> memref<128x128xf32, #tpu.memory_space<vmem_shared>>
      %dma_start3A_62 = arith.constant 0 : i32
      %dma_start3A_63 = arith.constant 0 : i32
      %dma_start3A_64 = tpu.memref_slice %arg9[%run_scoped3A_36, %dma_start3A_62, %dma_start3A_63] : memref<2x128x128xf32, #tpu.memory_space<vmem>> -> memref<1x128x128xf32, #tpu.memory_space<vmem>>
      %dma_start3A_65 = tpu.memref_squeeze %dma_start3A_64 : memref<1x128x128xf32, #tpu.memory_space<vmem>> -> memref<128x128xf32, #tpu.memory_space<vmem>>
      %dma_start3A_66 = arith.constant 0 : i32
      %dma_start3A_67 = tpu.memref_slice %arg11[%add3A_35, %dma_start3A_66] : memref<10000x128xf32, #tpu.memory_space<vmem_shared>> -> memref<128x128xf32, #tpu.memory_space<vmem_shared>>
      tpu.enqueue_dma source(%dma_start3A_67 : memref<128x128xf32, #tpu.memory_space<vmem_shared>>) target(%dma_start3A_65 : memref<128x128xf32, #tpu.memory_space<vmem>>) target_semaphore(%run_scoped3A_56 : memref<!tpu.dma_semaphore, #tpu.memory_space<semaphore_mem>>)
      %dma_wait3A = arith.constant 0 : i32
      %dma_wait3A_68 = arith.constant 0 : i32
      %dma_wait3A_69 = tpu.memref_slice %arg9[%run_scoped3A_36, %dma_wait3A, %dma_wait3A_68] : memref<2x128x128xf32, #tpu.memory_space<vmem>> -> memref<1x128x128xf32, #tpu.memory_space<vmem>>
      %dma_wait3A_70 = tpu.memref_squeeze %dma_wait3A_69 : memref<1x128x128xf32, #tpu.memory_space<vmem>> -> memref<128x128xf32, #tpu.memory_space<vmem>>
      %dma_wait3A_71 = arith.constant 0 : i32
      %dma_wait3A_72 = tpu.memref_slice %arg11[%add3A_35, %dma_wait3A_71] : memref<10000x128xf32, #tpu.memory_space<vmem_shared>> -> memref<128x128xf32, #tpu.memory_space<vmem_shared>>
      %dma_wait3A_73 = arith.constant 0 : i32
      %dma_wait3A_74 = arith.constant 0 : i32
      %dma_wait3A_75 = tpu.memref_slice %arg9[%run_scoped3A_36, %dma_wait3A_73, %dma_wait3A_74] : memref<2x128x128xf32, #tpu.memory_space<vmem>> -> memref<1x128x128xf32, #tpu.memory_space<vmem>>
      %dma_wait3A_76 = tpu.memref_squeeze %dma_wait3A_75 : memref<1x128x128xf32, #tpu.memory_space<vmem>> -> memref<128x128xf32, #tpu.memory_space<vmem>>
      %dma_wait3A_77 = arith.constant 0 : i32
      %dma_wait3A_78 = tpu.memref_slice %arg11[%add3A_35, %dma_wait3A_77] : memref<10000x128xf32, #tpu.memory_space<vmem_shared>> -> memref<128x128xf32, #tpu.memory_space<vmem_shared>>
      tpu.wait_dma2 semaphore(%run_scoped3A_56 : memref<!tpu.dma_semaphore, #tpu.memory_space<semaphore_mem>>) src(%dma_wait3A_78 : memref<128x128xf32, #tpu.memory_space<vmem_shared>>) dst(%dma_wait3A_76 : memref<128x128xf32, #tpu.memory_space<vmem>>)
      tpu.yield
    }) : () -> ()
    %run_scoped3A_37 = arith.constant 0 : i32
    "tpu.region"() ({
      %run_scoped3A_56 = tpu.sem_alloc : memref<!tpu.dma_semaphore, #tpu.memory_space<semaphore_mem>>
      %dma_start3A = arith.constant 0 : i32
      %dma_start3A_57 = arith.constant 0 : i32
      %dma_start3A_58 = tpu.memref_slice %arg9[%run_scoped3A_37, %dma_start3A, %dma_start3A_57] : memref<2x128x128xf32, #tpu.memory_space<vmem>> -> memref<1x128x128xf32, #tpu.memory_space<vmem>>
      %dma_start3A_59 = tpu.memref_squeeze %dma_start3A_58 : memref<1x128x128xf32, #tpu.memory_space<vmem>> -> memref<128x128xf32, #tpu.memory_space<vmem>>
      %dma_start3A_60 = arith.constant 0 : i32
      %dma_start3A_61 = tpu.memref_slice %arg6[%arg0, %add3A_35, %dma_start3A_60] : memref<2x10000x128xf32, #tpu.memory_space<hbm>> -> memref<1x128x128xf32, #tpu.memory_space<hbm>>
      %dma_start3A_62 = tpu.memref_squeeze %dma_start3A_61 : memref<1x128x128xf32, #tpu.memory_space<hbm>> -> memref<128x128xf32, #tpu.memory_space<hbm>>
      %dma_start3A_63 = arith.constant 0 : i32
      %dma_start3A_64 = tpu.memref_slice %arg6[%arg0, %add3A_35, %dma_start3A_63] : memref<2x10000x128xf32, #tpu.memory_space<hbm>> -> memref<1x128x128xf32, #tpu.memory_space<hbm>>
      %dma_start3A_65 = tpu.memref_squeeze %dma_start3A_64 : memref<1x128x128xf32, #tpu.memory_space<hbm>> -> memref<128x128xf32, #tpu.memory_space<hbm>>
      %dma_start3A_66 = arith.constant 0 : i32
      %dma_start3A_67 = arith.constant 0 : i32
      %dma_start3A_68 = tpu.memref_slice %arg9[%run_scoped3A_37, %dma_start3A_66, %dma_start3A_67] : memref<2x128x128xf32, #tpu.memory_space<vmem>> -> memref<1x128x128xf32, #tpu.memory_space<vmem>>
      %dma_start3A_69 = tpu.memref_squeeze %dma_start3A_68 : memref<1x128x128xf32, #tpu.memory_space<vmem>> -> memref<128x128xf32, #tpu.memory_space<vmem>>
      tpu.enqueue_dma source(%dma_start3A_69 : memref<128x128xf32, #tpu.memory_space<vmem>>) target(%dma_start3A_65 : memref<128x128xf32, #tpu.memory_space<hbm>>) target_semaphore(%run_scoped3A_56 : memref<!tpu.dma_semaphore, #tpu.memory_space<semaphore_mem>>)
      %dma_wait3A = arith.constant 0 : i32
      %dma_wait3A_70 = arith.constant 0 : i32
      %dma_wait3A_71 = tpu.memref_slice %arg9[%run_scoped3A_37, %dma_wait3A, %dma_wait3A_70] : memref<2x128x128xf32, #tpu.memory_space<vmem>> -> memref<1x128x128xf32, #tpu.memory_space<vmem>>
      %dma_wait3A_72 = tpu.memref_squeeze %dma_wait3A_71 : memref<1x128x128xf32, #tpu.memory_space<vmem>> -> memref<128x128xf32, #tpu.memory_space<vmem>>
      %dma_wait3A_73 = arith.constant 0 : i32
      %dma_wait3A_74 = tpu.memref_slice %arg6[%arg0, %add3A_35, %dma_wait3A_73] : memref<2x10000x128xf32, #tpu.memory_space<hbm>> -> memref<1x128x128xf32, #tpu.memory_space<hbm>>
      %dma_wait3A_75 = tpu.memref_squeeze %dma_wait3A_74 : memref<1x128x128xf32, #tpu.memory_space<hbm>> -> memref<128x128xf32, #tpu.memory_space<hbm>>
      %dma_wait3A_76 = arith.constant 0 : i32
      %dma_wait3A_77 = tpu.memref_slice %arg6[%arg0, %add3A_35, %dma_wait3A_76] : memref<2x10000x128xf32, #tpu.memory_space<hbm>> -> memref<1x128x128xf32, #tpu.memory_space<hbm>>
      %dma_wait3A_78 = tpu.memref_squeeze %dma_wait3A_77 : memref<1x128x128xf32, #tpu.memory_space<hbm>> -> memref<128x128xf32, #tpu.memory_space<hbm>>
      %dma_wait3A_79 = arith.constant 0 : i32
      %dma_wait3A_80 = arith.constant 0 : i32
      %dma_wait3A_81 = tpu.memref_slice %arg9[%run_scoped3A_37, %dma_wait3A_79, %dma_wait3A_80] : memref<2x128x128xf32, #tpu.memory_space<vmem>> -> memref<1x128x128xf32, #tpu.memory_space<vmem>>
      %dma_wait3A_82 = tpu.memref_squeeze %dma_wait3A_81 : memref<1x128x128xf32, #tpu.memory_space<vmem>> -> memref<128x128xf32, #tpu.memory_space<vmem>>
      tpu.wait_dma2 semaphore(%run_scoped3A_56 : memref<!tpu.dma_semaphore, #tpu.memory_space<semaphore_mem>>) src(%dma_wait3A_82 : memref<128x128xf32, #tpu.memory_space<vmem>>) dst(%dma_wait3A_78 : memref<128x128xf32, #tpu.memory_space<hbm>>)
      tpu.yield
    }) : () -> ()
    %add3A_38 = arith.constant 256 : i32
    %add3A_39 = arith.addi %mul3A_2, %add3A_38 : i32
    %run_scoped3A_40 = arith.constant 0 : i32
    "tpu.region"() ({
      %run_scoped3A_56 = tpu.sem_alloc : memref<!tpu.dma_semaphore, #tpu.memory_space<semaphore_mem>>
      %dma_start3A = arith.constant 0 : i32
      %dma_start3A_57 = arith.constant 0 : i32
      %dma_start3A_58 = tpu.memref_slice %arg9[%run_scoped3A_40, %dma_start3A, %dma_start3A_57] : memref<2x128x128xf32, #tpu.memory_space<vmem>> -> memref<1x128x128xf32, #tpu.memory_space<vmem>>
      %dma_start3A_59 = tpu.memref_squeeze %dma_start3A_58 : memref<1x128x128xf32, #tpu.memory_space<vmem>> -> memref<128x128xf32, #tpu.memory_space<vmem>>
      %dma_start3A_60 = arith.constant 0 : i32
      %dma_start3A_61 = tpu.memref_slice %arg11[%add3A_39, %dma_start3A_60] : memref<10000x128xf32, #tpu.memory_space<vmem_shared>> -> memref<128x128xf32, #tpu.memory_space<vmem_shared>>
      %dma_start3A_62 = arith.constant 0 : i32
      %dma_start3A_63 = arith.constant 0 : i32
      %dma_start3A_64 = tpu.memref_slice %arg9[%run_scoped3A_40, %dma_start3A_62, %dma_start3A_63] : memref<2x128x128xf32, #tpu.memory_space<vmem>> -> memref<1x128x128xf32, #tpu.memory_space<vmem>>
      %dma_start3A_65 = tpu.memref_squeeze %dma_start3A_64 : memref<1x128x128xf32, #tpu.memory_space<vmem>> -> memref<128x128xf32, #tpu.memory_space<vmem>>
      %dma_start3A_66 = arith.constant 0 : i32
      %dma_start3A_67 = tpu.memref_slice %arg11[%add3A_39, %dma_start3A_66] : memref<10000x128xf32, #tpu.memory_space<vmem_shared>> -> memref<128x128xf32, #tpu.memory_space<vmem_shared>>
      tpu.enqueue_dma source(%dma_start3A_67 : memref<128x128xf32, #tpu.memory_space<vmem_shared>>) target(%dma_start3A_65 : memref<128x128xf32, #tpu.memory_space<vmem>>) target_semaphore(%run_scoped3A_56 : memref<!tpu.dma_semaphore, #tpu.memory_space<semaphore_mem>>)
      %dma_wait3A = arith.constant 0 : i32
      %dma_wait3A_68 = arith.constant 0 : i32
      %dma_wait3A_69 = tpu.memref_slice %arg9[%run_scoped3A_40, %dma_wait3A, %dma_wait3A_68] : memref<2x128x128xf32, #tpu.memory_space<vmem>> -> memref<1x128x128xf32, #tpu.memory_space<vmem>>
      %dma_wait3A_70 = tpu.memref_squeeze %dma_wait3A_69 : memref<1x128x128xf32, #tpu.memory_space<vmem>> -> memref<128x128xf32, #tpu.memory_space<vmem>>
      %dma_wait3A_71 = arith.constant 0 : i32
      %dma_wait3A_72 = tpu.memref_slice %arg11[%add3A_39, %dma_wait3A_71] : memref<10000x128xf32, #tpu.memory_space<vmem_shared>> -> memref<128x128xf32, #tpu.memory_space<vmem_shared>>
      %dma_wait3A_73 = arith.constant 0 : i32
      %dma_wait3A_74 = arith.constant 0 : i32
      %dma_wait3A_75 = tpu.memref_slice %arg9[%run_scoped3A_40, %dma_wait3A_73, %dma_wait3A_74] : memref<2x128x128xf32, #tpu.memory_space<vmem>> -> memref<1x128x128xf32, #tpu.memory_space<vmem>>
      %dma_wait3A_76 = tpu.memref_squeeze %dma_wait3A_75 : memref<1x128x128xf32, #tpu.memory_space<vmem>> -> memref<128x128xf32, #tpu.memory_space<vmem>>
      %dma_wait3A_77 = arith.constant 0 : i32
      %dma_wait3A_78 = tpu.memref_slice %arg11[%add3A_39, %dma_wait3A_77] : memref<10000x128xf32, #tpu.memory_space<vmem_shared>> -> memref<128x128xf32, #tpu.memory_space<vmem_shared>>
      tpu.wait_dma2 semaphore(%run_scoped3A_56 : memref<!tpu.dma_semaphore, #tpu.memory_space<semaphore_mem>>) src(%dma_wait3A_78 : memref<128x128xf32, #tpu.memory_space<vmem_shared>>) dst(%dma_wait3A_76 : memref<128x128xf32, #tpu.memory_space<vmem>>)
      tpu.yield
    }) : () -> ()
    %run_scoped3A_41 = arith.constant 0 : i32
    "tpu.region"() ({
      %run_scoped3A_56 = tpu.sem_alloc : memref<!tpu.dma_semaphore, #tpu.memory_space<semaphore_mem>>
      %dma_start3A = arith.constant 0 : i32
      %dma_start3A_57 = arith.constant 0 : i32
      %dma_start3A_58 = tpu.memref_slice %arg9[%run_scoped3A_41, %dma_start3A, %dma_start3A_57] : memref<2x128x128xf32, #tpu.memory_space<vmem>> -> memref<1x128x128xf32, #tpu.memory_space<vmem>>
      %dma_start3A_59 = tpu.memref_squeeze %dma_start3A_58 : memref<1x128x128xf32, #tpu.memory_space<vmem>> -> memref<128x128xf32, #tpu.memory_space<vmem>>
      %dma_start3A_60 = arith.constant 0 : i32
      %dma_start3A_61 = tpu.memref_slice %arg6[%arg0, %add3A_39, %dma_start3A_60] : memref<2x10000x128xf32, #tpu.memory_space<hbm>> -> memref<1x128x128xf32, #tpu.memory_space<hbm>>
      %dma_start3A_62 = tpu.memref_squeeze %dma_start3A_61 : memref<1x128x128xf32, #tpu.memory_space<hbm>> -> memref<128x128xf32, #tpu.memory_space<hbm>>
      %dma_start3A_63 = arith.constant 0 : i32
      %dma_start3A_64 = tpu.memref_slice %arg6[%arg0, %add3A_39, %dma_start3A_63] : memref<2x10000x128xf32, #tpu.memory_space<hbm>> -> memref<1x128x128xf32, #tpu.memory_space<hbm>>
      %dma_start3A_65 = tpu.memref_squeeze %dma_start3A_64 : memref<1x128x128xf32, #tpu.memory_space<hbm>> -> memref<128x128xf32, #tpu.memory_space<hbm>>
      %dma_start3A_66 = arith.constant 0 : i32
      %dma_start3A_67 = arith.constant 0 : i32
      %dma_start3A_68 = tpu.memref_slice %arg9[%run_scoped3A_41, %dma_start3A_66, %dma_start3A_67] : memref<2x128x128xf32, #tpu.memory_space<vmem>> -> memref<1x128x128xf32, #tpu.memory_space<vmem>>
      %dma_start3A_69 = tpu.memref_squeeze %dma_start3A_68 : memref<1x128x128xf32, #tpu.memory_space<vmem>> -> memref<128x128xf32, #tpu.memory_space<vmem>>
      tpu.enqueue_dma source(%dma_start3A_69 : memref<128x128xf32, #tpu.memory_space<vmem>>) target(%dma_start3A_65 : memref<128x128xf32, #tpu.memory_space<hbm>>) target_semaphore(%run_scoped3A_56 : memref<!tpu.dma_semaphore, #tpu.memory_space<semaphore_mem>>)
      %dma_wait3A = arith.constant 0 : i32
      %dma_wait3A_70 = arith.constant 0 : i32
      %dma_wait3A_71 = tpu.memref_slice %arg9[%run_scoped3A_41, %dma_wait3A, %dma_wait3A_70] : memref<2x128x128xf32, #tpu.memory_space<vmem>> -> memref<1x128x128xf32, #tpu.memory_space<vmem>>
      %dma_wait3A_72 = tpu.memref_squeeze %dma_wait3A_71 : memref<1x128x128xf32, #tpu.memory_space<vmem>> -> memref<128x128xf32, #tpu.memory_space<vmem>>
      %dma_wait3A_73 = arith.constant 0 : i32
      %dma_wait3A_74 = tpu.memref_slice %arg6[%arg0, %add3A_39, %dma_wait3A_73] : memref<2x10000x128xf32, #tpu.memory_space<hbm>> -> memref<1x128x128xf32, #tpu.memory_space<hbm>>
      %dma_wait3A_75 = tpu.memref_squeeze %dma_wait3A_74 : memref<1x128x128xf32, #tpu.memory_space<hbm>> -> memref<128x128xf32, #tpu.memory_space<hbm>>
      %dma_wait3A_76 = arith.constant 0 : i32
      %dma_wait3A_77 = tpu.memref_slice %arg6[%arg0, %add3A_39, %dma_wait3A_76] : memref<2x10000x128xf32, #tpu.memory_space<hbm>> -> memref<1x128x128xf32, #tpu.memory_space<hbm>>
      %dma_wait3A_78 = tpu.memref_squeeze %dma_wait3A_77 : memref<1x128x128xf32, #tpu.memory_space<hbm>> -> memref<128x128xf32, #tpu.memory_space<hbm>>
      %dma_wait3A_79 = arith.constant 0 : i32
      %dma_wait3A_80 = arith.constant 0 : i32
      %dma_wait3A_81 = tpu.memref_slice %arg9[%run_scoped3A_41, %dma_wait3A_79, %dma_wait3A_80] : memref<2x128x128xf32, #tpu.memory_space<vmem>> -> memref<1x128x128xf32, #tpu.memory_space<vmem>>
      %dma_wait3A_82 = tpu.memref_squeeze %dma_wait3A_81 : memref<1x128x128xf32, #tpu.memory_space<vmem>> -> memref<128x128xf32, #tpu.memory_space<vmem>>
      tpu.wait_dma2 semaphore(%run_scoped3A_56 : memref<!tpu.dma_semaphore, #tpu.memory_space<semaphore_mem>>) src(%dma_wait3A_82 : memref<128x128xf32, #tpu.memory_space<vmem>>) dst(%dma_wait3A_78 : memref<128x128xf32, #tpu.memory_space<hbm>>)
      tpu.yield
    }) : () -> ()
    %add3A_42 = arith.constant 384 : i32
    %add3A_43 = arith.addi %mul3A_2, %add3A_42 : i32
    %run_scoped3A_44 = arith.constant 0 : i32
    "tpu.region"() ({
      %run_scoped3A_56 = tpu.sem_alloc : memref<!tpu.dma_semaphore, #tpu.memory_space<semaphore_mem>>
      %dma_start3A = arith.constant 0 : i32
      %dma_start3A_57 = arith.constant 0 : i32
      %dma_start3A_58 = tpu.memref_slice %arg9[%run_scoped3A_44, %dma_start3A, %dma_start3A_57] : memref<2x128x128xf32, #tpu.memory_space<vmem>> -> memref<1x128x128xf32, #tpu.memory_space<vmem>>
      %dma_start3A_59 = tpu.memref_squeeze %dma_start3A_58 : memref<1x128x128xf32, #tpu.memory_space<vmem>> -> memref<128x128xf32, #tpu.memory_space<vmem>>
      %dma_start3A_60 = arith.constant 0 : i32
      %dma_start3A_61 = tpu.memref_slice %arg11[%add3A_43, %dma_start3A_60] : memref<10000x128xf32, #tpu.memory_space<vmem_shared>> -> memref<128x128xf32, #tpu.memory_space<vmem_shared>>
      %dma_start3A_62 = arith.constant 0 : i32
      %dma_start3A_63 = arith.constant 0 : i32
      %dma_start3A_64 = tpu.memref_slice %arg9[%run_scoped3A_44, %dma_start3A_62, %dma_start3A_63] : memref<2x128x128xf32, #tpu.memory_space<vmem>> -> memref<1x128x128xf32, #tpu.memory_space<vmem>>
      %dma_start3A_65 = tpu.memref_squeeze %dma_start3A_64 : memref<1x128x128xf32, #tpu.memory_space<vmem>> -> memref<128x128xf32, #tpu.memory_space<vmem>>
      %dma_start3A_66 = arith.constant 0 : i32
      %dma_start3A_67 = tpu.memref_slice %arg11[%add3A_43, %dma_start3A_66] : memref<10000x128xf32, #tpu.memory_space<vmem_shared>> -> memref<128x128xf32, #tpu.memory_space<vmem_shared>>
      tpu.enqueue_dma source(%dma_start3A_67 : memref<128x128xf32, #tpu.memory_space<vmem_shared>>) target(%dma_start3A_65 : memref<128x128xf32, #tpu.memory_space<vmem>>) target_semaphore(%run_scoped3A_56 : memref<!tpu.dma_semaphore, #tpu.memory_space<semaphore_mem>>)
      %dma_wait3A = arith.constant 0 : i32
      %dma_wait3A_68 = arith.constant 0 : i32
      %dma_wait3A_69 = tpu.memref_slice %arg9[%run_scoped3A_44, %dma_wait3A, %dma_wait3A_68] : memref<2x128x128xf32, #tpu.memory_space<vmem>> -> memref<1x128x128xf32, #tpu.memory_space<vmem>>
      %dma_wait3A_70 = tpu.memref_squeeze %dma_wait3A_69 : memref<1x128x128xf32, #tpu.memory_space<vmem>> -> memref<128x128xf32, #tpu.memory_space<vmem>>
      %dma_wait3A_71 = arith.constant 0 : i32
      %dma_wait3A_72 = tpu.memref_slice %arg11[%add3A_43, %dma_wait3A_71] : memref<10000x128xf32, #tpu.memory_space<vmem_shared>> -> memref<128x128xf32, #tpu.memory_space<vmem_shared>>
      %dma_wait3A_73 = arith.constant 0 : i32
      %dma_wait3A_74 = arith.constant 0 : i32
      %dma_wait3A_75 = tpu.memref_slice %arg9[%run_scoped3A_44, %dma_wait3A_73, %dma_wait3A_74] : memref<2x128x128xf32, #tpu.memory_space<vmem>> -> memref<1x128x128xf32, #tpu.memory_space<vmem>>
      %dma_wait3A_76 = tpu.memref_squeeze %dma_wait3A_75 : memref<1x128x128xf32, #tpu.memory_space<vmem>> -> memref<128x128xf32, #tpu.memory_space<vmem>>
      %dma_wait3A_77 = arith.constant 0 : i32
      %dma_wait3A_78 = tpu.memref_slice %arg11[%add3A_43, %dma_wait3A_77] : memref<10000x128xf32, #tpu.memory_space<vmem_shared>> -> memref<128x128xf32, #tpu.memory_space<vmem_shared>>
      tpu.wait_dma2 semaphore(%run_scoped3A_56 : memref<!tpu.dma_semaphore, #tpu.memory_space<semaphore_mem>>) src(%dma_wait3A_78 : memref<128x128xf32, #tpu.memory_space<vmem_shared>>) dst(%dma_wait3A_76 : memref<128x128xf32, #tpu.memory_space<vmem>>)
      tpu.yield
    }) : () -> ()
    %run_scoped3A_45 = arith.constant 0 : i32
    "tpu.region"() ({
      %run_scoped3A_56 = tpu.sem_alloc : memref<!tpu.dma_semaphore, #tpu.memory_space<semaphore_mem>>
      %dma_start3A = arith.constant 0 : i32
      %dma_start3A_57 = arith.constant 0 : i32
      %dma_start3A_58 = tpu.memref_slice %arg9[%run_scoped3A_45, %dma_start3A, %dma_start3A_57] : memref<2x128x128xf32, #tpu.memory_space<vmem>> -> memref<1x128x128xf32, #tpu.memory_space<vmem>>
      %dma_start3A_59 = tpu.memref_squeeze %dma_start3A_58 : memref<1x128x128xf32, #tpu.memory_space<vmem>> -> memref<128x128xf32, #tpu.memory_space<vmem>>
      %dma_start3A_60 = arith.constant 0 : i32
      %dma_start3A_61 = tpu.memref_slice %arg6[%arg0, %add3A_43, %dma_start3A_60] : memref<2x10000x128xf32, #tpu.memory_space<hbm>> -> memref<1x128x128xf32, #tpu.memory_space<hbm>>
      %dma_start3A_62 = tpu.memref_squeeze %dma_start3A_61 : memref<1x128x128xf32, #tpu.memory_space<hbm>> -> memref<128x128xf32, #tpu.memory_space<hbm>>
      %dma_start3A_63 = arith.constant 0 : i32
      %dma_start3A_64 = tpu.memref_slice %arg6[%arg0, %add3A_43, %dma_start3A_63] : memref<2x10000x128xf32, #tpu.memory_space<hbm>> -> memref<1x128x128xf32, #tpu.memory_space<hbm>>
      %dma_start3A_65 = tpu.memref_squeeze %dma_start3A_64 : memref<1x128x128xf32, #tpu.memory_space<hbm>> -> memref<128x128xf32, #tpu.memory_space<hbm>>
      %dma_start3A_66 = arith.constant 0 : i32
      %dma_start3A_67 = arith.constant 0 : i32
      %dma_start3A_68 = tpu.memref_slice %arg9[%run_scoped3A_45, %dma_start3A_66, %dma_start3A_67] : memref<2x128x128xf32, #tpu.memory_space<vmem>> -> memref<1x128x128xf32, #tpu.memory_space<vmem>>
      %dma_start3A_69 = tpu.memref_squeeze %dma_start3A_68 : memref<1x128x128xf32, #tpu.memory_space<vmem>> -> memref<128x128xf32, #tpu.memory_space<vmem>>
      tpu.enqueue_dma source(%dma_start3A_69 : memref<128x128xf32, #tpu.memory_space<vmem>>) target(%dma_start3A_65 : memref<128x128xf32, #tpu.memory_space<hbm>>) target_semaphore(%run_scoped3A_56 : memref<!tpu.dma_semaphore, #tpu.memory_space<semaphore_mem>>)
      %dma_wait3A = arith.constant 0 : i32
      %dma_wait3A_70 = arith.constant 0 : i32
      %dma_wait3A_71 = tpu.memref_slice %arg9[%run_scoped3A_45, %dma_wait3A, %dma_wait3A_70] : memref<2x128x128xf32, #tpu.memory_space<vmem>> -> memref<1x128x128xf32, #tpu.memory_space<vmem>>
      %dma_wait3A_72 = tpu.memref_squeeze %dma_wait3A_71 : memref<1x128x128xf32, #tpu.memory_space<vmem>> -> memref<128x128xf32, #tpu.memory_space<vmem>>
      %dma_wait3A_73 = arith.constant 0 : i32
      %dma_wait3A_74 = tpu.memref_slice %arg6[%arg0, %add3A_43, %dma_wait3A_73] : memref<2x10000x128xf32, #tpu.memory_space<hbm>> -> memref<1x128x128xf32, #tpu.memory_space<hbm>>
      %dma_wait3A_75 = tpu.memref_squeeze %dma_wait3A_74 : memref<1x128x128xf32, #tpu.memory_space<hbm>> -> memref<128x128xf32, #tpu.memory_space<hbm>>
      %dma_wait3A_76 = arith.constant 0 : i32
      %dma_wait3A_77 = tpu.memref_slice %arg6[%arg0, %add3A_43, %dma_wait3A_76] : memref<2x10000x128xf32, #tpu.memory_space<hbm>> -> memref<1x128x128xf32, #tpu.memory_space<hbm>>
      %dma_wait3A_78 = tpu.memref_squeeze %dma_wait3A_77 : memref<1x128x128xf32, #tpu.memory_space<hbm>> -> memref<128x128xf32, #tpu.memory_space<hbm>>
      %dma_wait3A_79 = arith.constant 0 : i32
      %dma_wait3A_80 = arith.constant 0 : i32
      %dma_wait3A_81 = tpu.memref_slice %arg9[%run_scoped3A_45, %dma_wait3A_79, %dma_wait3A_80] : memref<2x128x128xf32, #tpu.memory_space<vmem>> -> memref<1x128x128xf32, #tpu.memory_space<vmem>>
      %dma_wait3A_82 = tpu.memref_squeeze %dma_wait3A_81 : memref<1x128x128xf32, #tpu.memory_space<vmem>> -> memref<128x128xf32, #tpu.memory_space<vmem>>
      tpu.wait_dma2 semaphore(%run_scoped3A_56 : memref<!tpu.dma_semaphore, #tpu.memory_space<semaphore_mem>>) src(%dma_wait3A_82 : memref<128x128xf32, #tpu.memory_space<vmem>>) dst(%dma_wait3A_78 : memref<128x128xf32, #tpu.memory_space<hbm>>)
      tpu.yield
    }) : () -> ()
    %lt3A_46 = arith.constant 15 : i32
    %lt3A_47 = arith.cmpi slt, %arg1, %lt3A_46 : i32
    %convert_element_type3A_48 = arith.extui %lt3A_47 : i1 to i32
    %cond3A_49 = arith.constant 0 : i32
    %cond3A_50 = arith.cmpi ne, %convert_element_type3A_48, %cond3A_49 : i32
    scf.if %cond3A_50 {
      %add3A_56 = arith.constant 512 : i32
      %add3A_57 = arith.addi %mul3A_2, %add3A_56 : i32
      %run_scoped3A_58 = arith.constant 0 : i32
      "tpu.region"() ({
        %run_scoped3A_60 = tpu.sem_alloc : memref<!tpu.dma_semaphore, #tpu.memory_space<semaphore_mem>>
        %dma_start3A = arith.constant 0 : i32
        %dma_start3A_61 = arith.constant 0 : i32
        %dma_start3A_62 = tpu.memref_slice %arg9[%run_scoped3A_58, %dma_start3A, %dma_start3A_61] : memref<2x128x128xf32, #tpu.memory_space<vmem>> -> memref<1x120x128xf32, #tpu.memory_space<vmem>>
        %dma_start3A_63 = tpu.memref_squeeze %dma_start3A_62 : memref<1x120x128xf32, #tpu.memory_space<vmem>> -> memref<120x128xf32, #tpu.memory_space<vmem>>
        %dma_start3A_64 = arith.constant 0 : i32
        %dma_start3A_65 = tpu.memref_slice %arg11[%add3A_57, %dma_start3A_64] : memref<10000x128xf32, #tpu.memory_space<vmem_shared>> -> memref<120x128xf32, #tpu.memory_space<vmem_shared>>
        %dma_start3A_66 = arith.constant 0 : i32
        %dma_start3A_67 = arith.constant 0 : i32
        %dma_start3A_68 = tpu.memref_slice %arg9[%run_scoped3A_58, %dma_start3A_66, %dma_start3A_67] : memref<2x128x128xf32, #tpu.memory_space<vmem>> -> memref<1x120x128xf32, #tpu.memory_space<vmem>>
        %dma_start3A_69 = tpu.memref_squeeze %dma_start3A_68 : memref<1x120x128xf32, #tpu.memory_space<vmem>> -> memref<120x128xf32, #tpu.memory_space<vmem>>
        %dma_start3A_70 = arith.constant 0 : i32
        %dma_start3A_71 = tpu.memref_slice %arg11[%add3A_57, %dma_start3A_70] : memref<10000x128xf32, #tpu.memory_space<vmem_shared>> -> memref<120x128xf32, #tpu.memory_space<vmem_shared>>
        tpu.enqueue_dma source(%dma_start3A_71 : memref<120x128xf32, #tpu.memory_space<vmem_shared>>) target(%dma_start3A_69 : memref<120x128xf32, #tpu.memory_space<vmem>>) target_semaphore(%run_scoped3A_60 : memref<!tpu.dma_semaphore, #tpu.memory_space<semaphore_mem>>)
        %dma_wait3A = arith.constant 0 : i32
        %dma_wait3A_72 = arith.constant 0 : i32
        %dma_wait3A_73 = tpu.memref_slice %arg9[%run_scoped3A_58, %dma_wait3A, %dma_wait3A_72] : memref<2x128x128xf32, #tpu.memory_space<vmem>> -> memref<1x120x128xf32, #tpu.memory_space<vmem>>
        %dma_wait3A_74 = tpu.memref_squeeze %dma_wait3A_73 : memref<1x120x128xf32, #tpu.memory_space<vmem>> -> memref<120x128xf32, #tpu.memory_space<vmem>>
        %dma_wait3A_75 = arith.constant 0 : i32
        %dma_wait3A_76 = tpu.memref_slice %arg11[%add3A_57, %dma_wait3A_75] : memref<10000x128xf32, #tpu.memory_space<vmem_shared>> -> memref<120x128xf32, #tpu.memory_space<vmem_shared>>
        %dma_wait3A_77 = arith.constant 0 : i32
        %dma_wait3A_78 = arith.constant 0 : i32
        %dma_wait3A_79 = tpu.memref_slice %arg9[%run_scoped3A_58, %dma_wait3A_77, %dma_wait3A_78] : memref<2x128x128xf32, #tpu.memory_space<vmem>> -> memref<1x120x128xf32, #tpu.memory_space<vmem>>
        %dma_wait3A_80 = tpu.memref_squeeze %dma_wait3A_79 : memref<1x120x128xf32, #tpu.memory_space<vmem>> -> memref<120x128xf32, #tpu.memory_space<vmem>>
        %dma_wait3A_81 = arith.constant 0 : i32
        %dma_wait3A_82 = tpu.memref_slice %arg11[%add3A_57, %dma_wait3A_81] : memref<10000x128xf32, #tpu.memory_space<vmem_shared>> -> memref<120x128xf32, #tpu.memory_space<vmem_shared>>
        tpu.wait_dma2 semaphore(%run_scoped3A_60 : memref<!tpu.dma_semaphore, #tpu.memory_space<semaphore_mem>>) src(%dma_wait3A_82 : memref<120x128xf32, #tpu.memory_space<vmem_shared>>) dst(%dma_wait3A_80 : memref<120x128xf32, #tpu.memory_space<vmem>>)
        tpu.yield
      }) : () -> ()
      %run_scoped3A_59 = arith.constant 0 : i32
      "tpu.region"() ({
        %run_scoped3A_60 = tpu.sem_alloc : memref<!tpu.dma_semaphore, #tpu.memory_space<semaphore_mem>>
        %dma_start3A = arith.constant 0 : i32
        %dma_start3A_61 = arith.constant 0 : i32
        %dma_start3A_62 = tpu.memref_slice %arg9[%run_scoped3A_59, %dma_start3A, %dma_start3A_61] : memref<2x128x128xf32, #tpu.memory_space<vmem>> -> memref<1x120x128xf32, #tpu.memory_space<vmem>>
        %dma_start3A_63 = tpu.memref_squeeze %dma_start3A_62 : memref<1x120x128xf32, #tpu.memory_space<vmem>> -> memref<120x128xf32, #tpu.memory_space<vmem>>
        %dma_start3A_64 = arith.constant 0 : i32
        %dma_start3A_65 = tpu.memref_slice %arg6[%arg0, %add3A_57, %dma_start3A_64] : memref<2x10000x128xf32, #tpu.memory_space<hbm>> -> memref<1x120x128xf32, #tpu.memory_space<hbm>>
        %dma_start3A_66 = tpu.memref_squeeze %dma_start3A_65 : memref<1x120x128xf32, #tpu.memory_space<hbm>> -> memref<120x128xf32, #tpu.memory_space<hbm>>
        %dma_start3A_67 = arith.constant 0 : i32
        %dma_start3A_68 = tpu.memref_slice %arg6[%arg0, %add3A_57, %dma_start3A_67] : memref<2x10000x128xf32, #tpu.memory_space<hbm>> -> memref<1x120x128xf32, #tpu.memory_space<hbm>>
        %dma_start3A_69 = tpu.memref_squeeze %dma_start3A_68 : memref<1x120x128xf32, #tpu.memory_space<hbm>> -> memref<120x128xf32, #tpu.memory_space<hbm>>
        %dma_start3A_70 = arith.constant 0 : i32
        %dma_start3A_71 = arith.constant 0 : i32
        %dma_start3A_72 = tpu.memref_slice %arg9[%run_scoped3A_59, %dma_start3A_70, %dma_start3A_71] : memref<2x128x128xf32, #tpu.memory_space<vmem>> -> memref<1x120x128xf32, #tpu.memory_space<vmem>>
        %dma_start3A_73 = tpu.memref_squeeze %dma_start3A_72 : memref<1x120x128xf32, #tpu.memory_space<vmem>> -> memref<120x128xf32, #tpu.memory_space<vmem>>
        tpu.enqueue_dma source(%dma_start3A_73 : memref<120x128xf32, #tpu.memory_space<vmem>>) target(%dma_start3A_69 : memref<120x128xf32, #tpu.memory_space<hbm>>) target_semaphore(%run_scoped3A_60 : memref<!tpu.dma_semaphore, #tpu.memory_space<semaphore_mem>>)
        %dma_wait3A = arith.constant 0 : i32
        %dma_wait3A_74 = arith.constant 0 : i32
        %dma_wait3A_75 = tpu.memref_slice %arg9[%run_scoped3A_59, %dma_wait3A, %dma_wait3A_74] : memref<2x128x128xf32, #tpu.memory_space<vmem>> -> memref<1x120x128xf32, #tpu.memory_space<vmem>>
        %dma_wait3A_76 = tpu.memref_squeeze %dma_wait3A_75 : memref<1x120x128xf32, #tpu.memory_space<vmem>> -> memref<120x128xf32, #tpu.memory_space<vmem>>
        %dma_wait3A_77 = arith.constant 0 : i32
        %dma_wait3A_78 = tpu.memref_slice %arg6[%arg0, %add3A_57, %dma_wait3A_77] : memref<2x10000x128xf32, #tpu.memory_space<hbm>> -> memref<1x120x128xf32, #tpu.memory_space<hbm>>
        %dma_wait3A_79 = tpu.memref_squeeze %dma_wait3A_78 : memref<1x120x128xf32, #tpu.memory_space<hbm>> -> memref<120x128xf32, #tpu.memory_space<hbm>>
        %dma_wait3A_80 = arith.constant 0 : i32
        %dma_wait3A_81 = tpu.memref_slice %arg6[%arg0, %add3A_57, %dma_wait3A_80] : memref<2x10000x128xf32, #tpu.memory_space<hbm>> -> memref<1x120x128xf32, #tpu.memory_space<hbm>>
        %dma_wait3A_82 = tpu.memref_squeeze %dma_wait3A_81 : memref<1x120x128xf32, #tpu.memory_space<hbm>> -> memref<120x128xf32, #tpu.memory_space<hbm>>
        %dma_wait3A_83 = arith.constant 0 : i32
        %dma_wait3A_84 = arith.constant 0 : i32
        %dma_wait3A_85 = tpu.memref_slice %arg9[%run_scoped3A_59, %dma_wait3A_83, %dma_wait3A_84] : memref<2x128x128xf32, #tpu.memory_space<vmem>> -> memref<1x120x128xf32, #tpu.memory_space<vmem>>
        %dma_wait3A_86 = tpu.memref_squeeze %dma_wait3A_85 : memref<1x120x128xf32, #tpu.memory_space<vmem>> -> memref<120x128xf32, #tpu.memory_space<vmem>>
        tpu.wait_dma2 semaphore(%run_scoped3A_60 : memref<!tpu.dma_semaphore, #tpu.memory_space<semaphore_mem>>) src(%dma_wait3A_86 : memref<120x128xf32, #tpu.memory_space<vmem>>) dst(%dma_wait3A_82 : memref<120x128xf32, #tpu.memory_space<hbm>>)
        tpu.yield
      }) : () -> ()
    } else {
    }
    %eq3A_51 = arith.constant 15 : i32
    %eq3A_52 = arith.cmpi eq, %arg1, %eq3A_51 : i32
    %convert_element_type3A_53 = arith.extui %eq3A_52 : i1 to i32
    %cond3A_54 = arith.constant 0 : i32
    %cond3A_55 = arith.cmpi ne, %convert_element_type3A_53, %cond3A_54 : i32
    scf.if %cond3A_55 {
      %add3A_56 = arith.constant 512 : i32
      %add3A_57 = arith.addi %mul3A_2, %add3A_56 : i32
      %run_scoped3A_58 = arith.constant 0 : i32
      "tpu.region"() ({
        %run_scoped3A_60 = tpu.sem_alloc : memref<!tpu.dma_semaphore, #tpu.memory_space<semaphore_mem>>
        %dma_start3A = arith.constant 0 : i32
        %dma_start3A_61 = arith.constant 0 : i32
        %dma_start3A_62 = tpu.memref_slice %arg9[%run_scoped3A_58, %dma_start3A, %dma_start3A_61] : memref<2x128x128xf32, #tpu.memory_space<vmem>> -> memref<1x8x128xf32, #tpu.memory_space<vmem>>
        %dma_start3A_63 = tpu.memref_squeeze %dma_start3A_62 : memref<1x8x128xf32, #tpu.memory_space<vmem>> -> memref<8x128xf32, #tpu.memory_space<vmem>>
        %dma_start3A_64 = arith.constant 0 : i32
        %dma_start3A_65 = tpu.memref_slice %arg11[%add3A_57, %dma_start3A_64] : memref<10000x128xf32, #tpu.memory_space<vmem_shared>> -> memref<8x128xf32, #tpu.memory_space<vmem_shared>>
        %dma_start3A_66 = arith.constant 0 : i32
        %dma_start3A_67 = arith.constant 0 : i32
        %dma_start3A_68 = tpu.memref_slice %arg9[%run_scoped3A_58, %dma_start3A_66, %dma_start3A_67] : memref<2x128x128xf32, #tpu.memory_space<vmem>> -> memref<1x8x128xf32, #tpu.memory_space<vmem>>
        %dma_start3A_69 = tpu.memref_squeeze %dma_start3A_68 : memref<1x8x128xf32, #tpu.memory_space<vmem>> -> memref<8x128xf32, #tpu.memory_space<vmem>>
        %dma_start3A_70 = arith.constant 0 : i32
        %dma_start3A_71 = tpu.memref_slice %arg11[%add3A_57, %dma_start3A_70] : memref<10000x128xf32, #tpu.memory_space<vmem_shared>> -> memref<8x128xf32, #tpu.memory_space<vmem_shared>>
        tpu.enqueue_dma source(%dma_start3A_71 : memref<8x128xf32, #tpu.memory_space<vmem_shared>>) target(%dma_start3A_69 : memref<8x128xf32, #tpu.memory_space<vmem>>) target_semaphore(%run_scoped3A_60 : memref<!tpu.dma_semaphore, #tpu.memory_space<semaphore_mem>>)
        %dma_wait3A = arith.constant 0 : i32
        %dma_wait3A_72 = arith.constant 0 : i32
        %dma_wait3A_73 = tpu.memref_slice %arg9[%run_scoped3A_58, %dma_wait3A, %dma_wait3A_72] : memref<2x128x128xf32, #tpu.memory_space<vmem>> -> memref<1x8x128xf32, #tpu.memory_space<vmem>>
        %dma_wait3A_74 = tpu.memref_squeeze %dma_wait3A_73 : memref<1x8x128xf32, #tpu.memory_space<vmem>> -> memref<8x128xf32, #tpu.memory_space<vmem>>
        %dma_wait3A_75 = arith.constant 0 : i32
        %dma_wait3A_76 = tpu.memref_slice %arg11[%add3A_57, %dma_wait3A_75] : memref<10000x128xf32, #tpu.memory_space<vmem_shared>> -> memref<8x128xf32, #tpu.memory_space<vmem_shared>>
        %dma_wait3A_77 = arith.constant 0 : i32
        %dma_wait3A_78 = arith.constant 0 : i32
        %dma_wait3A_79 = tpu.memref_slice %arg9[%run_scoped3A_58, %dma_wait3A_77, %dma_wait3A_78] : memref<2x128x128xf32, #tpu.memory_space<vmem>> -> memref<1x8x128xf32, #tpu.memory_space<vmem>>
        %dma_wait3A_80 = tpu.memref_squeeze %dma_wait3A_79 : memref<1x8x128xf32, #tpu.memory_space<vmem>> -> memref<8x128xf32, #tpu.memory_space<vmem>>
        %dma_wait3A_81 = arith.constant 0 : i32
        %dma_wait3A_82 = tpu.memref_slice %arg11[%add3A_57, %dma_wait3A_81] : memref<10000x128xf32, #tpu.memory_space<vmem_shared>> -> memref<8x128xf32, #tpu.memory_space<vmem_shared>>
        tpu.wait_dma2 semaphore(%run_scoped3A_60 : memref<!tpu.dma_semaphore, #tpu.memory_space<semaphore_mem>>) src(%dma_wait3A_82 : memref<8x128xf32, #tpu.memory_space<vmem_shared>>) dst(%dma_wait3A_80 : memref<8x128xf32, #tpu.memory_space<vmem>>)
        tpu.yield
      }) : () -> ()
      %run_scoped3A_59 = arith.constant 0 : i32
      "tpu.region"() ({
        %run_scoped3A_60 = tpu.sem_alloc : memref<!tpu.dma_semaphore, #tpu.memory_space<semaphore_mem>>
        %dma_start3A = arith.constant 0 : i32
        %dma_start3A_61 = arith.constant 0 : i32
        %dma_start3A_62 = tpu.memref_slice %arg9[%run_scoped3A_59, %dma_start3A, %dma_start3A_61] : memref<2x128x128xf32, #tpu.memory_space<vmem>> -> memref<1x8x128xf32, #tpu.memory_space<vmem>>
        %dma_start3A_63 = tpu.memref_squeeze %dma_start3A_62 : memref<1x8x128xf32, #tpu.memory_space<vmem>> -> memref<8x128xf32, #tpu.memory_space<vmem>>
        %dma_start3A_64 = arith.constant 0 : i32
        %dma_start3A_65 = tpu.memref_slice %arg6[%arg0, %add3A_57, %dma_start3A_64] : memref<2x10000x128xf32, #tpu.memory_space<hbm>> -> memref<1x8x128xf32, #tpu.memory_space<hbm>>
        %dma_start3A_66 = tpu.memref_squeeze %dma_start3A_65 : memref<1x8x128xf32, #tpu.memory_space<hbm>> -> memref<8x128xf32, #tpu.memory_space<hbm>>
        %dma_start3A_67 = arith.constant 0 : i32
        %dma_start3A_68 = tpu.memref_slice %arg6[%arg0, %add3A_57, %dma_start3A_67] : memref<2x10000x128xf32, #tpu.memory_space<hbm>> -> memref<1x8x128xf32, #tpu.memory_space<hbm>>
        %dma_start3A_69 = tpu.memref_squeeze %dma_start3A_68 : memref<1x8x128xf32, #tpu.memory_space<hbm>> -> memref<8x128xf32, #tpu.memory_space<hbm>>
        %dma_start3A_70 = arith.constant 0 : i32
        %dma_start3A_71 = arith.constant 0 : i32
        %dma_start3A_72 = tpu.memref_slice %arg9[%run_scoped3A_59, %dma_start3A_70, %dma_start3A_71] : memref<2x128x128xf32, #tpu.memory_space<vmem>> -> memref<1x8x128xf32, #tpu.memory_space<vmem>>
        %dma_start3A_73 = tpu.memref_squeeze %dma_start3A_72 : memref<1x8x128xf32, #tpu.memory_space<vmem>> -> memref<8x128xf32, #tpu.memory_space<vmem>>
        tpu.enqueue_dma source(%dma_start3A_73 : memref<8x128xf32, #tpu.memory_space<vmem>>) target(%dma_start3A_69 : memref<8x128xf32, #tpu.memory_space<hbm>>) target_semaphore(%run_scoped3A_60 : memref<!tpu.dma_semaphore, #tpu.memory_space<semaphore_mem>>)
        %dma_wait3A = arith.constant 0 : i32
        %dma_wait3A_74 = arith.constant 0 : i32
        %dma_wait3A_75 = tpu.memref_slice %arg9[%run_scoped3A_59, %dma_wait3A, %dma_wait3A_74] : memref<2x128x128xf32, #tpu.memory_space<vmem>> -> memref<1x8x128xf32, #tpu.memory_space<vmem>>
        %dma_wait3A_76 = tpu.memref_squeeze %dma_wait3A_75 : memref<1x8x128xf32, #tpu.memory_space<vmem>> -> memref<8x128xf32, #tpu.memory_space<vmem>>
        %dma_wait3A_77 = arith.constant 0 : i32
        %dma_wait3A_78 = tpu.memref_slice %arg6[%arg0, %add3A_57, %dma_wait3A_77] : memref<2x10000x128xf32, #tpu.memory_space<hbm>> -> memref<1x8x128xf32, #tpu.memory_space<hbm>>
        %dma_wait3A_79 = tpu.memref_squeeze %dma_wait3A_78 : memref<1x8x128xf32, #tpu.memory_space<hbm>> -> memref<8x128xf32, #tpu.memory_space<hbm>>
        %dma_wait3A_80 = arith.constant 0 : i32
        %dma_wait3A_81 = tpu.memref_slice %arg6[%arg0, %add3A_57, %dma_wait3A_80] : memref<2x10000x128xf32, #tpu.memory_space<hbm>> -> memref<1x8x128xf32, #tpu.memory_space<hbm>>
        %dma_wait3A_82 = tpu.memref_squeeze %dma_wait3A_81 : memref<1x8x128xf32, #tpu.memory_space<hbm>> -> memref<8x128xf32, #tpu.memory_space<hbm>>
        %dma_wait3A_83 = arith.constant 0 : i32
        %dma_wait3A_84 = arith.constant 0 : i32
        %dma_wait3A_85 = tpu.memref_slice %arg9[%run_scoped3A_59, %dma_wait3A_83, %dma_wait3A_84] : memref<2x128x128xf32, #tpu.memory_space<vmem>> -> memref<1x8x128xf32, #tpu.memory_space<vmem>>
        %dma_wait3A_86 = tpu.memref_squeeze %dma_wait3A_85 : memref<1x8x128xf32, #tpu.memory_space<vmem>> -> memref<8x128xf32, #tpu.memory_space<vmem>>
        tpu.wait_dma2 semaphore(%run_scoped3A_60 : memref<!tpu.dma_semaphore, #tpu.memory_space<semaphore_mem>>) src(%dma_wait3A_86 : memref<8x128xf32, #tpu.memory_space<vmem>>) dst(%dma_wait3A_82 : memref<8x128xf32, #tpu.memory_space<hbm>>)
        tpu.yield
      }) : () -> ()
    } else {
    }
    return
  }
}

module attributes {stable_mosaic.version = 14 : i64} {
  func.func @_gate_body(%arg0: i32, %arg1: memref<1024x16xf32, #tpu.memory_space<vmem>>, %arg2: memref<16x128xf32, #tpu.memory_space<vmem>>, %arg3: memref<1024x128xf32, #tpu.memory_space<vmem>>) attributes {dimension_semantics = [#tpu.dimension_semantics<arbitrary>], iteration_bounds = array<i64: 320>, scalar_prefetch = 0 : i64, scratch_operands = 0 : i64, tpu.core_type = #tpu.core_type<tc>, window_params = [{transform_indices = @transform_0, window_bounds = array<i64: 1024, 16>}, {pipeline_mode = #tpu.pipeline_mode<synchronous>, transform_indices = @transform_1, window_bounds = array<i64: 16, 128>}, {transform_indices = @transform_2, window_bounds = array<i64: 1024, 128>}]} {
    %get3A = arith.constant 0 : index
    %get3A_0 = arith.constant 0 : index
    %get3A_1 = vector.load %arg1[%get3A, %get3A_0] : memref<1024x16xf32, #tpu.memory_space<vmem>>, vector<1024x16xf32>
    %get3A_2 = arith.constant 0 : index
    %get3A_3 = arith.constant 0 : index
    %get3A_4 = vector.load %arg2[%get3A_2, %get3A_3] : memref<16x128xf32, #tpu.memory_space<vmem>>, vector<16x128xf32>
    %dot_general3A = arith.constant dense<0.000000e+00> : vector<1024x128xf32>
    %dot_general3A_5 = tpu.matmul %get3A_1, %get3A_4, %dot_general3A {dimension_numbers = #tpu.dot_dimension_numbers<[1], [0], [0], [1], [0, 0, 1, 1], [], []>, transpose_lhs_hint = false} : vector<1024x16xf32>, vector<16x128xf32>, vector<1024x128xf32> -> vector<1024x128xf32>
    %swap3A = arith.constant 0 : index
    %swap3A_6 = arith.constant 0 : index
    %swap3A_7 = vector.load %arg3[%swap3A, %swap3A_6] : memref<1024x128xf32, #tpu.memory_space<vmem>>, vector<1024x128xf32>
    tpu.vector_store %arg3[%swap3A, %swap3A_6], %dot_general3A_5 {strides = array<i32>} : memref<1024x128xf32, #tpu.memory_space<vmem>>, vector<1024x128xf32>,
    return
  }
  func.func @transform_0(%arg0: i32) -> (i32, i32) {
    %c0_i32 = arith.constant 0 : i32
    %c0_i32_0 = arith.constant 0 : i32
    return %arg0, %c0_i32 : i32, i32
  }
  func.func @transform_1(%arg0: i32) -> (i32, i32) {
    %c0_i32 = arith.constant 0 : i32
    %c0_i32_0 = arith.constant 0 : i32
    %c0_i32_1 = arith.constant 0 : i32
    return %c0_i32, %c0_i32_0 : i32, i32
  }
  func.func @transform_2(%arg0: i32) -> (i32, i32) {
    %c0_i32 = arith.constant 0 : i32
    %c0_i32_0 = arith.constant 0 : i32
    return %arg0, %c0_i32 : i32, i32
  }
}

module attributes {stable_mosaic.version = 14 : i64} {
  func.func @_upd_body(%arg0: i32, %arg1: memref<2x400x128xf32, #tpu.memory_space<vmem>>, %arg2: memref<400x128xf32, #tpu.memory_space<vmem>>, %arg3: memref<128x128xf32, #tpu.memory_space<vmem>>, %arg4: memref<400x128xf32, #tpu.memory_space<vmem>>) attributes {dimension_semantics = [#tpu.dimension_semantics<arbitrary>], iteration_bounds = array<i64: 25>, scalar_prefetch = 0 : i64, scratch_operands = 0 : i64, tpu.core_type = #tpu.core_type<tc>, window_params = [{transform_indices = @transform_0, window_bounds = array<i64: 2, 400, 128>}, {transform_indices = @transform_1, window_bounds = array<i64: 400, 128>}, {pipeline_mode = #tpu.pipeline_mode<synchronous>, transform_indices = @transform_2, window_bounds = array<i64: 128, 128>}, {transform_indices = @transform_3, window_bounds = array<i64: 400, 128>}]} {
    %get3A = arith.constant 0 : index
    %get3A_0 = arith.constant 0 : index
    %get3A_1 = arith.constant 0 : index
    %get3A_2 = vector.load %arg1[%get3A, %get3A_0, %get3A_1] : memref<2x400x128xf32, #tpu.memory_space<vmem>>, vector<1x400x128xf32>
    %get3A_3 = vector.shape_cast %get3A_2 : vector<1x400x128xf32> to vector<400x128xf32>
    %get3A_4 = arith.constant 1 : index
    %get3A_5 = arith.constant 0 : index
    %get3A_6 = arith.constant 0 : index
    %get3A_7 = vector.load %arg1[%get3A_4, %get3A_5, %get3A_6] : memref<2x400x128xf32, #tpu.memory_space<vmem>>, vector<1x400x128xf32>
    %get3A_8 = vector.shape_cast %get3A_7 : vector<1x400x128xf32> to vector<400x128xf32>
    %add3A = arith.addf %get3A_3, %get3A_8 : vector<400x128xf32>
    %get3A_9 = arith.constant 0 : index
    %get3A_10 = arith.constant 0 : index
    %get3A_11 = vector.load %arg3[%get3A_9, %get3A_10] : memref<128x128xf32, #tpu.memory_space<vmem>>, vector<128x128xf32>
    %dot_general3A = arith.constant dense<0.000000e+00> : vector<400x128xf32>
    %dot_general3A_12 = tpu.matmul %add3A, %get3A_11, %dot_general3A {dimension_numbers = #tpu.dot_dimension_numbers<[1], [0], [0], [1], [0, 0, 1, 1], [], []>, transpose_lhs_hint = false} : vector<400x128xf32>, vector<128x128xf32>, vector<400x128xf32> -> vector<400x128xf32>
    %mul3A = arith.constant 1.000000e-01 : f32
    %mul3A_13 = vector.broadcast %mul3A : f32 to vector<400x128xf32>
    %mul3A_14 = arith.mulf %mul3A_13, %dot_general3A_12 : vector<400x128xf32>
    %get3A_15 = arith.constant 0 : index
    %get3A_16 = arith.constant 0 : index
    %get3A_17 = vector.load %arg2[%get3A_15, %get3A_16] : memref<400x128xf32, #tpu.memory_space<vmem>>, vector<400x128xf32>
    %add3A_18 = arith.addf %mul3A_14, %get3A_17 : vector<400x128xf32>
    %logistic3A = arith.negf %add3A_18 : vector<400x128xf32>
    %logistic3A_19 = math.exp %logistic3A : vector<400x128xf32>
    %logistic3A_20 = arith.constant 1.000000e+00 : f32
    %logistic3A_21 = vector.broadcast %logistic3A_20 : f32 to vector<400x128xf32>
    %logistic3A_22 = arith.addf %logistic3A_21, %logistic3A_19 : vector<400x128xf32>
    %logistic3A_23 = arith.divf %logistic3A_21, %logistic3A_22 : vector<400x128xf32>
    %mul3A_24 = arith.mulf %add3A_18, %logistic3A_23 : vector<400x128xf32>
    %swap3A = arith.constant 0 : index
    %swap3A_25 = arith.constant 0 : index
    %swap3A_26 = vector.load %arg4[%swap3A, %swap3A_25] : memref<400x128xf32, #tpu.memory_space<vmem>>, vector<400x128xf32>
    tpu.vector_store %arg4[%swap3A, %swap3A_25], %mul3A_24 {strides = array<i32>} : memref<400x128xf32, #tpu.memory_space<vmem>>, vector<400x128xf32>,
    return
  }
  func.func @transform_0(%arg0: i32) -> (i32, i32, i32) {
    %c0_i32 = arith.constant 0 : i32
    %c0_i32_0 = arith.constant 0 : i32
    %c0_i32_1 = arith.constant 0 : i32
    return %c0_i32, %arg0, %c0_i32_0 : i32, i32, i32
  }
  func.func @transform_1(%arg0: i32) -> (i32, i32) {
    %c0_i32 = arith.constant 0 : i32
    %c0_i32_0 = arith.constant 0 : i32
    return %arg0, %c0_i32 : i32, i32
  }
  func.func @transform_2(%arg0: i32) -> (i32, i32) {
    %c0_i32 = arith.constant 0 : i32
    %c0_i32_0 = arith.constant 0 : i32
    %c0_i32_1 = arith.constant 0 : i32
    return %c0_i32, %c0_i32_0 : i32, i32
  }
  func.func @transform_3(%arg0: i32) -> (i32, i32) {
    %c0_i32 = arith.constant 0 : i32
    %c0_i32_0 = arith.constant 0 : i32
    return %arg0, %c0_i32 : i32, i32
  }
}

module attributes {stable_mosaic.version = 14 : i64} {
  func.func @_fin_body(%arg0: i32, %arg1: memref<2x400x128xf32, #tpu.memory_space<vmem>>, %arg2: memref<400x128xf32, #tpu.memory_space<vmem>>, %arg3: memref<128x128xf32, #tpu.memory_space<vmem>>, %arg4: memref<128x128xf32, #tpu.memory_space<vmem>>, %arg5: memref<400x128xf32, #tpu.memory_space<vmem>>) attributes {dimension_semantics = [#tpu.dimension_semantics<arbitrary>], iteration_bounds = array<i64: 25>, scalar_prefetch = 0 : i64, scratch_operands = 0 : i64, tpu.core_type = #tpu.core_type<tc>, window_params = [{transform_indices = @transform_0, window_bounds = array<i64: 2, 400, 128>}, {transform_indices = @transform_1, window_bounds = array<i64: 400, 128>}, {pipeline_mode = #tpu.pipeline_mode<synchronous>, transform_indices = @transform_2, window_bounds = array<i64: 128, 128>}, {pipeline_mode = #tpu.pipeline_mode<synchronous>, transform_indices = @transform_3, window_bounds = array<i64: 128, 128>}, {transform_indices = @transform_4, window_bounds = array<i64: 400, 128>}]} {
    %get3A = arith.constant 0 : index
    %get3A_0 = arith.constant 0 : index
    %get3A_1 = arith.constant 0 : index
    %get3A_2 = vector.load %arg1[%get3A, %get3A_0, %get3A_1] : memref<2x400x128xf32, #tpu.memory_space<vmem>>, vector<1x400x128xf32>
    %get3A_3 = vector.shape_cast %get3A_2 : vector<1x400x128xf32> to vector<400x128xf32>
    %get3A_4 = arith.constant 1 : index
    %get3A_5 = arith.constant 0 : index
    %get3A_6 = arith.constant 0 : index
    %get3A_7 = vector.load %arg1[%get3A_4, %get3A_5, %get3A_6] : memref<2x400x128xf32, #tpu.memory_space<vmem>>, vector<1x400x128xf32>
    %get3A_8 = vector.shape_cast %get3A_7 : vector<1x400x128xf32> to vector<400x128xf32>
    %add3A = arith.addf %get3A_3, %get3A_8 : vector<400x128xf32>
    %get3A_9 = arith.constant 0 : index
    %get3A_10 = arith.constant 0 : index
    %get3A_11 = vector.load %arg3[%get3A_9, %get3A_10] : memref<128x128xf32, #tpu.memory_space<vmem>>, vector<128x128xf32>
    %dot_general3A = arith.constant dense<0.000000e+00> : vector<400x128xf32>
    %dot_general3A_12 = tpu.matmul %add3A, %get3A_11, %dot_general3A {dimension_numbers = #tpu.dot_dimension_numbers<[1], [0], [0], [1], [0, 0, 1, 1], [], []>, transpose_lhs_hint = false} : vector<400x128xf32>, vector<128x128xf32>, vector<400x128xf32> -> vector<400x128xf32>
    %mul3A = arith.constant 1.000000e-01 : f32
    %mul3A_13 = vector.broadcast %mul3A : f32 to vector<400x128xf32>
    %mul3A_14 = arith.mulf %mul3A_13, %dot_general3A_12 : vector<400x128xf32>
    %get3A_15 = arith.constant 0 : index
    %get3A_16 = arith.constant 0 : index
    %get3A_17 = vector.load %arg2[%get3A_15, %get3A_16] : memref<400x128xf32, #tpu.memory_space<vmem>>, vector<400x128xf32>
    %add3A_18 = arith.addf %mul3A_14, %get3A_17 : vector<400x128xf32>
    %logistic3A = arith.negf %add3A_18 : vector<400x128xf32>
    %logistic3A_19 = math.exp %logistic3A : vector<400x128xf32>
    %logistic3A_20 = arith.constant 1.000000e+00 : f32
    %logistic3A_21 = vector.broadcast %logistic3A_20 : f32 to vector<400x128xf32>
    %logistic3A_22 = arith.addf %logistic3A_21, %logistic3A_19 : vector<400x128xf32>
    %logistic3A_23 = arith.divf %logistic3A_21, %logistic3A_22 : vector<400x128xf32>
    %mul3A_24 = arith.mulf %add3A_18, %logistic3A_23 : vector<400x128xf32>
    %get3A_25 = arith.constant 0 : index
    %get3A_26 = arith.constant 0 : index
    %get3A_27 = vector.load %arg4[%get3A_25, %get3A_26] : memref<128x128xf32, #tpu.memory_space<vmem>>, vector<128x128xf32>
    %dot_general3A_28 = arith.constant dense<0.000000e+00> : vector<400x128xf32>
    %dot_general3A_29 = tpu.matmul %mul3A_24, %get3A_27, %dot_general3A_28 {dimension_numbers = #tpu.dot_dimension_numbers<[1], [0], [0], [1], [0, 0, 1, 1], [], []>, transpose_lhs_hint = false} : vector<400x128xf32>, vector<128x128xf32>, vector<400x128xf32> -> vector<400x128xf32>
    %logistic3A_30 = arith.negf %dot_general3A_29 : vector<400x128xf32>
    %logistic3A_31 = math.exp %logistic3A_30 : vector<400x128xf32>
    %logistic3A_32 = arith.constant 1.000000e+00 : f32
    %logistic3A_33 = vector.broadcast %logistic3A_32 : f32 to vector<400x128xf32>
    %logistic3A_34 = arith.addf %logistic3A_33, %logistic3A_31 : vector<400x128xf32>
    %logistic3A_35 = arith.divf %logistic3A_33, %logistic3A_34 : vector<400x128xf32>
    %mul3A_36 = arith.mulf %dot_general3A_29, %logistic3A_35 : vector<400x128xf32>
    %swap3A = arith.constant 0 : index
    %swap3A_37 = arith.constant 0 : index
    %swap3A_38 = vector.load %arg5[%swap3A, %swap3A_37] : memref<400x128xf32, #tpu.memory_space<vmem>>, vector<400x128xf32>
    tpu.vector_store %arg5[%swap3A, %swap3A_37], %mul3A_36 {strides = array<i32>} : memref<400x128xf32, #tpu.memory_space<vmem>>, vector<400x128xf32>,
    return
  }
  func.func @transform_0(%arg0: i32) -> (i32, i32, i32) {
    %c0_i32 = arith.constant 0 : i32
    %c0_i32_0 = arith.constant 0 : i32
    %c0_i32_1 = arith.constant 0 : i32
    return %c0_i32, %arg0, %c0_i32_0 : i32, i32, i32
  }
  func.func @transform_1(%arg0: i32) -> (i32, i32) {
    %c0_i32 = arith.constant 0 : i32
    %c0_i32_0 = arith.constant 0 : i32
    return %arg0, %c0_i32 : i32, i32
  }
  func.func @transform_2(%arg0: i32) -> (i32, i32) {
    %c0_i32 = arith.constant 0 : i32
    %c0_i32_0 = arith.constant 0 : i32
    %c0_i32_1 = arith.constant 0 : i32
    return %c0_i32, %c0_i32_0 : i32, i32
  }
  func.func @transform_3(%arg0: i32) -> (i32, i32) {
    %c0_i32 = arith.constant 0 : i32
    %c0_i32_0 = arith.constant 0 : i32
    %c0_i32_1 = arith.constant 0 : i32
    return %c0_i32, %c0_i32_0 : i32, i32
  }
  func.func @transform_4(%arg0: i32) -> (i32, i32) {
    %c0_i32 = arith.constant 0 : i32
    %c0_i32_0 = arith.constant 0 : i32
    return %arg0, %c0_i32 : i32, i32
  }
}

</mosaic_0001>

<sc_bundles>
// kernel: kernel.10.cloned.1.call-start
scs
__scs_entry_jumppad:
0x0: {  	(pc) =	sbr.rel $0x88, $3  }
0x1: {  	(tag) =	ssettag $0x0;
	lr =	simm.s32 $0x1  }
0x2: {  	[smem:$0x3F9B] =	sst lr;
	_ =	strace $0xD0000000  }
0x3: {  	_ = 	snop  }
0x4: {  	_ = 	snop  }
0x5: {  	_ = 	snop  }
0x6: {  	_ = 	snop  }
0x7: {  	_ = 	snop  }
__scs_overlays_trampoline_lowered:
0x8: {  	[smem:$0x3FAA] =	sst s0  }
0x9: {  	[smem:$0x3FAB] =	sst s1  }
0xa: {  	[smem:$0x3FAC] =	sst s2  }
0xb: {  	[smem:$0x3FAD] =	sst s3  }
0xc: {  	[smem:$0x3FAE] =	sst s4  }
0xd: {  	[smem:$0x3FAF] =	sst s5  }
0xe: {  	[smem:$0x3FB0] =	sst s6  }
0xf: {  	[smem:$0x3FB1] =	sst s7  }
0x10: {  	[smem:$0x3FB2] =	sst s8  }
0x11: {  	[smem:$0x3FB3] =	sst s9;
	s0 =	simm.s32 @!p0 $0x0  }
0x12: {  	s1 =	sld [smem:$0x3F99];
	s0 =	simm.s32 @p0 $0x1  }
0x13: {  	[smem:$0x3FB4] =	sst s0;
	s0 =	simm.s32 @!p1 $0x0  }
0x14: {  	s2 =	sld [smem:$0x3F98];
	s0 =	simm.s32 @p1 $0x1  }
0x15: {  	[smem:$0x3FB5] =	sst s0;
	s0 =	simm.s32 @!p2 $0x0  }
0x16: {  	s3 =	sld [smem:$0x3FDB];
	s0 =	simm.s32 @p2 $0x1  }
0x17: {  	s4 =	simm.s32 $0x1BF5;
	[smem:$0x3FB7] =	sst s0  }
0x18: {  	s0 =	sld [smem:$0x3F9A];
	_ =	swait.ge [sflag:s4], $0x0  }
0x19: {  	s7 =	sld [smem:$0x3F9B]  }
0x1a: {  	s8 =	sadd.s32 $0xFFFFE003, lr  }
0x1b: {  	s9 =	sadd.s32 $0xFFFFFEF7, lr;
	s5 =	simm.s32 $0xFFFFFFFF;
	p2 =	slt.u32 s8, $0xFFFFF086  }
0x1c: {  	p1 =	slt.u32 s9, $0xF7A;
	s5 =	simm.s32 @!p2 $0x0  }
0x1d: {  	s5 =	simm.s32 @p1 $0x1;
	p0 =	seq.s32 s7, s2  }
0x1e: {  	s7 =	smul.u32 @!p0 $0xF7A, s2;
	p2 =	seq.s32 @!p0 s5, $0x0  }
0x1f: {  	s9 =	smul.u32 $0xF7A, s1;
	s8 =	simm.s32 @!p0 $0x1BF5;
	p2 =	por !p2, p0  }
0x20: {  	[sflag:s8] =	ssyncset.s32 @!p0 $0xFFFFF086;
	s6 =	sadd.s32 @!p0 s3, s7;
	s7 =	simm.s32 @!p0 $0x108  }
0x21: {  	s3 =	sadd.s32 s3, s9;
	s6 =	sadd.s32 @!p0 $0x88, s6;
	s7 =	simm.s32 @p2 $0x1082  }
0x22: {  	[simem:s7], [sflag:s8] =	dma.local @!p0 [hbm:s6], $0xF7A  }
0x23: {  	s9 =	sor.u32 $0xD0000000, s2;
	s6 =	simm.s32 $0x108;
	_ =	swait.ge @!p0 [sflag:s8], $0x0  }
0x24: {  	s3 =	sadd.s32 $0x88, s3;
	s6 =	simm.s32 @!p1 $0x1082;
	[sflag:s4] =	ssyncset.s32 $0xFFFFF086  }
0x25: {  	[simem:s6], [sflag:s4] =	dma.local [hbm:s3], $0xF7A  }
0x26: {  	[smem:$0x3F9B] =	sst s1;
	(tag) =	ssettag s2;
	_ =	strace s9  }
0x27: {  	s1 =	sld [smem:$0x3FAB]  }
0x28: {  	s2 =	sld [smem:$0x3FAC]  }
0x29: {  	s4 =	sld [smem:$0x3FAE]  }
0x2a: {  	p0 =	seq.s32 s5, $0x0;
	s5 =	sld [smem:$0x3FAF]  }
0x2b: {  	s6 =	sld [smem:$0x3FB0]  }
0x2c: {  	s7 =	sld [smem:$0x3FB1]  }
0x2d: {  	s3 =	simm.s32 $0x108;
	s8 =	sld [smem:$0x3FB2]  }
0x2e: {  	s3 =	simm.s32 @!p0 $0x1082;
	s9 =	sld [smem:$0x3FB3]  }
0x2f: {  	lr =	sadd.s32 s0, s3;
	s0 =	sld [smem:$0x3FAA]  }
0x30: {  	s3 =	sld [smem:$0x3FAD]  }
0x31: {  	[smem:$0x3FB6] =	sst s10  }
0x32: {  	s10 =	sld [smem:$0x3FB4];
	_ =	sdelay $0x3  }
0x33: {  	p0 =	seq.s32 s10, $0x1;
	s10 =	sld [smem:$0x3FB6];
	_ =	sdelay $0x3  }
0x34: {  	[smem:$0x3FB6] =	sst s10  }
0x35: {  	s10 =	sld [smem:$0x3FB5];
	_ =	sdelay $0x3  }
0x36: {  	p1 =	seq.s32 s10, $0x1;
	s10 =	sld [smem:$0x3FB6];
	_ =	sdelay $0x3  }
0x37: {  	[smem:$0x3FB6] =	sst s10  }
0x38: {  	s10 =	sld [smem:$0x3FB7]  }
0x39: {  	_ = 	snop;
	(pc) =	sbr.ind lr, $3  }
0x3a: {  	_ = 	snop  }
0x3b: {  	_ = 	snop  }
0x3c: {  	p2 =	seq.s32 s10, $0x1;
	s10 =	sld [smem:$0x3FB6]  }
0x3d: {  	_ =	shalt  }
0x3e: {  	_ =	shalt  }
0x3f: {  	_ =	shalt  }
0x40: {  	_ =	shalt  }
0x41: {  	_ =	shalt  }
0x42: {  	_ =	shalt  }
0x43: {  	_ =	shalt  }
0x44: {  	_ =	shalt  }
0x45: {  	_ =	shalt  }
0x46: {  	_ =	shalt  }
0x47: {  	_ =	shalt  }
0x48: {  	_ =	shalt  }
0x49: {  	_ =	shalt  }
0x4a: {  	_ =	shalt  }
0x4b: {  	_ =	shalt  }
0x4c: {  	_ =	shalt  }
0x4d: {  	_ =	shalt  }
0x4e: {  	_ =	shalt  }
0x4f: {  	_ =	shalt  }
0x50: {  	_ =	shalt  }
0x51: {  	_ =	shalt  }
0x52: {  	_ =	shalt  }
0x53: {  	_ =	shalt  }
0x54: {  	_ =	shalt  }
0x55: {  	_ =	shalt  }
0x56: {  	_ =	shalt  }
0x57: {  	_ =	shalt  }
0x58: {  	_ =	shalt  }
0x59: {  	_ =	shalt  }
0x5a: {  	_ =	shalt  }
0x5b: {  	_ =	shalt  }
0x5c: {  	_ =	shalt  }
0x5d: {  	_ =	shalt  }
0x5e: {  	_ =	shalt  }
0x5f: {  	_ =	shalt  }
0x60: {  	_ =	shalt  }
0x61: {  	_ =	shalt  }
0x62: {  	_ =	shalt  }
0x63: {  	_ =	shalt  }
0x64: {  	_ =	shalt  }
0x65: {  	_ =	shalt  }
0x66: {  	_ =	shalt  }
0x67: {  	_ =	shalt  }
0x68: {  	_ =	shalt  }
0x69: {  	_ =	shalt  }
0x6a: {  	_ =	shalt  }
0x6b: {  	_ =	shalt  }
0x6c: {  	_ =	shalt  }
0x6d: {  	_ =	shalt  }
0x6e: {  	_ =	shalt  }
0x6f: {  	_ =	shalt  }
0x70: {  	_ =	shalt  }
0x71: {  	_ =	shalt  }
0x72: {  	_ =	shalt  }
0x73: {  	_ =	shalt  }
0x74: {  	_ =	shalt  }
0x75: {  	_ =	shalt  }
0x76: {  	_ =	shalt  }
0x77: {  	_ =	shalt  }
0x78: {  	_ =	shalt  }
0x79: {  	_ =	shalt  }
0x7a: {  	_ =	shalt  }
0x7b: {  	_ =	shalt  }
0x7c: {  	_ =	shalt  }
0x7d: {  	_ =	shalt  }
0x7e: {  	_ =	shalt  }
0x7f: {  	_ =	shalt  }
0x80: {  	_ =	shalt  }
0x81: {  	_ =	shalt  }
0x82: {  	_ =	shalt  }
0x83: {  	_ =	shalt  }
0x84: {  	_ =	shalt  }
0x85: {  	_ =	shalt  }
0x86: {  	_ =	shalt  }
0x87: {  	_ =	shalt  }
.Lfunc_end0:
.L_simem_size_0:
called_computation.1_lowered:
.L_overlay_start_0:
0x88: {  	s2 =	sld [smem:$0x3FD9]  }
0x89: {  	s3 =	sld [smem:$0x3FFE];
	_ =	sdelay $0x1  }
0x8a: {  	s1 =	srdreg.scid  }
0x8b: {  	s0 =	sand.u32 $0x1, s1  }
0x8c: {  	s16 =	sshll.u32 s0, $0xA;
	s2 =	sadd.s32 s3, s2  }
0x8d: {  	s2 =	sadd.s32 s2, s16  }
0x8e: {  	[smem:$0x3FC2] =	sst s2  }
0x8f: {  	_ = 	snop  }
0x90: {  	(tm) =	ssettm $0x1  }
0x91: {  	s17 =	sld [smem:$0x3FFB];
	_ =	sdelay $0x3  }
0x92: {  	_ =	strace s17  }
0x93: {  	s2 =	sld [smem:$0x3FFC];
	_ =	sdelay $0x3  }
0x94: {  	_ =	strace s2  }
0x95: {  	s2 =	sld [smem:$0x3FFD];
	_ =	sdelay $0x3  }
0x96: {  	_ =	strace s2  }
0x97: {  	_ =	strace $0x8FFFFFFF  }
0x98: {  	s18 =	sld [smem:$0x3FDB];
	_ =	sdelay $0x1  }
0x99: {  	s19 =	simm.s32 $_scs_section_size  }
0x9a: {  	s4 =	simm.s32 $_size__tile_overlayer_lowered;
	s5 =	simm.s32 $_tile_overlayer_lowered  }
0x9b: {  	s22 =	simm.s32 $0x1BFF;
	s21 =	sshll.u32 s5, $0x1;
	s2 =	sadd.s32 s19, s18  }
0x9c: {  	s6 =	simm.s32 $0x0;
	s20 =	sshll.u32 s4, $0x1;
	s4 =	sadd.s32 s21, s2  }
0x9d: {  	[timem:s6], [sflag:s22] =	dma.local [hbm:s4], s20  }
0x9e: {  	_ =	swait.ge [sflag:s22], s20  }
0x9f: {  	s3 =	ssub.s32 $0x0, s20;
	[sflag:s22] =	ssyncset.done $0x0  }
0xa0: {  	[sflag:s22] =	ssyncadd.s32 s3;
	_ =	sdelay $0x1  }
0xa1: {  	s23 =	simm.s32 $0x1B8B  }
0xa2: {  	_ =	swait.ge [sflag:s23], $0x1  }
0xa3: {  	[sflag:s23] =	ssyncset.done $0x0  }
0xa4: {  	s25 =	simm.s32 $0x1B8E;
	s24 =	sld [smem:$0x3FFE];
	[sflag:s23] =	ssyncadd.s32 $0xFFFFFFFF  }
0xa5: {  	s26 =	simm.s32 $execute0_lowered;
	[smem:$0x3FD2] =	sst s25  }
0xa6: {  	s4 =	sshll.u32 s26, $0x1;
	_ =	strace $0x80000049;
	[dreg:$0x1] =	wrdreg $0xFFFFFFFF  }
0xa7: {  	s28 =	simm.s32 $_size_execute0_lowered;
	s2 =	sadd.s32 s2, s4;
	[dreg:$0x0] =	wrdreg $0x0  }
0xa8: {  	s4 =	sshll.u32 s28, $0x1;
	[dreg:$0x2] =	wrdreg s2  }
0xa9: {  	[dreg:$0x3] =	wrdreg s4  }
0xaa: {  	[dreg:$0x4] =	wrdreg $0xC0  }
0xab: {  	_ =	task [dreg:s6], $0x5FFFF  }
0xac: {  	[dreg:$0x1] =	wrdreg $0xFFFFFFFF  }
0xad: {  	[dreg:$0x0] =	wrdreg $0x60  }
0xae: {  	[dreg:$0x2] =	wrdreg s24  }
0xaf: {  	[dreg:$0x3] =	wrdreg $0xC4000  }
0xb0: {  	[dreg:$0x4] =	wrdreg $0x9  }
0xb1: {  	_ =	task.clear_ibuf [dreg:s6], $0x5FFFF;
	_ =	strace $0x90000049  }
0xb2: {  	s29 =	simm.s32 $0x9;
	_ =	strace $0x8000004B  }
0xb3: {  	_ =	swait.ge [sflag:s29], $0x1  }
0xb4: {  	[sflag:s29] =	ssyncadd.s32 $0xFFFFFFFF  }
0xb5: {  	_ =	strace $0x9000004B  }
0xb6: {  	_ =	sfence  }
0xb7: {  	s30 =	sld [smem:$0x0];
	_ =	sdelay $0x2  }
0xb8: {  	s31 =	sshll.u32 s1, $0xD;
	s1 =	sshrl.u32 s1, $0x2  }
0xb9: {  	s3 =	sand.u32 $0x4000, s31;
	s1 =	sadd.s32 s1, s30  }
0xba: {  	s0 =	sor.u32 s3, s0;
	s1 =	sshll.u32 s1, $0x11  }
0xbb: {  	s0 =	sor.u32 s1, s0  }
0xbc: {  	s0 =	sadd.s32 $0x8F2B, s0  }
0xbd: {  	[sflag:s0] =	ssyncadd.remote.s32 $0x1  }
0xbe: {  	_ =	sfence.sel $0xFFFF  }
0xbf: {  	[dreg:$0x0] =	wrdreg $0xFFFFFFFF;
	(pc) =	sbr.abs _section_cstart, $3  }
0xc0: {  	[dreg:$0x1] =	wrdreg $0xFFFFFFFF  }
0xc1: {  	_ =	task.clear_ibuf [dreg:s6], $0x2FFFF;
	_ =	strace $0x9FFFFFFF  }
0xc2: {  	(tm) =	ssettm $0x7FFFFFFF  }
0xc3: {  	_ =	shalt  }
tec
execute0_lowered:
.L_overlay_start_1:
0x0: {  	(tag) =	ssettag $0x1  }
0x1: {  	s0 =	rddreg [dreg:$0x0]  }
0x2: {  	s1 =	rddreg [dreg:$0x1];
	s2 =	simm.s32 $0x0  }
0x3: {  	s20 =	srdreg.scid;
	s18 =	stileid.u32;
	s28 =	simm.s32 $0x200  }
0x4: {  	s29 =	simm.s32 $0x80;
	s31 =	simm.s32 $0x4400;
	s4 =	sadd.s32 $0x4ED600, s0  }
0x5: {  	[smem:$0x7FF] =	sst s2;
	s5 =	sadd.s32 $0x4E3600, s0;
	s7 =	smul.u32 $0x4F000, s18  }
0x6: {  	s6 =	sadd.s32 $0x9F7600, s0;
	s8 =	sadd.s32 $0x1600, s0;
	s10 =	smul.u32 $0x13C00, s18  }
0x7: {  	s30 =	simm.s32 $0x8400;
	s24 =	sadd.s32 $0x138400, s1;
	s14 =	sadd.s32 $0x9F7E00, s0  }
0x8: {  	s2 =	sand.u32 $0x1, s20;
	s15 =	sadd.s32 $0x9F8600, s0;
	s16 =	sadd.s32 $0x9F8E00, s0  }
0x9: {  	p0 =	seq.s32 s18, $0xF;
	_ =	strace $0x8000004A;
	s3 =	ssub.s32 $0x2, s2  }
0xa: {  	s21 =	sshll.u32 s2, $0x4;
	s2 =	smul.u32 $0x138800, s2;
	[dreg:$0x8] =	wrdreg s24  }
0xb: {  	s9 =	sshrl.u32 s3, $0x1;
	s7 =	sshrl.u32 s7, $0x2;
	s11 =	sadd.s32 $0x4000, s10  }
0xc: {  	s22 =	sadd.s32 $0x8000, s10;
	s17 =	sadd.s32 $0xC000, s10;
	s3 =	ssub.s32 s3, s9  }
0xd: {  	s9 =	sor.u32 s18, s21;
	s7 =	sadd.s32 s7, s1;
	s12 =	sadd.s32 s11, s1  }
0xe: {  	s13 =	sadd.s32 s22, s1;
	s23 =	sadd.s32 s17, s1;
	[dreg:$0x4] =	wrdreg s12  }
0xf: {  	s25 =	sadd.s32 s10, s2;
	s20 =	sadd.s32 s2, s17;
	[dreg:$0x5] =	wrdreg s13  }
0x10: {  	s17 =	simm.s32 $0x100;
	s18 =	simm.s32 $0x2;
	[dreg:$0x6] =	wrdreg s23  }
0x11: {  	[dreg:$0x3] =	wrdreg s7;
	s7 =	sadd.s32 $0x10000, s7;
	s13 =	smul.u32 $0x50, s9  }
0x12: {  	s26 =	sshrl.u32 s25, $0x3;
	s12 =	sadd.s32 s2, s22;
	s21 =	sshrl.u32 s20, $0x3  }
0x13: {  	s22 =	sadd.s32 $0x10000, s10;
	s20 =	simm.s32 $0x5;
	[dreg:$0x7] =	wrdreg s7  }
0x14: {  	s7 =	sadd.s32 s2, s11;
	s0 =	sadd.s32 s8, s26;
	s19 =	sshrl.u32 s12, $0x3  }
0x15: {  	s23 =	sadd.s32 s2, s22;
	s2 =	sshrl.u32 s2, $0x3;
	s24 =	sadd.s32 s22, s1  }
0x16: {  	s26 =	smax.u32 s3, $0x1;
	s3 =	simm.s32 $0x3;
	[dreg:$0x9] =	wrdreg s0  }
0x17: {  	s22 =	simm.s32 $0x300;
	s11 =	sshrl.u32 s7, $0x3;
	[dreg:$0xd] =	wrdreg s24  }
0x18: {  	s2 =	sadd.s32 s8, s2;
	[dreg:$0x10] =	wrdreg s26;
	s0 =	sadd.s32 s8, s11  }
0x19: {  	s26 =	simm.s32 $0x6;
	s25 =	sadd.s32 $0x27080, s2;
	[dreg:$0xa] =	wrdreg s0  }
0x1a: {  	s24 =	simm.s32 $0x0;
	s0 =	sadd.s32 s8, s19;
	[dreg:$0xf] =	wrdreg s25  }
0x1b: {  	s11 =	simm.s32 $0x4;
	[dreg:$0xb] =	wrdreg s0;
	s0 =	sadd.s32 s8, s21  }
0x1c: {  	s25 =	simm.s32 $0x400;
	[dreg:$0xc] =	wrdreg s0;
	s0 =	sshrl.u32 s23, $0x3  }
0x1d: {  	s19 =	simm.s32 $0x280;
	s21 =	simm.s32 $0x180;
	s0 =	sadd.s32 s8, s0  }
0x1e: {  	v0 =	vimm.f32 $0.0e+00;
	s23 =	simm.s32 $0x380;
	[dreg:$0xe] =	wrdreg s0;
	s0 =	simm.s32 $0x1  }
.LBB2_1:
0x1f: {  	s2 =	simm.s32 $0x0;
	s8 =	simm.s32 $0x200  }
.LBB2_2:
0x20: {  	p1 =	sne.s32 s8, $0xFE00;
	[tilespmem:s2+$0x470] =	vst v0  }
0x21: {  	[tilespmem:s2+$0x400] =	vst v0  }
0x22: {  	[tilespmem:s2+$0x410] =	vst v0  }
.Ltmp0:
0x23: {  	[tilespmem:s2+$0x420] =	vst v0;
	(pc) =	sbr.rel @p1 .LBB2_2-.Ltmp0, $4  }
0x24: {  	[tilespmem:s2+$0x430] =	vst v0  }
0x25: {  	[tilespmem:s2+$0x440] =	vst v0  }
0x26: {  	[tilespmem:s2+$0x450] =	vst v0  }
0x27: {  	[tilespmem:s2+$0x460] =	vst v0;
	s2 =	sshra.s32 s8, $0x2;
	s8 =	sadd.s32 $0x200, s8  }
0x28: {  	[tilespmem:s2+$0x470] =	vst v0  }
0x29: {  	[tilespmem:s2+$0x400] =	vst v0  }
0x2a: {  	[tilespmem:s2+$0x410] =	vst v0  }
0x2b: {  	[tilespmem:s2+$0x420] =	vst v0  }
0x2c: {  	[tilespmem:s2+$0x430] =	vst v0  }
0x2d: {  	[tilespmem:s2+$0x440] =	vst v0  }
0x2e: {  	[tilespmem:s2+$0x450] =	vst v0  }
0x2f: {  	[tilespmem:s2+$0x460] =	vst v0;
	s8 =	rddreg [dreg:$0x3]  }
0x30: {  	[spmem:s8] =	stream.linear.scatter [tilespmem:s25], [sflag:$0x6], $0x4000, $0x38;
	[tilespmem:$0x1FC80] =	vst v63  }
0x31: {  	_ =	swait.ge [sflag:s26], $0x4000  }
0x32: {  	[sflag:s26] =	ssyncset.done $0x0  }
0x33: {  	s9 =	rddreg [dreg:$0x4];
	[sflag:s26] =	ssyncadd.s32 $0xFFFFC000  }
0x34: {  	[spmem:s9] =	stream.linear.scatter [tilespmem:s25], [sflag:$0x6], $0x4000, $0x38;
	[tilespmem:$0x1FC80] =	vst v63  }
0x35: {  	_ =	swait.ge [sflag:s26], $0x4000  }
0x36: {  	[sflag:s26] =	ssyncset.done $0x0  }
0x37: {  	s10 =	rddreg [dreg:$0x5];
	[sflag:s26] =	ssyncadd.s32 $0xFFFFC000  }
0x38: {  	[spmem:s10] =	stream.linear.scatter [tilespmem:s25], [sflag:$0x6], $0x4000, $0x38;
	[tilespmem:$0x1FC80] =	vst v63  }
0x39: {  	_ =	swait.ge [sflag:s26], $0x4000  }
0x3a: {  	[sflag:s26] =	ssyncset.done $0x0  }
0x3b: {  	s12 =	rddreg [dreg:$0x6];
	[sflag:s26] =	ssyncadd.s32 $0xFFFFC000  }
0x3c: {  	[spmem:s12] =	stream.linear.scatter [tilespmem:s25], [sflag:$0x6], $0x4000, $0x38;
	[tilespmem:$0x1FC80] =	vst v63  }
0x3d: {  	_ =	swait.ge [sflag:s26], $0x4000  }
0x3e: {  	[sflag:s26] =	ssyncset.done $0x0  }
0x3f: {  	s2 =	simm.s32 @p0 $0x400;
	s7 =	rddreg [dreg:$0x8];
	[sflag:s26] =	ssyncadd.s32 $0xFFFFC000  }
0x40: {  	[spmem:s7] =	stream.linear.scatter @p0 [tilespmem:s2], [sflag:$0x6], $0x400, $0x38;
	[tilespmem:$0x1FC80] =	vst v63  }
0x41: {  	s2 =	simm.s32 @p0 $0x6  }
0x42: {  	_ =	swait.ge @p0 [sflag:s2], $0x400  }
0x43: {  	[sflag:s2] =	ssyncset.done @p0 $0x0  }
0x44: {  	s7 =	rddreg [dreg:$0x7];
	[sflag:s2] =	ssyncadd.s32 @p0 $0xFFFFFC00;
	s2 =	simm.s32 @!p0 $0x400  }
0x45: {  	[spmem:s7] =	stream.linear.scatter @!p0 [tilespmem:s2], [sflag:$0x6], $0x3C00, $0x38;
	[tilespmem:$0x1FC80] =	vst v63  }
0x46: {  	s2 =	simm.s32 @!p0 $0x6  }
0x47: {  	_ =	swait.ge @!p0 [sflag:s2], $0x3C00  }
0x48: {  	[sflag:s2] =	ssyncset.done @!p0 $0x0  }
0x49: {  	[sflag:s2] =	ssyncadd.s32 @!p0 $0xFFFFC400  }
0x4a: {  	s8 =	simm.s32 $0x0;
	s2 =	simm.s32 $0x0;
	[bflag:$0x0] =	sbarrier.arrive $0xFFFF  }
.LBB2_4:
0x4b: {  	s9 =	sshll.u32 s8, $0x2  }
0x4c: {  	s9 =	sadd.s32 s13, s9  }
0x4d: {  	s12 =	sshll.u32 s8, $0x6;
	s10 =	sshll.u32 s9, $0x4  }
0x4e: {  	s12 =	sand.u32 $0x40, s12;
	s10 =	sand.u32 $0xFFFFF80, s10  }
0x4f: {  	s10 =	sor.u32 s12, s10  }
0x50: {  	s12 =	sadd.s32 s4, s10  }
0x51: {  	[tilespmem:s2], [sflag:$0x6] =	stream.linear.gather [hbm4b:s12+s2], $0x200, $0x38;
	[tilespmem:$0x1FC80] =	vst v63  }
0x52: {  	_ =	swait.ge [sflag:s26], $0x200  }
0x53: {  	[sflag:s26] =	ssyncset.done $0x0  }
0x54: {  	s10 =	sadd.s32 s5, s10;
	[sflag:s26] =	ssyncadd.s32 $0xFFFFFE00  }
0x55: {  	[tilespmem:s28], [sflag:$0x6] =	stream.linear.gather [hbm4b:s10+s2], $0x200, $0x38;
	[tilespmem:$0x1FC80] =	vst v63  }
0x56: {  	_ =	swait.ge [sflag:s26], $0x200  }
0x57: {  	[sflag:s26] =	ssyncset.done $0x0  }
0x58: {  	s9 =	sshll.u32 s9, $0xB;
	[sflag:s26] =	ssyncadd.s32 $0xFFFFFE00  }
0x59: {  	[tilespmem:s25], [sflag:$0x1] =	stream.indirect.gather [spmem:s1], $0x80, s2, s29, $0xb8;
	[tilespmem:$0x1FC80] =	vst v63  }
0x5a: {  	s12 =	sadd.s32 s6, s9  }
0x5b: {  	[tilespmem:s30], [sflag:$0x3] =	stream.linear.gather [hbm4b:s12+s2], $0x4000, $0x38;
	[tilespmem:$0x1FC80] =	vst v63  }
0x5c: {  	_ = 	snop  }
0x5d: {  	[tilespmem:s31], [sflag:$0x2] =	stream.indirect.gather [spmem:s1], $0x80, s29, s29, $0xb8;
	[tilespmem:$0x1FC80] =	vst v63  }
0x5e: {  	_ =	swait.ge [sflag:s0], $0x4000  }
0x5f: {  	[sflag:s0] =	ssyncset.done $0x0  }
0x60: {  	[sflag:s0] =	ssyncadd.s32 $0xFFFFC000  }
0x61: {  	_ =	swait.ge [sflag:s3], $0x4000  }
0x62: {  	[sflag:s3] =	ssyncset.done $0x0  }
0x63: {  	s10 =	simm.s32 $0x0;
	[sflag:s3] =	ssyncadd.s32 $0xFFFFC000  }
0x64: {  	v8 =	vld [tilespmem:s10+$0x8400]  }
0x65: {  	v12 =	vld [tilespmem:s10+$0x8410]  }
0x66: {  	v6 =	vld [tilespmem:s10+$0x8420]  }
0x67: {  	v5 =	vld [tilespmem:s10+$0x8430]  }
0x68: {  	v4 =	vld [tilespmem:s10+$0x8440]  }
0x69: {  	v3 =	vld [tilespmem:s10+$0x8450]  }
0x6a: {  	v2 =	vld [tilespmem:s10+$0x8460]  }
0x6b: {  	v1 =	vld [tilespmem:s10+$0x8470]  }
0x6c: {  	v13 =	vld [tilespmem:s10+$0x400]  }
0x6d: {  	v14 =	vld [tilespmem:s10+$0x410]  }
0x6e: {  	v11 =	vld [tilespmem:s10+$0x420]  }
0x6f: {  	v10 =	vld [tilespmem:s10+$0x430]  }
0x70: {  	v9 =	vld [tilespmem:s10+$0x440]  }
0x71: {  	v7 =	vld [tilespmem:s10+$0x450];
	v13 =	vmul.f32 v8, v13  }
0x72: {  	s12 =	simm.s32 $0x200;
	v12 =	vmul.f32 v12, v14;
	v8 =	vld [tilespmem:s10+$0x460]  }
.LBB2_5:
0x73: {  	s7 =	sshra.s32 s12, $0x2;
	p1 =	sne.s32 s12, $0xFE00;
	[tilespmem:s10+$0x400] =	vst v13;
	v6 =	vmul.f32 v6, v11;
	v11 =	vld [tilespmem:s10+$0x470]  }
0x74: {  	v13 =	vld [tilespmem:s7+$0x8400];
	[tilespmem:s10+$0x410] =	vst v12;
	v5 =	vmul.f32 v5, v10  }
0x75: {  	v12 =	vld [tilespmem:s7+$0x8410];
	[tilespmem:s10+$0x420] =	vst v6;
	v4 =	vmul.f32 v4, v9  }
0x76: {  	v6 =	vld [tilespmem:s7+$0x8420];
	[tilespmem:s10+$0x430] =	vst v5;
	v3 =	vmul.f32 v3, v7  }
0x77: {  	v5 =	vld [tilespmem:s7+$0x8430];
	[tilespmem:s10+$0x440] =	vst v4;
	v2 =	vmul.f32 v2, v8  }
0x78: {  	v4 =	vld [tilespmem:s7+$0x8440];
	[tilespmem:s10+$0x450] =	vst v3;
	v1 =	vmul.f32 v1, v11  }
0x79: {  	v3 =	vld [tilespmem:s7+$0x8450];
	[tilespmem:s10+$0x460] =	vst v2  }
0x7a: {  	v2 =	vld [tilespmem:s7+$0x8460];
	[tilespmem:s10+$0x470] =	vst v1;
	s10 =	smov.u32 s7  }
0x7b: {  	v1 =	vld [tilespmem:s10+$0x8470]  }
0x7c: {  	v7 =	vld [tilespmem:s10+$0x400]  }
0x7d: {  	v8 =	vld [tilespmem:s10+$0x410]  }
.Ltmp1:
0x7e: {  	v11 =	vld [tilespmem:s10+$0x420];
	(pc) =	sbr.rel @p1 .LBB2_5-.Ltmp1, $4  }
0x7f: {  	v10 =	vld [tilespmem:s10+$0x430]  }
0x80: {  	v9 =	vld [tilespmem:s10+$0x440]  }
0x81: {  	v13 =	vmul.f32 v13, v7;
	v7 =	vld [tilespmem:s10+$0x450]  }
0x82: {  	s12 =	sadd.s32 $0x200, s12;
	v12 =	vmul.f32 v12, v8;
	v8 =	vld [tilespmem:s10+$0x460]  }
0x83: {  	[tilespmem:s10+$0x400] =	vst v13;
	v6 =	vmul.f32 v6, v11;
	v11 =	vld [tilespmem:s10+$0x470]  }
0x84: {  	[tilespmem:s10+$0x410] =	vst v12;
	v5 =	vmul.f32 v5, v10  }
0x85: {  	[tilespmem:s10+$0x420] =	vst v6;
	v4 =	vmul.f32 v4, v9  }
0x86: {  	[tilespmem:s10+$0x430] =	vst v5;
	v3 =	vmul.f32 v3, v7  }
0x87: {  	[tilespmem:s10+$0x440] =	vst v4;
	v2 =	vmul.f32 v2, v8  }
0x88: {  	[tilespmem:s10+$0x450] =	vst v3;
	v1 =	vmul.f32 v1, v11  }
0x89: {  	[tilespmem:s10+$0x460] =	vst v2  }
0x8a: {  	s7 =	sadd.s32 s9, s14;
	s12 =	simm.s32 $0x0;
	[tilespmem:s10+$0x470] =	vst v1  }
0x8b: {  	[tilespmem:s30], [sflag:$0x3] =	stream.linear.gather [hbm4b:s7+s12], $0x4000, $0x38;
	[tilespmem:$0x1FC80] =	vst v63  }
0x8c: {  	_ = 	snop  }
0x8d: {  	[spmem:s1] =	stream.indirect.scatter.add.f32 [tilespmem:s25], [sflag:$0x4], $0x80, s28, s29, $0xb8;
	[tilespmem:$0x1FC80] =	vst v63  }
0x8e: {  	_ =	swait.ge [sflag:s11], $0x4000  }
0x8f: {  	[sflag:s11] =	ssyncset.done $0x0  }
0x90: {  	[sflag:s11] =	ssyncadd.s32 $0xFFFFC000  }
0x91: {  	[tilespmem:s25], [sflag:$0x1] =	stream.indirect.gather [spmem:s1], $0x80, s17, s29, $0xb8;
	[tilespmem:$0x1FC80] =	vst v63  }
0x92: {  	_ =	swait.ge [sflag:s18], $0x4000  }
0x93: {  	[sflag:s18] =	ssyncset.done $0x0  }
0x94: {  	[sflag:s18] =	ssyncadd.s32 $0xFFFFC000  }
0x95: {  	_ =	swait.ge [sflag:s3], $0x4000  }
0x96: {  	[sflag:s3] =	ssyncset.done $0x0  }
0x97: {  	s10 =	simm.s32 $0x0;
	[sflag:s3] =	ssyncadd.s32 $0xFFFFC000  }
0x98: {  	v8 =	vld [tilespmem:s10+$0x8400]  }
0x99: {  	v12 =	vld [tilespmem:s10+$0x8410]  }
0x9a: {  	v6 =	vld [tilespmem:s10+$0x8420]  }
0x9b: {  	v5 =	vld [tilespmem:s10+$0x8430]  }
0x9c: {  	v4 =	vld [tilespmem:s10+$0x8440]  }
0x9d: {  	v3 =	vld [tilespmem:s10+$0x8450]  }
0x9e: {  	v2 =	vld [tilespmem:s10+$0x8460]  }
0x9f: {  	v1 =	vld [tilespmem:s10+$0x8470]  }
0xa0: {  	v13 =	vld [tilespmem:s10+$0x4400]  }
0xa1: {  	v14 =	vld [tilespmem:s10+$0x4410]  }
0xa2: {  	v11 =	vld [tilespmem:s10+$0x4420]  }
0xa3: {  	v10 =	vld [tilespmem:s10+$0x4430]  }
0xa4: {  	v9 =	vld [tilespmem:s10+$0x4440]  }
0xa5: {  	v7 =	vld [tilespmem:s10+$0x4450];
	v13 =	vmul.f32 v8, v13  }
0xa6: {  	s12 =	simm.s32 $0x200;
	v12 =	vmul.f32 v12, v14;
	v8 =	vld [tilespmem:s10+$0x4460]  }
.LBB2_7:
0xa7: {  	s7 =	sshra.s32 s12, $0x2;
	p1 =	sne.s32 s12, $0xFE00;
	[tilespmem:s10+$0x4400] =	vst v13;
	v6 =	vmul.f32 v6, v11;
	v11 =	vld [tilespmem:s10+$0x4470]  }
0xa8: {  	v13 =	vld [tilespmem:s7+$0x8400];
	[tilespmem:s10+$0x4410] =	vst v12;
	v5 =	vmul.f32 v5, v10  }
0xa9: {  	v12 =	vld [tilespmem:s7+$0x8410];
	[tilespmem:s10+$0x4420] =	vst v6;
	v4 =	vmul.f32 v4, v9  }
0xaa: {  	v6 =	vld [tilespmem:s7+$0x8420];
	[tilespmem:s10+$0x4430] =	vst v5;
	v3 =	vmul.f32 v3, v7  }
0xab: {  	v5 =	vld [tilespmem:s7+$0x8430];
	[tilespmem:s10+$0x4440] =	vst v4;
	v2 =	vmul.f32 v2, v8  }
0xac: {  	v4 =	vld [tilespmem:s7+$0x8440];
	[tilespmem:s10+$0x4450] =	vst v3;
	v1 =	vmul.f32 v1, v11  }
0xad: {  	v3 =	vld [tilespmem:s7+$0x8450];
	[tilespmem:s10+$0x4460] =	vst v2  }
0xae: {  	v2 =	vld [tilespmem:s7+$0x8460];
	[tilespmem:s10+$0x4470] =	vst v1;
	s10 =	smov.u32 s7  }
0xaf: {  	v1 =	vld [tilespmem:s10+$0x8470]  }
0xb0: {  	v7 =	vld [tilespmem:s10+$0x4400]  }
0xb1: {  	v8 =	vld [tilespmem:s10+$0x4410]  }
.Ltmp2:
0xb2: {  	v11 =	vld [tilespmem:s10+$0x4420];
	(pc) =	sbr.rel @p1 .LBB2_7-.Ltmp2, $4  }
0xb3: {  	v10 =	vld [tilespmem:s10+$0x4430]  }
0xb4: {  	v9 =	vld [tilespmem:s10+$0x4440]  }
0xb5: {  	v13 =	vmul.f32 v13, v7;
	v7 =	vld [tilespmem:s10+$0x4450]  }
0xb6: {  	s12 =	sadd.s32 $0x200, s12;
	v12 =	vmul.f32 v12, v8;
	v8 =	vld [tilespmem:s10+$0x4460]  }
0xb7: {  	[tilespmem:s10+$0x4400] =	vst v13;
	v6 =	vmul.f32 v6, v11;
	v11 =	vld [tilespmem:s10+$0x4470]  }
0xb8: {  	[tilespmem:s10+$0x4410] =	vst v12;
	v5 =	vmul.f32 v5, v10  }
0xb9: {  	[tilespmem:s10+$0x4420] =	vst v6;
	v4 =	vmul.f32 v4, v9  }
0xba: {  	[tilespmem:s10+$0x4430] =	vst v5;
	v3 =	vmul.f32 v3, v7  }
0xbb: {  	[tilespmem:s10+$0x4440] =	vst v4;
	v2 =	vmul.f32 v2, v8  }
0xbc: {  	[tilespmem:s10+$0x4450] =	vst v3;
	v1 =	vmul.f32 v1, v11  }
0xbd: {  	[tilespmem:s10+$0x4460] =	vst v2  }
0xbe: {  	s7 =	sadd.s32 s9, s15;
	s12 =	simm.s32 $0x0;
	[tilespmem:s10+$0x4470] =	vst v1  }
0xbf: {  	[tilespmem:s30], [sflag:$0x3] =	stream.linear.gather [hbm4b:s7+s12], $0x4000, $0x38;
	[tilespmem:$0x1FC80] =	vst v63  }
0xc0: {  	_ = 	snop  }
0xc1: {  	[spmem:s1] =	stream.indirect.scatter.add.f32 [tilespmem:s31], [sflag:$0x5], $0x80, s19, s29, $0xb8;
	[tilespmem:$0x1FC80] =	vst v63  }
0xc2: {  	_ =	swait.ge [sflag:s20], $0x4000  }
0xc3: {  	[sflag:s20] =	ssyncset.done $0x0  }
0xc4: {  	[sflag:s20] =	ssyncadd.s32 $0xFFFFC000  }
0xc5: {  	[tilespmem:s31], [sflag:$0x2] =	stream.indirect.gather [spmem:s1], $0x80, s21, s29, $0xb8;
	[tilespmem:$0x1FC80] =	vst v63  }
0xc6: {  	_ =	swait.ge [sflag:s0], $0x4000  }
0xc7: {  	[sflag:s0] =	ssyncset.done $0x0  }
0xc8: {  	[sflag:s0] =	ssyncadd.s32 $0xFFFFC000  }
0xc9: {  	_ =	swait.ge [sflag:s3], $0x4000  }
0xca: {  	[sflag:s3] =	ssyncset.done $0x0  }
0xcb: {  	s10 =	simm.s32 $0x0;
	[sflag:s3] =	ssyncadd.s32 $0xFFFFC000  }
0xcc: {  	v8 =	vld [tilespmem:s10+$0x8400]  }
0xcd: {  	v12 =	vld [tilespmem:s10+$0x8410]  }
0xce: {  	v6 =	vld [tilespmem:s10+$0x8420]  }
0xcf: {  	v5 =	vld [tilespmem:s10+$0x8430]  }
0xd0: {  	v4 =	vld [tilespmem:s10+$0x8440]  }
0xd1: {  	v3 =	vld [tilespmem:s10+$0x8450]  }
0xd2: {  	v2 =	vld [tilespmem:s10+$0x8460]  }
0xd3: {  	v1 =	vld [tilespmem:s10+$0x8470]  }
0xd4: {  	v13 =	vld [tilespmem:s10+$0x400]  }
0xd5: {  	v14 =	vld [tilespmem:s10+$0x410]  }
0xd6: {  	v11 =	vld [tilespmem:s10+$0x420]  }
0xd7: {  	v10 =	vld [tilespmem:s10+$0x430]  }
0xd8: {  	v9 =	vld [tilespmem:s10+$0x440]  }
0xd9: {  	v7 =	vld [tilespmem:s10+$0x450];
	v13 =	vmul.f32 v8, v13  }
0xda: {  	s12 =	simm.s32 $0x200;
	v12 =	vmul.f32 v12, v14;
	v8 =	vld [tilespmem:s10+$0x460]  }
.LBB2_9:
0xdb: {  	s7 =	sshra.s32 s12, $0x2;
	p1 =	sne.s32 s12, $0xFE00;
	[tilespmem:s10+$0x400] =	vst v13;
	v6 =	vmul.f32 v6, v11;
	v11 =	vld [tilespmem:s10+$0x470]  }
0xdc: {  	v13 =	vld [tilespmem:s7+$0x8400];
	[tilespmem:s10+$0x410] =	vst v12;
	v5 =	vmul.f32 v5, v10  }
0xdd: {  	v12 =	vld [tilespmem:s7+$0x8410];
	[tilespmem:s10+$0x420] =	vst v6;
	v4 =	vmul.f32 v4, v9  }
0xde: {  	v6 =	vld [tilespmem:s7+$0x8420];
	[tilespmem:s10+$0x430] =	vst v5;
	v3 =	vmul.f32 v3, v7  }
0xdf: {  	v5 =	vld [tilespmem:s7+$0x8430];
	[tilespmem:s10+$0x440] =	vst v4;
	v2 =	vmul.f32 v2, v8  }
0xe0: {  	v4 =	vld [tilespmem:s7+$0x8440];
	[tilespmem:s10+$0x450] =	vst v3;
	v1 =	vmul.f32 v1, v11  }
0xe1: {  	v3 =	vld [tilespmem:s7+$0x8450];
	[tilespmem:s10+$0x460] =	vst v2  }
0xe2: {  	v2 =	vld [tilespmem:s7+$0x8460];
	[tilespmem:s10+$0x470] =	vst v1;
	s10 =	smov.u32 s7  }
0xe3: {  	v1 =	vld [tilespmem:s10+$0x8470]  }
0xe4: {  	v7 =	vld [tilespmem:s10+$0x400]  }
0xe5: {  	v8 =	vld [tilespmem:s10+$0x410]  }
.Ltmp3:
0xe6: {  	v11 =	vld [tilespmem:s10+$0x420];
	(pc) =	sbr.rel @p1 .LBB2_9-.Ltmp3, $4  }
0xe7: {  	v10 =	vld [tilespmem:s10+$0x430]  }
0xe8: {  	v9 =	vld [tilespmem:s10+$0x440]  }
0xe9: {  	v13 =	vmul.f32 v13, v7;
	v7 =	vld [tilespmem:s10+$0x450]  }
0xea: {  	s12 =	sadd.s32 $0x200, s12;
	v12 =	vmul.f32 v12, v8;
	v8 =	vld [tilespmem:s10+$0x460]  }
0xeb: {  	[tilespmem:s10+$0x400] =	vst v13;
	v6 =	vmul.f32 v6, v11;
	v11 =	vld [tilespmem:s10+$0x470]  }
0xec: {  	[tilespmem:s10+$0x410] =	vst v12;
	v5 =	vmul.f32 v5, v10  }
0xed: {  	[tilespmem:s10+$0x420] =	vst v6;
	v4 =	vmul.f32 v4, v9  }
0xee: {  	[tilespmem:s10+$0x430] =	vst v5;
	v3 =	vmul.f32 v3, v7  }
0xef: {  	[tilespmem:s10+$0x440] =	vst v4;
	v2 =	vmul.f32 v2, v8  }
0xf0: {  	[tilespmem:s10+$0x450] =	vst v3;
	v1 =	vmul.f32 v1, v11  }
0xf1: {  	[tilespmem:s10+$0x460] =	vst v2  }
0xf2: {  	s7 =	sadd.s32 s9, s16;
	s12 =	simm.s32 $0x0;
	[tilespmem:s10+$0x470] =	vst v1  }
0xf3: {  	[tilespmem:s30], [sflag:$0x3] =	stream.linear.gather [hbm4b:s7+s12], $0x4000, $0x38;
	[tilespmem:$0x1FC80] =	vst v63  }
0xf4: {  	_ = 	snop  }
0xf5: {  	[spmem:s1] =	stream.indirect.scatter.add.f32 [tilespmem:s25], [sflag:$0x4], $0x80, s22, s29, $0xb8;
	[tilespmem:$0x1FC80] =	vst v63  }
0xf6: {  	_ =	swait.ge [sflag:s18], $0x4000  }
0xf7: {  	[sflag:s18] =	ssyncset.done $0x0  }
0xf8: {  	[sflag:s18] =	ssyncadd.s32 $0xFFFFC000  }
0xf9: {  	_ =	swait.ge [sflag:s3], $0x4000  }
0xfa: {  	[sflag:s3] =	ssyncset.done $0x0  }
0xfb: {  	s9 =	simm.s32 $0x0;
	[sflag:s3] =	ssyncadd.s32 $0xFFFFC000  }
0xfc: {  	v8 =	vld [tilespmem:s9+$0x8400]  }
0xfd: {  	v12 =	vld [tilespmem:s9+$0x8410]  }
0xfe: {  	v6 =	vld [tilespmem:s9+$0x8420]  }
0xff: {  	v5 =	vld [tilespmem:s9+$0x8430]  }
0x100: {  	v4 =	vld [tilespmem:s9+$0x8440]  }
0x101: {  	v3 =	vld [tilespmem:s9+$0x8450]  }
0x102: {  	v2 =	vld [tilespmem:s9+$0x8460]  }
0x103: {  	v1 =	vld [tilespmem:s9+$0x8470]  }
0x104: {  	v13 =	vld [tilespmem:s9+$0x4400]  }
0x105: {  	v14 =	vld [tilespmem:s9+$0x4410]  }
0x106: {  	v11 =	vld [tilespmem:s9+$0x4420]  }
0x107: {  	v10 =	vld [tilespmem:s9+$0x4430]  }
0x108: {  	v9 =	vld [tilespmem:s9+$0x4440]  }
0x109: {  	v7 =	vld [tilespmem:s9+$0x4450];
	v13 =	vmul.f32 v8, v13  }
0x10a: {  	s10 =	simm.s32 $0x200;
	v12 =	vmul.f32 v12, v14;
	v8 =	vld [tilespmem:s9+$0x4460]  }
.LBB2_11:
0x10b: {  	s7 =	sshra.s32 s10, $0x2;
	p1 =	sne.s32 s10, $0xFE00;
	[tilespmem:s9+$0x4400] =	vst v13;
	v6 =	vmul.f32 v6, v11;
	v11 =	vld [tilespmem:s9+$0x4470]  }
0x10c: {  	v13 =	vld [tilespmem:s7+$0x8400];
	[tilespmem:s9+$0x4410] =	vst v12;
	v5 =	vmul.f32 v5, v10  }
0x10d: {  	v12 =	vld [tilespmem:s7+$0x8410];
	[tilespmem:s9+$0x4420] =	vst v6;
	v4 =	vmul.f32 v4, v9  }
0x10e: {  	v6 =	vld [tilespmem:s7+$0x8420];
	[tilespmem:s9+$0x4430] =	vst v5;
	v3 =	vmul.f32 v3, v7  }
0x10f: {  	v5 =	vld [tilespmem:s7+$0x8430];
	[tilespmem:s9+$0x4440] =	vst v4;
	v2 =	vmul.f32 v2, v8  }
0x110: {  	v4 =	vld [tilespmem:s7+$0x8440];
	[tilespmem:s9+$0x4450] =	vst v3;
	v1 =	vmul.f32 v1, v11  }
0x111: {  	v3 =	vld [tilespmem:s7+$0x8450];
	[tilespmem:s9+$0x4460] =	vst v2  }
0x112: {  	v2 =	vld [tilespmem:s7+$0x8460];
	[tilespmem:s9+$0x4470] =	vst v1;
	s9 =	smov.u32 s7  }
0x113: {  	v1 =	vld [tilespmem:s9+$0x8470]  }
0x114: {  	v7 =	vld [tilespmem:s9+$0x4400]  }
0x115: {  	v8 =	vld [tilespmem:s9+$0x4410]  }
.Ltmp4:
0x116: {  	v11 =	vld [tilespmem:s9+$0x4420];
	(pc) =	sbr.rel @p1 .LBB2_11-.Ltmp4, $4  }
0x117: {  	v10 =	vld [tilespmem:s9+$0x4430]  }
0x118: {  	v9 =	vld [tilespmem:s9+$0x4440]  }
0x119: {  	v13 =	vmul.f32 v13, v7;
	v7 =	vld [tilespmem:s9+$0x4450]  }
0x11a: {  	s10 =	sadd.s32 $0x200, s10;
	v12 =	vmul.f32 v12, v8;
	v8 =	vld [tilespmem:s9+$0x4460]  }
0x11b: {  	[tilespmem:s9+$0x4400] =	vst v13;
	v6 =	vmul.f32 v6, v11;
	v63 =	vld [tilespmem:s9+$0x4470]  }
0x11c: {  	[tilespmem:s9+$0x4410] =	vst v12;
	v5 =	vmul.f32 v5, v10  }
0x11d: {  	[tilespmem:s9+$0x4420] =	vst v6;
	v4 =	vmul.f32 v4, v9  }
0x11e: {  	[tilespmem:s9+$0x4430] =	vst v5;
	v3 =	vmul.f32 v3, v7  }
0x11f: {  	[tilespmem:s9+$0x4440] =	vst v4;
	v2 =	vmul.f32 v2, v8  }
0x120: {  	[tilespmem:s9+$0x4450] =	vst v3;
	v1 =	vmul.f32 v1, v63  }
0x121: {  	[tilespmem:s9+$0x4460] =	vst v2  }
0x122: {  	s8 =	sadd.s32 $0x1, s8;
	[tilespmem:s9+$0x4470] =	vst v1  }
0x123: {  	[spmem:s1] =	stream.indirect.scatter.add.f32 [tilespmem:s31], [sflag:$0x5], $0x80, s23, s29, $0xb8;
	[tilespmem:$0x1FC80] =	vst v63  }
0x124: {  	p1 =	sne.s32 s8, $0x14;
	_ =	swait.ge [sflag:s11], $0x4000  }
.Ltmp5:
0x125: {  	[sflag:s11] =	ssyncset.done $0x0;
	(pc) =	sbr.rel @p1 .LBB2_4-.Ltmp5, $4  }
0x126: {  	[sflag:s11] =	ssyncadd.s32 $0xFFFFC000  }
0x127: {  	_ =	swait.ge [sflag:s20], $0x4000  }
0x128: {  	[sflag:s20] =	ssyncset.done $0x0  }
0x129: {  	[sflag:s20] =	ssyncadd.s32 $0xFFFFC000  }
0x12a: {  	[bflag:$0x0] =	sbarrier.arrive $0xFFFF  }
0x12b: {  	s2 =	rddreg [dreg:$0x3]  }
0x12c: {  	[tilespmem:s25], [sflag:$0x6] =	stream.linear.gather [spmem:s2], $0x4000, $0x38;
	[tilespmem:$0x1FC80] =	vst v63  }
0x12d: {  	_ =	swait.ge [sflag:s26], $0x4000  }
0x12e: {  	[sflag:s26] =	ssyncset.done $0x0  }
0x12f: {  	s2 =	simm.s32 $0x0;
	s7 =	rddreg [dreg:$0x9];
	[sflag:s26] =	ssyncadd.s32 $0xFFFFC000  }
0x130: {  	[hbm4b:s7+s2] =	stream.linear.scatter [tilespmem:s25], [sflag:$0x6], $0x4000, $0x38;
	[tilespmem:$0x1FC80] =	vst v63  }
0x131: {  	_ =	swait.ge [sflag:s26], $0x4000  }
0x132: {  	[sflag:s26] =	ssyncset.done $0x0  }
0x133: {  	s9 =	rddreg [dreg:$0x4];
	[sflag:s26] =	ssyncadd.s32 $0xFFFFC000  }
0x134: {  	[tilespmem:s25], [sflag:$0x6] =	stream.linear.gather [spmem:s9], $0x4000, $0x38;
	[tilespmem:$0x1FC80] =	vst v63  }
0x135: {  	_ =	swait.ge [sflag:s26], $0x4000  }
0x136: {  	[sflag:s26] =	ssyncset.done $0x0  }
0x137: {  	s10 =	rddreg [dreg:$0xa];
	[sflag:s26] =	ssyncadd.s32 $0xFFFFC000  }
0x138: {  	[hbm4b:s10+s2] =	stream.linear.scatter [tilespmem:s25], [sflag:$0x6], $0x4000, $0x38;
	[tilespmem:$0x1FC80] =	vst v63  }
0x139: {  	_ =	swait.ge [sflag:s26], $0x4000  }
0x13a: {  	[sflag:s26] =	ssyncset.done $0x0  }
0x13b: {  	s12 =	rddreg [dreg:$0x5];
	[sflag:s26] =	ssyncadd.s32 $0xFFFFC000  }
0x13c: {  	[tilespmem:s25], [sflag:$0x6] =	stream.linear.gather [spmem:s12], $0x4000, $0x38;
	[tilespmem:$0x1FC80] =	vst v63  }
0x13d: {  	_ =	swait.ge [sflag:s26], $0x4000  }
0x13e: {  	[sflag:s26] =	ssyncset.done $0x0  }
0x13f: {  	s8 =	rddreg [dreg:$0xb];
	[sflag:s26] =	ssyncadd.s32 $0xFFFFC000  }
0x140: {  	[hbm4b:s8+s2] =	stream.linear.scatter [tilespmem:s25], [sflag:$0x6], $0x4000, $0x38;
	[tilespmem:$0x1FC80] =	vst v63  }
0x141: {  	_ =	swait.ge [sflag:s26], $0x4000  }
0x142: {  	[sflag:s26] =	ssyncset.done $0x0  }
0x143: {  	s9 =	rddreg [dreg:$0x6];
	[sflag:s26] =	ssyncadd.s32 $0xFFFFC000  }
0x144: {  	[tilespmem:s25], [sflag:$0x6] =	stream.linear.gather [spmem:s9], $0x4000, $0x38;
	[tilespmem:$0x1FC80] =	vst v63  }
0x145: {  	_ =	swait.ge [sflag:s26], $0x4000  }
0x146: {  	[sflag:s26] =	ssyncset.done $0x0  }
0x147: {  	s10 =	rddreg [dreg:$0xc];
	[sflag:s26] =	ssyncadd.s32 $0xFFFFC000  }
0x148: {  	[hbm4b:s10+s2] =	stream.linear.scatter [tilespmem:s25], [sflag:$0x6], $0x4000, $0x38;
	[tilespmem:$0x1FC80] =	vst v63  }
0x149: {  	_ =	swait.ge [sflag:s26], $0x4000  }
0x14a: {  	[sflag:s26] =	ssyncset.done $0x0  }
0x14b: {  	s2 =	simm.s32 @p0 $0x400;
	s7 =	rddreg [dreg:$0x8];
	[sflag:s26] =	ssyncadd.s32 $0xFFFFC000  }
0x14c: {  	[tilespmem:s2], [sflag:$0x6] =	stream.linear.gather @p0 [spmem:s7], $0x400, $0x38;
	[tilespmem:$0x1FC80] =	vst v63  }
0x14d: {  	s7 =	simm.s32 @p0 $0x6  }
0x14e: {  	_ =	swait.ge @p0 [sflag:s7], $0x400  }
0x14f: {  	[sflag:s7] =	ssyncset.done @p0 $0x0  }
0x150: {  	s8 =	simm.s32 @p0 $0x0;
	s9 =	rddreg [dreg:$0xf];
	[sflag:s7] =	ssyncadd.s32 @p0 $0xFFFFFC00  }
0x151: {  	[hbm4b:s9+s8] =	stream.linear.scatter @p0 [tilespmem:s2], [sflag:$0x6], $0x400, $0x38;
	[tilespmem:$0x1FC80] =	vst v63  }
0x152: {  	_ =	swait.ge @p0 [sflag:s7], $0x400  }
0x153: {  	[sflag:s7] =	ssyncset.done @p0 $0x0  }
0x154: {  	s2 =	simm.s32 @!p0 $0x400;
	[sflag:s7] =	ssyncadd.s32 @p0 $0xFFFFFC00;
	s7 =	rddreg [dreg:$0xd]  }
0x155: {  	[tilespmem:s2], [sflag:$0x6] =	stream.linear.gather @!p0 [spmem:s7], $0x3C00, $0x38;
	[tilespmem:$0x1FC80] =	vst v63  }
0x156: {  	s7 =	simm.s32 @!p0 $0x6  }
0x157: {  	_ =	swait.ge @!p0 [sflag:s7], $0x3C00  }
0x158: {  	[sflag:s7] =	ssyncset.done @!p0 $0x0  }
0x159: {  	s8 =	simm.s32 @!p0 $0x0;
	s9 =	rddreg [dreg:$0xe];
	[sflag:s7] =	ssyncadd.s32 @!p0 $0xFFFFC400  }
0x15a: {  	[hbm4b:s9+s8] =	stream.linear.scatter @!p0 [tilespmem:s2], [sflag:$0x6], $0x3C00, $0x38;
	[tilespmem:$0x1FC80] =	vst v63  }
0x15b: {  	_ =	swait.ge @!p0 [sflag:s7], $0x3C00  }
0x15c: {  	s24 =	sadd.s32 $0x1, s24;
	s12 =	rddreg [dreg:$0x10]  }
0x15d: {  	p1 =	sne.s32 s24, s12  }
.Ltmp6:
0x15e: {  	_ = 	snop;
	(pc) =	sbr.rel @p1 .LBB2_1-.Ltmp6, $3  }
0x15f: {  	_ =	sdelay $0x1  }
0x160: {  	[sflag:s7] =	ssyncset.done @!p0 $0x0  }
0x161: {  	[sflag:s7] =	ssyncadd.s32 @!p0 $0xFFFFC400  }
0x162: {  	_ =	sfence.sel $0x180000  }
0x163: {  	[bflag:$0x0] =	sbarrier.arrive $0xFFFF  }
0x164: {  	_ =	strace $0x9000004A  }
0x165: {  	s0 =	stileid.u32;
	[bflag:$0x2] =	sbarrier.arrive $0xFFFF  }
0x166: {  	p0 =	sne.s32 s0, $0x0;
	s0 =	rddreg [dreg:$0x2]  }
0x167: {  	s0 =	sadd.s32 @!p0 $0x100000, s0  }
0x168: {  	[sflag:s0] =	ssyncadd.tile.s32 @!p0 $0x1;
	_ =	shalt  }
.Lfunc_end2:
_tile_overlayer_lowered:
.L_overlay_start_2:
0x169: {  	(tag) =	ssettag $0x2  }
0x16a: {  	s0 =	rddreg [dreg:$0x0];
	s2 =	stileid.u32  }
0x16b: {  	s1 =	rddreg [dreg:$0x1];
	p0 =	sne.s32 s2, $0x0  }
0x16c: {  	s3 =	rddreg [dreg:$0x2];
	[bflag:$0x3] =	sbarrier.arrive $0xFFFF;
	s2 =	simm.s32 @!p0 $0x1C06  }
0x16d: {  	[timem:s3], [sflag:s2] =	dma.local @!p0 [hbm:s0], s1  }
0x16e: {  	s0 =	simm.s32 @!p0 $0x6  }
0x16f: {  	_ =	swait.ge @!p0 [sflag:s0], s1  }
0x170: {  	s1 =	ssub.s32 @!p0 $0x0, s1;
	[sflag:s0] =	ssyncset.done @!p0 $0x0  }
0x171: {  	[sflag:s0] =	ssyncadd.s32 @!p0 s1  }
0x172: {  	[bflag:$0x3] =	sbarrier.arrive $0xFFFF  }
0x173: {  	_ =	shalt  }

// kernel: kernel.7.cloned.1.call-start
scs
__scs_entry_jumppad:
0x0: {  	(pc) =	sbr.rel $0x88, $3  }
0x1: {  	(tag) =	ssettag $0x0;
	lr =	simm.s32 $0x1  }
0x2: {  	[smem:$0x3F9B] =	sst lr;
	_ =	strace $0xD0000000  }
0x3: {  	_ = 	snop  }
0x4: {  	_ = 	snop  }
0x5: {  	_ = 	snop  }
0x6: {  	_ = 	snop  }
0x7: {  	_ = 	snop  }
__scs_overlays_trampoline_lowered:
0x8: {  	[smem:$0x3FAA] =	sst s0  }
0x9: {  	[smem:$0x3FAB] =	sst s1  }
0xa: {  	[smem:$0x3FAC] =	sst s2  }
0xb: {  	[smem:$0x3FAD] =	sst s3  }
0xc: {  	[smem:$0x3FAE] =	sst s4  }
0xd: {  	[smem:$0x3FAF] =	sst s5  }
0xe: {  	[smem:$0x3FB0] =	sst s6  }
0xf: {  	[smem:$0x3FB1] =	sst s7  }
0x10: {  	[smem:$0x3FB2] =	sst s8  }
0x11: {  	[smem:$0x3FB3] =	sst s9;
	s0 =	simm.s32 @!p0 $0x0  }
0x12: {  	s1 =	sld [smem:$0x3F99];
	s0 =	simm.s32 @p0 $0x1  }
0x13: {  	[smem:$0x3FB4] =	sst s0;
	s0 =	simm.s32 @!p1 $0x0  }
0x14: {  	s2 =	sld [smem:$0x3F98];
	s0 =	simm.s32 @p1 $0x1  }
0x15: {  	[smem:$0x3FB5] =	sst s0;
	s0 =	simm.s32 @!p2 $0x0  }
0x16: {  	s3 =	sld [smem:$0x3FDB];
	s0 =	simm.s32 @p2 $0x1  }
0x17: {  	s4 =	simm.s32 $0x1BF5;
	[smem:$0x3FB7] =	sst s0  }
0x18: {  	s0 =	sld [smem:$0x3F9A];
	_ =	swait.ge [sflag:s4], $0x0  }
0x19: {  	s7 =	sld [smem:$0x3F9B]  }
0x1a: {  	s8 =	sadd.s32 $0xFFFFE003, lr  }
0x1b: {  	s9 =	sadd.s32 $0xFFFFFEF7, lr;
	s5 =	simm.s32 $0xFFFFFFFF;
	p2 =	slt.u32 s8, $0xFFFFF086  }
0x1c: {  	p1 =	slt.u32 s9, $0xF7A;
	s5 =	simm.s32 @!p2 $0x0  }
0x1d: {  	s5 =	simm.s32 @p1 $0x1;
	p0 =	seq.s32 s7, s2  }
0x1e: {  	s7 =	smul.u32 @!p0 $0xF7A, s2;
	p2 =	seq.s32 @!p0 s5, $0x0  }
0x1f: {  	s9 =	smul.u32 $0xF7A, s1;
	s8 =	simm.s32 @!p0 $0x1BF5;
	p2 =	por !p2, p0  }
0x20: {  	[sflag:s8] =	ssyncset.s32 @!p0 $0xFFFFF086;
	s6 =	sadd.s32 @!p0 s3, s7;
	s7 =	simm.s32 @!p0 $0x108  }
0x21: {  	s3 =	sadd.s32 s3, s9;
	s6 =	sadd.s32 @!p0 $0x88, s6;
	s7 =	simm.s32 @p2 $0x1082  }
0x22: {  	[simem:s7], [sflag:s8] =	dma.local @!p0 [hbm:s6], $0xF7A  }
0x23: {  	s9 =	sor.u32 $0xD0000000, s2;
	s6 =	simm.s32 $0x108;
	_ =	swait.ge @!p0 [sflag:s8], $0x0  }
0x24: {  	s3 =	sadd.s32 $0x88, s3;
	s6 =	simm.s32 @!p1 $0x1082;
	[sflag:s4] =	ssyncset.s32 $0xFFFFF086  }
0x25: {  	[simem:s6], [sflag:s4] =	dma.local [hbm:s3], $0xF7A  }
0x26: {  	[smem:$0x3F9B] =	sst s1;
	(tag) =	ssettag s2;
	_ =	strace s9  }
0x27: {  	s1 =	sld [smem:$0x3FAB]  }
0x28: {  	s2 =	sld [smem:$0x3FAC]  }
0x29: {  	s4 =	sld [smem:$0x3FAE]  }
0x2a: {  	p0 =	seq.s32 s5, $0x0;
	s5 =	sld [smem:$0x3FAF]  }
0x2b: {  	s6 =	sld [smem:$0x3FB0]  }
0x2c: {  	s7 =	sld [smem:$0x3FB1]  }
0x2d: {  	s3 =	simm.s32 $0x108;
	s8 =	sld [smem:$0x3FB2]  }
0x2e: {  	s3 =	simm.s32 @!p0 $0x1082;
	s9 =	sld [smem:$0x3FB3]  }
0x2f: {  	lr =	sadd.s32 s0, s3;
	s0 =	sld [smem:$0x3FAA]  }
0x30: {  	s3 =	sld [smem:$0x3FAD]  }
0x31: {  	[smem:$0x3FB6] =	sst s10  }
0x32: {  	s10 =	sld [smem:$0x3FB4];
	_ =	sdelay $0x3  }
0x33: {  	p0 =	seq.s32 s10, $0x1;
	s10 =	sld [smem:$0x3FB6];
	_ =	sdelay $0x3  }
0x34: {  	[smem:$0x3FB6] =	sst s10  }
0x35: {  	s10 =	sld [smem:$0x3FB5];
	_ =	sdelay $0x3  }
0x36: {  	p1 =	seq.s32 s10, $0x1;
	s10 =	sld [smem:$0x3FB6];
	_ =	sdelay $0x3  }
0x37: {  	[smem:$0x3FB6] =	sst s10  }
0x38: {  	s10 =	sld [smem:$0x3FB7]  }
0x39: {  	_ = 	snop;
	(pc) =	sbr.ind lr, $3  }
0x3a: {  	_ = 	snop  }
0x3b: {  	_ = 	snop  }
0x3c: {  	p2 =	seq.s32 s10, $0x1;
	s10 =	sld [smem:$0x3FB6]  }
0x3d: {  	_ =	shalt  }
0x3e: {  	_ =	shalt  }
0x3f: {  	_ =	shalt  }
0x40: {  	_ =	shalt  }
0x41: {  	_ =	shalt  }
0x42: {  	_ =	shalt  }
0x43: {  	_ =	shalt  }
0x44: {  	_ =	shalt  }
0x45: {  	_ =	shalt  }
0x46: {  	_ =	shalt  }
0x47: {  	_ =	shalt  }
0x48: {  	_ =	shalt  }
0x49: {  	_ =	shalt  }
0x4a: {  	_ =	shalt  }
0x4b: {  	_ =	shalt  }
0x4c: {  	_ =	shalt  }
0x4d: {  	_ =	shalt  }
0x4e: {  	_ =	shalt  }
0x4f: {  	_ =	shalt  }
0x50: {  	_ =	shalt  }
0x51: {  	_ =	shalt  }
0x52: {  	_ =	shalt  }
0x53: {  	_ =	shalt  }
0x54: {  	_ =	shalt  }
0x55: {  	_ =	shalt  }
0x56: {  	_ =	shalt  }
0x57: {  	_ =	shalt  }
0x58: {  	_ =	shalt  }
0x59: {  	_ =	shalt  }
0x5a: {  	_ =	shalt  }
0x5b: {  	_ =	shalt  }
0x5c: {  	_ =	shalt  }
0x5d: {  	_ =	shalt  }
0x5e: {  	_ =	shalt  }
0x5f: {  	_ =	shalt  }
0x60: {  	_ =	shalt  }
0x61: {  	_ =	shalt  }
0x62: {  	_ =	shalt  }
0x63: {  	_ =	shalt  }
0x64: {  	_ =	shalt  }
0x65: {  	_ =	shalt  }
0x66: {  	_ =	shalt  }
0x67: {  	_ =	shalt  }
0x68: {  	_ =	shalt  }
0x69: {  	_ =	shalt  }
0x6a: {  	_ =	shalt  }
0x6b: {  	_ =	shalt  }
0x6c: {  	_ =	shalt  }
0x6d: {  	_ =	shalt  }
0x6e: {  	_ =	shalt  }
0x6f: {  	_ =	shalt  }
0x70: {  	_ =	shalt  }
0x71: {  	_ =	shalt  }
0x72: {  	_ =	shalt  }
0x73: {  	_ =	shalt  }
0x74: {  	_ =	shalt  }
0x75: {  	_ =	shalt  }
0x76: {  	_ =	shalt  }
0x77: {  	_ =	shalt  }
0x78: {  	_ =	shalt  }
0x79: {  	_ =	shalt  }
0x7a: {  	_ =	shalt  }
0x7b: {  	_ =	shalt  }
0x7c: {  	_ =	shalt  }
0x7d: {  	_ =	shalt  }
0x7e: {  	_ =	shalt  }
0x7f: {  	_ =	shalt  }
0x80: {  	_ =	shalt  }
0x81: {  	_ =	shalt  }
0x82: {  	_ =	shalt  }
0x83: {  	_ =	shalt  }
0x84: {  	_ =	shalt  }
0x85: {  	_ =	shalt  }
0x86: {  	_ =	shalt  }
0x87: {  	_ =	shalt  }
.Lfunc_end0:
.L_simem_size_0:
called_computation_lowered:
.L_overlay_start_0:
0x88: {  	s2 =	sld [smem:$0x3FD9]  }
0x89: {  	s3 =	sld [smem:$0x3FFE];
	_ =	sdelay $0x1  }
0x8a: {  	s1 =	srdreg.scid  }
0x8b: {  	s0 =	sand.u32 $0x1, s1  }
0x8c: {  	s16 =	sshll.u32 s0, $0xA;
	s2 =	sadd.s32 s3, s2  }
0x8d: {  	s2 =	sadd.s32 s2, s16  }
0x8e: {  	[smem:$0x3FC2] =	sst s2  }
0x8f: {  	_ = 	snop  }
0x90: {  	(tm) =	ssettm $0x1  }
0x91: {  	s17 =	sld [smem:$0x3FFB];
	_ =	sdelay $0x3  }
0x92: {  	_ =	strace s17  }
0x93: {  	s2 =	sld [smem:$0x3FFC];
	_ =	sdelay $0x3  }
0x94: {  	_ =	strace s2  }
0x95: {  	s2 =	sld [smem:$0x3FFD];
	_ =	sdelay $0x3  }
0x96: {  	_ =	strace s2  }
0x97: {  	_ =	strace $0x8FFFFFFF  }
0x98: {  	s18 =	sld [smem:$0x3FDB];
	_ =	sdelay $0x1  }
0x99: {  	s19 =	simm.s32 $_scs_section_size  }
0x9a: {  	s4 =	simm.s32 $_size__tile_overlayer_lowered;
	s5 =	simm.s32 $_tile_overlayer_lowered  }
0x9b: {  	s22 =	simm.s32 $0x1BFF;
	s21 =	sshll.u32 s5, $0x1;
	s2 =	sadd.s32 s19, s18  }
0x9c: {  	s6 =	simm.s32 $0x0;
	s20 =	sshll.u32 s4, $0x1;
	s4 =	sadd.s32 s21, s2  }
0x9d: {  	[timem:s6], [sflag:s22] =	dma.local [hbm:s4], s20  }
0x9e: {  	_ =	swait.ge [sflag:s22], s20  }
0x9f: {  	s3 =	ssub.s32 $0x0, s20;
	[sflag:s22] =	ssyncset.done $0x0  }
0xa0: {  	[sflag:s22] =	ssyncadd.s32 s3;
	_ =	sdelay $0x1  }
0xa1: {  	s23 =	simm.s32 $0x1B8B  }
0xa2: {  	_ =	swait.ge [sflag:s23], $0x1  }
0xa3: {  	[sflag:s23] =	ssyncset.done $0x0  }
0xa4: {  	s25 =	simm.s32 $0x1B8E;
	s24 =	sld [smem:$0x3FFE];
	[sflag:s23] =	ssyncadd.s32 $0xFFFFFFFF  }
0xa5: {  	s26 =	simm.s32 $execute0_lowered;
	[smem:$0x3FD2] =	sst s25  }
0xa6: {  	s4 =	sshll.u32 s26, $0x1;
	_ =	strace $0x80000046;
	[dreg:$0x1] =	wrdreg $0xFFFFFFFF  }
0xa7: {  	s28 =	simm.s32 $_size_execute0_lowered;
	s2 =	sadd.s32 s2, s4;
	[dreg:$0x0] =	wrdreg $0x0  }
0xa8: {  	s4 =	sshll.u32 s28, $0x1;
	[dreg:$0x2] =	wrdreg s2  }
0xa9: {  	[dreg:$0x3] =	wrdreg s4  }
0xaa: {  	[dreg:$0x4] =	wrdreg $0xC0  }
0xab: {  	_ =	task [dreg:s6], $0x5FFFF  }
0xac: {  	[dreg:$0x1] =	wrdreg $0xFFFFFFFF  }
0xad: {  	[dreg:$0x0] =	wrdreg $0x60  }
0xae: {  	[dreg:$0x2] =	wrdreg s24  }
0xaf: {  	[dreg:$0x3] =	wrdreg $0xC4000  }
0xb0: {  	[dreg:$0x4] =	wrdreg $0x9  }
0xb1: {  	_ =	task.clear_ibuf [dreg:s6], $0x5FFFF;
	_ =	strace $0x90000046  }
0xb2: {  	s29 =	simm.s32 $0x9;
	_ =	strace $0x80000048  }
0xb3: {  	_ =	swait.ge [sflag:s29], $0x1  }
0xb4: {  	[sflag:s29] =	ssyncadd.s32 $0xFFFFFFFF  }
0xb5: {  	_ =	strace $0x90000048  }
0xb6: {  	_ =	sfence  }
0xb7: {  	s30 =	sld [smem:$0x0];
	_ =	sdelay $0x2  }
0xb8: {  	s31 =	sshll.u32 s1, $0xD;
	s1 =	sshrl.u32 s1, $0x2  }
0xb9: {  	s3 =	sand.u32 $0x4000, s31;
	s1 =	sadd.s32 s1, s30  }
0xba: {  	s0 =	sor.u32 s3, s0;
	s1 =	sshll.u32 s1, $0x11  }
0xbb: {  	s0 =	sor.u32 s1, s0  }
0xbc: {  	s0 =	sadd.s32 $0x8F2B, s0  }
0xbd: {  	[sflag:s0] =	ssyncadd.remote.s32 $0x1  }
0xbe: {  	_ =	sfence.sel $0xFFFF  }
0xbf: {  	[dreg:$0x0] =	wrdreg $0xFFFFFFFF;
	(pc) =	sbr.abs _section_cstart, $3  }
0xc0: {  	[dreg:$0x1] =	wrdreg $0xFFFFFFFF  }
0xc1: {  	_ =	task.clear_ibuf [dreg:s6], $0x2FFFF;
	_ =	strace $0x9FFFFFFF  }
0xc2: {  	(tm) =	ssettm $0x7FFFFFFF  }
0xc3: {  	_ =	shalt  }
tec
execute0_lowered:
.L_overlay_start_1:
0x0: {  	(tag) =	ssettag $0x1  }
0x1: {  	s0 =	rddreg [dreg:$0x0]  }
0x2: {  	s1 =	rddreg [dreg:$0x1];
	s2 =	simm.s32 $0x0  }
0x3: {  	s20 =	srdreg.scid;
	s18 =	stileid.u32;
	s28 =	simm.s32 $0x200  }
0x4: {  	s29 =	simm.s32 $0x80;
	s31 =	simm.s32 $0x4400;
	s4 =	sadd.s32 $0x4ED600, s0  }
0x5: {  	[smem:$0x7FF] =	sst s2;
	s5 =	sadd.s32 $0x4E3600, s0;
	s7 =	smul.u32 $0x4F000, s18  }
0x6: {  	s6 =	sadd.s32 $0x9F7600, s0;
	s8 =	sadd.s32 $0x1600, s0;
	s10 =	smul.u32 $0x13C00, s18  }
0x7: {  	s30 =	simm.s32 $0x8400;
	s24 =	sadd.s32 $0x138400, s1;
	s14 =	sadd.s32 $0x9F7E00, s0  }
0x8: {  	s2 =	sand.u32 $0x1, s20;
	s15 =	sadd.s32 $0x9F8600, s0;
	s16 =	sadd.s32 $0x9F8E00, s0  }
0x9: {  	p0 =	seq.s32 s18, $0xF;
	_ =	strace $0x80000047;
	s3 =	ssub.s32 $0x2, s2  }
0xa: {  	s21 =	sshll.u32 s2, $0x4;
	s2 =	smul.u32 $0x138800, s2;
	[dreg:$0x8] =	wrdreg s24  }
0xb: {  	s9 =	sshrl.u32 s3, $0x1;
	s7 =	sshrl.u32 s7, $0x2;
	s11 =	sadd.s32 $0x4000, s10  }
0xc: {  	s22 =	sadd.s32 $0x8000, s10;
	s17 =	sadd.s32 $0xC000, s10;
	s3 =	ssub.s32 s3, s9  }
0xd: {  	s9 =	sor.u32 s18, s21;
	s7 =	sadd.s32 s7, s1;
	s12 =	sadd.s32 s11, s1  }
0xe: {  	s13 =	sadd.s32 s22, s1;
	s23 =	sadd.s32 s17, s1;
	[dreg:$0x4] =	wrdreg s12  }
0xf: {  	s25 =	sadd.s32 s10, s2;
	s20 =	sadd.s32 s2, s17;
	[dreg:$0x5] =	wrdreg s13  }
0x10: {  	s17 =	simm.s32 $0x100;
	s18 =	simm.s32 $0x2;
	[dreg:$0x6] =	wrdreg s23  }
0x11: {  	[dreg:$0x3] =	wrdreg s7;
	s7 =	sadd.s32 $0x10000, s7;
	s13 =	smul.u32 $0x50, s9  }
0x12: {  	s26 =	sshrl.u32 s25, $0x3;
	s12 =	sadd.s32 s2, s22;
	s21 =	sshrl.u32 s20, $0x3  }
0x13: {  	s22 =	sadd.s32 $0x10000, s10;
	s20 =	simm.s32 $0x5;
	[dreg:$0x7] =	wrdreg s7  }
0x14: {  	s7 =	sadd.s32 s2, s11;
	s0 =	sadd.s32 s8, s26;
	s19 =	sshrl.u32 s12, $0x3  }
0x15: {  	s23 =	sadd.s32 s2, s22;
	s2 =	sshrl.u32 s2, $0x3;
	s24 =	sadd.s32 s22, s1  }
0x16: {  	s26 =	smax.u32 s3, $0x1;
	s3 =	simm.s32 $0x3;
	[dreg:$0x9] =	wrdreg s0  }
0x17: {  	s22 =	simm.s32 $0x300;
	s11 =	sshrl.u32 s7, $0x3;
	[dreg:$0xd] =	wrdreg s24  }
0x18: {  	s2 =	sadd.s32 s8, s2;
	[dreg:$0x10] =	wrdreg s26;
	s0 =	sadd.s32 s8, s11  }
0x19: {  	s26 =	simm.s32 $0x6;
	s25 =	sadd.s32 $0x27080, s2;
	[dreg:$0xa] =	wrdreg s0  }
0x1a: {  	s24 =	simm.s32 $0x0;
	s0 =	sadd.s32 s8, s19;
	[dreg:$0xf] =	wrdreg s25  }
0x1b: {  	s11 =	simm.s32 $0x4;
	[dreg:$0xb] =	wrdreg s0;
	s0 =	sadd.s32 s8, s21  }
0x1c: {  	s25 =	simm.s32 $0x400;
	[dreg:$0xc] =	wrdreg s0;
	s0 =	sshrl.u32 s23, $0x3  }
0x1d: {  	s19 =	simm.s32 $0x280;
	s21 =	simm.s32 $0x180;
	s0 =	sadd.s32 s8, s0  }
0x1e: {  	v0 =	vimm.f32 $0.0e+00;
	s23 =	simm.s32 $0x380;
	[dreg:$0xe] =	wrdreg s0;
	s0 =	simm.s32 $0x1  }
.LBB2_1:
0x1f: {  	s2 =	simm.s32 $0x0;
	s8 =	simm.s32 $0x200  }
.LBB2_2:
0x20: {  	p1 =	sne.s32 s8, $0xFE00;
	[tilespmem:s2+$0x470] =	vst v0  }
0x21: {  	[tilespmem:s2+$0x400] =	vst v0  }
0x22: {  	[tilespmem:s2+$0x410] =	vst v0  }
.Ltmp0:
0x23: {  	[tilespmem:s2+$0x420] =	vst v0;
	(pc) =	sbr.rel @p1 .LBB2_2-.Ltmp0, $4  }
0x24: {  	[tilespmem:s2+$0x430] =	vst v0  }
0x25: {  	[tilespmem:s2+$0x440] =	vst v0  }
0x26: {  	[tilespmem:s2+$0x450] =	vst v0  }
0x27: {  	[tilespmem:s2+$0x460] =	vst v0;
	s2 =	sshra.s32 s8, $0x2;
	s8 =	sadd.s32 $0x200, s8  }
0x28: {  	[tilespmem:s2+$0x470] =	vst v0  }
0x29: {  	[tilespmem:s2+$0x400] =	vst v0  }
0x2a: {  	[tilespmem:s2+$0x410] =	vst v0  }
0x2b: {  	[tilespmem:s2+$0x420] =	vst v0  }
0x2c: {  	[tilespmem:s2+$0x430] =	vst v0  }
0x2d: {  	[tilespmem:s2+$0x440] =	vst v0  }
0x2e: {  	[tilespmem:s2+$0x450] =	vst v0  }
0x2f: {  	[tilespmem:s2+$0x460] =	vst v0;
	s8 =	rddreg [dreg:$0x3]  }
0x30: {  	[spmem:s8] =	stream.linear.scatter [tilespmem:s25], [sflag:$0x6], $0x4000, $0x38;
	[tilespmem:$0x1FC80] =	vst v63  }
0x31: {  	_ =	swait.ge [sflag:s26], $0x4000  }
0x32: {  	[sflag:s26] =	ssyncset.done $0x0  }
0x33: {  	s9 =	rddreg [dreg:$0x4];
	[sflag:s26] =	ssyncadd.s32 $0xFFFFC000  }
0x34: {  	[spmem:s9] =	stream.linear.scatter [tilespmem:s25], [sflag:$0x6], $0x4000, $0x38;
	[tilespmem:$0x1FC80] =	vst v63  }
0x35: {  	_ =	swait.ge [sflag:s26], $0x4000  }
0x36: {  	[sflag:s26] =	ssyncset.done $0x0  }
0x37: {  	s10 =	rddreg [dreg:$0x5];
	[sflag:s26] =	ssyncadd.s32 $0xFFFFC000  }
0x38: {  	[spmem:s10] =	stream.linear.scatter [tilespmem:s25], [sflag:$0x6], $0x4000, $0x38;
	[tilespmem:$0x1FC80] =	vst v63  }
0x39: {  	_ =	swait.ge [sflag:s26], $0x4000  }
0x3a: {  	[sflag:s26] =	ssyncset.done $0x0  }
0x3b: {  	s12 =	rddreg [dreg:$0x6];
	[sflag:s26] =	ssyncadd.s32 $0xFFFFC000  }
0x3c: {  	[spmem:s12] =	stream.linear.scatter [tilespmem:s25], [sflag:$0x6], $0x4000, $0x38;
	[tilespmem:$0x1FC80] =	vst v63  }
0x3d: {  	_ =	swait.ge [sflag:s26], $0x4000  }
0x3e: {  	[sflag:s26] =	ssyncset.done $0x0  }
0x3f: {  	s2 =	simm.s32 @p0 $0x400;
	s7 =	rddreg [dreg:$0x8];
	[sflag:s26] =	ssyncadd.s32 $0xFFFFC000  }
0x40: {  	[spmem:s7] =	stream.linear.scatter @p0 [tilespmem:s2], [sflag:$0x6], $0x400, $0x38;
	[tilespmem:$0x1FC80] =	vst v63  }
0x41: {  	s2 =	simm.s32 @p0 $0x6  }
0x42: {  	_ =	swait.ge @p0 [sflag:s2], $0x400  }
0x43: {  	[sflag:s2] =	ssyncset.done @p0 $0x0  }
0x44: {  	s7 =	rddreg [dreg:$0x7];
	[sflag:s2] =	ssyncadd.s32 @p0 $0xFFFFFC00;
	s2 =	simm.s32 @!p0 $0x400  }
0x45: {  	[spmem:s7] =	stream.linear.scatter @!p0 [tilespmem:s2], [sflag:$0x6], $0x3C00, $0x38;
	[tilespmem:$0x1FC80] =	vst v63  }
0x46: {  	s2 =	simm.s32 @!p0 $0x6  }
0x47: {  	_ =	swait.ge @!p0 [sflag:s2], $0x3C00  }
0x48: {  	[sflag:s2] =	ssyncset.done @!p0 $0x0  }
0x49: {  	[sflag:s2] =	ssyncadd.s32 @!p0 $0xFFFFC400  }
0x4a: {  	s8 =	simm.s32 $0x0;
	s2 =	simm.s32 $0x0;
	[bflag:$0x0] =	sbarrier.arrive $0xFFFF  }
.LBB2_4:
0x4b: {  	s9 =	sshll.u32 s8, $0x2  }
0x4c: {  	s9 =	sadd.s32 s13, s9  }
0x4d: {  	s12 =	sshll.u32 s8, $0x6;
	s10 =	sshll.u32 s9, $0x4  }
0x4e: {  	s12 =	sand.u32 $0x40, s12;
	s10 =	sand.u32 $0xFFFFF80, s10  }
0x4f: {  	s10 =	sor.u32 s12, s10  }
0x50: {  	s12 =	sadd.s32 s4, s10  }
0x51: {  	[tilespmem:s2], [sflag:$0x6] =	stream.linear.gather [hbm4b:s12+s2], $0x200, $0x38;
	[tilespmem:$0x1FC80] =	vst v63  }
0x52: {  	_ =	swait.ge [sflag:s26], $0x200  }
0x53: {  	[sflag:s26] =	ssyncset.done $0x0  }
0x54: {  	s10 =	sadd.s32 s5, s10;
	[sflag:s26] =	ssyncadd.s32 $0xFFFFFE00  }
0x55: {  	[tilespmem:s28], [sflag:$0x6] =	stream.linear.gather [hbm4b:s10+s2], $0x200, $0x38;
	[tilespmem:$0x1FC80] =	vst v63  }
0x56: {  	_ =	swait.ge [sflag:s26], $0x200  }
0x57: {  	[sflag:s26] =	ssyncset.done $0x0  }
0x58: {  	s9 =	sshll.u32 s9, $0xB;
	[sflag:s26] =	ssyncadd.s32 $0xFFFFFE00  }
0x59: {  	[tilespmem:s25], [sflag:$0x1] =	stream.indirect.gather [spmem:s1], $0x80, s2, s29, $0xb8;
	[tilespmem:$0x1FC80] =	vst v63  }
0x5a: {  	s12 =	sadd.s32 s6, s9  }
0x5b: {  	[tilespmem:s30], [sflag:$0x3] =	stream.linear.gather [hbm4b:s12+s2], $0x4000, $0x38;
	[tilespmem:$0x1FC80] =	vst v63  }
0x5c: {  	_ = 	snop  }
0x5d: {  	[tilespmem:s31], [sflag:$0x2] =	stream.indirect.gather [spmem:s1], $0x80, s29, s29, $0xb8;
	[tilespmem:$0x1FC80] =	vst v63  }
0x5e: {  	_ =	swait.ge [sflag:s0], $0x4000  }
0x5f: {  	[sflag:s0] =	ssyncset.done $0x0  }
0x60: {  	[sflag:s0] =	ssyncadd.s32 $0xFFFFC000  }
0x61: {  	_ =	swait.ge [sflag:s3], $0x4000  }
0x62: {  	[sflag:s3] =	ssyncset.done $0x0  }
0x63: {  	s10 =	simm.s32 $0x0;
	[sflag:s3] =	ssyncadd.s32 $0xFFFFC000  }
0x64: {  	v8 =	vld [tilespmem:s10+$0x8400]  }
0x65: {  	v12 =	vld [tilespmem:s10+$0x8410]  }
0x66: {  	v6 =	vld [tilespmem:s10+$0x8420]  }
0x67: {  	v5 =	vld [tilespmem:s10+$0x8430]  }
0x68: {  	v4 =	vld [tilespmem:s10+$0x8440]  }
0x69: {  	v3 =	vld [tilespmem:s10+$0x8450]  }
0x6a: {  	v2 =	vld [tilespmem:s10+$0x8460]  }
0x6b: {  	v1 =	vld [tilespmem:s10+$0x8470]  }
0x6c: {  	v13 =	vld [tilespmem:s10+$0x400]  }
0x6d: {  	v14 =	vld [tilespmem:s10+$0x410]  }
0x6e: {  	v11 =	vld [tilespmem:s10+$0x420]  }
0x6f: {  	v10 =	vld [tilespmem:s10+$0x430]  }
0x70: {  	v9 =	vld [tilespmem:s10+$0x440]  }
0x71: {  	v7 =	vld [tilespmem:s10+$0x450];
	v13 =	vmul.f32 v8, v13  }
0x72: {  	s12 =	simm.s32 $0x200;
	v12 =	vmul.f32 v12, v14;
	v8 =	vld [tilespmem:s10+$0x460]  }
.LBB2_5:
0x73: {  	s7 =	sshra.s32 s12, $0x2;
	p1 =	sne.s32 s12, $0xFE00;
	[tilespmem:s10+$0x400] =	vst v13;
	v6 =	vmul.f32 v6, v11;
	v11 =	vld [tilespmem:s10+$0x470]  }
0x74: {  	v13 =	vld [tilespmem:s7+$0x8400];
	[tilespmem:s10+$0x410] =	vst v12;
	v5 =	vmul.f32 v5, v10  }
0x75: {  	v12 =	vld [tilespmem:s7+$0x8410];
	[tilespmem:s10+$0x420] =	vst v6;
	v4 =	vmul.f32 v4, v9  }
0x76: {  	v6 =	vld [tilespmem:s7+$0x8420];
	[tilespmem:s10+$0x430] =	vst v5;
	v3 =	vmul.f32 v3, v7  }
0x77: {  	v5 =	vld [tilespmem:s7+$0x8430];
	[tilespmem:s10+$0x440] =	vst v4;
	v2 =	vmul.f32 v2, v8  }
0x78: {  	v4 =	vld [tilespmem:s7+$0x8440];
	[tilespmem:s10+$0x450] =	vst v3;
	v1 =	vmul.f32 v1, v11  }
0x79: {  	v3 =	vld [tilespmem:s7+$0x8450];
	[tilespmem:s10+$0x460] =	vst v2  }
0x7a: {  	v2 =	vld [tilespmem:s7+$0x8460];
	[tilespmem:s10+$0x470] =	vst v1;
	s10 =	smov.u32 s7  }
0x7b: {  	v1 =	vld [tilespmem:s10+$0x8470]  }
0x7c: {  	v7 =	vld [tilespmem:s10+$0x400]  }
0x7d: {  	v8 =	vld [tilespmem:s10+$0x410]  }
.Ltmp1:
0x7e: {  	v11 =	vld [tilespmem:s10+$0x420];
	(pc) =	sbr.rel @p1 .LBB2_5-.Ltmp1, $4  }
0x7f: {  	v10 =	vld [tilespmem:s10+$0x430]  }
0x80: {  	v9 =	vld [tilespmem:s10+$0x440]  }
0x81: {  	v13 =	vmul.f32 v13, v7;
	v7 =	vld [tilespmem:s10+$0x450]  }
0x82: {  	s12 =	sadd.s32 $0x200, s12;
	v12 =	vmul.f32 v12, v8;
	v8 =	vld [tilespmem:s10+$0x460]  }
0x83: {  	[tilespmem:s10+$0x400] =	vst v13;
	v6 =	vmul.f32 v6, v11;
	v11 =	vld [tilespmem:s10+$0x470]  }
0x84: {  	[tilespmem:s10+$0x410] =	vst v12;
	v5 =	vmul.f32 v5, v10  }
0x85: {  	[tilespmem:s10+$0x420] =	vst v6;
	v4 =	vmul.f32 v4, v9  }
0x86: {  	[tilespmem:s10+$0x430] =	vst v5;
	v3 =	vmul.f32 v3, v7  }
0x87: {  	[tilespmem:s10+$0x440] =	vst v4;
	v2 =	vmul.f32 v2, v8  }
0x88: {  	[tilespmem:s10+$0x450] =	vst v3;
	v1 =	vmul.f32 v1, v11  }
0x89: {  	[tilespmem:s10+$0x460] =	vst v2  }
0x8a: {  	s7 =	sadd.s32 s9, s14;
	s12 =	simm.s32 $0x0;
	[tilespmem:s10+$0x470] =	vst v1  }
0x8b: {  	[tilespmem:s30], [sflag:$0x3] =	stream.linear.gather [hbm4b:s7+s12], $0x4000, $0x38;
	[tilespmem:$0x1FC80] =	vst v63  }
0x8c: {  	_ = 	snop  }
0x8d: {  	[spmem:s1] =	stream.indirect.scatter.add.f32 [tilespmem:s25], [sflag:$0x4], $0x80, s28, s29, $0xb8;
	[tilespmem:$0x1FC80] =	vst v63  }
0x8e: {  	_ =	swait.ge [sflag:s11], $0x4000  }
0x8f: {  	[sflag:s11] =	ssyncset.done $0x0  }
0x90: {  	[sflag:s11] =	ssyncadd.s32 $0xFFFFC000  }
0x91: {  	[tilespmem:s25], [sflag:$0x1] =	stream.indirect.gather [spmem:s1], $0x80, s17, s29, $0xb8;
	[tilespmem:$0x1FC80] =	vst v63  }
0x92: {  	_ =	swait.ge [sflag:s18], $0x4000  }
0x93: {  	[sflag:s18] =	ssyncset.done $0x0  }
0x94: {  	[sflag:s18] =	ssyncadd.s32 $0xFFFFC000  }
0x95: {  	_ =	swait.ge [sflag:s3], $0x4000  }
0x96: {  	[sflag:s3] =	ssyncset.done $0x0  }
0x97: {  	s10 =	simm.s32 $0x0;
	[sflag:s3] =	ssyncadd.s32 $0xFFFFC000  }
0x98: {  	v8 =	vld [tilespmem:s10+$0x8400]  }
0x99: {  	v12 =	vld [tilespmem:s10+$0x8410]  }
0x9a: {  	v6 =	vld [tilespmem:s10+$0x8420]  }
0x9b: {  	v5 =	vld [tilespmem:s10+$0x8430]  }
0x9c: {  	v4 =	vld [tilespmem:s10+$0x8440]  }
0x9d: {  	v3 =	vld [tilespmem:s10+$0x8450]  }
0x9e: {  	v2 =	vld [tilespmem:s10+$0x8460]  }
0x9f: {  	v1 =	vld [tilespmem:s10+$0x8470]  }
0xa0: {  	v13 =	vld [tilespmem:s10+$0x4400]  }
0xa1: {  	v14 =	vld [tilespmem:s10+$0x4410]  }
0xa2: {  	v11 =	vld [tilespmem:s10+$0x4420]  }
0xa3: {  	v10 =	vld [tilespmem:s10+$0x4430]  }
0xa4: {  	v9 =	vld [tilespmem:s10+$0x4440]  }
0xa5: {  	v7 =	vld [tilespmem:s10+$0x4450];
	v13 =	vmul.f32 v8, v13  }
0xa6: {  	s12 =	simm.s32 $0x200;
	v12 =	vmul.f32 v12, v14;
	v8 =	vld [tilespmem:s10+$0x4460]  }
.LBB2_7:
0xa7: {  	s7 =	sshra.s32 s12, $0x2;
	p1 =	sne.s32 s12, $0xFE00;
	[tilespmem:s10+$0x4400] =	vst v13;
	v6 =	vmul.f32 v6, v11;
	v11 =	vld [tilespmem:s10+$0x4470]  }
0xa8: {  	v13 =	vld [tilespmem:s7+$0x8400];
	[tilespmem:s10+$0x4410] =	vst v12;
	v5 =	vmul.f32 v5, v10  }
0xa9: {  	v12 =	vld [tilespmem:s7+$0x8410];
	[tilespmem:s10+$0x4420] =	vst v6;
	v4 =	vmul.f32 v4, v9  }
0xaa: {  	v6 =	vld [tilespmem:s7+$0x8420];
	[tilespmem:s10+$0x4430] =	vst v5;
	v3 =	vmul.f32 v3, v7  }
0xab: {  	v5 =	vld [tilespmem:s7+$0x8430];
	[tilespmem:s10+$0x4440] =	vst v4;
	v2 =	vmul.f32 v2, v8  }
0xac: {  	v4 =	vld [tilespmem:s7+$0x8440];
	[tilespmem:s10+$0x4450] =	vst v3;
	v1 =	vmul.f32 v1, v11  }
0xad: {  	v3 =	vld [tilespmem:s7+$0x8450];
	[tilespmem:s10+$0x4460] =	vst v2  }
0xae: {  	v2 =	vld [tilespmem:s7+$0x8460];
	[tilespmem:s10+$0x4470] =	vst v1;
	s10 =	smov.u32 s7  }
0xaf: {  	v1 =	vld [tilespmem:s10+$0x8470]  }
0xb0: {  	v7 =	vld [tilespmem:s10+$0x4400]  }
0xb1: {  	v8 =	vld [tilespmem:s10+$0x4410]  }
.Ltmp2:
0xb2: {  	v11 =	vld [tilespmem:s10+$0x4420];
	(pc) =	sbr.rel @p1 .LBB2_7-.Ltmp2, $4  }
0xb3: {  	v10 =	vld [tilespmem:s10+$0x4430]  }
0xb4: {  	v9 =	vld [tilespmem:s10+$0x4440]  }
0xb5: {  	v13 =	vmul.f32 v13, v7;
	v7 =	vld [tilespmem:s10+$0x4450]  }
0xb6: {  	s12 =	sadd.s32 $0x200, s12;
	v12 =	vmul.f32 v12, v8;
	v8 =	vld [tilespmem:s10+$0x4460]  }
0xb7: {  	[tilespmem:s10+$0x4400] =	vst v13;
	v6 =	vmul.f32 v6, v11;
	v11 =	vld [tilespmem:s10+$0x4470]  }
0xb8: {  	[tilespmem:s10+$0x4410] =	vst v12;
	v5 =	vmul.f32 v5, v10  }
0xb9: {  	[tilespmem:s10+$0x4420] =	vst v6;
	v4 =	vmul.f32 v4, v9  }
0xba: {  	[tilespmem:s10+$0x4430] =	vst v5;
	v3 =	vmul.f32 v3, v7  }
0xbb: {  	[tilespmem:s10+$0x4440] =	vst v4;
	v2 =	vmul.f32 v2, v8  }
0xbc: {  	[tilespmem:s10+$0x4450] =	vst v3;
	v1 =	vmul.f32 v1, v11  }
0xbd: {  	[tilespmem:s10+$0x4460] =	vst v2  }
0xbe: {  	s7 =	sadd.s32 s9, s15;
	s12 =	simm.s32 $0x0;
	[tilespmem:s10+$0x4470] =	vst v1  }
0xbf: {  	[tilespmem:s30], [sflag:$0x3] =	stream.linear.gather [hbm4b:s7+s12], $0x4000, $0x38;
	[tilespmem:$0x1FC80] =	vst v63  }
0xc0: {  	_ = 	snop  }
0xc1: {  	[spmem:s1] =	stream.indirect.scatter.add.f32 [tilespmem:s31], [sflag:$0x5], $0x80, s19, s29, $0xb8;
	[tilespmem:$0x1FC80] =	vst v63  }
0xc2: {  	_ =	swait.ge [sflag:s20], $0x4000  }
0xc3: {  	[sflag:s20] =	ssyncset.done $0x0  }
0xc4: {  	[sflag:s20] =	ssyncadd.s32 $0xFFFFC000  }
0xc5: {  	[tilespmem:s31], [sflag:$0x2] =	stream.indirect.gather [spmem:s1], $0x80, s21, s29, $0xb8;
	[tilespmem:$0x1FC80] =	vst v63  }
0xc6: {  	_ =	swait.ge [sflag:s0], $0x4000  }
0xc7: {  	[sflag:s0] =	ssyncset.done $0x0  }
0xc8: {  	[sflag:s0] =	ssyncadd.s32 $0xFFFFC000  }
0xc9: {  	_ =	swait.ge [sflag:s3], $0x4000  }
0xca: {  	[sflag:s3] =	ssyncset.done $0x0  }
0xcb: {  	s10 =	simm.s32 $0x0;
	[sflag:s3] =	ssyncadd.s32 $0xFFFFC000  }
0xcc: {  	v8 =	vld [tilespmem:s10+$0x8400]  }
0xcd: {  	v12 =	vld [tilespmem:s10+$0x8410]  }
0xce: {  	v6 =	vld [tilespmem:s10+$0x8420]  }
0xcf: {  	v5 =	vld [tilespmem:s10+$0x8430]  }
0xd0: {  	v4 =	vld [tilespmem:s10+$0x8440]  }
0xd1: {  	v3 =	vld [tilespmem:s10+$0x8450]  }
0xd2: {  	v2 =	vld [tilespmem:s10+$0x8460]  }
0xd3: {  	v1 =	vld [tilespmem:s10+$0x8470]  }
0xd4: {  	v13 =	vld [tilespmem:s10+$0x400]  }
0xd5: {  	v14 =	vld [tilespmem:s10+$0x410]  }
0xd6: {  	v11 =	vld [tilespmem:s10+$0x420]  }
0xd7: {  	v10 =	vld [tilespmem:s10+$0x430]  }
0xd8: {  	v9 =	vld [tilespmem:s10+$0x440]  }
0xd9: {  	v7 =	vld [tilespmem:s10+$0x450];
	v13 =	vmul.f32 v8, v13  }
0xda: {  	s12 =	simm.s32 $0x200;
	v12 =	vmul.f32 v12, v14;
	v8 =	vld [tilespmem:s10+$0x460]  }
.LBB2_9:
0xdb: {  	s7 =	sshra.s32 s12, $0x2;
	p1 =	sne.s32 s12, $0xFE00;
	[tilespmem:s10+$0x400] =	vst v13;
	v6 =	vmul.f32 v6, v11;
	v11 =	vld [tilespmem:s10+$0x470]  }
0xdc: {  	v13 =	vld [tilespmem:s7+$0x8400];
	[tilespmem:s10+$0x410] =	vst v12;
	v5 =	vmul.f32 v5, v10  }
0xdd: {  	v12 =	vld [tilespmem:s7+$0x8410];
	[tilespmem:s10+$0x420] =	vst v6;
	v4 =	vmul.f32 v4, v9  }
0xde: {  	v6 =	vld [tilespmem:s7+$0x8420];
	[tilespmem:s10+$0x430] =	vst v5;
	v3 =	vmul.f32 v3, v7  }
0xdf: {  	v5 =	vld [tilespmem:s7+$0x8430];
	[tilespmem:s10+$0x440] =	vst v4;
	v2 =	vmul.f32 v2, v8  }
0xe0: {  	v4 =	vld [tilespmem:s7+$0x8440];
	[tilespmem:s10+$0x450] =	vst v3;
	v1 =	vmul.f32 v1, v11  }
0xe1: {  	v3 =	vld [tilespmem:s7+$0x8450];
	[tilespmem:s10+$0x460] =	vst v2  }
0xe2: {  	v2 =	vld [tilespmem:s7+$0x8460];
	[tilespmem:s10+$0x470] =	vst v1;
	s10 =	smov.u32 s7  }
0xe3: {  	v1 =	vld [tilespmem:s10+$0x8470]  }
0xe4: {  	v7 =	vld [tilespmem:s10+$0x400]  }
0xe5: {  	v8 =	vld [tilespmem:s10+$0x410]  }
.Ltmp3:
0xe6: {  	v11 =	vld [tilespmem:s10+$0x420];
	(pc) =	sbr.rel @p1 .LBB2_9-.Ltmp3, $4  }
0xe7: {  	v10 =	vld [tilespmem:s10+$0x430]  }
0xe8: {  	v9 =	vld [tilespmem:s10+$0x440]  }
0xe9: {  	v13 =	vmul.f32 v13, v7;
	v7 =	vld [tilespmem:s10+$0x450]  }
0xea: {  	s12 =	sadd.s32 $0x200, s12;
	v12 =	vmul.f32 v12, v8;
	v8 =	vld [tilespmem:s10+$0x460]  }
0xeb: {  	[tilespmem:s10+$0x400] =	vst v13;
	v6 =	vmul.f32 v6, v11;
	v11 =	vld [tilespmem:s10+$0x470]  }
0xec: {  	[tilespmem:s10+$0x410] =	vst v12;
	v5 =	vmul.f32 v5, v10  }
0xed: {  	[tilespmem:s10+$0x420] =	vst v6;
	v4 =	vmul.f32 v4, v9  }
0xee: {  	[tilespmem:s10+$0x430] =	vst v5;
	v3 =	vmul.f32 v3, v7  }
0xef: {  	[tilespmem:s10+$0x440] =	vst v4;
	v2 =	vmul.f32 v2, v8  }
0xf0: {  	[tilespmem:s10+$0x450] =	vst v3;
	v1 =	vmul.f32 v1, v11  }
0xf1: {  	[tilespmem:s10+$0x460] =	vst v2  }
0xf2: {  	s7 =	sadd.s32 s9, s16;
	s12 =	simm.s32 $0x0;
	[tilespmem:s10+$0x470] =	vst v1  }
0xf3: {  	[tilespmem:s30], [sflag:$0x3] =	stream.linear.gather [hbm4b:s7+s12], $0x4000, $0x38;
	[tilespmem:$0x1FC80] =	vst v63  }
0xf4: {  	_ = 	snop  }
0xf5: {  	[spmem:s1] =	stream.indirect.scatter.add.f32 [tilespmem:s25], [sflag:$0x4], $0x80, s22, s29, $0xb8;
	[tilespmem:$0x1FC80] =	vst v63  }
0xf6: {  	_ =	swait.ge [sflag:s18], $0x4000  }
0xf7: {  	[sflag:s18] =	ssyncset.done $0x0  }
0xf8: {  	[sflag:s18] =	ssyncadd.s32 $0xFFFFC000  }
0xf9: {  	_ =	swait.ge [sflag:s3], $0x4000  }
0xfa: {  	[sflag:s3] =	ssyncset.done $0x0  }
0xfb: {  	s9 =	simm.s32 $0x0;
	[sflag:s3] =	ssyncadd.s32 $0xFFFFC000  }
0xfc: {  	v8 =	vld [tilespmem:s9+$0x8400]  }
0xfd: {  	v12 =	vld [tilespmem:s9+$0x8410]  }
0xfe: {  	v6 =	vld [tilespmem:s9+$0x8420]  }
0xff: {  	v5 =	vld [tilespmem:s9+$0x8430]  }
0x100: {  	v4 =	vld [tilespmem:s9+$0x8440]  }
0x101: {  	v3 =	vld [tilespmem:s9+$0x8450]  }
0x102: {  	v2 =	vld [tilespmem:s9+$0x8460]  }
0x103: {  	v1 =	vld [tilespmem:s9+$0x8470]  }
0x104: {  	v13 =	vld [tilespmem:s9+$0x4400]  }
0x105: {  	v14 =	vld [tilespmem:s9+$0x4410]  }
0x106: {  	v11 =	vld [tilespmem:s9+$0x4420]  }
0x107: {  	v10 =	vld [tilespmem:s9+$0x4430]  }
0x108: {  	v9 =	vld [tilespmem:s9+$0x4440]  }
0x109: {  	v7 =	vld [tilespmem:s9+$0x4450];
	v13 =	vmul.f32 v8, v13  }
0x10a: {  	s10 =	simm.s32 $0x200;
	v12 =	vmul.f32 v12, v14;
	v8 =	vld [tilespmem:s9+$0x4460]  }
.LBB2_11:
0x10b: {  	s7 =	sshra.s32 s10, $0x2;
	p1 =	sne.s32 s10, $0xFE00;
	[tilespmem:s9+$0x4400] =	vst v13;
	v6 =	vmul.f32 v6, v11;
	v11 =	vld [tilespmem:s9+$0x4470]  }
0x10c: {  	v13 =	vld [tilespmem:s7+$0x8400];
	[tilespmem:s9+$0x4410] =	vst v12;
	v5 =	vmul.f32 v5, v10  }
0x10d: {  	v12 =	vld [tilespmem:s7+$0x8410];
	[tilespmem:s9+$0x4420] =	vst v6;
	v4 =	vmul.f32 v4, v9  }
0x10e: {  	v6 =	vld [tilespmem:s7+$0x8420];
	[tilespmem:s9+$0x4430] =	vst v5;
	v3 =	vmul.f32 v3, v7  }
0x10f: {  	v5 =	vld [tilespmem:s7+$0x8430];
	[tilespmem:s9+$0x4440] =	vst v4;
	v2 =	vmul.f32 v2, v8  }
0x110: {  	v4 =	vld [tilespmem:s7+$0x8440];
	[tilespmem:s9+$0x4450] =	vst v3;
	v1 =	vmul.f32 v1, v11  }
0x111: {  	v3 =	vld [tilespmem:s7+$0x8450];
	[tilespmem:s9+$0x4460] =	vst v2  }
0x112: {  	v2 =	vld [tilespmem:s7+$0x8460];
	[tilespmem:s9+$0x4470] =	vst v1;
	s9 =	smov.u32 s7  }
0x113: {  	v1 =	vld [tilespmem:s9+$0x8470]  }
0x114: {  	v7 =	vld [tilespmem:s9+$0x4400]  }
0x115: {  	v8 =	vld [tilespmem:s9+$0x4410]  }
.Ltmp4:
0x116: {  	v11 =	vld [tilespmem:s9+$0x4420];
	(pc) =	sbr.rel @p1 .LBB2_11-.Ltmp4, $4  }
0x117: {  	v10 =	vld [tilespmem:s9+$0x4430]  }
0x118: {  	v9 =	vld [tilespmem:s9+$0x4440]  }
0x119: {  	v13 =	vmul.f32 v13, v7;
	v7 =	vld [tilespmem:s9+$0x4450]  }
0x11a: {  	s10 =	sadd.s32 $0x200, s10;
	v12 =	vmul.f32 v12, v8;
	v8 =	vld [tilespmem:s9+$0x4460]  }
0x11b: {  	[tilespmem:s9+$0x4400] =	vst v13;
	v6 =	vmul.f32 v6, v11;
	v63 =	vld [tilespmem:s9+$0x4470]  }
0x11c: {  	[tilespmem:s9+$0x4410] =	vst v12;
	v5 =	vmul.f32 v5, v10  }
0x11d: {  	[tilespmem:s9+$0x4420] =	vst v6;
	v4 =	vmul.f32 v4, v9  }
0x11e: {  	[tilespmem:s9+$0x4430] =	vst v5;
	v3 =	vmul.f32 v3, v7  }
0x11f: {  	[tilespmem:s9+$0x4440] =	vst v4;
	v2 =	vmul.f32 v2, v8  }
0x120: {  	[tilespmem:s9+$0x4450] =	vst v3;
	v1 =	vmul.f32 v1, v63  }
0x121: {  	[tilespmem:s9+$0x4460] =	vst v2  }
0x122: {  	s8 =	sadd.s32 $0x1, s8;
	[tilespmem:s9+$0x4470] =	vst v1  }
0x123: {  	[spmem:s1] =	stream.indirect.scatter.add.f32 [tilespmem:s31], [sflag:$0x5], $0x80, s23, s29, $0xb8;
	[tilespmem:$0x1FC80] =	vst v63  }
0x124: {  	p1 =	sne.s32 s8, $0x14;
	_ =	swait.ge [sflag:s11], $0x4000  }
.Ltmp5:
0x125: {  	[sflag:s11] =	ssyncset.done $0x0;
	(pc) =	sbr.rel @p1 .LBB2_4-.Ltmp5, $4  }
0x126: {  	[sflag:s11] =	ssyncadd.s32 $0xFFFFC000  }
0x127: {  	_ =	swait.ge [sflag:s20], $0x4000  }
0x128: {  	[sflag:s20] =	ssyncset.done $0x0  }
0x129: {  	[sflag:s20] =	ssyncadd.s32 $0xFFFFC000  }
0x12a: {  	[bflag:$0x0] =	sbarrier.arrive $0xFFFF  }
0x12b: {  	s2 =	rddreg [dreg:$0x3]  }
0x12c: {  	[tilespmem:s25], [sflag:$0x6] =	stream.linear.gather [spmem:s2], $0x4000, $0x38;
	[tilespmem:$0x1FC80] =	vst v63  }
0x12d: {  	_ =	swait.ge [sflag:s26], $0x4000  }
0x12e: {  	[sflag:s26] =	ssyncset.done $0x0  }
0x12f: {  	s2 =	simm.s32 $0x0;
	s7 =	rddreg [dreg:$0x9];
	[sflag:s26] =	ssyncadd.s32 $0xFFFFC000  }
0x130: {  	[hbm4b:s7+s2] =	stream.linear.scatter [tilespmem:s25], [sflag:$0x6], $0x4000, $0x38;
	[tilespmem:$0x1FC80] =	vst v63  }
0x131: {  	_ =	swait.ge [sflag:s26], $0x4000  }
0x132: {  	[sflag:s26] =	ssyncset.done $0x0  }
0x133: {  	s9 =	rddreg [dreg:$0x4];
	[sflag:s26] =	ssyncadd.s32 $0xFFFFC000  }
0x134: {  	[tilespmem:s25], [sflag:$0x6] =	stream.linear.gather [spmem:s9], $0x4000, $0x38;
	[tilespmem:$0x1FC80] =	vst v63  }
0x135: {  	_ =	swait.ge [sflag:s26], $0x4000  }
0x136: {  	[sflag:s26] =	ssyncset.done $0x0  }
0x137: {  	s10 =	rddreg [dreg:$0xa];
	[sflag:s26] =	ssyncadd.s32 $0xFFFFC000  }
0x138: {  	[hbm4b:s10+s2] =	stream.linear.scatter [tilespmem:s25], [sflag:$0x6], $0x4000, $0x38;
	[tilespmem:$0x1FC80] =	vst v63  }
0x139: {  	_ =	swait.ge [sflag:s26], $0x4000  }
0x13a: {  	[sflag:s26] =	ssyncset.done $0x0  }
0x13b: {  	s12 =	rddreg [dreg:$0x5];
	[sflag:s26] =	ssyncadd.s32 $0xFFFFC000  }
0x13c: {  	[tilespmem:s25], [sflag:$0x6] =	stream.linear.gather [spmem:s12], $0x4000, $0x38;
	[tilespmem:$0x1FC80] =	vst v63  }
0x13d: {  	_ =	swait.ge [sflag:s26], $0x4000  }
0x13e: {  	[sflag:s26] =	ssyncset.done $0x0  }
0x13f: {  	s8 =	rddreg [dreg:$0xb];
	[sflag:s26] =	ssyncadd.s32 $0xFFFFC000  }
0x140: {  	[hbm4b:s8+s2] =	stream.linear.scatter [tilespmem:s25], [sflag:$0x6], $0x4000, $0x38;
	[tilespmem:$0x1FC80] =	vst v63  }
0x141: {  	_ =	swait.ge [sflag:s26], $0x4000  }
0x142: {  	[sflag:s26] =	ssyncset.done $0x0  }
0x143: {  	s9 =	rddreg [dreg:$0x6];
	[sflag:s26] =	ssyncadd.s32 $0xFFFFC000  }
0x144: {  	[tilespmem:s25], [sflag:$0x6] =	stream.linear.gather [spmem:s9], $0x4000, $0x38;
	[tilespmem:$0x1FC80] =	vst v63  }
0x145: {  	_ =	swait.ge [sflag:s26], $0x4000  }
0x146: {  	[sflag:s26] =	ssyncset.done $0x0  }
0x147: {  	s10 =	rddreg [dreg:$0xc];
	[sflag:s26] =	ssyncadd.s32 $0xFFFFC000  }
0x148: {  	[hbm4b:s10+s2] =	stream.linear.scatter [tilespmem:s25], [sflag:$0x6], $0x4000, $0x38;
	[tilespmem:$0x1FC80] =	vst v63  }
0x149: {  	_ =	swait.ge [sflag:s26], $0x4000  }
0x14a: {  	[sflag:s26] =	ssyncset.done $0x0  }
0x14b: {  	s2 =	simm.s32 @p0 $0x400;
	s7 =	rddreg [dreg:$0x8];
	[sflag:s26] =	ssyncadd.s32 $0xFFFFC000  }
0x14c: {  	[tilespmem:s2], [sflag:$0x6] =	stream.linear.gather @p0 [spmem:s7], $0x400, $0x38;
	[tilespmem:$0x1FC80] =	vst v63  }
0x14d: {  	s7 =	simm.s32 @p0 $0x6  }
0x14e: {  	_ =	swait.ge @p0 [sflag:s7], $0x400  }
0x14f: {  	[sflag:s7] =	ssyncset.done @p0 $0x0  }
0x150: {  	s8 =	simm.s32 @p0 $0x0;
	s9 =	rddreg [dreg:$0xf];
	[sflag:s7] =	ssyncadd.s32 @p0 $0xFFFFFC00  }
0x151: {  	[hbm4b:s9+s8] =	stream.linear.scatter @p0 [tilespmem:s2], [sflag:$0x6], $0x400, $0x38;
	[tilespmem:$0x1FC80] =	vst v63  }
0x152: {  	_ =	swait.ge @p0 [sflag:s7], $0x400  }
0x153: {  	[sflag:s7] =	ssyncset.done @p0 $0x0  }
0x154: {  	s2 =	simm.s32 @!p0 $0x400;
	[sflag:s7] =	ssyncadd.s32 @p0 $0xFFFFFC00;
	s7 =	rddreg [dreg:$0xd]  }
0x155: {  	[tilespmem:s2], [sflag:$0x6] =	stream.linear.gather @!p0 [spmem:s7], $0x3C00, $0x38;
	[tilespmem:$0x1FC80] =	vst v63  }
0x156: {  	s7 =	simm.s32 @!p0 $0x6  }
0x157: {  	_ =	swait.ge @!p0 [sflag:s7], $0x3C00  }
0x158: {  	[sflag:s7] =	ssyncset.done @!p0 $0x0  }
0x159: {  	s8 =	simm.s32 @!p0 $0x0;
	s9 =	rddreg [dreg:$0xe];
	[sflag:s7] =	ssyncadd.s32 @!p0 $0xFFFFC400  }
0x15a: {  	[hbm4b:s9+s8] =	stream.linear.scatter @!p0 [tilespmem:s2], [sflag:$0x6], $0x3C00, $0x38;
	[tilespmem:$0x1FC80] =	vst v63  }
0x15b: {  	_ =	swait.ge @!p0 [sflag:s7], $0x3C00  }
0x15c: {  	s24 =	sadd.s32 $0x1, s24;
	s12 =	rddreg [dreg:$0x10]  }
0x15d: {  	p1 =	sne.s32 s24, s12  }
.Ltmp6:
0x15e: {  	_ = 	snop;
	(pc) =	sbr.rel @p1 .LBB2_1-.Ltmp6, $3  }
0x15f: {  	_ =	sdelay $0x1  }
0x160: {  	[sflag:s7] =	ssyncset.done @!p0 $0x0  }
0x161: {  	[sflag:s7] =	ssyncadd.s32 @!p0 $0xFFFFC400  }
0x162: {  	_ =	sfence.sel $0x180000  }
0x163: {  	[bflag:$0x0] =	sbarrier.arrive $0xFFFF  }
0x164: {  	_ =	strace $0x90000047  }
0x165: {  	s0 =	stileid.u32;
	[bflag:$0x2] =	sbarrier.arrive $0xFFFF  }
0x166: {  	p0 =	sne.s32 s0, $0x0;
	s0 =	rddreg [dreg:$0x2]  }
0x167: {  	s0 =	sadd.s32 @!p0 $0x100000, s0  }
0x168: {  	[sflag:s0] =	ssyncadd.tile.s32 @!p0 $0x1;
	_ =	shalt  }
.Lfunc_end2:
_tile_overlayer_lowered:
.L_overlay_start_2:
0x169: {  	(tag) =	ssettag $0x2  }
0x16a: {  	s0 =	rddreg [dreg:$0x0];
	s2 =	stileid.u32  }
0x16b: {  	s1 =	rddreg [dreg:$0x1];
	p0 =	sne.s32 s2, $0x0  }
0x16c: {  	s3 =	rddreg [dreg:$0x2];
	[bflag:$0x3] =	sbarrier.arrive $0xFFFF;
	s2 =	simm.s32 @!p0 $0x1C06  }
0x16d: {  	[timem:s3], [sflag:s2] =	dma.local @!p0 [hbm:s0], s1  }
0x16e: {  	s0 =	simm.s32 @!p0 $0x6  }
0x16f: {  	_ =	swait.ge @!p0 [sflag:s0], s1  }
0x170: {  	s1 =	ssub.s32 @!p0 $0x0, s1;
	[sflag:s0] =	ssyncset.done @!p0 $0x0  }
0x171: {  	[sflag:s0] =	ssyncadd.s32 @!p0 s1  }
0x172: {  	[bflag:$0x3] =	sbarrier.arrive $0xFFFF  }
0x173: {  	_ =	shalt  }

</sc_bundles>
